<compile_context>
chip_gen: v7x
topology: tpu7x:2x2x1
jax: 0.10.2.dev20260603
libtpu: 0.0.44.dev20260713+nightly
codegen_flags: <defaults>
</compile_context>

<pallas_src>
import functools

import jax
import jax.numpy as jnp
from jax import lax
from jax.experimental import pallas as pl
from jax.experimental.pallas import tpu as pltpu
from jax.experimental.pallas import tpu_sc as plsc

N_NODES = 10000
N_EDGES = 320000
FEATS = 128
NBASES = 4
NRELS = 1344
YCOLS = NBASES * FEATS

NCORES = 2
NSUB = 16
NWORK = NCORES * NSUB
CHUNK = 48
CPW = -(-N_EDGES // (CHUNK * NWORK))
E_PAD = CPW * NWORK * CHUNK
SLAB = 3 * CHUNK
N_PAD = 10240
ROWS_PER_SUB = N_PAD // NSUB


def _matmul_body(x_ref, b_ref, y_ref):
    r = jnp.dot(x_ref[...], b_ref[...],
                preferred_element_type=jnp.float32).astype(jnp.bfloat16)
    lo = lax.bitcast_convert_type(r[:, :YCOLS // 2], jnp.uint16).astype(jnp.uint32)
    hi = lax.bitcast_convert_type(r[:, YCOLS // 2:], jnp.uint16).astype(jnp.uint32)
    y_ref[...] = lax.bitcast_convert_type((hi << 16) | lo, jnp.int32)


def _basis_transform(x, bmat):
    return pl.pallas_call(
        _matmul_body,
        out_shape=jax.ShapeDtypeStruct((N_NODES, YCOLS // 2), jnp.int32),
        grid=(10,),
        in_specs=[
            pl.BlockSpec((N_NODES // 10, FEATS), lambda i: (i, 0)),
            pl.BlockSpec((FEATS, YCOLS), lambda i: (0, 0)),
        ],
        out_specs=pl.BlockSpec((N_NODES // 10, YCOLS // 2), lambda i: (i, 0)),
    )(x, bmat)


def _edge_body(src_hbm, dst_hbm, et_hbm, y_hbm, wc_hbm, zeros_hbm, out_hbm,
               sv0, sv1, dv0, dv1, ev0, ev1, rows0, rows1, cf0, cf1,
               msg0, msg1, dk0, dk1, wc_v, agg_sh,
               si0, si1, sy0, sy1, ss0, ss1):
    cid = lax.axis_index("c")
    sid = lax.axis_index("s")
    wid = cid * NSUB + sid

    sv = (sv0, sv1)
    dv = (dv0, dv1)
    ev = (ev0, ev1)
    rows = (rows0, rows1)
    cf = (cf0, cf1)
    msg = (msg0, msg1)
    dk = (dk0, dk1)
    si = (si0, si1)
    sy = (sy0, sy1)
    ss = (ss0, ss1)

    pltpu.sync_copy(wc_hbm, wc_v)
    pltpu.sync_copy(zeros_hbm.at[pl.ds(sid * ROWS_PER_SUB, ROWS_PER_SUB)],
                    agg_sh.at[pl.ds(sid * ROWS_PER_SUB, ROWS_PER_SUB)])
    plsc.subcore_barrier()

    chunk0 = wid * CPW
    lanes = lax.iota(jnp.int32, 16)

    def issue_idx(k, b):
        base = (chunk0 + k) * CHUNK
        pltpu.async_copy(src_hbm.at[pl.ds(base, CHUNK)], sv[b], si[b])
        pltpu.async_copy(dst_hbm.at[pl.ds(base, CHUNK)], dv[b], si[b])
        pltpu.async_copy(et_hbm.at[pl.ds(base, CHUNK)], ev[b], si[b])

    def wait_idx(b):
        pltpu.make_async_copy(src_hbm.at[pl.ds(0, CHUNK)], sv[b], si[b]).wait()
        pltpu.make_async_copy(dst_hbm.at[pl.ds(0, CHUNK)], dv[b], si[b]).wait()
        pltpu.make_async_copy(et_hbm.at[pl.ds(0, CHUNK)], ev[b], si[b]).wait()

    def issue_gather(b):
        pltpu.async_copy(y_hbm.at[sv[b]], rows[b], sy[b])

    def wait_rows(b):
        pltpu.make_async_copy(y_hbm.at[sv[b]], rows[b], sy[b]).wait()

    def issue_scatter(b):
        pltpu.async_copy(msg[b], agg_sh.at[dk[b]], ss[b], add=True)

    def wait_scatter(b):
        pltpu.make_async_copy(msg[b], agg_sh.at[dk[b]], ss[b]).wait()

    def save_dst(b):
        for g in range(CHUNK // 16):
            dk[b][pl.ds(g * 16, 16)] = dv[b][pl.ds(g * 16, 16)]

    def expand_cf(b):
        for g in range(CHUNK // 16):
            evec = ev[b][pl.ds(g * 16, 16)] * NBASES
            dst_ix = (g * 16 + lanes) * 16
            for bb in range(NBASES):
                cb = plsc.load_gather(wc_v, [evec + bb])
                plsc.store_scatter(cf[b], [dst_ix + bb], cb)

    def compute(b):
        def edge_body(e, inner):
            cvec = cf[b][pl.ds(e * 16, 16)]
            cs = (cvec[0], cvec[1], cvec[2], cvec[3])
            for q in range(FEATS // 32):
                acc_lo = jnp.zeros((16,), jnp.float32)
                acc_hi = jnp.zeros((16,), jnp.float32)
                for bb in range(NBASES):
                    w = rows[b][e, pl.ds(bb * (FEATS // 2) + q * 16, 16)]
                    wbf = plsc.bitcast(w, jnp.bfloat16)
                    lo, hi = plsc.unpack(wbf, format=plsc.PackFormat.INTERLEAVED)
                    acc_lo = acc_lo + cs[bb] * lo
                    acc_hi = acc_hi + cs[bb] * hi
                msg[b][e, pl.ds(q * 32, 16)] = acc_lo
                msg[b][e, pl.ds(q * 32 + 16, 16)] = acc_hi
            return inner

        lax.fori_loop(0, CHUNK, edge_body, 0, unroll=2)

    def stage(k, a):
        b = 1 - a
        wait_idx(a)
        issue_gather(a)

        @pl.when(k >= 3)
        def _():
            wait_scatter(b)

        save_dst(b)
        wait_rows(b)

        @pl.when(k + 1 < CPW)
        def _():
            issue_idx(k + 1, b)

        expand_cf(a)
        compute(b)
        issue_scatter(b)

    base00 = chunk0 * CHUNK
    pltpu.sync_copy(src_hbm.at[pl.ds(base00, CHUNK)], sv[0])
    pltpu.sync_copy(dst_hbm.at[pl.ds(base00, CHUNK)], dv[0])
    pltpu.sync_copy(et_hbm.at[pl.ds(base00, CHUNK)], ev[0])
    issue_gather(0)
    issue_idx(1, 1)
    expand_cf(0)

    def pair_body(j, carry):
        stage(2 * j + 1, 1)
        stage(2 * j + 2, 0)
        return carry

    lax.fori_loop(0, (CPW - 1) // 2, pair_body, 0)

    wait_scatter(0)
    save_dst(0)
    wait_rows(0)
    compute(0)
    issue_scatter(0)
    wait_scatter(0)
    wait_scatter(1)
    plsc.subcore_barrier()
    pltpu.sync_copy(agg_sh.at[pl.ds(sid * ROWS_PER_SUB, ROWS_PER_SUB)],
                    out_hbm.at[pl.ds(cid * N_PAD + sid * ROWS_PER_SUB, ROWS_PER_SUB)])


@functools.cache
def _edge_kernel():
    return pl.kernel(
        _edge_body,
        out_type=jax.ShapeDtypeStruct((NCORES * N_PAD, FEATS), jnp.float32),
        mesh=plsc.VectorSubcoreMesh(core_axis_name="c", subcore_axis_name="s",
                                    num_cores=NCORES, num_subcores=NSUB),
        compiler_params=pltpu.CompilerParams(needs_layout_passes=False),
        scratch_types=[
            pltpu.VMEM((CHUNK,), jnp.int32),
            pltpu.VMEM((CHUNK,), jnp.int32),
            pltpu.VMEM((CHUNK,), jnp.int32),
            pltpu.VMEM((CHUNK,), jnp.int32),
            pltpu.VMEM((CHUNK,), jnp.int32),
            pltpu.VMEM((CHUNK,), jnp.int32),
            pltpu.VMEM((CHUNK, YCOLS // 2), jnp.int32),
            pltpu.VMEM((CHUNK, YCOLS // 2), jnp.int32),
            pltpu.VMEM((CHUNK * 16,), jnp.float32),
            pltpu.VMEM((CHUNK * 16,), jnp.float32),
            pltpu.VMEM((CHUNK, FEATS), jnp.float32),
            pltpu.VMEM((CHUNK, FEATS), jnp.float32),
            pltpu.VMEM((CHUNK,), jnp.int32),
            pltpu.VMEM((CHUNK,), jnp.int32),
            pltpu.VMEM((NRELS * NBASES,), jnp.float32),
            pltpu.VMEM_SHARED((N_PAD, FEATS), jnp.float32),
            pltpu.SemaphoreType.DMA,
            pltpu.SemaphoreType.DMA,
            pltpu.SemaphoreType.DMA,
            pltpu.SemaphoreType.DMA,
            pltpu.SemaphoreType.DMA,
            pltpu.SemaphoreType.DMA,
        ],
    )


def _epilogue_body(p_ref, x_ref, bias_ref, gam_ref, bet_ref, o_ref):
    h = p_ref[0, :N_NODES] + p_ref[1, :N_NODES] + bias_ref[...]
    h = jnp.maximum(h, 0.0) + x_ref[...]
    mean = jnp.mean(h, axis=0, keepdims=True)
    var = jnp.mean((h - mean) * (h - mean), axis=0, keepdims=True)
    hn = gam_ref[...] * (h - mean) * lax.rsqrt(var + 1e-5) + bet_ref[...]
    o_ref[...] = jnp.maximum(hn, 0.0)


def _epilogue(parts, x, bias, gamma, beta):
    return pl.pallas_call(
        _epilogue_body,
        out_shape=jax.ShapeDtypeStruct((N_NODES, FEATS), jnp.float32),
    )(parts, x, bias, gamma, beta)


def kernel(node_feats, edge_index, etype, basis, w_comp, h_bias, bn_gamma, bn_beta):
    x = node_feats.astype(jnp.float32)
    src = edge_index[0].astype(jnp.int32)
    dst = edge_index[1].astype(jnp.int32)
    et = etype.astype(jnp.int32)
    ft = jnp.transpose(basis, (1, 0, 2)).reshape(FEATS, NBASES, NBASES, 2, 16)
    bmat = jnp.concatenate([ft[:, :, :, 0, :].reshape(FEATS, YCOLS // 2),
                            ft[:, :, :, 1, :].reshape(FEATS, YCOLS // 2)], axis=1)
    wc_flat = w_comp.astype(jnp.float32).reshape(-1)

    pad = E_PAD - N_EDGES
    srcp = jnp.concatenate([src, jnp.zeros((pad,), jnp.int32)])
    dstp = jnp.concatenate([dst, jnp.full((pad,), N_NODES, jnp.int32)])
    etp = jnp.concatenate([et, jnp.zeros((pad,), jnp.int32)])

    y = _basis_transform(x, bmat)
    zeros = jnp.zeros((N_PAD, FEATS), jnp.float32)
    parts = _edge_kernel()(srcp, dstp, etp, y, wc_flat, zeros)
    parts = parts.reshape(NCORES, N_PAD, FEATS)
    return _epilogue(parts, x, h_bias.reshape(1, FEATS),
                     bn_gamma.reshape(1, FEATS), bn_beta.reshape(1, FEATS))

# --- scband reference (transcript-rebuilt; emitter-appended) ---
"""Pipeline reference for scband-rgcnlayer-26757646254162 (READ-ONLY COPY).

The authoritative reference and input builder live on the scoring server;
editing this copy changes nothing except your own understanding.
"""

import jax, jax.numpy as jnp
import numpy as np

N_NODES = 10000
N_EDGES = 320000
IN_FEATS = 128
OUT_FEATS = 128
NUM_RELS = 1344
NUM_BASES = 4


def setup_inputs(seed: int = 0) -> dict:
    key = jax.random.key(seed)
    k1, k2, k3, k4, k5, k6 = jax.random.split(key, 6)
    node_feats = jax.random.normal(k1, (N_NODES, IN_FEATS), dtype=jnp.float32)
    edge_index = jax.random.randint(k2, (2, N_EDGES), 0, N_NODES, dtype=jnp.int64)
    etype = jax.random.randint(k3, (N_EDGES,), 0, NUM_RELS, dtype=jnp.int64)
    # RelGraphConv basis-decomposition parameters
    basis = jax.random.normal(k4, (NUM_BASES, IN_FEATS, OUT_FEATS), dtype=jnp.float32) * (1.0 / np.sqrt(IN_FEATS))
    w_comp = jax.random.normal(k5, (NUM_RELS, NUM_BASES), dtype=jnp.float32) * (1.0 / np.sqrt(NUM_BASES))
    h_bias = jnp.zeros((OUT_FEATS,), dtype=jnp.float32)
    # BatchNorm1d affine params
    bn_gamma = jnp.ones((OUT_FEATS,), dtype=jnp.float32)
    bn_beta = jnp.zeros((OUT_FEATS,), dtype=jnp.float32)
    return {
        "node_feats": node_feats,
        "edge_index": edge_index,
        "etype": etype,
        "basis": basis,
        "w_comp": w_comp,
        "h_bias": h_bias,
        "bn_gamma": bn_gamma,
        "bn_beta": bn_beta,
    }


def reference(node_feats, edge_index, etype, basis, w_comp, h_bias, bn_gamma, bn_beta):
    src = edge_index[0]
    dst = edge_index[1]
    # --- RelGraphConv (basis regularizer), self_loop=False, norm=None ---
    h_src = jnp.take(node_feats, src, axis=0)          # [E, in]  (gather)
    coeff = jnp.take(w_comp, etype, axis=0)            # [E, B]   (gather)
    # msg[e] = h_src[e] @ (sum_b coeff[e,b] * basis[b])
    #        = sum_b coeff[e,b] * (h_src[e] @ basis[b])   (mathematically identical)
    msg = jnp.zeros((h_src.shape[0], OUT_FEATS), dtype=jnp.float32)
    for b in range(NUM_BASES):
        msg = msg + coeff[:, b:b + 1] * (h_src @ basis[b])
    # aggregate: sum messages into destination nodes (scatter-add)
    agg = jax.ops.segment_sum(msg, dst, num_segments=N_NODES)
    h = agg + h_bias
    h = jax.nn.relu(h)            # activation inside RelGraphConv
    # dropout inside conv: identity in eval/reference mode
    # --- residual (in_feats == out_feats -> identity skip) ---
    h = h + node_feats
    # --- BatchNorm1d (training-mode batch statistics, eps=1e-5) ---
    mean = jnp.mean(h, axis=0)
    var = jnp.var(h, axis=0)
    h = bn_gamma * (h - mean) / jnp.sqrt(var + 1e-5) + bn_beta
    # --- outer activation ---
    h = jax.nn.relu(h)
    # outer dropout: identity in eval/reference mode
    return h

if __name__ == "__main__":
    import jax
    _d = setup_inputs()
    print(jax.jit(kernel)(*tuple(_d.values())))

</pallas_src>

<mosaic_0001>
#map = affine_map<(d0, d1) -> (0)>
#map1 = affine_map<(d0, d1) -> (0, 0)>
module attributes {stable_mosaic.version = 14 : i64} {
  func.func @_edge_body(%arg0: i32, %arg1: i32, %arg2: memref<321024xi32, #tpu.memory_space<hbm>>, %arg3: memref<321024xi32, #tpu.memory_space<hbm>>, %arg4: memref<321024xi32, #tpu.memory_space<hbm>>, %arg5: memref<10000x256xi32, #tpu.memory_space<hbm>>, %arg6: memref<5376xf32, #tpu.memory_space<hbm>>, %arg7: memref<10240x128xf32, #tpu.memory_space<hbm>>, %arg8: memref<20480x128xf32, #tpu.memory_space<hbm>>, %arg9: memref<48xi32, #tpu.memory_space<vmem>>, %arg10: memref<48xi32, #tpu.memory_space<vmem>>, %arg11: memref<48xi32, #tpu.memory_space<vmem>>, %arg12: memref<48xi32, #tpu.memory_space<vmem>>, %arg13: memref<48xi32, #tpu.memory_space<vmem>>, %arg14: memref<48xi32, #tpu.memory_space<vmem>>, %arg15: memref<48x256xi32, #tpu.memory_space<vmem>>, %arg16: memref<48x256xi32, #tpu.memory_space<vmem>>, %arg17: memref<768xf32, #tpu.memory_space<vmem>>, %arg18: memref<768xf32, #tpu.memory_space<vmem>>, %arg19: memref<48x128xf32, #tpu.memory_space<vmem>>, %arg20: memref<48x128xf32, #tpu.memory_space<vmem>>, %arg21: memref<48xi32, #tpu.memory_space<vmem>>, %arg22: memref<48xi32, #tpu.memory_space<vmem>>, %arg23: memref<5376xf32, #tpu.memory_space<vmem>>, %arg24: memref<10240x128xf32, #tpu.memory_space<vmem_shared>>, %arg25: memref<!tpu.dma_semaphore, #tpu.memory_space<semaphore_mem>>, %arg26: memref<!tpu.dma_semaphore, #tpu.memory_space<semaphore_mem>>, %arg27: memref<!tpu.dma_semaphore, #tpu.memory_space<semaphore_mem>>, %arg28: memref<!tpu.dma_semaphore, #tpu.memory_space<semaphore_mem>>, %arg29: memref<!tpu.dma_semaphore, #tpu.memory_space<semaphore_mem>>, %arg30: memref<!tpu.dma_semaphore, #tpu.memory_space<semaphore_mem>>) attributes {dimension_semantics = [#tpu.dimension_semantics<core_parallel>, #tpu.dimension_semantics<subcore_parallel>], iteration_bounds = array<i64: 2, 16>, scalar_prefetch = 0 : i64, scratch_operands = 22 : i64, tpu.core_type = #tpu.core_type<sc_vector_subcore>, window_params = [{transform_indices = #map}, {transform_indices = #map}, {transform_indices = #map}, {transform_indices = #map1}, {transform_indices = #map}, {transform_indices = #map1}, {transform_indices = #map1}]} {
    %mul3A = arith.constant 16 : i32
    %mul3A_0 = arith.muli %arg0, %mul3A : i32
    %add3A = arith.addi %mul3A_0, %arg1 : i32
    "tpu.region"() ({
      %run_scoped3A = tpu.sem_alloc : memref<!tpu.dma_semaphore, #tpu.memory_space<semaphore_mem>>
      tpu.enqueue_dma source(%arg6 : memref<5376xf32, #tpu.memory_space<hbm>>) target(%arg23 : memref<5376xf32, #tpu.memory_space<vmem>>) target_semaphore(%run_scoped3A : memref<!tpu.dma_semaphore, #tpu.memory_space<semaphore_mem>>)
      tpu.wait_dma2 semaphore(%run_scoped3A : memref<!tpu.dma_semaphore, #tpu.memory_space<semaphore_mem>>) src(%arg6 : memref<5376xf32, #tpu.memory_space<hbm>>) dst(%arg23 : memref<5376xf32, #tpu.memory_space<vmem>>)
      tpu.yield
    }) : () -> ()
    %mul3A_1 = arith.constant 640 : i32
    %mul3A_2 = arith.muli %arg1, %mul3A_1 : i32
    %mul3A_3 = arith.constant 640 : i32
    %mul3A_4 = arith.muli %arg1, %mul3A_3 : i32
    "tpu.region"() ({
      %run_scoped3A = tpu.sem_alloc : memref<!tpu.dma_semaphore, #tpu.memory_space<semaphore_mem>>
      %dma_start3A_180 = arith.constant 0 : i32
      %dma_start3A_181 = tpu.memref_slice %arg24[%mul3A_4, %dma_start3A_180] : memref<10240x128xf32, #tpu.memory_space<vmem_shared>> -> memref<640x128xf32, #tpu.memory_space<vmem_shared>>
      %dma_start3A_182 = arith.constant 0 : i32
      %dma_start3A_183 = tpu.memref_slice %arg7[%mul3A_2, %dma_start3A_182] : memref<10240x128xf32, #tpu.memory_space<hbm>> -> memref<640x128xf32, #tpu.memory_space<hbm>>
      tpu.enqueue_dma source(%dma_start3A_183 : memref<640x128xf32, #tpu.memory_space<hbm>>) target(%dma_start3A_181 : memref<640x128xf32, #tpu.memory_space<vmem_shared>>) target_semaphore(%run_scoped3A : memref<!tpu.dma_semaphore, #tpu.memory_space<semaphore_mem>>)
      %dma_wait3A_184 = arith.constant 0 : i32
      %dma_wait3A_185 = tpu.memref_slice %arg24[%mul3A_4, %dma_wait3A_184] : memref<10240x128xf32, #tpu.memory_space<vmem_shared>> -> memref<640x128xf32, #tpu.memory_space<vmem_shared>>
      %dma_wait3A_186 = arith.constant 0 : i32
      %dma_wait3A_187 = tpu.memref_slice %arg7[%mul3A_2, %dma_wait3A_186] : memref<10240x128xf32, #tpu.memory_space<hbm>> -> memref<640x128xf32, #tpu.memory_space<hbm>>
      tpu.wait_dma2 semaphore(%run_scoped3A : memref<!tpu.dma_semaphore, #tpu.memory_space<semaphore_mem>>) src(%dma_wait3A_187 : memref<640x128xf32, #tpu.memory_space<hbm>>) dst(%dma_wait3A_185 : memref<640x128xf32, #tpu.memory_space<vmem_shared>>)
      tpu.yield
    }) : () -> ()
    %barrier3A = arith.constant 0 : index
    tpu.barrier barrier_id(%barrier3A)
    %mul3A_5 = arith.constant 209 : i32
    %mul3A_6 = arith.muli %add3A, %mul3A_5 : i32
    %iota3A = tpu.iota {dimensions = array<i32: 0>} : vector<16xi32>
    %mul3A_7 = arith.constant 48 : i32
    %mul3A_8 = arith.muli %mul3A_6, %mul3A_7 : i32
    "tpu.region"() ({
      %run_scoped3A = tpu.sem_alloc : memref<!tpu.dma_semaphore, #tpu.memory_space<semaphore_mem>>
      %dma_start3A_180 = tpu.memref_slice %arg2[%mul3A_8] : memref<321024xi32, #tpu.memory_space<hbm>> -> memref<48xi32, #tpu.memory_space<hbm>>
      %dma_start3A_181 = tpu.memref_slice %arg2[%mul3A_8] : memref<321024xi32, #tpu.memory_space<hbm>> -> memref<48xi32, #tpu.memory_space<hbm>>
      tpu.enqueue_dma source(%dma_start3A_181 : memref<48xi32, #tpu.memory_space<hbm>>) target(%arg9 : memref<48xi32, #tpu.memory_space<vmem>>) target_semaphore(%run_scoped3A : memref<!tpu.dma_semaphore, #tpu.memory_space<semaphore_mem>>)
      %dma_wait3A_182 = tpu.memref_slice %arg2[%mul3A_8] : memref<321024xi32, #tpu.memory_space<hbm>> -> memref<48xi32, #tpu.memory_space<hbm>>
      %dma_wait3A_183 = tpu.memref_slice %arg2[%mul3A_8] : memref<321024xi32, #tpu.memory_space<hbm>> -> memref<48xi32, #tpu.memory_space<hbm>>
      tpu.wait_dma2 semaphore(%run_scoped3A : memref<!tpu.dma_semaphore, #tpu.memory_space<semaphore_mem>>) src(%dma_wait3A_183 : memref<48xi32, #tpu.memory_space<hbm>>) dst(%arg9 : memref<48xi32, #tpu.memory_space<vmem>>)
      tpu.yield
    }) : () -> ()
    "tpu.region"() ({
      %run_scoped3A = tpu.sem_alloc : memref<!tpu.dma_semaphore, #tpu.memory_space<semaphore_mem>>
      %dma_start3A_180 = tpu.memref_slice %arg3[%mul3A_8] : memref<321024xi32, #tpu.memory_space<hbm>> -> memref<48xi32, #tpu.memory_space<hbm>>
      %dma_start3A_181 = tpu.memref_slice %arg3[%mul3A_8] : memref<321024xi32, #tpu.memory_space<hbm>> -> memref<48xi32, #tpu.memory_space<hbm>>
      tpu.enqueue_dma source(%dma_start3A_181 : memref<48xi32, #tpu.memory_space<hbm>>) target(%arg11 : memref<48xi32, #tpu.memory_space<vmem>>) target_semaphore(%run_scoped3A : memref<!tpu.dma_semaphore, #tpu.memory_space<semaphore_mem>>)
      %dma_wait3A_182 = tpu.memref_slice %arg3[%mul3A_8] : memref<321024xi32, #tpu.memory_space<hbm>> -> memref<48xi32, #tpu.memory_space<hbm>>
      %dma_wait3A_183 = tpu.memref_slice %arg3[%mul3A_8] : memref<321024xi32, #tpu.memory_space<hbm>> -> memref<48xi32, #tpu.memory_space<hbm>>
      tpu.wait_dma2 semaphore(%run_scoped3A : memref<!tpu.dma_semaphore, #tpu.memory_space<semaphore_mem>>) src(%dma_wait3A_183 : memref<48xi32, #tpu.memory_space<hbm>>) dst(%arg11 : memref<48xi32, #tpu.memory_space<vmem>>)
      tpu.yield
    }) : () -> ()
    "tpu.region"() ({
      %run_scoped3A = tpu.sem_alloc : memref<!tpu.dma_semaphore, #tpu.memory_space<semaphore_mem>>
      %dma_start3A_180 = tpu.memref_slice %arg4[%mul3A_8] : memref<321024xi32, #tpu.memory_space<hbm>> -> memref<48xi32, #tpu.memory_space<hbm>>
      %dma_start3A_181 = tpu.memref_slice %arg4[%mul3A_8] : memref<321024xi32, #tpu.memory_space<hbm>> -> memref<48xi32, #tpu.memory_space<hbm>>
      tpu.enqueue_dma source(%dma_start3A_181 : memref<48xi32, #tpu.memory_space<hbm>>) target(%arg13 : memref<48xi32, #tpu.memory_space<vmem>>) target_semaphore(%run_scoped3A : memref<!tpu.dma_semaphore, #tpu.memory_space<semaphore_mem>>)
      %dma_wait3A_182 = tpu.memref_slice %arg4[%mul3A_8] : memref<321024xi32, #tpu.memory_space<hbm>> -> memref<48xi32, #tpu.memory_space<hbm>>
      %dma_wait3A_183 = tpu.memref_slice %arg4[%mul3A_8] : memref<321024xi32, #tpu.memory_space<hbm>> -> memref<48xi32, #tpu.memory_space<hbm>>
      tpu.wait_dma2 semaphore(%run_scoped3A : memref<!tpu.dma_semaphore, #tpu.memory_space<semaphore_mem>>) src(%dma_wait3A_183 : memref<48xi32, #tpu.memory_space<hbm>>) dst(%arg13 : memref<48xi32, #tpu.memory_space<vmem>>)
      tpu.yield
    }) : () -> ()
    %dma_start3A = arith.constant 0 : i32
    %dma_start3A_9 = arith.constant 0 : i32
    %dma_start3A_10 = tpu.memref_slice %arg5[%dma_start3A, %dma_start3A_9] : memref<10000x256xi32, #tpu.memory_space<hbm>> -> memref<10000x256xi32, #tpu.memory_space<hbm>>
    tpu.enqueue_indirect_dma source(%dma_start3A_10 : memref<10000x256xi32, #tpu.memory_space<hbm>>) target(%arg15 : memref<48x256xi32, #tpu.memory_space<vmem>>) offsets(%arg9 : memref<48xi32, #tpu.memory_space<vmem>>) semaphore(%arg27 : memref<!tpu.dma_semaphore, #tpu.memory_space<semaphore_mem>>)
    %add3A_11 = arith.constant 1 : i32
    %add3A_12 = arith.addi %mul3A_6, %add3A_11 : i32
    %mul3A_13 = arith.constant 48 : i32
    %mul3A_14 = arith.muli %add3A_12, %mul3A_13 : i32
    %dma_start3A_15 = tpu.memref_slice %arg2[%mul3A_14] : memref<321024xi32, #tpu.memory_space<hbm>> -> memref<48xi32, #tpu.memory_space<hbm>>
    %dma_start3A_16 = tpu.memref_slice %arg2[%mul3A_14] : memref<321024xi32, #tpu.memory_space<hbm>> -> memref<48xi32, #tpu.memory_space<hbm>>
    tpu.enqueue_dma source(%dma_start3A_16 : memref<48xi32, #tpu.memory_space<hbm>>) target(%arg10 : memref<48xi32, #tpu.memory_space<vmem>>) target_semaphore(%arg26 : memref<!tpu.dma_semaphore, #tpu.memory_space<semaphore_mem>>)
    %dma_start3A_17 = tpu.memref_slice %arg3[%mul3A_14] : memref<321024xi32, #tpu.memory_space<hbm>> -> memref<48xi32, #tpu.memory_space<hbm>>
    %dma_start3A_18 = tpu.memref_slice %arg3[%mul3A_14] : memref<321024xi32, #tpu.memory_space<hbm>> -> memref<48xi32, #tpu.memory_space<hbm>>
    tpu.enqueue_dma source(%dma_start3A_18 : memref<48xi32, #tpu.memory_space<hbm>>) target(%arg12 : memref<48xi32, #tpu.memory_space<vmem>>) target_semaphore(%arg26 : memref<!tpu.dma_semaphore, #tpu.memory_space<semaphore_mem>>)
    %dma_start3A_19 = tpu.memref_slice %arg4[%mul3A_14] : memref<321024xi32, #tpu.memory_space<hbm>> -> memref<48xi32, #tpu.memory_space<hbm>>
    %dma_start3A_20 = tpu.memref_slice %arg4[%mul3A_14] : memref<321024xi32, #tpu.memory_space<hbm>> -> memref<48xi32, #tpu.memory_space<hbm>>
    tpu.enqueue_dma source(%dma_start3A_20 : memref<48xi32, #tpu.memory_space<hbm>>) target(%arg14 : memref<48xi32, #tpu.memory_space<vmem>>) target_semaphore(%arg26 : memref<!tpu.dma_semaphore, #tpu.memory_space<semaphore_mem>>)
    %get3A = arith.constant 0 : index
    %get3A_21 = tpu.vector_load %arg13[%get3A] {strides = array<i32>} : memref<48xi32, #tpu.memory_space<vmem>>, vector<16xi32>,
    %mul3A_22 = arith.constant 4 : i32
    %mul3A_23 = vector.broadcast %mul3A_22 : i32 to vector<16xi32>
    %mul3A_24 = arith.muli %get3A_21, %mul3A_23 : vector<16xi32>
    %add3A_25 = arith.constant 0 : i32
    %add3A_26 = vector.broadcast %add3A_25 : i32 to vector<16xi32>
    %add3A_27 = arith.addi %add3A_26, %iota3A : vector<16xi32>
    %mul3A_28 = arith.constant 16 : i32
    %mul3A_29 = vector.broadcast %mul3A_28 : i32 to vector<16xi32>
    %mul3A_30 = arith.muli %add3A_27, %mul3A_29 : vector<16xi32>
    %add3A_31 = arith.constant 0 : i32
    %add3A_32 = vector.broadcast %add3A_31 : i32 to vector<16xi32>
    %add3A_33 = arith.addi %mul3A_24, %add3A_32 : vector<16xi32>
    %gather3A = tpu.vector_load_idx %arg23[%add3A_33] : memref<5376xf32, #tpu.memory_space<vmem>>[vector<16xi32>], vector<16xf32>,
    %add3A_34 = arith.constant 0 : i32
    %add3A_35 = vector.broadcast %add3A_34 : i32 to vector<16xi32>
    %add3A_36 = arith.addi %mul3A_30, %add3A_35 : vector<16xi32>
    tpu.vector_store_idx %arg17[%add3A_36], %gather3A : memref<768xf32, #tpu.memory_space<vmem>>[vector<16xi32>], vector<16xf32>,
    %add3A_37 = arith.constant 1 : i32
    %add3A_38 = vector.broadcast %add3A_37 : i32 to vector<16xi32>
    %add3A_39 = arith.addi %mul3A_24, %add3A_38 : vector<16xi32>
    %gather3A_40 = tpu.vector_load_idx %arg23[%add3A_39] : memref<5376xf32, #tpu.memory_space<vmem>>[vector<16xi32>], vector<16xf32>,
    %add3A_41 = arith.constant 1 : i32
    %add3A_42 = vector.broadcast %add3A_41 : i32 to vector<16xi32>
    %add3A_43 = arith.addi %mul3A_30, %add3A_42 : vector<16xi32>
    tpu.vector_store_idx %arg17[%add3A_43], %gather3A_40 : memref<768xf32, #tpu.memory_space<vmem>>[vector<16xi32>], vector<16xf32>,
    %add3A_44 = arith.constant 2 : i32
    %add3A_45 = vector.broadcast %add3A_44 : i32 to vector<16xi32>
    %add3A_46 = arith.addi %mul3A_24, %add3A_45 : vector<16xi32>
    %gather3A_47 = tpu.vector_load_idx %arg23[%add3A_46] : memref<5376xf32, #tpu.memory_space<vmem>>[vector<16xi32>], vector<16xf32>,
    %add3A_48 = arith.constant 2 : i32
    %add3A_49 = vector.broadcast %add3A_48 : i32 to vector<16xi32>
    %add3A_50 = arith.addi %mul3A_30, %add3A_49 : vector<16xi32>
    tpu.vector_store_idx %arg17[%add3A_50], %gather3A_47 : memref<768xf32, #tpu.memory_space<vmem>>[vector<16xi32>], vector<16xf32>,
    %add3A_51 = arith.constant 3 : i32
    %add3A_52 = vector.broadcast %add3A_51 : i32 to vector<16xi32>
    %add3A_53 = arith.addi %mul3A_24, %add3A_52 : vector<16xi32>
    %gather3A_54 = tpu.vector_load_idx %arg23[%add3A_53] : memref<5376xf32, #tpu.memory_space<vmem>>[vector<16xi32>], vector<16xf32>,
    %add3A_55 = arith.constant 3 : i32
    %add3A_56 = vector.broadcast %add3A_55 : i32 to vector<16xi32>
    %add3A_57 = arith.addi %mul3A_30, %add3A_56 : vector<16xi32>
    tpu.vector_store_idx %arg17[%add3A_57], %gather3A_54 : memref<768xf32, #tpu.memory_space<vmem>>[vector<16xi32>], vector<16xf32>,
    %get3A_58 = arith.constant 16 : index
    %get3A_59 = tpu.vector_load %arg13[%get3A_58] {strides = array<i32>} : memref<48xi32, #tpu.memory_space<vmem>>, vector<16xi32>,
    %mul3A_60 = arith.constant 4 : i32
    %mul3A_61 = vector.broadcast %mul3A_60 : i32 to vector<16xi32>
    %mul3A_62 = arith.muli %get3A_59, %mul3A_61 : vector<16xi32>
    %add3A_63 = arith.constant 16 : i32
    %add3A_64 = vector.broadcast %add3A_63 : i32 to vector<16xi32>
    %add3A_65 = arith.addi %add3A_64, %iota3A : vector<16xi32>
    %mul3A_66 = arith.constant 16 : i32
    %mul3A_67 = vector.broadcast %mul3A_66 : i32 to vector<16xi32>
    %mul3A_68 = arith.muli %add3A_65, %mul3A_67 : vector<16xi32>
    %add3A_69 = arith.constant 0 : i32
    %add3A_70 = vector.broadcast %add3A_69 : i32 to vector<16xi32>
    %add3A_71 = arith.addi %mul3A_62, %add3A_70 : vector<16xi32>
    %gather3A_72 = tpu.vector_load_idx %arg23[%add3A_71] : memref<5376xf32, #tpu.memory_space<vmem>>[vector<16xi32>], vector<16xf32>,
    %add3A_73 = arith.constant 0 : i32
    %add3A_74 = vector.broadcast %add3A_73 : i32 to vector<16xi32>
    %add3A_75 = arith.addi %mul3A_68, %add3A_74 : vector<16xi32>
    tpu.vector_store_idx %arg17[%add3A_75], %gather3A_72 : memref<768xf32, #tpu.memory_space<vmem>>[vector<16xi32>], vector<16xf32>,
    %add3A_76 = arith.constant 1 : i32
    %add3A_77 = vector.broadcast %add3A_76 : i32 to vector<16xi32>
    %add3A_78 = arith.addi %mul3A_62, %add3A_77 : vector<16xi32>
    %gather3A_79 = tpu.vector_load_idx %arg23[%add3A_78] : memref<5376xf32, #tpu.memory_space<vmem>>[vector<16xi32>], vector<16xf32>,
    %add3A_80 = arith.constant 1 : i32
    %add3A_81 = vector.broadcast %add3A_80 : i32 to vector<16xi32>
    %add3A_82 = arith.addi %mul3A_68, %add3A_81 : vector<16xi32>
    tpu.vector_store_idx %arg17[%add3A_82], %gather3A_79 : memref<768xf32, #tpu.memory_space<vmem>>[vector<16xi32>], vector<16xf32>,
    %add3A_83 = arith.constant 2 : i32
    %add3A_84 = vector.broadcast %add3A_83 : i32 to vector<16xi32>
    %add3A_85 = arith.addi %mul3A_62, %add3A_84 : vector<16xi32>
    %gather3A_86 = tpu.vector_load_idx %arg23[%add3A_85] : memref<5376xf32, #tpu.memory_space<vmem>>[vector<16xi32>], vector<16xf32>,
    %add3A_87 = arith.constant 2 : i32
    %add3A_88 = vector.broadcast %add3A_87 : i32 to vector<16xi32>
    %add3A_89 = arith.addi %mul3A_68, %add3A_88 : vector<16xi32>
    tpu.vector_store_idx %arg17[%add3A_89], %gather3A_86 : memref<768xf32, #tpu.memory_space<vmem>>[vector<16xi32>], vector<16xf32>,
    %add3A_90 = arith.constant 3 : i32
    %add3A_91 = vector.broadcast %add3A_90 : i32 to vector<16xi32>
    %add3A_92 = arith.addi %mul3A_62, %add3A_91 : vector<16xi32>
    %gather3A_93 = tpu.vector_load_idx %arg23[%add3A_92] : memref<5376xf32, #tpu.memory_space<vmem>>[vector<16xi32>], vector<16xf32>,
    %add3A_94 = arith.constant 3 : i32
    %add3A_95 = vector.broadcast %add3A_94 : i32 to vector<16xi32>
    %add3A_96 = arith.addi %mul3A_68, %add3A_95 : vector<16xi32>
    tpu.vector_store_idx %arg17[%add3A_96], %gather3A_93 : memref<768xf32, #tpu.memory_space<vmem>>[vector<16xi32>], vector<16xf32>,
    %get3A_97 = arith.constant 32 : index
    %get3A_98 = tpu.vector_load %arg13[%get3A_97] {strides = array<i32>} : memref<48xi32, #tpu.memory_space<vmem>>, vector<16xi32>,
    %mul3A_99 = arith.constant 4 : i32
    %mul3A_100 = vector.broadcast %mul3A_99 : i32 to vector<16xi32>
    %mul3A_101 = arith.muli %get3A_98, %mul3A_100 : vector<16xi32>
    %add3A_102 = arith.constant 32 : i32
    %add3A_103 = vector.broadcast %add3A_102 : i32 to vector<16xi32>
    %add3A_104 = arith.addi %add3A_103, %iota3A : vector<16xi32>
    %mul3A_105 = arith.constant 16 : i32
    %mul3A_106 = vector.broadcast %mul3A_105 : i32 to vector<16xi32>
    %mul3A_107 = arith.muli %add3A_104, %mul3A_106 : vector<16xi32>
    %add3A_108 = arith.constant 0 : i32
    %add3A_109 = vector.broadcast %add3A_108 : i32 to vector<16xi32>
    %add3A_110 = arith.addi %mul3A_101, %add3A_109 : vector<16xi32>
    %gather3A_111 = tpu.vector_load_idx %arg23[%add3A_110] : memref<5376xf32, #tpu.memory_space<vmem>>[vector<16xi32>], vector<16xf32>,
    %add3A_112 = arith.constant 0 : i32
    %add3A_113 = vector.broadcast %add3A_112 : i32 to vector<16xi32>
    %add3A_114 = arith.addi %mul3A_107, %add3A_113 : vector<16xi32>
    tpu.vector_store_idx %arg17[%add3A_114], %gather3A_111 : memref<768xf32, #tpu.memory_space<vmem>>[vector<16xi32>], vector<16xf32>,
    %add3A_115 = arith.constant 1 : i32
    %add3A_116 = vector.broadcast %add3A_115 : i32 to vector<16xi32>
    %add3A_117 = arith.addi %mul3A_101, %add3A_116 : vector<16xi32>
    %gather3A_118 = tpu.vector_load_idx %arg23[%add3A_117] : memref<5376xf32, #tpu.memory_space<vmem>>[vector<16xi32>], vector<16xf32>,
    %add3A_119 = arith.constant 1 : i32
    %add3A_120 = vector.broadcast %add3A_119 : i32 to vector<16xi32>
    %add3A_121 = arith.addi %mul3A_107, %add3A_120 : vector<16xi32>
    tpu.vector_store_idx %arg17[%add3A_121], %gather3A_118 : memref<768xf32, #tpu.memory_space<vmem>>[vector<16xi32>], vector<16xf32>,
    %add3A_122 = arith.constant 2 : i32
    %add3A_123 = vector.broadcast %add3A_122 : i32 to vector<16xi32>
    %add3A_124 = arith.addi %mul3A_101, %add3A_123 : vector<16xi32>
    %gather3A_125 = tpu.vector_load_idx %arg23[%add3A_124] : memref<5376xf32, #tpu.memory_space<vmem>>[vector<16xi32>], vector<16xf32>,
    %add3A_126 = arith.constant 2 : i32
    %add3A_127 = vector.broadcast %add3A_126 : i32 to vector<16xi32>
    %add3A_128 = arith.addi %mul3A_107, %add3A_127 : vector<16xi32>
    tpu.vector_store_idx %arg17[%add3A_128], %gather3A_125 : memref<768xf32, #tpu.memory_space<vmem>>[vector<16xi32>], vector<16xf32>,
    %add3A_129 = arith.constant 3 : i32
    %add3A_130 = vector.broadcast %add3A_129 : i32 to vector<16xi32>
    %add3A_131 = arith.addi %mul3A_101, %add3A_130 : vector<16xi32>
    %gather3A_132 = tpu.vector_load_idx %arg23[%add3A_131] : memref<5376xf32, #tpu.memory_space<vmem>>[vector<16xi32>], vector<16xf32>,
    %add3A_133 = arith.constant 3 : i32
    %add3A_134 = vector.broadcast %add3A_133 : i32 to vector<16xi32>
    %add3A_135 = arith.addi %mul3A_107, %add3A_134 : vector<16xi32>
    tpu.vector_store_idx %arg17[%add3A_135], %gather3A_132 : memref<768xf32, #tpu.memory_space<vmem>>[vector<16xi32>], vector<16xf32>,
    %scan3A = arith.constant 0 : i32
    %scan3A_136 = arith.constant 0 : i32
    %scan3A_137 = arith.constant 104 : i32
    %scan3A_138 = arith.addi %scan3A_136, %scan3A_137 : i32
    %scan3A_139 = arith.constant 1 : i32
    scf.for %scan3A_180 = %scan3A_136 to %scan3A_138 step %scan3A_139  : i32 {
      %mul3A_181 = arith.constant 2 : i32
      %mul3A_182 = arith.muli %mul3A_181, %scan3A_180 : i32
      %add3A_183 = arith.constant 1 : i32
      %add3A_184 = arith.addi %mul3A_182, %add3A_183 : i32
      %dma_wait3A_185 = arith.constant 0 : i32
      %dma_wait3A_186 = tpu.memref_slice %arg2[%dma_wait3A_185] : memref<321024xi32, #tpu.memory_space<hbm>> -> memref<48xi32, #tpu.memory_space<hbm>>
      %dma_wait3A_187 = arith.constant 0 : i32
      %dma_wait3A_188 = tpu.memref_slice %arg2[%dma_wait3A_187] : memref<321024xi32, #tpu.memory_space<hbm>> -> memref<48xi32, #tpu.memory_space<hbm>>
      tpu.wait_dma2 semaphore(%arg26 : memref<!tpu.dma_semaphore, #tpu.memory_space<semaphore_mem>>) src(%dma_wait3A_188 : memref<48xi32, #tpu.memory_space<hbm>>) dst(%arg10 : memref<48xi32, #tpu.memory_space<vmem>>)
      %dma_wait3A_189 = arith.constant 0 : i32
      %dma_wait3A_190 = tpu.memref_slice %arg3[%dma_wait3A_189] : memref<321024xi32, #tpu.memory_space<hbm>> -> memref<48xi32, #tpu.memory_space<hbm>>
      %dma_wait3A_191 = arith.constant 0 : i32
      %dma_wait3A_192 = tpu.memref_slice %arg3[%dma_wait3A_191] : memref<321024xi32, #tpu.memory_space<hbm>> -> memref<48xi32, #tpu.memory_space<hbm>>
      tpu.wait_dma2 semaphore(%arg26 : memref<!tpu.dma_semaphore, #tpu.memory_space<semaphore_mem>>) src(%dma_wait3A_192 : memref<48xi32, #tpu.memory_space<hbm>>) dst(%arg12 : memref<48xi32, #tpu.memory_space<vmem>>)
      %dma_wait3A_193 = arith.constant 0 : i32
      %dma_wait3A_194 = tpu.memref_slice %arg4[%dma_wait3A_193] : memref<321024xi32, #tpu.memory_space<hbm>> -> memref<48xi32, #tpu.memory_space<hbm>>
      %dma_wait3A_195 = arith.constant 0 : i32
      %dma_wait3A_196 = tpu.memref_slice %arg4[%dma_wait3A_195] : memref<321024xi32, #tpu.memory_space<hbm>> -> memref<48xi32, #tpu.memory_space<hbm>>
      tpu.wait_dma2 semaphore(%arg26 : memref<!tpu.dma_semaphore, #tpu.memory_space<semaphore_mem>>) src(%dma_wait3A_196 : memref<48xi32, #tpu.memory_space<hbm>>) dst(%arg14 : memref<48xi32, #tpu.memory_space<vmem>>)
      %dma_start3A_197 = arith.constant 0 : i32
      %dma_start3A_198 = arith.constant 0 : i32
      %dma_start3A_199 = tpu.memref_slice %arg5[%dma_start3A_197, %dma_start3A_198] : memref<10000x256xi32, #tpu.memory_space<hbm>> -> memref<10000x256xi32, #tpu.memory_space<hbm>>
      tpu.enqueue_indirect_dma source(%dma_start3A_199 : memref<10000x256xi32, #tpu.memory_space<hbm>>) target(%arg16 : memref<48x256xi32, #tpu.memory_space<vmem>>) offsets(%arg10 : memref<48xi32, #tpu.memory_space<vmem>>) semaphore(%arg28 : memref<!tpu.dma_semaphore, #tpu.memory_space<semaphore_mem>>)
      %ge3A = arith.constant 3 : i32
      %ge3A_200 = arith.cmpi sge, %add3A_184, %ge3A : i32
      %convert_element_type3A = arith.extui %ge3A_200 : i1 to i32
      %cond3A = arith.constant 0 : i32
      %cond3A_201 = arith.cmpi ne, %convert_element_type3A, %cond3A : i32
      scf.if %cond3A_201 {
        %dma_wait3A_521 = arith.constant 0 : i32
        %dma_wait3A_522 = arith.constant 0 : i32
        %dma_wait3A_523 = tpu.memref_slice %arg24[%dma_wait3A_521, %dma_wait3A_522] : memref<10240x128xf32, #tpu.memory_space<vmem_shared>> -> memref<10240x128xf32, #tpu.memory_space<vmem_shared>>
        tpu.wait_indirect_dma semaphore(%arg29 : memref<!tpu.dma_semaphore, #tpu.memory_space<semaphore_mem>>) src(%arg19 : memref<48x128xf32, #tpu.memory_space<vmem>>) dst(%dma_wait3A_523 : memref<10240x128xf32, #tpu.memory_space<vmem_shared>>)
      } else {
      }
      %get3A_202 = arith.constant 0 : index
      %get3A_203 = tpu.vector_load %arg11[%get3A_202] {strides = array<i32>} : memref<48xi32, #tpu.memory_space<vmem>>, vector<16xi32>,
      %swap3A_204 = arith.constant 0 : index
      %swap3A_205 = tpu.vector_load %arg21[%swap3A_204] {strides = array<i32>} : memref<48xi32, #tpu.memory_space<vmem>>, vector<16xi32>,
      tpu.vector_store %arg21[%swap3A_204], %get3A_203 {strides = array<i32>} : memref<48xi32, #tpu.memory_space<vmem>>, vector<16xi32>,
      %get3A_206 = arith.constant 16 : index
      %get3A_207 = tpu.vector_load %arg11[%get3A_206] {strides = array<i32>} : memref<48xi32, #tpu.memory_space<vmem>>, vector<16xi32>,
      %swap3A_208 = arith.constant 16 : index
      %swap3A_209 = tpu.vector_load %arg21[%swap3A_208] {strides = array<i32>} : memref<48xi32, #tpu.memory_space<vmem>>, vector<16xi32>,
      tpu.vector_store %arg21[%swap3A_208], %get3A_207 {strides = array<i32>} : memref<48xi32, #tpu.memory_space<vmem>>, vector<16xi32>,
      %get3A_210 = arith.constant 32 : index
      %get3A_211 = tpu.vector_load %arg11[%get3A_210] {strides = array<i32>} : memref<48xi32, #tpu.memory_space<vmem>>, vector<16xi32>,
      %swap3A_212 = arith.constant 32 : index
      %swap3A_213 = tpu.vector_load %arg21[%swap3A_212] {strides = array<i32>} : memref<48xi32, #tpu.memory_space<vmem>>, vector<16xi32>,
      tpu.vector_store %arg21[%swap3A_212], %get3A_211 {strides = array<i32>} : memref<48xi32, #tpu.memory_space<vmem>>, vector<16xi32>,
      %dma_wait3A_214 = arith.constant 0 : i32
      %dma_wait3A_215 = arith.constant 0 : i32
      %dma_wait3A_216 = tpu.memref_slice %arg5[%dma_wait3A_214, %dma_wait3A_215] : memref<10000x256xi32, #tpu.memory_space<hbm>> -> memref<10000x256xi32, #tpu.memory_space<hbm>>
      tpu.wait_indirect_dma semaphore(%arg27 : memref<!tpu.dma_semaphore, #tpu.memory_space<semaphore_mem>>) src(%dma_wait3A_216 : memref<10000x256xi32, #tpu.memory_space<hbm>>) dst(%arg15 : memref<48x256xi32, #tpu.memory_space<vmem>>)
      %add3A_217 = arith.constant 1 : i32
      %add3A_218 = arith.addi %add3A_184, %add3A_217 : i32
      %lt3A = arith.constant 209 : i32
      %lt3A_219 = arith.cmpi slt, %add3A_218, %lt3A : i32
      %convert_element_type3A_220 = arith.extui %lt3A_219 : i1 to i32
      %cond3A_221 = arith.constant 0 : i32
      %cond3A_222 = arith.cmpi ne, %convert_element_type3A_220, %cond3A_221 : i32
      scf.if %cond3A_222 {
        %add3A_521 = arith.constant 1 : i32
        %add3A_522 = arith.addi %add3A_184, %add3A_521 : i32
        %add3A_523 = arith.addi %mul3A_6, %add3A_522 : i32
        %mul3A_524 = arith.constant 48 : i32
        %mul3A_525 = arith.muli %add3A_523, %mul3A_524 : i32
        %dma_start3A_526 = tpu.memref_slice %arg2[%mul3A_525] : memref<321024xi32, #tpu.memory_space<hbm>> -> memref<48xi32, #tpu.memory_space<hbm>>
        %dma_start3A_527 = tpu.memref_slice %arg2[%mul3A_525] : memref<321024xi32, #tpu.memory_space<hbm>> -> memref<48xi32, #tpu.memory_space<hbm>>
        tpu.enqueue_dma source(%dma_start3A_527 : memref<48xi32, #tpu.memory_space<hbm>>) target(%arg9 : memref<48xi32, #tpu.memory_space<vmem>>) target_semaphore(%arg25 : memref<!tpu.dma_semaphore, #tpu.memory_space<semaphore_mem>>)
        %dma_start3A_528 = tpu.memref_slice %arg3[%mul3A_525] : memref<321024xi32, #tpu.memory_space<hbm>> -> memref<48xi32, #tpu.memory_space<hbm>>
        %dma_start3A_529 = tpu.memref_slice %arg3[%mul3A_525] : memref<321024xi32, #tpu.memory_space<hbm>> -> memref<48xi32, #tpu.memory_space<hbm>>
        tpu.enqueue_dma source(%dma_start3A_529 : memref<48xi32, #tpu.memory_space<hbm>>) target(%arg11 : memref<48xi32, #tpu.memory_space<vmem>>) target_semaphore(%arg25 : memref<!tpu.dma_semaphore, #tpu.memory_space<semaphore_mem>>)
        %dma_start3A_530 = tpu.memref_slice %arg4[%mul3A_525] : memref<321024xi32, #tpu.memory_space<hbm>> -> memref<48xi32, #tpu.memory_space<hbm>>
        %dma_start3A_531 = tpu.memref_slice %arg4[%mul3A_525] : memref<321024xi32, #tpu.memory_space<hbm>> -> memref<48xi32, #tpu.memory_space<hbm>>
        tpu.enqueue_dma source(%dma_start3A_531 : memref<48xi32, #tpu.memory_space<hbm>>) target(%arg13 : memref<48xi32, #tpu.memory_space<vmem>>) target_semaphore(%arg25 : memref<!tpu.dma_semaphore, #tpu.memory_space<semaphore_mem>>)
      } else {
      }
      %get3A_223 = arith.constant 0 : index
      %get3A_224 = tpu.vector_load %arg14[%get3A_223] {strides = array<i32>} : memref<48xi32, #tpu.memory_space<vmem>>, vector<16xi32>,
      %mul3A_225 = arith.constant 4 : i32
      %mul3A_226 = vector.broadcast %mul3A_225 : i32 to vector<16xi32>
      %mul3A_227 = arith.muli %get3A_224, %mul3A_226 : vector<16xi32>
      %add3A_228 = arith.constant 0 : i32
      %add3A_229 = vector.broadcast %add3A_228 : i32 to vector<16xi32>
      %add3A_230 = arith.addi %add3A_229, %iota3A : vector<16xi32>
      %mul3A_231 = arith.constant 16 : i32
      %mul3A_232 = vector.broadcast %mul3A_231 : i32 to vector<16xi32>
      %mul3A_233 = arith.muli %add3A_230, %mul3A_232 : vector<16xi32>
      %add3A_234 = arith.constant 0 : i32
      %add3A_235 = vector.broadcast %add3A_234 : i32 to vector<16xi32>
      %add3A_236 = arith.addi %mul3A_227, %add3A_235 : vector<16xi32>
      %gather3A_237 = tpu.vector_load_idx %arg23[%add3A_236] : memref<5376xf32, #tpu.memory_space<vmem>>[vector<16xi32>], vector<16xf32>,
      %add3A_238 = arith.constant 0 : i32
      %add3A_239 = vector.broadcast %add3A_238 : i32 to vector<16xi32>
      %add3A_240 = arith.addi %mul3A_233, %add3A_239 : vector<16xi32>
      tpu.vector_store_idx %arg18[%add3A_240], %gather3A_237 : memref<768xf32, #tpu.memory_space<vmem>>[vector<16xi32>], vector<16xf32>,
      %add3A_241 = arith.constant 1 : i32
      %add3A_242 = vector.broadcast %add3A_241 : i32 to vector<16xi32>
      %add3A_243 = arith.addi %mul3A_227, %add3A_242 : vector<16xi32>
      %gather3A_244 = tpu.vector_load_idx %arg23[%add3A_243] : memref<5376xf32, #tpu.memory_space<vmem>>[vector<16xi32>], vector<16xf32>,
      %add3A_245 = arith.constant 1 : i32
      %add3A_246 = vector.broadcast %add3A_245 : i32 to vector<16xi32>
      %add3A_247 = arith.addi %mul3A_233, %add3A_246 : vector<16xi32>
      tpu.vector_store_idx %arg18[%add3A_247], %gather3A_244 : memref<768xf32, #tpu.memory_space<vmem>>[vector<16xi32>], vector<16xf32>,
      %add3A_248 = arith.constant 2 : i32
      %add3A_249 = vector.broadcast %add3A_248 : i32 to vector<16xi32>
      %add3A_250 = arith.addi %mul3A_227, %add3A_249 : vector<16xi32>
      %gather3A_251 = tpu.vector_load_idx %arg23[%add3A_250] : memref<5376xf32, #tpu.memory_space<vmem>>[vector<16xi32>], vector<16xf32>,
      %add3A_252 = arith.constant 2 : i32
      %add3A_253 = vector.broadcast %add3A_252 : i32 to vector<16xi32>
      %add3A_254 = arith.addi %mul3A_233, %add3A_253 : vector<16xi32>
      tpu.vector_store_idx %arg18[%add3A_254], %gather3A_251 : memref<768xf32, #tpu.memory_space<vmem>>[vector<16xi32>], vector<16xf32>,
      %add3A_255 = arith.constant 3 : i32
      %add3A_256 = vector.broadcast %add3A_255 : i32 to vector<16xi32>
      %add3A_257 = arith.addi %mul3A_227, %add3A_256 : vector<16xi32>
      %gather3A_258 = tpu.vector_load_idx %arg23[%add3A_257] : memref<5376xf32, #tpu.memory_space<vmem>>[vector<16xi32>], vector<16xf32>,
      %add3A_259 = arith.constant 3 : i32
      %add3A_260 = vector.broadcast %add3A_259 : i32 to vector<16xi32>
      %add3A_261 = arith.addi %mul3A_233, %add3A_260 : vector<16xi32>
      tpu.vector_store_idx %arg18[%add3A_261], %gather3A_258 : memref<768xf32, #tpu.memory_space<vmem>>[vector<16xi32>], vector<16xf32>,
      %get3A_262 = arith.constant 16 : index
      %get3A_263 = tpu.vector_load %arg14[%get3A_262] {strides = array<i32>} : memref<48xi32, #tpu.memory_space<vmem>>, vector<16xi32>,
      %mul3A_264 = arith.constant 4 : i32
      %mul3A_265 = vector.broadcast %mul3A_264 : i32 to vector<16xi32>
      %mul3A_266 = arith.muli %get3A_263, %mul3A_265 : vector<16xi32>
      %add3A_267 = arith.constant 16 : i32
      %add3A_268 = vector.broadcast %add3A_267 : i32 to vector<16xi32>
      %add3A_269 = arith.addi %add3A_268, %iota3A : vector<16xi32>
      %mul3A_270 = arith.constant 16 : i32
      %mul3A_271 = vector.broadcast %mul3A_270 : i32 to vector<16xi32>
      %mul3A_272 = arith.muli %add3A_269, %mul3A_271 : vector<16xi32>
      %add3A_273 = arith.constant 0 : i32
      %add3A_274 = vector.broadcast %add3A_273 : i32 to vector<16xi32>
      %add3A_275 = arith.addi %mul3A_266, %add3A_274 : vector<16xi32>
      %gather3A_276 = tpu.vector_load_idx %arg23[%add3A_275] : memref<5376xf32, #tpu.memory_space<vmem>>[vector<16xi32>], vector<16xf32>,
      %add3A_277 = arith.constant 0 : i32
      %add3A_278 = vector.broadcast %add3A_277 : i32 to vector<16xi32>
      %add3A_279 = arith.addi %mul3A_272, %add3A_278 : vector<16xi32>
      tpu.vector_store_idx %arg18[%add3A_279], %gather3A_276 : memref<768xf32, #tpu.memory_space<vmem>>[vector<16xi32>], vector<16xf32>,
      %add3A_280 = arith.constant 1 : i32
      %add3A_281 = vector.broadcast %add3A_280 : i32 to vector<16xi32>
      %add3A_282 = arith.addi %mul3A_266, %add3A_281 : vector<16xi32>
      %gather3A_283 = tpu.vector_load_idx %arg23[%add3A_282] : memref<5376xf32, #tpu.memory_space<vmem>>[vector<16xi32>], vector<16xf32>,
      %add3A_284 = arith.constant 1 : i32
      %add3A_285 = vector.broadcast %add3A_284 : i32 to vector<16xi32>
      %add3A_286 = arith.addi %mul3A_272, %add3A_285 : vector<16xi32>
      tpu.vector_store_idx %arg18[%add3A_286], %gather3A_283 : memref<768xf32, #tpu.memory_space<vmem>>[vector<16xi32>], vector<16xf32>,
      %add3A_287 = arith.constant 2 : i32
      %add3A_288 = vector.broadcast %add3A_287 : i32 to vector<16xi32>
      %add3A_289 = arith.addi %mul3A_266, %add3A_288 : vector<16xi32>
      %gather3A_290 = tpu.vector_load_idx %arg23[%add3A_289] : memref<5376xf32, #tpu.memory_space<vmem>>[vector<16xi32>], vector<16xf32>,
      %add3A_291 = arith.constant 2 : i32
      %add3A_292 = vector.broadcast %add3A_291 : i32 to vector<16xi32>
      %add3A_293 = arith.addi %mul3A_272, %add3A_292 : vector<16xi32>
      tpu.vector_store_idx %arg18[%add3A_293], %gather3A_290 : memref<768xf32, #tpu.memory_space<vmem>>[vector<16xi32>], vector<16xf32>,
      %add3A_294 = arith.constant 3 : i32
      %add3A_295 = vector.broadcast %add3A_294 : i32 to vector<16xi32>
      %add3A_296 = arith.addi %mul3A_266, %add3A_295 : vector<16xi32>
      %gather3A_297 = tpu.vector_load_idx %arg23[%add3A_296] : memref<5376xf32, #tpu.memory_space<vmem>>[vector<16xi32>], vector<16xf32>,
      %add3A_298 = arith.constant 3 : i32
      %add3A_299 = vector.broadcast %add3A_298 : i32 to vector<16xi32>
      %add3A_300 = arith.addi %mul3A_272, %add3A_299 : vector<16xi32>
      tpu.vector_store_idx %arg18[%add3A_300], %gather3A_297 : memref<768xf32, #tpu.memory_space<vmem>>[vector<16xi32>], vector<16xf32>,
      %get3A_301 = arith.constant 32 : index
      %get3A_302 = tpu.vector_load %arg14[%get3A_301] {strides = array<i32>} : memref<48xi32, #tpu.memory_space<vmem>>, vector<16xi32>,
      %mul3A_303 = arith.constant 4 : i32
      %mul3A_304 = vector.broadcast %mul3A_303 : i32 to vector<16xi32>
      %mul3A_305 = arith.muli %get3A_302, %mul3A_304 : vector<16xi32>
      %add3A_306 = arith.constant 32 : i32
      %add3A_307 = vector.broadcast %add3A_306 : i32 to vector<16xi32>
      %add3A_308 = arith.addi %add3A_307, %iota3A : vector<16xi32>
      %mul3A_309 = arith.constant 16 : i32
      %mul3A_310 = vector.broadcast %mul3A_309 : i32 to vector<16xi32>
      %mul3A_311 = arith.muli %add3A_308, %mul3A_310 : vector<16xi32>
      %add3A_312 = arith.constant 0 : i32
      %add3A_313 = vector.broadcast %add3A_312 : i32 to vector<16xi32>
      %add3A_314 = arith.addi %mul3A_305, %add3A_313 : vector<16xi32>
      %gather3A_315 = tpu.vector_load_idx %arg23[%add3A_314] : memref<5376xf32, #tpu.memory_space<vmem>>[vector<16xi32>], vector<16xf32>,
      %add3A_316 = arith.constant 0 : i32
      %add3A_317 = vector.broadcast %add3A_316 : i32 to vector<16xi32>
      %add3A_318 = arith.addi %mul3A_311, %add3A_317 : vector<16xi32>
      tpu.vector_store_idx %arg18[%add3A_318], %gather3A_315 : memref<768xf32, #tpu.memory_space<vmem>>[vector<16xi32>], vector<16xf32>,
      %add3A_319 = arith.constant 1 : i32
      %add3A_320 = vector.broadcast %add3A_319 : i32 to vector<16xi32>
      %add3A_321 = arith.addi %mul3A_305, %add3A_320 : vector<16xi32>
      %gather3A_322 = tpu.vector_load_idx %arg23[%add3A_321] : memref<5376xf32, #tpu.memory_space<vmem>>[vector<16xi32>], vector<16xf32>,
      %add3A_323 = arith.constant 1 : i32
      %add3A_324 = vector.broadcast %add3A_323 : i32 to vector<16xi32>
      %add3A_325 = arith.addi %mul3A_311, %add3A_324 : vector<16xi32>
      tpu.vector_store_idx %arg18[%add3A_325], %gather3A_322 : memref<768xf32, #tpu.memory_space<vmem>>[vector<16xi32>], vector<16xf32>,
      %add3A_326 = arith.constant 2 : i32
      %add3A_327 = vector.broadcast %add3A_326 : i32 to vector<16xi32>
      %add3A_328 = arith.addi %mul3A_305, %add3A_327 : vector<16xi32>
      %gather3A_329 = tpu.vector_load_idx %arg23[%add3A_328] : memref<5376xf32, #tpu.memory_space<vmem>>[vector<16xi32>], vector<16xf32>,
      %add3A_330 = arith.constant 2 : i32
      %add3A_331 = vector.broadcast %add3A_330 : i32 to vector<16xi32>
      %add3A_332 = arith.addi %mul3A_311, %add3A_331 : vector<16xi32>
      tpu.vector_store_idx %arg18[%add3A_332], %gather3A_329 : memref<768xf32, #tpu.memory_space<vmem>>[vector<16xi32>], vector<16xf32>,
      %add3A_333 = arith.constant 3 : i32
      %add3A_334 = vector.broadcast %add3A_333 : i32 to vector<16xi32>
      %add3A_335 = arith.addi %mul3A_305, %add3A_334 : vector<16xi32>
      %gather3A_336 = tpu.vector_load_idx %arg23[%add3A_335] : memref<5376xf32, #tpu.memory_space<vmem>>[vector<16xi32>], vector<16xf32>,
      %add3A_337 = arith.constant 3 : i32
      %add3A_338 = vector.broadcast %add3A_337 : i32 to vector<16xi32>
      %add3A_339 = arith.addi %mul3A_311, %add3A_338 : vector<16xi32>
      tpu.vector_store_idx %arg18[%add3A_339], %gather3A_336 : memref<768xf32, #tpu.memory_space<vmem>>[vector<16xi32>], vector<16xf32>,
      %scan3A_340 = arith.constant 0 : i32
      %scan3A_341 = arith.constant 0 : i32
      %scan3A_342 = arith.constant 48 : i32
      %scan3A_343 = arith.addi %scan3A_341, %scan3A_342 : i32
      %scan3A_344 = arith.constant 2 : i32
      scf.for %scan3A_521 = %scan3A_341 to %scan3A_343 step %scan3A_344  : i32 {
        %mul3A_522 = arith.constant 16 : i32
        %mul3A_523 = arith.muli %scan3A_521, %mul3A_522 : i32
        %get3A_524 = arith.index_cast %mul3A_523 : i32 to index
        %get3A_525 = tpu.vector_load %arg17[%get3A_524] {strides = array<i32>} : memref<768xf32, #tpu.memory_space<vmem>>, vector<16xf32>,
        %slice3A = vector.extract_strided_slice %get3A_525 {offsets = [0], sizes = [1], strides = [1]} : vector<16xf32> to vector<1xf32>
        %squeeze3A = vector.extract %slice3A[0] : f32 from vector<1xf32>
        %slice3A_526 = vector.extract_strided_slice %get3A_525 {offsets = [1], sizes = [1], strides = [1]} : vector<16xf32> to vector<1xf32>
        %squeeze3A_527 = vector.extract %slice3A_526[0] : f32 from vector<1xf32>
        %slice3A_528 = vector.extract_strided_slice %get3A_525 {offsets = [2], sizes = [1], strides = [1]} : vector<16xf32> to vector<1xf32>
        %squeeze3A_529 = vector.extract %slice3A_528[0] : f32 from vector<1xf32>
        %slice3A_530 = vector.extract_strided_slice %get3A_525 {offsets = [3], sizes = [1], strides = [1]} : vector<16xf32> to vector<1xf32>
        %squeeze3A_531 = vector.extract %slice3A_530[0] : f32 from vector<1xf32>
        %broadcast_in_dim3A = arith.constant 0.000000e+00 : f32
        %broadcast_in_dim3A_532 = vector.broadcast %broadcast_in_dim3A : f32 to vector<16xf32>
        %broadcast_in_dim3A_533 = arith.constant 0.000000e+00 : f32
        %broadcast_in_dim3A_534 = vector.broadcast %broadcast_in_dim3A_533 : f32 to vector<16xf32>
        %get3A_535 = arith.index_cast %scan3A_521 : i32 to index
        %get3A_536 = arith.constant 0 : index
        %get3A_537 = tpu.vector_load %arg15[%get3A_535, %get3A_536] {strides = array<i32>} : memref<48x256xi32, #tpu.memory_space<vmem>>, vector<16xi32>,
        %bitcast3A = vector.bitcast %get3A_537 : vector<16xi32> to vector<32xbf16>
        %unpack3A = tpu.unpack_subelements %bitcast3A, 0 {pack_format = #tpu.pack_format<interleaved>} : vector<32xbf16> -> vector<16xf32>
        %unpack3A_538 = tpu.unpack_subelements %bitcast3A, 1 {pack_format = #tpu.pack_format<interleaved>} : vector<32xbf16> -> vector<16xf32>
        %mul3A_539 = vector.broadcast %squeeze3A : f32 to vector<16xf32>
        %mul3A_540 = arith.mulf %mul3A_539, %unpack3A : vector<16xf32>
        %add3A_541 = arith.addf %broadcast_in_dim3A_532, %mul3A_540 : vector<16xf32>
        %mul3A_542 = vector.broadcast %squeeze3A : f32 to vector<16xf32>
        %mul3A_543 = arith.mulf %mul3A_542, %unpack3A_538 : vector<16xf32>
        %add3A_544 = arith.addf %broadcast_in_dim3A_534, %mul3A_543 : vector<16xf32>
        %get3A_545 = arith.index_cast %scan3A_521 : i32 to index
        %get3A_546 = arith.constant 64 : index
        %get3A_547 = tpu.vector_load %arg15[%get3A_545, %get3A_546] {strides = array<i32>} : memref<48x256xi32, #tpu.memory_space<vmem>>, vector<16xi32>,
        %bitcast3A_548 = vector.bitcast %get3A_547 : vector<16xi32> to vector<32xbf16>
        %unpack3A_549 = tpu.unpack_subelements %bitcast3A_548, 0 {pack_format = #tpu.pack_format<interleaved>} : vector<32xbf16> -> vector<16xf32>
        %unpack3A_550 = tpu.unpack_subelements %bitcast3A_548, 1 {pack_format = #tpu.pack_format<interleaved>} : vector<32xbf16> -> vector<16xf32>
        %mul3A_551 = vector.broadcast %squeeze3A_527 : f32 to vector<16xf32>
        %mul3A_552 = arith.mulf %mul3A_551, %unpack3A_549 : vector<16xf32>
        %add3A_553 = arith.addf %add3A_541, %mul3A_552 : vector<16xf32>
        %mul3A_554 = vector.broadcast %squeeze3A_527 : f32 to vector<16xf32>
        %mul3A_555 = arith.mulf %mul3A_554, %unpack3A_550 : vector<16xf32>
        %add3A_556 = arith.addf %add3A_544, %mul3A_555 : vector<16xf32>
        %get3A_557 = arith.index_cast %scan3A_521 : i32 to index
        %get3A_558 = arith.constant 128 : index
        %get3A_559 = tpu.vector_load %arg15[%get3A_557, %get3A_558] {strides = array<i32>} : memref<48x256xi32, #tpu.memory_space<vmem>>, vector<16xi32>,
        %bitcast3A_560 = vector.bitcast %get3A_559 : vector<16xi32> to vector<32xbf16>
        %unpack3A_561 = tpu.unpack_subelements %bitcast3A_560, 0 {pack_format = #tpu.pack_format<interleaved>} : vector<32xbf16> -> vector<16xf32>
        %unpack3A_562 = tpu.unpack_subelements %bitcast3A_560, 1 {pack_format = #tpu.pack_format<interleaved>} : vector<32xbf16> -> vector<16xf32>
        %mul3A_563 = vector.broadcast %squeeze3A_529 : f32 to vector<16xf32>
        %mul3A_564 = arith.mulf %mul3A_563, %unpack3A_561 : vector<16xf32>
        %add3A_565 = arith.addf %add3A_553, %mul3A_564 : vector<16xf32>
        %mul3A_566 = vector.broadcast %squeeze3A_529 : f32 to vector<16xf32>
        %mul3A_567 = arith.mulf %mul3A_566, %unpack3A_562 : vector<16xf32>
        %add3A_568 = arith.addf %add3A_556, %mul3A_567 : vector<16xf32>
        %get3A_569 = arith.index_cast %scan3A_521 : i32 to index
        %get3A_570 = arith.constant 192 : index
        %get3A_571 = tpu.vector_load %arg15[%get3A_569, %get3A_570] {strides = array<i32>} : memref<48x256xi32, #tpu.memory_space<vmem>>, vector<16xi32>,
        %bitcast3A_572 = vector.bitcast %get3A_571 : vector<16xi32> to vector<32xbf16>
        %unpack3A_573 = tpu.unpack_subelements %bitcast3A_572, 0 {pack_format = #tpu.pack_format<interleaved>} : vector<32xbf16> -> vector<16xf32>
        %unpack3A_574 = tpu.unpack_subelements %bitcast3A_572, 1 {pack_format = #tpu.pack_format<interleaved>} : vector<32xbf16> -> vector<16xf32>
        %mul3A_575 = vector.broadcast %squeeze3A_531 : f32 to vector<16xf32>
        %mul3A_576 = arith.mulf %mul3A_575, %unpack3A_573 : vector<16xf32>
        %add3A_577 = arith.addf %add3A_565, %mul3A_576 : vector<16xf32>
        %mul3A_578 = vector.broadcast %squeeze3A_531 : f32 to vector<16xf32>
        %mul3A_579 = arith.mulf %mul3A_578, %unpack3A_574 : vector<16xf32>
        %add3A_580 = arith.addf %add3A_568, %mul3A_579 : vector<16xf32>
        %swap3A_581 = arith.index_cast %scan3A_521 : i32 to index
        %swap3A_582 = arith.constant 0 : index
        %swap3A_583 = tpu.vector_load %arg19[%swap3A_581, %swap3A_582] {strides = array<i32>} : memref<48x128xf32, #tpu.memory_space<vmem>>, vector<16xf32>,
        tpu.vector_store %arg19[%swap3A_581, %swap3A_582], %add3A_577 {strides = array<i32>} : memref<48x128xf32, #tpu.memory_space<vmem>>, vector<16xf32>,
        %swap3A_584 = arith.index_cast %scan3A_521 : i32 to index
        %swap3A_585 = arith.constant 16 : index
        %swap3A_586 = tpu.vector_load %arg19[%swap3A_584, %swap3A_585] {strides = array<i32>} : memref<48x128xf32, #tpu.memory_space<vmem>>, vector<16xf32>,
        tpu.vector_store %arg19[%swap3A_584, %swap3A_585], %add3A_580 {strides = array<i32>} : memref<48x128xf32, #tpu.memory_space<vmem>>, vector<16xf32>,
        %broadcast_in_dim3A_587 = arith.constant 0.000000e+00 : f32
        %broadcast_in_dim3A_588 = vector.broadcast %broadcast_in_dim3A_587 : f32 to vector<16xf32>
        %broadcast_in_dim3A_589 = arith.constant 0.000000e+00 : f32
        %broadcast_in_dim3A_590 = vector.broadcast %broadcast_in_dim3A_589 : f32 to vector<16xf32>
        %get3A_591 = arith.index_cast %scan3A_521 : i32 to index
        %get3A_592 = arith.constant 16 : index
        %get3A_593 = tpu.vector_load %arg15[%get3A_591, %get3A_592] {strides = array<i32>} : memref<48x256xi32, #tpu.memory_space<vmem>>, vector<16xi32>,
        %bitcast3A_594 = vector.bitcast %get3A_593 : vector<16xi32> to vector<32xbf16>
        %unpack3A_595 = tpu.unpack_subelements %bitcast3A_594, 0 {pack_format = #tpu.pack_format<interleaved>} : vector<32xbf16> -> vector<16xf32>
        %unpack3A_596 = tpu.unpack_subelements %bitcast3A_594, 1 {pack_format = #tpu.pack_format<interleaved>} : vector<32xbf16> -> vector<16xf32>
        %mul3A_597 = vector.broadcast %squeeze3A : f32 to vector<16xf32>
        %mul3A_598 = arith.mulf %mul3A_597, %unpack3A_595 : vector<16xf32>
        %add3A_599 = arith.addf %broadcast_in_dim3A_588, %mul3A_598 : vector<16xf32>
        %mul3A_600 = vector.broadcast %squeeze3A : f32 to vector<16xf32>
        %mul3A_601 = arith.mulf %mul3A_600, %unpack3A_596 : vector<16xf32>
        %add3A_602 = arith.addf %broadcast_in_dim3A_590, %mul3A_601 : vector<16xf32>
        %get3A_603 = arith.index_cast %scan3A_521 : i32 to index
        %get3A_604 = arith.constant 80 : index
        %get3A_605 = tpu.vector_load %arg15[%get3A_603, %get3A_604] {strides = array<i32>} : memref<48x256xi32, #tpu.memory_space<vmem>>, vector<16xi32>,
        %bitcast3A_606 = vector.bitcast %get3A_605 : vector<16xi32> to vector<32xbf16>
        %unpack3A_607 = tpu.unpack_subelements %bitcast3A_606, 0 {pack_format = #tpu.pack_format<interleaved>} : vector<32xbf16> -> vector<16xf32>
        %unpack3A_608 = tpu.unpack_subelements %bitcast3A_606, 1 {pack_format = #tpu.pack_format<interleaved>} : vector<32xbf16> -> vector<16xf32>
        %mul3A_609 = vector.broadcast %squeeze3A_527 : f32 to vector<16xf32>
        %mul3A_610 = arith.mulf %mul3A_609, %unpack3A_607 : vector<16xf32>
        %add3A_611 = arith.addf %add3A_599, %mul3A_610 : vector<16xf32>
        %mul3A_612 = vector.broadcast %squeeze3A_527 : f32 to vector<16xf32>
        %mul3A_613 = arith.mulf %mul3A_612, %unpack3A_608 : vector<16xf32>
        %add3A_614 = arith.addf %add3A_602, %mul3A_613 : vector<16xf32>
        %get3A_615 = arith.index_cast %scan3A_521 : i32 to index
        %get3A_616 = arith.constant 144 : index
        %get3A_617 = tpu.vector_load %arg15[%get3A_615, %get3A_616] {strides = array<i32>} : memref<48x256xi32, #tpu.memory_space<vmem>>, vector<16xi32>,
        %bitcast3A_618 = vector.bitcast %get3A_617 : vector<16xi32> to vector<32xbf16>
        %unpack3A_619 = tpu.unpack_subelements %bitcast3A_618, 0 {pack_format = #tpu.pack_format<interleaved>} : vector<32xbf16> -> vector<16xf32>
        %unpack3A_620 = tpu.unpack_subelements %bitcast3A_618, 1 {pack_format = #tpu.pack_format<interleaved>} : vector<32xbf16> -> vector<16xf32>
        %mul3A_621 = vector.broadcast %squeeze3A_529 : f32 to vector<16xf32>
        %mul3A_622 = arith.mulf %mul3A_621, %unpack3A_619 : vector<16xf32>
        %add3A_623 = arith.addf %add3A_611, %mul3A_622 : vector<16xf32>
        %mul3A_624 = vector.broadcast %squeeze3A_529 : f32 to vector<16xf32>
        %mul3A_625 = arith.mulf %mul3A_624, %unpack3A_620 : vector<16xf32>
        %add3A_626 = arith.addf %add3A_614, %mul3A_625 : vector<16xf32>
        %get3A_627 = arith.index_cast %scan3A_521 : i32 to index
        %get3A_628 = arith.constant 208 : index
        %get3A_629 = tpu.vector_load %arg15[%get3A_627, %get3A_628] {strides = array<i32>} : memref<48x256xi32, #tpu.memory_space<vmem>>, vector<16xi32>,
        %bitcast3A_630 = vector.bitcast %get3A_629 : vector<16xi32> to vector<32xbf16>
        %unpack3A_631 = tpu.unpack_subelements %bitcast3A_630, 0 {pack_format = #tpu.pack_format<interleaved>} : vector<32xbf16> -> vector<16xf32>
        %unpack3A_632 = tpu.unpack_subelements %bitcast3A_630, 1 {pack_format = #tpu.pack_format<interleaved>} : vector<32xbf16> -> vector<16xf32>
        %mul3A_633 = vector.broadcast %squeeze3A_531 : f32 to vector<16xf32>
        %mul3A_634 = arith.mulf %mul3A_633, %unpack3A_631 : vector<16xf32>
        %add3A_635 = arith.addf %add3A_623, %mul3A_634 : vector<16xf32>
        %mul3A_636 = vector.broadcast %squeeze3A_531 : f32 to vector<16xf32>
        %mul3A_637 = arith.mulf %mul3A_636, %unpack3A_632 : vector<16xf32>
        %add3A_638 = arith.addf %add3A_626, %mul3A_637 : vector<16xf32>
        %swap3A_639 = arith.index_cast %scan3A_521 : i32 to index
        %swap3A_640 = arith.constant 32 : index
        %swap3A_641 = tpu.vector_load %arg19[%swap3A_639, %swap3A_640] {strides = array<i32>} : memref<48x128xf32, #tpu.memory_space<vmem>>, vector<16xf32>,
        tpu.vector_store %arg19[%swap3A_639, %swap3A_640], %add3A_635 {strides = array<i32>} : memref<48x128xf32, #tpu.memory_space<vmem>>, vector<16xf32>,
        %swap3A_642 = arith.index_cast %scan3A_521 : i32 to index
        %swap3A_643 = arith.constant 48 : index
        %swap3A_644 = tpu.vector_load %arg19[%swap3A_642, %swap3A_643] {strides = array<i32>} : memref<48x128xf32, #tpu.memory_space<vmem>>, vector<16xf32>,
        tpu.vector_store %arg19[%swap3A_642, %swap3A_643], %add3A_638 {strides = array<i32>} : memref<48x128xf32, #tpu.memory_space<vmem>>, vector<16xf32>,
        %broadcast_in_dim3A_645 = arith.constant 0.000000e+00 : f32
        %broadcast_in_dim3A_646 = vector.broadcast %broadcast_in_dim3A_645 : f32 to vector<16xf32>
        %broadcast_in_dim3A_647 = arith.constant 0.000000e+00 : f32
        %broadcast_in_dim3A_648 = vector.broadcast %broadcast_in_dim3A_647 : f32 to vector<16xf32>
        %get3A_649 = arith.index_cast %scan3A_521 : i32 to index
        %get3A_650 = arith.constant 32 : index
        %get3A_651 = tpu.vector_load %arg15[%get3A_649, %get3A_650] {strides = array<i32>} : memref<48x256xi32, #tpu.memory_space<vmem>>, vector<16xi32>,
        %bitcast3A_652 = vector.bitcast %get3A_651 : vector<16xi32> to vector<32xbf16>
        %unpack3A_653 = tpu.unpack_subelements %bitcast3A_652, 0 {pack_format = #tpu.pack_format<interleaved>} : vector<32xbf16> -> vector<16xf32>
        %unpack3A_654 = tpu.unpack_subelements %bitcast3A_652, 1 {pack_format = #tpu.pack_format<interleaved>} : vector<32xbf16> -> vector<16xf32>
        %mul3A_655 = vector.broadcast %squeeze3A : f32 to vector<16xf32>
        %mul3A_656 = arith.mulf %mul3A_655, %unpack3A_653 : vector<16xf32>
        %add3A_657 = arith.addf %broadcast_in_dim3A_646, %mul3A_656 : vector<16xf32>
        %mul3A_658 = vector.broadcast %squeeze3A : f32 to vector<16xf32>
        %mul3A_659 = arith.mulf %mul3A_658, %unpack3A_654 : vector<16xf32>
        %add3A_660 = arith.addf %broadcast_in_dim3A_648, %mul3A_659 : vector<16xf32>
        %get3A_661 = arith.index_cast %scan3A_521 : i32 to index
        %get3A_662 = arith.constant 96 : index
        %get3A_663 = tpu.vector_load %arg15[%get3A_661, %get3A_662] {strides = array<i32>} : memref<48x256xi32, #tpu.memory_space<vmem>>, vector<16xi32>,
        %bitcast3A_664 = vector.bitcast %get3A_663 : vector<16xi32> to vector<32xbf16>
        %unpack3A_665 = tpu.unpack_subelements %bitcast3A_664, 0 {pack_format = #tpu.pack_format<interleaved>} : vector<32xbf16> -> vector<16xf32>
        %unpack3A_666 = tpu.unpack_subelements %bitcast3A_664, 1 {pack_format = #tpu.pack_format<interleaved>} : vector<32xbf16> -> vector<16xf32>
        %mul3A_667 = vector.broadcast %squeeze3A_527 : f32 to vector<16xf32>
        %mul3A_668 = arith.mulf %mul3A_667, %unpack3A_665 : vector<16xf32>
        %add3A_669 = arith.addf %add3A_657, %mul3A_668 : vector<16xf32>
        %mul3A_670 = vector.broadcast %squeeze3A_527 : f32 to vector<16xf32>
        %mul3A_671 = arith.mulf %mul3A_670, %unpack3A_666 : vector<16xf32>
        %add3A_672 = arith.addf %add3A_660, %mul3A_671 : vector<16xf32>
        %get3A_673 = arith.index_cast %scan3A_521 : i32 to index
        %get3A_674 = arith.constant 160 : index
        %get3A_675 = tpu.vector_load %arg15[%get3A_673, %get3A_674] {strides = array<i32>} : memref<48x256xi32, #tpu.memory_space<vmem>>, vector<16xi32>,
        %bitcast3A_676 = vector.bitcast %get3A_675 : vector<16xi32> to vector<32xbf16>
        %unpack3A_677 = tpu.unpack_subelements %bitcast3A_676, 0 {pack_format = #tpu.pack_format<interleaved>} : vector<32xbf16> -> vector<16xf32>
        %unpack3A_678 = tpu.unpack_subelements %bitcast3A_676, 1 {pack_format = #tpu.pack_format<interleaved>} : vector<32xbf16> -> vector<16xf32>
        %mul3A_679 = vector.broadcast %squeeze3A_529 : f32 to vector<16xf32>
        %mul3A_680 = arith.mulf %mul3A_679, %unpack3A_677 : vector<16xf32>
        %add3A_681 = arith.addf %add3A_669, %mul3A_680 : vector<16xf32>
        %mul3A_682 = vector.broadcast %squeeze3A_529 : f32 to vector<16xf32>
        %mul3A_683 = arith.mulf %mul3A_682, %unpack3A_678 : vector<16xf32>
        %add3A_684 = arith.addf %add3A_672, %mul3A_683 : vector<16xf32>
        %get3A_685 = arith.index_cast %scan3A_521 : i32 to index
        %get3A_686 = arith.constant 224 : index
        %get3A_687 = tpu.vector_load %arg15[%get3A_685, %get3A_686] {strides = array<i32>} : memref<48x256xi32, #tpu.memory_space<vmem>>, vector<16xi32>,
        %bitcast3A_688 = vector.bitcast %get3A_687 : vector<16xi32> to vector<32xbf16>
        %unpack3A_689 = tpu.unpack_subelements %bitcast3A_688, 0 {pack_format = #tpu.pack_format<interleaved>} : vector<32xbf16> -> vector<16xf32>
        %unpack3A_690 = tpu.unpack_subelements %bitcast3A_688, 1 {pack_format = #tpu.pack_format<interleaved>} : vector<32xbf16> -> vector<16xf32>
        %mul3A_691 = vector.broadcast %squeeze3A_531 : f32 to vector<16xf32>
        %mul3A_692 = arith.mulf %mul3A_691, %unpack3A_689 : vector<16xf32>
        %add3A_693 = arith.addf %add3A_681, %mul3A_692 : vector<16xf32>
        %mul3A_694 = vector.broadcast %squeeze3A_531 : f32 to vector<16xf32>
        %mul3A_695 = arith.mulf %mul3A_694, %unpack3A_690 : vector<16xf32>
        %add3A_696 = arith.addf %add3A_684, %mul3A_695 : vector<16xf32>
        %swap3A_697 = arith.index_cast %scan3A_521 : i32 to index
        %swap3A_698 = arith.constant 64 : index
        %swap3A_699 = tpu.vector_load %arg19[%swap3A_697, %swap3A_698] {strides = array<i32>} : memref<48x128xf32, #tpu.memory_space<vmem>>, vector<16xf32>,
        tpu.vector_store %arg19[%swap3A_697, %swap3A_698], %add3A_693 {strides = array<i32>} : memref<48x128xf32, #tpu.memory_space<vmem>>, vector<16xf32>,
        %swap3A_700 = arith.index_cast %scan3A_521 : i32 to index
        %swap3A_701 = arith.constant 80 : index
        %swap3A_702 = tpu.vector_load %arg19[%swap3A_700, %swap3A_701] {strides = array<i32>} : memref<48x128xf32, #tpu.memory_space<vmem>>, vector<16xf32>,
        tpu.vector_store %arg19[%swap3A_700, %swap3A_701], %add3A_696 {strides = array<i32>} : memref<48x128xf32, #tpu.memory_space<vmem>>, vector<16xf32>,
        %broadcast_in_dim3A_703 = arith.constant 0.000000e+00 : f32
        %broadcast_in_dim3A_704 = vector.broadcast %broadcast_in_dim3A_703 : f32 to vector<16xf32>
        %broadcast_in_dim3A_705 = arith.constant 0.000000e+00 : f32
        %broadcast_in_dim3A_706 = vector.broadcast %broadcast_in_dim3A_705 : f32 to vector<16xf32>
        %get3A_707 = arith.index_cast %scan3A_521 : i32 to index
        %get3A_708 = arith.constant 48 : index
        %get3A_709 = tpu.vector_load %arg15[%get3A_707, %get3A_708] {strides = array<i32>} : memref<48x256xi32, #tpu.memory_space<vmem>>, vector<16xi32>,
        %bitcast3A_710 = vector.bitcast %get3A_709 : vector<16xi32> to vector<32xbf16>
        %unpack3A_711 = tpu.unpack_subelements %bitcast3A_710, 0 {pack_format = #tpu.pack_format<interleaved>} : vector<32xbf16> -> vector<16xf32>
        %unpack3A_712 = tpu.unpack_subelements %bitcast3A_710, 1 {pack_format = #tpu.pack_format<interleaved>} : vector<32xbf16> -> vector<16xf32>
        %mul3A_713 = vector.broadcast %squeeze3A : f32 to vector<16xf32>
        %mul3A_714 = arith.mulf %mul3A_713, %unpack3A_711 : vector<16xf32>
        %add3A_715 = arith.addf %broadcast_in_dim3A_704, %mul3A_714 : vector<16xf32>
        %mul3A_716 = vector.broadcast %squeeze3A : f32 to vector<16xf32>
        %mul3A_717 = arith.mulf %mul3A_716, %unpack3A_712 : vector<16xf32>
        %add3A_718 = arith.addf %broadcast_in_dim3A_706, %mul3A_717 : vector<16xf32>
        %get3A_719 = arith.index_cast %scan3A_521 : i32 to index
        %get3A_720 = arith.constant 112 : index
        %get3A_721 = tpu.vector_load %arg15[%get3A_719, %get3A_720] {strides = array<i32>} : memref<48x256xi32, #tpu.memory_space<vmem>>, vector<16xi32>,
        %bitcast3A_722 = vector.bitcast %get3A_721 : vector<16xi32> to vector<32xbf16>
        %unpack3A_723 = tpu.unpack_subelements %bitcast3A_722, 0 {pack_format = #tpu.pack_format<interleaved>} : vector<32xbf16> -> vector<16xf32>
        %unpack3A_724 = tpu.unpack_subelements %bitcast3A_722, 1 {pack_format = #tpu.pack_format<interleaved>} : vector<32xbf16> -> vector<16xf32>
        %mul3A_725 = vector.broadcast %squeeze3A_527 : f32 to vector<16xf32>
        %mul3A_726 = arith.mulf %mul3A_725, %unpack3A_723 : vector<16xf32>
        %add3A_727 = arith.addf %add3A_715, %mul3A_726 : vector<16xf32>
        %mul3A_728 = vector.broadcast %squeeze3A_527 : f32 to vector<16xf32>
        %mul3A_729 = arith.mulf %mul3A_728, %unpack3A_724 : vector<16xf32>
        %add3A_730 = arith.addf %add3A_718, %mul3A_729 : vector<16xf32>
        %get3A_731 = arith.index_cast %scan3A_521 : i32 to index
        %get3A_732 = arith.constant 176 : index
        %get3A_733 = tpu.vector_load %arg15[%get3A_731, %get3A_732] {strides = array<i32>} : memref<48x256xi32, #tpu.memory_space<vmem>>, vector<16xi32>,
        %bitcast3A_734 = vector.bitcast %get3A_733 : vector<16xi32> to vector<32xbf16>
        %unpack3A_735 = tpu.unpack_subelements %bitcast3A_734, 0 {pack_format = #tpu.pack_format<interleaved>} : vector<32xbf16> -> vector<16xf32>
        %unpack3A_736 = tpu.unpack_subelements %bitcast3A_734, 1 {pack_format = #tpu.pack_format<interleaved>} : vector<32xbf16> -> vector<16xf32>
        %mul3A_737 = vector.broadcast %squeeze3A_529 : f32 to vector<16xf32>
        %mul3A_738 = arith.mulf %mul3A_737, %unpack3A_735 : vector<16xf32>
        %add3A_739 = arith.addf %add3A_727, %mul3A_738 : vector<16xf32>
        %mul3A_740 = vector.broadcast %squeeze3A_529 : f32 to vector<16xf32>
        %mul3A_741 = arith.mulf %mul3A_740, %unpack3A_736 : vector<16xf32>
        %add3A_742 = arith.addf %add3A_730, %mul3A_741 : vector<16xf32>
        %get3A_743 = arith.index_cast %scan3A_521 : i32 to index
        %get3A_744 = arith.constant 240 : index
        %get3A_745 = tpu.vector_load %arg15[%get3A_743, %get3A_744] {strides = array<i32>} : memref<48x256xi32, #tpu.memory_space<vmem>>, vector<16xi32>,
        %bitcast3A_746 = vector.bitcast %get3A_745 : vector<16xi32> to vector<32xbf16>
        %unpack3A_747 = tpu.unpack_subelements %bitcast3A_746, 0 {pack_format = #tpu.pack_format<interleaved>} : vector<32xbf16> -> vector<16xf32>
        %unpack3A_748 = tpu.unpack_subelements %bitcast3A_746, 1 {pack_format = #tpu.pack_format<interleaved>} : vector<32xbf16> -> vector<16xf32>
        %mul3A_749 = vector.broadcast %squeeze3A_531 : f32 to vector<16xf32>
        %mul3A_750 = arith.mulf %mul3A_749, %unpack3A_747 : vector<16xf32>
        %add3A_751 = arith.addf %add3A_739, %mul3A_750 : vector<16xf32>
        %mul3A_752 = vector.broadcast %squeeze3A_531 : f32 to vector<16xf32>
        %mul3A_753 = arith.mulf %mul3A_752, %unpack3A_748 : vector<16xf32>
        %add3A_754 = arith.addf %add3A_742, %mul3A_753 : vector<16xf32>
        %swap3A_755 = arith.index_cast %scan3A_521 : i32 to index
        %swap3A_756 = arith.constant 96 : index
        %swap3A_757 = tpu.vector_load %arg19[%swap3A_755, %swap3A_756] {strides = array<i32>} : memref<48x128xf32, #tpu.memory_space<vmem>>, vector<16xf32>,
        tpu.vector_store %arg19[%swap3A_755, %swap3A_756], %add3A_751 {strides = array<i32>} : memref<48x128xf32, #tpu.memory_space<vmem>>, vector<16xf32>,
        %swap3A_758 = arith.index_cast %scan3A_521 : i32 to index
        %swap3A_759 = arith.constant 112 : index
        %swap3A_760 = tpu.vector_load %arg19[%swap3A_758, %swap3A_759] {strides = array<i32>} : memref<48x128xf32, #tpu.memory_space<vmem>>, vector<16xf32>,
        tpu.vector_store %arg19[%swap3A_758, %swap3A_759], %add3A_754 {strides = array<i32>} : memref<48x128xf32, #tpu.memory_space<vmem>>, vector<16xf32>,
        %scan3A_761 = arith.constant 1 : i32
        %scan3A_762 = arith.addi %scan3A_521, %scan3A_761 : i32
        %mul3A_763 = arith.constant 16 : i32
        %mul3A_764 = arith.muli %scan3A_762, %mul3A_763 : i32
        %get3A_765 = arith.index_cast %mul3A_764 : i32 to index
        %get3A_766 = tpu.vector_load %arg17[%get3A_765] {strides = array<i32>} : memref<768xf32, #tpu.memory_space<vmem>>, vector<16xf32>,
        %slice3A_767 = vector.extract_strided_slice %get3A_766 {offsets = [0], sizes = [1], strides = [1]} : vector<16xf32> to vector<1xf32>
        %squeeze3A_768 = vector.extract %slice3A_767[0] : f32 from vector<1xf32>
        %slice3A_769 = vector.extract_strided_slice %get3A_766 {offsets = [1], sizes = [1], strides = [1]} : vector<16xf32> to vector<1xf32>
        %squeeze3A_770 = vector.extract %slice3A_769[0] : f32 from vector<1xf32>
        %slice3A_771 = vector.extract_strided_slice %get3A_766 {offsets = [2], sizes = [1], strides = [1]} : vector<16xf32> to vector<1xf32>
        %squeeze3A_772 = vector.extract %slice3A_771[0] : f32 from vector<1xf32>
        %slice3A_773 = vector.extract_strided_slice %get3A_766 {offsets = [3], sizes = [1], strides = [1]} : vector<16xf32> to vector<1xf32>
        %squeeze3A_774 = vector.extract %slice3A_773[0] : f32 from vector<1xf32>
        %broadcast_in_dim3A_775 = arith.constant 0.000000e+00 : f32
        %broadcast_in_dim3A_776 = vector.broadcast %broadcast_in_dim3A_775 : f32 to vector<16xf32>
        %broadcast_in_dim3A_777 = arith.constant 0.000000e+00 : f32
        %broadcast_in_dim3A_778 = vector.broadcast %broadcast_in_dim3A_777 : f32 to vector<16xf32>
        %get3A_779 = arith.index_cast %scan3A_762 : i32 to index
        %get3A_780 = arith.constant 0 : index
        %get3A_781 = tpu.vector_load %arg15[%get3A_779, %get3A_780] {strides = array<i32>} : memref<48x256xi32, #tpu.memory_space<vmem>>, vector<16xi32>,
        %bitcast3A_782 = vector.bitcast %get3A_781 : vector<16xi32> to vector<32xbf16>
        %unpack3A_783 = tpu.unpack_subelements %bitcast3A_782, 0 {pack_format = #tpu.pack_format<interleaved>} : vector<32xbf16> -> vector<16xf32>
        %unpack3A_784 = tpu.unpack_subelements %bitcast3A_782, 1 {pack_format = #tpu.pack_format<interleaved>} : vector<32xbf16> -> vector<16xf32>
        %mul3A_785 = vector.broadcast %squeeze3A_768 : f32 to vector<16xf32>
        %mul3A_786 = arith.mulf %mul3A_785, %unpack3A_783 : vector<16xf32>
        %add3A_787 = arith.addf %broadcast_in_dim3A_776, %mul3A_786 : vector<16xf32>
        %mul3A_788 = vector.broadcast %squeeze3A_768 : f32 to vector<16xf32>
        %mul3A_789 = arith.mulf %mul3A_788, %unpack3A_784 : vector<16xf32>
        %add3A_790 = arith.addf %broadcast_in_dim3A_778, %mul3A_789 : vector<16xf32>
        %get3A_791 = arith.index_cast %scan3A_762 : i32 to index
        %get3A_792 = arith.constant 64 : index
        %get3A_793 = tpu.vector_load %arg15[%get3A_791, %get3A_792] {strides = array<i32>} : memref<48x256xi32, #tpu.memory_space<vmem>>, vector<16xi32>,
        %bitcast3A_794 = vector.bitcast %get3A_793 : vector<16xi32> to vector<32xbf16>
        %unpack3A_795 = tpu.unpack_subelements %bitcast3A_794, 0 {pack_format = #tpu.pack_format<interleaved>} : vector<32xbf16> -> vector<16xf32>
        %unpack3A_796 = tpu.unpack_subelements %bitcast3A_794, 1 {pack_format = #tpu.pack_format<interleaved>} : vector<32xbf16> -> vector<16xf32>
        %mul3A_797 = vector.broadcast %squeeze3A_770 : f32 to vector<16xf32>
        %mul3A_798 = arith.mulf %mul3A_797, %unpack3A_795 : vector<16xf32>
        %add3A_799 = arith.addf %add3A_787, %mul3A_798 : vector<16xf32>
        %mul3A_800 = vector.broadcast %squeeze3A_770 : f32 to vector<16xf32>
        %mul3A_801 = arith.mulf %mul3A_800, %unpack3A_796 : vector<16xf32>
        %add3A_802 = arith.addf %add3A_790, %mul3A_801 : vector<16xf32>
        %get3A_803 = arith.index_cast %scan3A_762 : i32 to index
        %get3A_804 = arith.constant 128 : index
        %get3A_805 = tpu.vector_load %arg15[%get3A_803, %get3A_804] {strides = array<i32>} : memref<48x256xi32, #tpu.memory_space<vmem>>, vector<16xi32>,
        %bitcast3A_806 = vector.bitcast %get3A_805 : vector<16xi32> to vector<32xbf16>
        %unpack3A_807 = tpu.unpack_subelements %bitcast3A_806, 0 {pack_format = #tpu.pack_format<interleaved>} : vector<32xbf16> -> vector<16xf32>
        %unpack3A_808 = tpu.unpack_subelements %bitcast3A_806, 1 {pack_format = #tpu.pack_format<interleaved>} : vector<32xbf16> -> vector<16xf32>
        %mul3A_809 = vector.broadcast %squeeze3A_772 : f32 to vector<16xf32>
        %mul3A_810 = arith.mulf %mul3A_809, %unpack3A_807 : vector<16xf32>
        %add3A_811 = arith.addf %add3A_799, %mul3A_810 : vector<16xf32>
        %mul3A_812 = vector.broadcast %squeeze3A_772 : f32 to vector<16xf32>
        %mul3A_813 = arith.mulf %mul3A_812, %unpack3A_808 : vector<16xf32>
        %add3A_814 = arith.addf %add3A_802, %mul3A_813 : vector<16xf32>
        %get3A_815 = arith.index_cast %scan3A_762 : i32 to index
        %get3A_816 = arith.constant 192 : index
        %get3A_817 = tpu.vector_load %arg15[%get3A_815, %get3A_816] {strides = array<i32>} : memref<48x256xi32, #tpu.memory_space<vmem>>, vector<16xi32>,
        %bitcast3A_818 = vector.bitcast %get3A_817 : vector<16xi32> to vector<32xbf16>
        %unpack3A_819 = tpu.unpack_subelements %bitcast3A_818, 0 {pack_format = #tpu.pack_format<interleaved>} : vector<32xbf16> -> vector<16xf32>
        %unpack3A_820 = tpu.unpack_subelements %bitcast3A_818, 1 {pack_format = #tpu.pack_format<interleaved>} : vector<32xbf16> -> vector<16xf32>
        %mul3A_821 = vector.broadcast %squeeze3A_774 : f32 to vector<16xf32>
        %mul3A_822 = arith.mulf %mul3A_821, %unpack3A_819 : vector<16xf32>
        %add3A_823 = arith.addf %add3A_811, %mul3A_822 : vector<16xf32>
        %mul3A_824 = vector.broadcast %squeeze3A_774 : f32 to vector<16xf32>
        %mul3A_825 = arith.mulf %mul3A_824, %unpack3A_820 : vector<16xf32>
        %add3A_826 = arith.addf %add3A_814, %mul3A_825 : vector<16xf32>
        %swap3A_827 = arith.index_cast %scan3A_762 : i32 to index
        %swap3A_828 = arith.constant 0 : index
        %swap3A_829 = tpu.vector_load %arg19[%swap3A_827, %swap3A_828] {strides = array<i32>} : memref<48x128xf32, #tpu.memory_space<vmem>>, vector<16xf32>,
        tpu.vector_store %arg19[%swap3A_827, %swap3A_828], %add3A_823 {strides = array<i32>} : memref<48x128xf32, #tpu.memory_space<vmem>>, vector<16xf32>,
        %swap3A_830 = arith.index_cast %scan3A_762 : i32 to index
        %swap3A_831 = arith.constant 16 : index
        %swap3A_832 = tpu.vector_load %arg19[%swap3A_830, %swap3A_831] {strides = array<i32>} : memref<48x128xf32, #tpu.memory_space<vmem>>, vector<16xf32>,
        tpu.vector_store %arg19[%swap3A_830, %swap3A_831], %add3A_826 {strides = array<i32>} : memref<48x128xf32, #tpu.memory_space<vmem>>, vector<16xf32>,
        %broadcast_in_dim3A_833 = arith.constant 0.000000e+00 : f32
        %broadcast_in_dim3A_834 = vector.broadcast %broadcast_in_dim3A_833 : f32 to vector<16xf32>
        %broadcast_in_dim3A_835 = arith.constant 0.000000e+00 : f32
        %broadcast_in_dim3A_836 = vector.broadcast %broadcast_in_dim3A_835 : f32 to vector<16xf32>
        %get3A_837 = arith.index_cast %scan3A_762 : i32 to index
        %get3A_838 = arith.constant 16 : index
        %get3A_839 = tpu.vector_load %arg15[%get3A_837, %get3A_838] {strides = array<i32>} : memref<48x256xi32, #tpu.memory_space<vmem>>, vector<16xi32>,
        %bitcast3A_840 = vector.bitcast %get3A_839 : vector<16xi32> to vector<32xbf16>
        %unpack3A_841 = tpu.unpack_subelements %bitcast3A_840, 0 {pack_format = #tpu.pack_format<interleaved>} : vector<32xbf16> -> vector<16xf32>
        %unpack3A_842 = tpu.unpack_subelements %bitcast3A_840, 1 {pack_format = #tpu.pack_format<interleaved>} : vector<32xbf16> -> vector<16xf32>
        %mul3A_843 = vector.broadcast %squeeze3A_768 : f32 to vector<16xf32>
        %mul3A_844 = arith.mulf %mul3A_843, %unpack3A_841 : vector<16xf32>
        %add3A_845 = arith.addf %broadcast_in_dim3A_834, %mul3A_844 : vector<16xf32>
        %mul3A_846 = vector.broadcast %squeeze3A_768 : f32 to vector<16xf32>
        %mul3A_847 = arith.mulf %mul3A_846, %unpack3A_842 : vector<16xf32>
        %add3A_848 = arith.addf %broadcast_in_dim3A_836, %mul3A_847 : vector<16xf32>
        %get3A_849 = arith.index_cast %scan3A_762 : i32 to index
        %get3A_850 = arith.constant 80 : index
        %get3A_851 = tpu.vector_load %arg15[%get3A_849, %get3A_850] {strides = array<i32>} : memref<48x256xi32, #tpu.memory_space<vmem>>, vector<16xi32>,
        %bitcast3A_852 = vector.bitcast %get3A_851 : vector<16xi32> to vector<32xbf16>
        %unpack3A_853 = tpu.unpack_subelements %bitcast3A_852, 0 {pack_format = #tpu.pack_format<interleaved>} : vector<32xbf16> -> vector<16xf32>
        %unpack3A_854 = tpu.unpack_subelements %bitcast3A_852, 1 {pack_format = #tpu.pack_format<interleaved>} : vector<32xbf16> -> vector<16xf32>
        %mul3A_855 = vector.broadcast %squeeze3A_770 : f32 to vector<16xf32>
        %mul3A_856 = arith.mulf %mul3A_855, %unpack3A_853 : vector<16xf32>
        %add3A_857 = arith.addf %add3A_845, %mul3A_856 : vector<16xf32>
        %mul3A_858 = vector.broadcast %squeeze3A_770 : f32 to vector<16xf32>
        %mul3A_859 = arith.mulf %mul3A_858, %unpack3A_854 : vector<16xf32>
        %add3A_860 = arith.addf %add3A_848, %mul3A_859 : vector<16xf32>
        %get3A_861 = arith.index_cast %scan3A_762 : i32 to index
        %get3A_862 = arith.constant 144 : index
        %get3A_863 = tpu.vector_load %arg15[%get3A_861, %get3A_862] {strides = array<i32>} : memref<48x256xi32, #tpu.memory_space<vmem>>, vector<16xi32>,
        %bitcast3A_864 = vector.bitcast %get3A_863 : vector<16xi32> to vector<32xbf16>
        %unpack3A_865 = tpu.unpack_subelements %bitcast3A_864, 0 {pack_format = #tpu.pack_format<interleaved>} : vector<32xbf16> -> vector<16xf32>
        %unpack3A_866 = tpu.unpack_subelements %bitcast3A_864, 1 {pack_format = #tpu.pack_format<interleaved>} : vector<32xbf16> -> vector<16xf32>
        %mul3A_867 = vector.broadcast %squeeze3A_772 : f32 to vector<16xf32>
        %mul3A_868 = arith.mulf %mul3A_867, %unpack3A_865 : vector<16xf32>
        %add3A_869 = arith.addf %add3A_857, %mul3A_868 : vector<16xf32>
        %mul3A_870 = vector.broadcast %squeeze3A_772 : f32 to vector<16xf32>
        %mul3A_871 = arith.mulf %mul3A_870, %unpack3A_866 : vector<16xf32>
        %add3A_872 = arith.addf %add3A_860, %mul3A_871 : vector<16xf32>
        %get3A_873 = arith.index_cast %scan3A_762 : i32 to index
        %get3A_874 = arith.constant 208 : index
        %get3A_875 = tpu.vector_load %arg15[%get3A_873, %get3A_874] {strides = array<i32>} : memref<48x256xi32, #tpu.memory_space<vmem>>, vector<16xi32>,
        %bitcast3A_876 = vector.bitcast %get3A_875 : vector<16xi32> to vector<32xbf16>
        %unpack3A_877 = tpu.unpack_subelements %bitcast3A_876, 0 {pack_format = #tpu.pack_format<interleaved>} : vector<32xbf16> -> vector<16xf32>
        %unpack3A_878 = tpu.unpack_subelements %bitcast3A_876, 1 {pack_format = #tpu.pack_format<interleaved>} : vector<32xbf16> -> vector<16xf32>
        %mul3A_879 = vector.broadcast %squeeze3A_774 : f32 to vector<16xf32>
        %mul3A_880 = arith.mulf %mul3A_879, %unpack3A_877 : vector<16xf32>
        %add3A_881 = arith.addf %add3A_869, %mul3A_880 : vector<16xf32>
        %mul3A_882 = vector.broadcast %squeeze3A_774 : f32 to vector<16xf32>
        %mul3A_883 = arith.mulf %mul3A_882, %unpack3A_878 : vector<16xf32>
        %add3A_884 = arith.addf %add3A_872, %mul3A_883 : vector<16xf32>
        %swap3A_885 = arith.index_cast %scan3A_762 : i32 to index
        %swap3A_886 = arith.constant 32 : index
        %swap3A_887 = tpu.vector_load %arg19[%swap3A_885, %swap3A_886] {strides = array<i32>} : memref<48x128xf32, #tpu.memory_space<vmem>>, vector<16xf32>,
        tpu.vector_store %arg19[%swap3A_885, %swap3A_886], %add3A_881 {strides = array<i32>} : memref<48x128xf32, #tpu.memory_space<vmem>>, vector<16xf32>,
        %swap3A_888 = arith.index_cast %scan3A_762 : i32 to index
        %swap3A_889 = arith.constant 48 : index
        %swap3A_890 = tpu.vector_load %arg19[%swap3A_888, %swap3A_889] {strides = array<i32>} : memref<48x128xf32, #tpu.memory_space<vmem>>, vector<16xf32>,
        tpu.vector_store %arg19[%swap3A_888, %swap3A_889], %add3A_884 {strides = array<i32>} : memref<48x128xf32, #tpu.memory_space<vmem>>, vector<16xf32>,
        %broadcast_in_dim3A_891 = arith.constant 0.000000e+00 : f32
        %broadcast_in_dim3A_892 = vector.broadcast %broadcast_in_dim3A_891 : f32 to vector<16xf32>
        %broadcast_in_dim3A_893 = arith.constant 0.000000e+00 : f32
        %broadcast_in_dim3A_894 = vector.broadcast %broadcast_in_dim3A_893 : f32 to vector<16xf32>
        %get3A_895 = arith.index_cast %scan3A_762 : i32 to index
        %get3A_896 = arith.constant 32 : index
        %get3A_897 = tpu.vector_load %arg15[%get3A_895, %get3A_896] {strides = array<i32>} : memref<48x256xi32, #tpu.memory_space<vmem>>, vector<16xi32>,
        %bitcast3A_898 = vector.bitcast %get3A_897 : vector<16xi32> to vector<32xbf16>
        %unpack3A_899 = tpu.unpack_subelements %bitcast3A_898, 0 {pack_format = #tpu.pack_format<interleaved>} : vector<32xbf16> -> vector<16xf32>
        %unpack3A_900 = tpu.unpack_subelements %bitcast3A_898, 1 {pack_format = #tpu.pack_format<interleaved>} : vector<32xbf16> -> vector<16xf32>
        %mul3A_901 = vector.broadcast %squeeze3A_768 : f32 to vector<16xf32>
        %mul3A_902 = arith.mulf %mul3A_901, %unpack3A_899 : vector<16xf32>
        %add3A_903 = arith.addf %broadcast_in_dim3A_892, %mul3A_902 : vector<16xf32>
        %mul3A_904 = vector.broadcast %squeeze3A_768 : f32 to vector<16xf32>
        %mul3A_905 = arith.mulf %mul3A_904, %unpack3A_900 : vector<16xf32>
        %add3A_906 = arith.addf %broadcast_in_dim3A_894, %mul3A_905 : vector<16xf32>
        %get3A_907 = arith.index_cast %scan3A_762 : i32 to index
        %get3A_908 = arith.constant 96 : index
        %get3A_909 = tpu.vector_load %arg15[%get3A_907, %get3A_908] {strides = array<i32>} : memref<48x256xi32, #tpu.memory_space<vmem>>, vector<16xi32>,
        %bitcast3A_910 = vector.bitcast %get3A_909 : vector<16xi32> to vector<32xbf16>
        %unpack3A_911 = tpu.unpack_subelements %bitcast3A_910, 0 {pack_format = #tpu.pack_format<interleaved>} : vector<32xbf16> -> vector<16xf32>
        %unpack3A_912 = tpu.unpack_subelements %bitcast3A_910, 1 {pack_format = #tpu.pack_format<interleaved>} : vector<32xbf16> -> vector<16xf32>
        %mul3A_913 = vector.broadcast %squeeze3A_770 : f32 to vector<16xf32>
        %mul3A_914 = arith.mulf %mul3A_913, %unpack3A_911 : vector<16xf32>
        %add3A_915 = arith.addf %add3A_903, %mul3A_914 : vector<16xf32>
        %mul3A_916 = vector.broadcast %squeeze3A_770 : f32 to vector<16xf32>
        %mul3A_917 = arith.mulf %mul3A_916, %unpack3A_912 : vector<16xf32>
        %add3A_918 = arith.addf %add3A_906, %mul3A_917 : vector<16xf32>
        %get3A_919 = arith.index_cast %scan3A_762 : i32 to index
        %get3A_920 = arith.constant 160 : index
        %get3A_921 = tpu.vector_load %arg15[%get3A_919, %get3A_920] {strides = array<i32>} : memref<48x256xi32, #tpu.memory_space<vmem>>, vector<16xi32>,
        %bitcast3A_922 = vector.bitcast %get3A_921 : vector<16xi32> to vector<32xbf16>
        %unpack3A_923 = tpu.unpack_subelements %bitcast3A_922, 0 {pack_format = #tpu.pack_format<interleaved>} : vector<32xbf16> -> vector<16xf32>
        %unpack3A_924 = tpu.unpack_subelements %bitcast3A_922, 1 {pack_format = #tpu.pack_format<interleaved>} : vector<32xbf16> -> vector<16xf32>
        %mul3A_925 = vector.broadcast %squeeze3A_772 : f32 to vector<16xf32>
        %mul3A_926 = arith.mulf %mul3A_925, %unpack3A_923 : vector<16xf32>
        %add3A_927 = arith.addf %add3A_915, %mul3A_926 : vector<16xf32>
        %mul3A_928 = vector.broadcast %squeeze3A_772 : f32 to vector<16xf32>
        %mul3A_929 = arith.mulf %mul3A_928, %unpack3A_924 : vector<16xf32>
        %add3A_930 = arith.addf %add3A_918, %mul3A_929 : vector<16xf32>
        %get3A_931 = arith.index_cast %scan3A_762 : i32 to index
        %get3A_932 = arith.constant 224 : index
        %get3A_933 = tpu.vector_load %arg15[%get3A_931, %get3A_932] {strides = array<i32>} : memref<48x256xi32, #tpu.memory_space<vmem>>, vector<16xi32>,
        %bitcast3A_934 = vector.bitcast %get3A_933 : vector<16xi32> to vector<32xbf16>
        %unpack3A_935 = tpu.unpack_subelements %bitcast3A_934, 0 {pack_format = #tpu.pack_format<interleaved>} : vector<32xbf16> -> vector<16xf32>
        %unpack3A_936 = tpu.unpack_subelements %bitcast3A_934, 1 {pack_format = #tpu.pack_format<interleaved>} : vector<32xbf16> -> vector<16xf32>
        %mul3A_937 = vector.broadcast %squeeze3A_774 : f32 to vector<16xf32>
        %mul3A_938 = arith.mulf %mul3A_937, %unpack3A_935 : vector<16xf32>
        %add3A_939 = arith.addf %add3A_927, %mul3A_938 : vector<16xf32>
        %mul3A_940 = vector.broadcast %squeeze3A_774 : f32 to vector<16xf32>
        %mul3A_941 = arith.mulf %mul3A_940, %unpack3A_936 : vector<16xf32>
        %add3A_942 = arith.addf %add3A_930, %mul3A_941 : vector<16xf32>
        %swap3A_943 = arith.index_cast %scan3A_762 : i32 to index
        %swap3A_944 = arith.constant 64 : index
        %swap3A_945 = tpu.vector_load %arg19[%swap3A_943, %swap3A_944] {strides = array<i32>} : memref<48x128xf32, #tpu.memory_space<vmem>>, vector<16xf32>,
        tpu.vector_store %arg19[%swap3A_943, %swap3A_944], %add3A_939 {strides = array<i32>} : memref<48x128xf32, #tpu.memory_space<vmem>>, vector<16xf32>,
        %swap3A_946 = arith.index_cast %scan3A_762 : i32 to index
        %swap3A_947 = arith.constant 80 : index
        %swap3A_948 = tpu.vector_load %arg19[%swap3A_946, %swap3A_947] {strides = array<i32>} : memref<48x128xf32, #tpu.memory_space<vmem>>, vector<16xf32>,
        tpu.vector_store %arg19[%swap3A_946, %swap3A_947], %add3A_942 {strides = array<i32>} : memref<48x128xf32, #tpu.memory_space<vmem>>, vector<16xf32>,
        %broadcast_in_dim3A_949 = arith.constant 0.000000e+00 : f32
        %broadcast_in_dim3A_950 = vector.broadcast %broadcast_in_dim3A_949 : f32 to vector<16xf32>
        %broadcast_in_dim3A_951 = arith.constant 0.000000e+00 : f32
        %broadcast_in_dim3A_952 = vector.broadcast %broadcast_in_dim3A_951 : f32 to vector<16xf32>
        %get3A_953 = arith.index_cast %scan3A_762 : i32 to index
        %get3A_954 = arith.constant 48 : index
        %get3A_955 = tpu.vector_load %arg15[%get3A_953, %get3A_954] {strides = array<i32>} : memref<48x256xi32, #tpu.memory_space<vmem>>, vector<16xi32>,
        %bitcast3A_956 = vector.bitcast %get3A_955 : vector<16xi32> to vector<32xbf16>
        %unpack3A_957 = tpu.unpack_subelements %bitcast3A_956, 0 {pack_format = #tpu.pack_format<interleaved>} : vector<32xbf16> -> vector<16xf32>
        %unpack3A_958 = tpu.unpack_subelements %bitcast3A_956, 1 {pack_format = #tpu.pack_format<interleaved>} : vector<32xbf16> -> vector<16xf32>
        %mul3A_959 = vector.broadcast %squeeze3A_768 : f32 to vector<16xf32>
        %mul3A_960 = arith.mulf %mul3A_959, %unpack3A_957 : vector<16xf32>
        %add3A_961 = arith.addf %broadcast_in_dim3A_950, %mul3A_960 : vector<16xf32>
        %mul3A_962 = vector.broadcast %squeeze3A_768 : f32 to vector<16xf32>
        %mul3A_963 = arith.mulf %mul3A_962, %unpack3A_958 : vector<16xf32>
        %add3A_964 = arith.addf %broadcast_in_dim3A_952, %mul3A_963 : vector<16xf32>
        %get3A_965 = arith.index_cast %scan3A_762 : i32 to index
        %get3A_966 = arith.constant 112 : index
        %get3A_967 = tpu.vector_load %arg15[%get3A_965, %get3A_966] {strides = array<i32>} : memref<48x256xi32, #tpu.memory_space<vmem>>, vector<16xi32>,
        %bitcast3A_968 = vector.bitcast %get3A_967 : vector<16xi32> to vector<32xbf16>
        %unpack3A_969 = tpu.unpack_subelements %bitcast3A_968, 0 {pack_format = #tpu.pack_format<interleaved>} : vector<32xbf16> -> vector<16xf32>
        %unpack3A_970 = tpu.unpack_subelements %bitcast3A_968, 1 {pack_format = #tpu.pack_format<interleaved>} : vector<32xbf16> -> vector<16xf32>
        %mul3A_971 = vector.broadcast %squeeze3A_770 : f32 to vector<16xf32>
        %mul3A_972 = arith.mulf %mul3A_971, %unpack3A_969 : vector<16xf32>
        %add3A_973 = arith.addf %add3A_961, %mul3A_972 : vector<16xf32>
        %mul3A_974 = vector.broadcast %squeeze3A_770 : f32 to vector<16xf32>
        %mul3A_975 = arith.mulf %mul3A_974, %unpack3A_970 : vector<16xf32>
        %add3A_976 = arith.addf %add3A_964, %mul3A_975 : vector<16xf32>
        %get3A_977 = arith.index_cast %scan3A_762 : i32 to index
        %get3A_978 = arith.constant 176 : index
        %get3A_979 = tpu.vector_load %arg15[%get3A_977, %get3A_978] {strides = array<i32>} : memref<48x256xi32, #tpu.memory_space<vmem>>, vector<16xi32>,
        %bitcast3A_980 = vector.bitcast %get3A_979 : vector<16xi32> to vector<32xbf16>
        %unpack3A_981 = tpu.unpack_subelements %bitcast3A_980, 0 {pack_format = #tpu.pack_format<interleaved>} : vector<32xbf16> -> vector<16xf32>
        %unpack3A_982 = tpu.unpack_subelements %bitcast3A_980, 1 {pack_format = #tpu.pack_format<interleaved>} : vector<32xbf16> -> vector<16xf32>
        %mul3A_983 = vector.broadcast %squeeze3A_772 : f32 to vector<16xf32>
        %mul3A_984 = arith.mulf %mul3A_983, %unpack3A_981 : vector<16xf32>
        %add3A_985 = arith.addf %add3A_973, %mul3A_984 : vector<16xf32>
        %mul3A_986 = vector.broadcast %squeeze3A_772 : f32 to vector<16xf32>
        %mul3A_987 = arith.mulf %mul3A_986, %unpack3A_982 : vector<16xf32>
        %add3A_988 = arith.addf %add3A_976, %mul3A_987 : vector<16xf32>
        %get3A_989 = arith.index_cast %scan3A_762 : i32 to index
        %get3A_990 = arith.constant 240 : index
        %get3A_991 = tpu.vector_load %arg15[%get3A_989, %get3A_990] {strides = array<i32>} : memref<48x256xi32, #tpu.memory_space<vmem>>, vector<16xi32>,
        %bitcast3A_992 = vector.bitcast %get3A_991 : vector<16xi32> to vector<32xbf16>
        %unpack3A_993 = tpu.unpack_subelements %bitcast3A_992, 0 {pack_format = #tpu.pack_format<interleaved>} : vector<32xbf16> -> vector<16xf32>
        %unpack3A_994 = tpu.unpack_subelements %bitcast3A_992, 1 {pack_format = #tpu.pack_format<interleaved>} : vector<32xbf16> -> vector<16xf32>
        %mul3A_995 = vector.broadcast %squeeze3A_774 : f32 to vector<16xf32>
        %mul3A_996 = arith.mulf %mul3A_995, %unpack3A_993 : vector<16xf32>
        %add3A_997 = arith.addf %add3A_985, %mul3A_996 : vector<16xf32>
        %mul3A_998 = vector.broadcast %squeeze3A_774 : f32 to vector<16xf32>
        %mul3A_999 = arith.mulf %mul3A_998, %unpack3A_994 : vector<16xf32>
        %add3A_1000 = arith.addf %add3A_988, %mul3A_999 : vector<16xf32>
        %swap3A_1001 = arith.index_cast %scan3A_762 : i32 to index
        %swap3A_1002 = arith.constant 96 : index
        %swap3A_1003 = tpu.vector_load %arg19[%swap3A_1001, %swap3A_1002] {strides = array<i32>} : memref<48x128xf32, #tpu.memory_space<vmem>>, vector<16xf32>,
        tpu.vector_store %arg19[%swap3A_1001, %swap3A_1002], %add3A_997 {strides = array<i32>} : memref<48x128xf32, #tpu.memory_space<vmem>>, vector<16xf32>,
        %swap3A_1004 = arith.index_cast %scan3A_762 : i32 to index
        %swap3A_1005 = arith.constant 112 : index
        %swap3A_1006 = tpu.vector_load %arg19[%swap3A_1004, %swap3A_1005] {strides = array<i32>} : memref<48x128xf32, #tpu.memory_space<vmem>>, vector<16xf32>,
        tpu.vector_store %arg19[%swap3A_1004, %swap3A_1005], %add3A_1000 {strides = array<i32>} : memref<48x128xf32, #tpu.memory_space<vmem>>, vector<16xf32>,
      }
      %scan3A_345 = arith.constant 48 : i32
      %dma_start3A_346 = arith.constant 0 : i32
      %dma_start3A_347 = arith.constant 0 : i32
      %dma_start3A_348 = tpu.memref_slice %arg24[%dma_start3A_346, %dma_start3A_347] : memref<10240x128xf32, #tpu.memory_space<vmem_shared>> -> memref<10240x128xf32, #tpu.memory_space<vmem_shared>>
      tpu.enqueue_indirect_dma source(%arg19 : memref<48x128xf32, #tpu.memory_space<vmem>>) target(%dma_start3A_348 : memref<10240x128xf32, #tpu.memory_space<vmem_shared>>) offsets(%arg21 : memref<48xi32, #tpu.memory_space<vmem>>) semaphore(%arg29 : memref<!tpu.dma_semaphore, #tpu.memory_space<semaphore_mem>>) {add = true}
      %mul3A_349 = arith.constant 2 : i32
      %mul3A_350 = arith.muli %mul3A_349, %scan3A_180 : i32
      %add3A_351 = arith.constant 2 : i32
      %add3A_352 = arith.addi %mul3A_350, %add3A_351 : i32
      %dma_wait3A_353 = arith.constant 0 : i32
      %dma_wait3A_354 = tpu.memref_slice %arg2[%dma_wait3A_353] : memref<321024xi32, #tpu.memory_space<hbm>> -> memref<48xi32, #tpu.memory_space<hbm>>
      %dma_wait3A_355 = arith.constant 0 : i32
      %dma_wait3A_356 = tpu.memref_slice %arg2[%dma_wait3A_355] : memref<321024xi32, #tpu.memory_space<hbm>> -> memref<48xi32, #tpu.memory_space<hbm>>
      tpu.wait_dma2 semaphore(%arg25 : memref<!tpu.dma_semaphore, #tpu.memory_space<semaphore_mem>>) src(%dma_wait3A_356 : memref<48xi32, #tpu.memory_space<hbm>>) dst(%arg9 : memref<48xi32, #tpu.memory_space<vmem>>)
      %dma_wait3A_357 = arith.constant 0 : i32
      %dma_wait3A_358 = tpu.memref_slice %arg3[%dma_wait3A_357] : memref<321024xi32, #tpu.memory_space<hbm>> -> memref<48xi32, #tpu.memory_space<hbm>>
      %dma_wait3A_359 = arith.constant 0 : i32
      %dma_wait3A_360 = tpu.memref_slice %arg3[%dma_wait3A_359] : memref<321024xi32, #tpu.memory_space<hbm>> -> memref<48xi32, #tpu.memory_space<hbm>>
      tpu.wait_dma2 semaphore(%arg25 : memref<!tpu.dma_semaphore, #tpu.memory_space<semaphore_mem>>) src(%dma_wait3A_360 : memref<48xi32, #tpu.memory_space<hbm>>) dst(%arg11 : memref<48xi32, #tpu.memory_space<vmem>>)
      %dma_wait3A_361 = arith.constant 0 : i32
      %dma_wait3A_362 = tpu.memref_slice %arg4[%dma_wait3A_361] : memref<321024xi32, #tpu.memory_space<hbm>> -> memref<48xi32, #tpu.memory_space<hbm>>
      %dma_wait3A_363 = arith.constant 0 : i32
      %dma_wait3A_364 = tpu.memref_slice %arg4[%dma_wait3A_363] : memref<321024xi32, #tpu.memory_space<hbm>> -> memref<48xi32, #tpu.memory_space<hbm>>
      tpu.wait_dma2 semaphore(%arg25 : memref<!tpu.dma_semaphore, #tpu.memory_space<semaphore_mem>>) src(%dma_wait3A_364 : memref<48xi32, #tpu.memory_space<hbm>>) dst(%arg13 : memref<48xi32, #tpu.memory_space<vmem>>)
      %dma_start3A_365 = arith.constant 0 : i32
      %dma_start3A_366 = arith.constant 0 : i32
      %dma_start3A_367 = tpu.memref_slice %arg5[%dma_start3A_365, %dma_start3A_366] : memref<10000x256xi32, #tpu.memory_space<hbm>> -> memref<10000x256xi32, #tpu.memory_space<hbm>>
      tpu.enqueue_indirect_dma source(%dma_start3A_367 : memref<10000x256xi32, #tpu.memory_space<hbm>>) target(%arg15 : memref<48x256xi32, #tpu.memory_space<vmem>>) offsets(%arg9 : memref<48xi32, #tpu.memory_space<vmem>>) semaphore(%arg27 : memref<!tpu.dma_semaphore, #tpu.memory_space<semaphore_mem>>)
      %ge3A_368 = arith.constant 3 : i32
      %ge3A_369 = arith.cmpi sge, %add3A_352, %ge3A_368 : i32
      %convert_element_type3A_370 = arith.extui %ge3A_369 : i1 to i32
      %cond3A_371 = arith.constant 0 : i32
      %cond3A_372 = arith.cmpi ne, %convert_element_type3A_370, %cond3A_371 : i32
      scf.if %cond3A_372 {
        %dma_wait3A_521 = arith.constant 0 : i32
        %dma_wait3A_522 = arith.constant 0 : i32
        %dma_wait3A_523 = tpu.memref_slice %arg24[%dma_wait3A_521, %dma_wait3A_522] : memref<10240x128xf32, #tpu.memory_space<vmem_shared>> -> memref<10240x128xf32, #tpu.memory_space<vmem_shared>>
        tpu.wait_indirect_dma semaphore(%arg30 : memref<!tpu.dma_semaphore, #tpu.memory_space<semaphore_mem>>) src(%arg20 : memref<48x128xf32, #tpu.memory_space<vmem>>) dst(%dma_wait3A_523 : memref<10240x128xf32, #tpu.memory_space<vmem_shared>>)
      } else {
      }
      %get3A_373 = arith.constant 0 : index
      %get3A_374 = tpu.vector_load %arg12[%get3A_373] {strides = array<i32>} : memref<48xi32, #tpu.memory_space<vmem>>, vector<16xi32>,
      %swap3A_375 = arith.constant 0 : index
      %swap3A_376 = tpu.vector_load %arg22[%swap3A_375] {strides = array<i32>} : memref<48xi32, #tpu.memory_space<vmem>>, vector<16xi32>,
      tpu.vector_store %arg22[%swap3A_375], %get3A_374 {strides = array<i32>} : memref<48xi32, #tpu.memory_space<vmem>>, vector<16xi32>,
      %get3A_377 = arith.constant 16 : index
      %get3A_378 = tpu.vector_load %arg12[%get3A_377] {strides = array<i32>} : memref<48xi32, #tpu.memory_space<vmem>>, vector<16xi32>,
      %swap3A_379 = arith.constant 16 : index
      %swap3A_380 = tpu.vector_load %arg22[%swap3A_379] {strides = array<i32>} : memref<48xi32, #tpu.memory_space<vmem>>, vector<16xi32>,
      tpu.vector_store %arg22[%swap3A_379], %get3A_378 {strides = array<i32>} : memref<48xi32, #tpu.memory_space<vmem>>, vector<16xi32>,
      %get3A_381 = arith.constant 32 : index
      %get3A_382 = tpu.vector_load %arg12[%get3A_381] {strides = array<i32>} : memref<48xi32, #tpu.memory_space<vmem>>, vector<16xi32>,
      %swap3A_383 = arith.constant 32 : index
      %swap3A_384 = tpu.vector_load %arg22[%swap3A_383] {strides = array<i32>} : memref<48xi32, #tpu.memory_space<vmem>>, vector<16xi32>,
      tpu.vector_store %arg22[%swap3A_383], %get3A_382 {strides = array<i32>} : memref<48xi32, #tpu.memory_space<vmem>>, vector<16xi32>,
      %dma_wait3A_385 = arith.constant 0 : i32
      %dma_wait3A_386 = arith.constant 0 : i32
      %dma_wait3A_387 = tpu.memref_slice %arg5[%dma_wait3A_385, %dma_wait3A_386] : memref<10000x256xi32, #tpu.memory_space<hbm>> -> memref<10000x256xi32, #tpu.memory_space<hbm>>
      tpu.wait_indirect_dma semaphore(%arg28 : memref<!tpu.dma_semaphore, #tpu.memory_space<semaphore_mem>>) src(%dma_wait3A_387 : memref<10000x256xi32, #tpu.memory_space<hbm>>) dst(%arg16 : memref<48x256xi32, #tpu.memory_space<vmem>>)
      %add3A_388 = arith.constant 1 : i32
      %add3A_389 = arith.addi %add3A_352, %add3A_388 : i32
      %lt3A_390 = arith.constant 209 : i32
      %lt3A_391 = arith.cmpi slt, %add3A_389, %lt3A_390 : i32
      %convert_element_type3A_392 = arith.extui %lt3A_391 : i1 to i32
      %cond3A_393 = arith.constant 0 : i32
      %cond3A_394 = arith.cmpi ne, %convert_element_type3A_392, %cond3A_393 : i32
      scf.if %cond3A_394 {
        %add3A_521 = arith.constant 1 : i32
        %add3A_522 = arith.addi %add3A_352, %add3A_521 : i32
        %add3A_523 = arith.addi %mul3A_6, %add3A_522 : i32
        %mul3A_524 = arith.constant 48 : i32
        %mul3A_525 = arith.muli %add3A_523, %mul3A_524 : i32
        %dma_start3A_526 = tpu.memref_slice %arg2[%mul3A_525] : memref<321024xi32, #tpu.memory_space<hbm>> -> memref<48xi32, #tpu.memory_space<hbm>>
        %dma_start3A_527 = tpu.memref_slice %arg2[%mul3A_525] : memref<321024xi32, #tpu.memory_space<hbm>> -> memref<48xi32, #tpu.memory_space<hbm>>
        tpu.enqueue_dma source(%dma_start3A_527 : memref<48xi32, #tpu.memory_space<hbm>>) target(%arg10 : memref<48xi32, #tpu.memory_space<vmem>>) target_semaphore(%arg26 : memref<!tpu.dma_semaphore, #tpu.memory_space<semaphore_mem>>)
        %dma_start3A_528 = tpu.memref_slice %arg3[%mul3A_525] : memref<321024xi32, #tpu.memory_space<hbm>> -> memref<48xi32, #tpu.memory_space<hbm>>
        %dma_start3A_529 = tpu.memref_slice %arg3[%mul3A_525] : memref<321024xi32, #tpu.memory_space<hbm>> -> memref<48xi32, #tpu.memory_space<hbm>>
        tpu.enqueue_dma source(%dma_start3A_529 : memref<48xi32, #tpu.memory_space<hbm>>) target(%arg12 : memref<48xi32, #tpu.memory_space<vmem>>) target_semaphore(%arg26 : memref<!tpu.dma_semaphore, #tpu.memory_space<semaphore_mem>>)
        %dma_start3A_530 = tpu.memref_slice %arg4[%mul3A_525] : memref<321024xi32, #tpu.memory_space<hbm>> -> memref<48xi32, #tpu.memory_space<hbm>>
        %dma_start3A_531 = tpu.memref_slice %arg4[%mul3A_525] : memref<321024xi32, #tpu.memory_space<hbm>> -> memref<48xi32, #tpu.memory_space<hbm>>
        tpu.enqueue_dma source(%dma_start3A_531 : memref<48xi32, #tpu.memory_space<hbm>>) target(%arg14 : memref<48xi32, #tpu.memory_space<vmem>>) target_semaphore(%arg26 : memref<!tpu.dma_semaphore, #tpu.memory_space<semaphore_mem>>)
      } else {
      }
      %get3A_395 = arith.constant 0 : index
      %get3A_396 = tpu.vector_load %arg13[%get3A_395] {strides = array<i32>} : memref<48xi32, #tpu.memory_space<vmem>>, vector<16xi32>,
      %mul3A_397 = arith.constant 4 : i32
      %mul3A_398 = vector.broadcast %mul3A_397 : i32 to vector<16xi32>
      %mul3A_399 = arith.muli %get3A_396, %mul3A_398 : vector<16xi32>
      %add3A_400 = arith.constant 0 : i32
      %add3A_401 = vector.broadcast %add3A_400 : i32 to vector<16xi32>
      %add3A_402 = arith.addi %add3A_401, %iota3A : vector<16xi32>
      %mul3A_403 = arith.constant 16 : i32
      %mul3A_404 = vector.broadcast %mul3A_403 : i32 to vector<16xi32>
      %mul3A_405 = arith.muli %add3A_402, %mul3A_404 : vector<16xi32>
      %add3A_406 = arith.constant 0 : i32
      %add3A_407 = vector.broadcast %add3A_406 : i32 to vector<16xi32>
      %add3A_408 = arith.addi %mul3A_399, %add3A_407 : vector<16xi32>
      %gather3A_409 = tpu.vector_load_idx %arg23[%add3A_408] : memref<5376xf32, #tpu.memory_space<vmem>>[vector<16xi32>], vector<16xf32>,
      %add3A_410 = arith.constant 0 : i32
      %add3A_411 = vector.broadcast %add3A_410 : i32 to vector<16xi32>
      %add3A_412 = arith.addi %mul3A_405, %add3A_411 : vector<16xi32>
      tpu.vector_store_idx %arg17[%add3A_412], %gather3A_409 : memref<768xf32, #tpu.memory_space<vmem>>[vector<16xi32>], vector<16xf32>,
      %add3A_413 = arith.constant 1 : i32
      %add3A_414 = vector.broadcast %add3A_413 : i32 to vector<16xi32>
      %add3A_415 = arith.addi %mul3A_399, %add3A_414 : vector<16xi32>
      %gather3A_416 = tpu.vector_load_idx %arg23[%add3A_415] : memref<5376xf32, #tpu.memory_space<vmem>>[vector<16xi32>], vector<16xf32>,
      %add3A_417 = arith.constant 1 : i32
      %add3A_418 = vector.broadcast %add3A_417 : i32 to vector<16xi32>
      %add3A_419 = arith.addi %mul3A_405, %add3A_418 : vector<16xi32>
      tpu.vector_store_idx %arg17[%add3A_419], %gather3A_416 : memref<768xf32, #tpu.memory_space<vmem>>[vector<16xi32>], vector<16xf32>,
      %add3A_420 = arith.constant 2 : i32
      %add3A_421 = vector.broadcast %add3A_420 : i32 to vector<16xi32>
      %add3A_422 = arith.addi %mul3A_399, %add3A_421 : vector<16xi32>
      %gather3A_423 = tpu.vector_load_idx %arg23[%add3A_422] : memref<5376xf32, #tpu.memory_space<vmem>>[vector<16xi32>], vector<16xf32>,
      %add3A_424 = arith.constant 2 : i32
      %add3A_425 = vector.broadcast %add3A_424 : i32 to vector<16xi32>
      %add3A_426 = arith.addi %mul3A_405, %add3A_425 : vector<16xi32>
      tpu.vector_store_idx %arg17[%add3A_426], %gather3A_423 : memref<768xf32, #tpu.memory_space<vmem>>[vector<16xi32>], vector<16xf32>,
      %add3A_427 = arith.constant 3 : i32
      %add3A_428 = vector.broadcast %add3A_427 : i32 to vector<16xi32>
      %add3A_429 = arith.addi %mul3A_399, %add3A_428 : vector<16xi32>
      %gather3A_430 = tpu.vector_load_idx %arg23[%add3A_429] : memref<5376xf32, #tpu.memory_space<vmem>>[vector<16xi32>], vector<16xf32>,
      %add3A_431 = arith.constant 3 : i32
      %add3A_432 = vector.broadcast %add3A_431 : i32 to vector<16xi32>
      %add3A_433 = arith.addi %mul3A_405, %add3A_432 : vector<16xi32>
      tpu.vector_store_idx %arg17[%add3A_433], %gather3A_430 : memref<768xf32, #tpu.memory_space<vmem>>[vector<16xi32>], vector<16xf32>,
      %get3A_434 = arith.constant 16 : index
      %get3A_435 = tpu.vector_load %arg13[%get3A_434] {strides = array<i32>} : memref<48xi32, #tpu.memory_space<vmem>>, vector<16xi32>,
      %mul3A_436 = arith.constant 4 : i32
      %mul3A_437 = vector.broadcast %mul3A_436 : i32 to vector<16xi32>
      %mul3A_438 = arith.muli %get3A_435, %mul3A_437 : vector<16xi32>
      %add3A_439 = arith.constant 16 : i32
      %add3A_440 = vector.broadcast %add3A_439 : i32 to vector<16xi32>
      %add3A_441 = arith.addi %add3A_440, %iota3A : vector<16xi32>
      %mul3A_442 = arith.constant 16 : i32
      %mul3A_443 = vector.broadcast %mul3A_442 : i32 to vector<16xi32>
      %mul3A_444 = arith.muli %add3A_441, %mul3A_443 : vector<16xi32>
      %add3A_445 = arith.constant 0 : i32
      %add3A_446 = vector.broadcast %add3A_445 : i32 to vector<16xi32>
      %add3A_447 = arith.addi %mul3A_438, %add3A_446 : vector<16xi32>
      %gather3A_448 = tpu.vector_load_idx %arg23[%add3A_447] : memref<5376xf32, #tpu.memory_space<vmem>>[vector<16xi32>], vector<16xf32>,
      %add3A_449 = arith.constant 0 : i32
      %add3A_450 = vector.broadcast %add3A_449 : i32 to vector<16xi32>
      %add3A_451 = arith.addi %mul3A_444, %add3A_450 : vector<16xi32>
      tpu.vector_store_idx %arg17[%add3A_451], %gather3A_448 : memref<768xf32, #tpu.memory_space<vmem>>[vector<16xi32>], vector<16xf32>,
      %add3A_452 = arith.constant 1 : i32
      %add3A_453 = vector.broadcast %add3A_452 : i32 to vector<16xi32>
      %add3A_454 = arith.addi %mul3A_438, %add3A_453 : vector<16xi32>
      %gather3A_455 = tpu.vector_load_idx %arg23[%add3A_454] : memref<5376xf32, #tpu.memory_space<vmem>>[vector<16xi32>], vector<16xf32>,
      %add3A_456 = arith.constant 1 : i32
      %add3A_457 = vector.broadcast %add3A_456 : i32 to vector<16xi32>
      %add3A_458 = arith.addi %mul3A_444, %add3A_457 : vector<16xi32>
      tpu.vector_store_idx %arg17[%add3A_458], %gather3A_455 : memref<768xf32, #tpu.memory_space<vmem>>[vector<16xi32>], vector<16xf32>,
      %add3A_459 = arith.constant 2 : i32
      %add3A_460 = vector.broadcast %add3A_459 : i32 to vector<16xi32>
      %add3A_461 = arith.addi %mul3A_438, %add3A_460 : vector<16xi32>
      %gather3A_462 = tpu.vector_load_idx %arg23[%add3A_461] : memref<5376xf32, #tpu.memory_space<vmem>>[vector<16xi32>], vector<16xf32>,
      %add3A_463 = arith.constant 2 : i32
      %add3A_464 = vector.broadcast %add3A_463 : i32 to vector<16xi32>
      %add3A_465 = arith.addi %mul3A_444, %add3A_464 : vector<16xi32>
      tpu.vector_store_idx %arg17[%add3A_465], %gather3A_462 : memref<768xf32, #tpu.memory_space<vmem>>[vector<16xi32>], vector<16xf32>,
      %add3A_466 = arith.constant 3 : i32
      %add3A_467 = vector.broadcast %add3A_466 : i32 to vector<16xi32>
      %add3A_468 = arith.addi %mul3A_438, %add3A_467 : vector<16xi32>
      %gather3A_469 = tpu.vector_load_idx %arg23[%add3A_468] : memref<5376xf32, #tpu.memory_space<vmem>>[vector<16xi32>], vector<16xf32>,
      %add3A_470 = arith.constant 3 : i32
      %add3A_471 = vector.broadcast %add3A_470 : i32 to vector<16xi32>
      %add3A_472 = arith.addi %mul3A_444, %add3A_471 : vector<16xi32>
      tpu.vector_store_idx %arg17[%add3A_472], %gather3A_469 : memref<768xf32, #tpu.memory_space<vmem>>[vector<16xi32>], vector<16xf32>,
      %get3A_473 = arith.constant 32 : index
      %get3A_474 = tpu.vector_load %arg13[%get3A_473] {strides = array<i32>} : memref<48xi32, #tpu.memory_space<vmem>>, vector<16xi32>,
      %mul3A_475 = arith.constant 4 : i32
      %mul3A_476 = vector.broadcast %mul3A_475 : i32 to vector<16xi32>
      %mul3A_477 = arith.muli %get3A_474, %mul3A_476 : vector<16xi32>
      %add3A_478 = arith.constant 32 : i32
      %add3A_479 = vector.broadcast %add3A_478 : i32 to vector<16xi32>
      %add3A_480 = arith.addi %add3A_479, %iota3A : vector<16xi32>
      %mul3A_481 = arith.constant 16 : i32
      %mul3A_482 = vector.broadcast %mul3A_481 : i32 to vector<16xi32>
      %mul3A_483 = arith.muli %add3A_480, %mul3A_482 : vector<16xi32>
      %add3A_484 = arith.constant 0 : i32
      %add3A_485 = vector.broadcast %add3A_484 : i32 to vector<16xi32>
      %add3A_486 = arith.addi %mul3A_477, %add3A_485 : vector<16xi32>
      %gather3A_487 = tpu.vector_load_idx %arg23[%add3A_486] : memref<5376xf32, #tpu.memory_space<vmem>>[vector<16xi32>], vector<16xf32>,
      %add3A_488 = arith.constant 0 : i32
      %add3A_489 = vector.broadcast %add3A_488 : i32 to vector<16xi32>
      %add3A_490 = arith.addi %mul3A_483, %add3A_489 : vector<16xi32>
      tpu.vector_store_idx %arg17[%add3A_490], %gather3A_487 : memref<768xf32, #tpu.memory_space<vmem>>[vector<16xi32>], vector<16xf32>,
      %add3A_491 = arith.constant 1 : i32
      %add3A_492 = vector.broadcast %add3A_491 : i32 to vector<16xi32>
      %add3A_493 = arith.addi %mul3A_477, %add3A_492 : vector<16xi32>
      %gather3A_494 = tpu.vector_load_idx %arg23[%add3A_493] : memref<5376xf32, #tpu.memory_space<vmem>>[vector<16xi32>], vector<16xf32>,
      %add3A_495 = arith.constant 1 : i32
      %add3A_496 = vector.broadcast %add3A_495 : i32 to vector<16xi32>
      %add3A_497 = arith.addi %mul3A_483, %add3A_496 : vector<16xi32>
      tpu.vector_store_idx %arg17[%add3A_497], %gather3A_494 : memref<768xf32, #tpu.memory_space<vmem>>[vector<16xi32>], vector<16xf32>,
      %add3A_498 = arith.constant 2 : i32
      %add3A_499 = vector.broadcast %add3A_498 : i32 to vector<16xi32>
      %add3A_500 = arith.addi %mul3A_477, %add3A_499 : vector<16xi32>
      %gather3A_501 = tpu.vector_load_idx %arg23[%add3A_500] : memref<5376xf32, #tpu.memory_space<vmem>>[vector<16xi32>], vector<16xf32>,
      %add3A_502 = arith.constant 2 : i32
      %add3A_503 = vector.broadcast %add3A_502 : i32 to vector<16xi32>
      %add3A_504 = arith.addi %mul3A_483, %add3A_503 : vector<16xi32>
      tpu.vector_store_idx %arg17[%add3A_504], %gather3A_501 : memref<768xf32, #tpu.memory_space<vmem>>[vector<16xi32>], vector<16xf32>,
      %add3A_505 = arith.constant 3 : i32
      %add3A_506 = vector.broadcast %add3A_505 : i32 to vector<16xi32>
      %add3A_507 = arith.addi %mul3A_477, %add3A_506 : vector<16xi32>
      %gather3A_508 = tpu.vector_load_idx %arg23[%add3A_507] : memref<5376xf32, #tpu.memory_space<vmem>>[vector<16xi32>], vector<16xf32>,
      %add3A_509 = arith.constant 3 : i32
      %add3A_510 = vector.broadcast %add3A_509 : i32 to vector<16xi32>
      %add3A_511 = arith.addi %mul3A_483, %add3A_510 : vector<16xi32>
      tpu.vector_store_idx %arg17[%add3A_511], %gather3A_508 : memref<768xf32, #tpu.memory_space<vmem>>[vector<16xi32>], vector<16xf32>,
      %scan3A_512 = arith.constant 0 : i32
      %scan3A_513 = arith.constant 0 : i32
      %scan3A_514 = arith.constant 48 : i32
      %scan3A_515 = arith.addi %scan3A_513, %scan3A_514 : i32
      %scan3A_516 = arith.constant 2 : i32
      scf.for %scan3A_521 = %scan3A_513 to %scan3A_515 step %scan3A_516  : i32 {
        %mul3A_522 = arith.constant 16 : i32
        %mul3A_523 = arith.muli %scan3A_521, %mul3A_522 : i32
        %get3A_524 = arith.index_cast %mul3A_523 : i32 to index
        %get3A_525 = tpu.vector_load %arg18[%get3A_524] {strides = array<i32>} : memref<768xf32, #tpu.memory_space<vmem>>, vector<16xf32>,
        %slice3A = vector.extract_strided_slice %get3A_525 {offsets = [0], sizes = [1], strides = [1]} : vector<16xf32> to vector<1xf32>
        %squeeze3A = vector.extract %slice3A[0] : f32 from vector<1xf32>
        %slice3A_526 = vector.extract_strided_slice %get3A_525 {offsets = [1], sizes = [1], strides = [1]} : vector<16xf32> to vector<1xf32>
        %squeeze3A_527 = vector.extract %slice3A_526[0] : f32 from vector<1xf32>
        %slice3A_528 = vector.extract_strided_slice %get3A_525 {offsets = [2], sizes = [1], strides = [1]} : vector<16xf32> to vector<1xf32>
        %squeeze3A_529 = vector.extract %slice3A_528[0] : f32 from vector<1xf32>
        %slice3A_530 = vector.extract_strided_slice %get3A_525 {offsets = [3], sizes = [1], strides = [1]} : vector<16xf32> to vector<1xf32>
        %squeeze3A_531 = vector.extract %slice3A_530[0] : f32 from vector<1xf32>
        %broadcast_in_dim3A = arith.constant 0.000000e+00 : f32
        %broadcast_in_dim3A_532 = vector.broadcast %broadcast_in_dim3A : f32 to vector<16xf32>
        %broadcast_in_dim3A_533 = arith.constant 0.000000e+00 : f32
        %broadcast_in_dim3A_534 = vector.broadcast %broadcast_in_dim3A_533 : f32 to vector<16xf32>
        %get3A_535 = arith.index_cast %scan3A_521 : i32 to index
        %get3A_536 = arith.constant 0 : index
        %get3A_537 = tpu.vector_load %arg16[%get3A_535, %get3A_536] {strides = array<i32>} : memref<48x256xi32, #tpu.memory_space<vmem>>, vector<16xi32>,
        %bitcast3A = vector.bitcast %get3A_537 : vector<16xi32> to vector<32xbf16>
        %unpack3A = tpu.unpack_subelements %bitcast3A, 0 {pack_format = #tpu.pack_format<interleaved>} : vector<32xbf16> -> vector<16xf32>
        %unpack3A_538 = tpu.unpack_subelements %bitcast3A, 1 {pack_format = #tpu.pack_format<interleaved>} : vector<32xbf16> -> vector<16xf32>
        %mul3A_539 = vector.broadcast %squeeze3A : f32 to vector<16xf32>
        %mul3A_540 = arith.mulf %mul3A_539, %unpack3A : vector<16xf32>
        %add3A_541 = arith.addf %broadcast_in_dim3A_532, %mul3A_540 : vector<16xf32>
        %mul3A_542 = vector.broadcast %squeeze3A : f32 to vector<16xf32>
        %mul3A_543 = arith.mulf %mul3A_542, %unpack3A_538 : vector<16xf32>
        %add3A_544 = arith.addf %broadcast_in_dim3A_534, %mul3A_543 : vector<16xf32>
        %get3A_545 = arith.index_cast %scan3A_521 : i32 to index
        %get3A_546 = arith.constant 64 : index
        %get3A_547 = tpu.vector_load %arg16[%get3A_545, %get3A_546] {strides = array<i32>} : memref<48x256xi32, #tpu.memory_space<vmem>>, vector<16xi32>,
        %bitcast3A_548 = vector.bitcast %get3A_547 : vector<16xi32> to vector<32xbf16>
        %unpack3A_549 = tpu.unpack_subelements %bitcast3A_548, 0 {pack_format = #tpu.pack_format<interleaved>} : vector<32xbf16> -> vector<16xf32>
        %unpack3A_550 = tpu.unpack_subelements %bitcast3A_548, 1 {pack_format = #tpu.pack_format<interleaved>} : vector<32xbf16> -> vector<16xf32>
        %mul3A_551 = vector.broadcast %squeeze3A_527 : f32 to vector<16xf32>
        %mul3A_552 = arith.mulf %mul3A_551, %unpack3A_549 : vector<16xf32>
        %add3A_553 = arith.addf %add3A_541, %mul3A_552 : vector<16xf32>
        %mul3A_554 = vector.broadcast %squeeze3A_527 : f32 to vector<16xf32>
        %mul3A_555 = arith.mulf %mul3A_554, %unpack3A_550 : vector<16xf32>
        %add3A_556 = arith.addf %add3A_544, %mul3A_555 : vector<16xf32>
        %get3A_557 = arith.index_cast %scan3A_521 : i32 to index
        %get3A_558 = arith.constant 128 : index
        %get3A_559 = tpu.vector_load %arg16[%get3A_557, %get3A_558] {strides = array<i32>} : memref<48x256xi32, #tpu.memory_space<vmem>>, vector<16xi32>,
        %bitcast3A_560 = vector.bitcast %get3A_559 : vector<16xi32> to vector<32xbf16>
        %unpack3A_561 = tpu.unpack_subelements %bitcast3A_560, 0 {pack_format = #tpu.pack_format<interleaved>} : vector<32xbf16> -> vector<16xf32>
        %unpack3A_562 = tpu.unpack_subelements %bitcast3A_560, 1 {pack_format = #tpu.pack_format<interleaved>} : vector<32xbf16> -> vector<16xf32>
        %mul3A_563 = vector.broadcast %squeeze3A_529 : f32 to vector<16xf32>
        %mul3A_564 = arith.mulf %mul3A_563, %unpack3A_561 : vector<16xf32>
        %add3A_565 = arith.addf %add3A_553, %mul3A_564 : vector<16xf32>
        %mul3A_566 = vector.broadcast %squeeze3A_529 : f32 to vector<16xf32>
        %mul3A_567 = arith.mulf %mul3A_566, %unpack3A_562 : vector<16xf32>
        %add3A_568 = arith.addf %add3A_556, %mul3A_567 : vector<16xf32>
        %get3A_569 = arith.index_cast %scan3A_521 : i32 to index
        %get3A_570 = arith.constant 192 : index
        %get3A_571 = tpu.vector_load %arg16[%get3A_569, %get3A_570] {strides = array<i32>} : memref<48x256xi32, #tpu.memory_space<vmem>>, vector<16xi32>,
        %bitcast3A_572 = vector.bitcast %get3A_571 : vector<16xi32> to vector<32xbf16>
        %unpack3A_573 = tpu.unpack_subelements %bitcast3A_572, 0 {pack_format = #tpu.pack_format<interleaved>} : vector<32xbf16> -> vector<16xf32>
        %unpack3A_574 = tpu.unpack_subelements %bitcast3A_572, 1 {pack_format = #tpu.pack_format<interleaved>} : vector<32xbf16> -> vector<16xf32>
        %mul3A_575 = vector.broadcast %squeeze3A_531 : f32 to vector<16xf32>
        %mul3A_576 = arith.mulf %mul3A_575, %unpack3A_573 : vector<16xf32>
        %add3A_577 = arith.addf %add3A_565, %mul3A_576 : vector<16xf32>
        %mul3A_578 = vector.broadcast %squeeze3A_531 : f32 to vector<16xf32>
        %mul3A_579 = arith.mulf %mul3A_578, %unpack3A_574 : vector<16xf32>
        %add3A_580 = arith.addf %add3A_568, %mul3A_579 : vector<16xf32>
        %swap3A_581 = arith.index_cast %scan3A_521 : i32 to index
        %swap3A_582 = arith.constant 0 : index
        %swap3A_583 = tpu.vector_load %arg20[%swap3A_581, %swap3A_582] {strides = array<i32>} : memref<48x128xf32, #tpu.memory_space<vmem>>, vector<16xf32>,
        tpu.vector_store %arg20[%swap3A_581, %swap3A_582], %add3A_577 {strides = array<i32>} : memref<48x128xf32, #tpu.memory_space<vmem>>, vector<16xf32>,
        %swap3A_584 = arith.index_cast %scan3A_521 : i32 to index
        %swap3A_585 = arith.constant 16 : index
        %swap3A_586 = tpu.vector_load %arg20[%swap3A_584, %swap3A_585] {strides = array<i32>} : memref<48x128xf32, #tpu.memory_space<vmem>>, vector<16xf32>,
        tpu.vector_store %arg20[%swap3A_584, %swap3A_585], %add3A_580 {strides = array<i32>} : memref<48x128xf32, #tpu.memory_space<vmem>>, vector<16xf32>,
        %broadcast_in_dim3A_587 = arith.constant 0.000000e+00 : f32
        %broadcast_in_dim3A_588 = vector.broadcast %broadcast_in_dim3A_587 : f32 to vector<16xf32>
        %broadcast_in_dim3A_589 = arith.constant 0.000000e+00 : f32
        %broadcast_in_dim3A_590 = vector.broadcast %broadcast_in_dim3A_589 : f32 to vector<16xf32>
        %get3A_591 = arith.index_cast %scan3A_521 : i32 to index
        %get3A_592 = arith.constant 16 : index
        %get3A_593 = tpu.vector_load %arg16[%get3A_591, %get3A_592] {strides = array<i32>} : memref<48x256xi32, #tpu.memory_space<vmem>>, vector<16xi32>,
        %bitcast3A_594 = vector.bitcast %get3A_593 : vector<16xi32> to vector<32xbf16>
        %unpack3A_595 = tpu.unpack_subelements %bitcast3A_594, 0 {pack_format = #tpu.pack_format<interleaved>} : vector<32xbf16> -> vector<16xf32>
        %unpack3A_596 = tpu.unpack_subelements %bitcast3A_594, 1 {pack_format = #tpu.pack_format<interleaved>} : vector<32xbf16> -> vector<16xf32>
        %mul3A_597 = vector.broadcast %squeeze3A : f32 to vector<16xf32>
        %mul3A_598 = arith.mulf %mul3A_597, %unpack3A_595 : vector<16xf32>
        %add3A_599 = arith.addf %broadcast_in_dim3A_588, %mul3A_598 : vector<16xf32>
        %mul3A_600 = vector.broadcast %squeeze3A : f32 to vector<16xf32>
        %mul3A_601 = arith.mulf %mul3A_600, %unpack3A_596 : vector<16xf32>
        %add3A_602 = arith.addf %broadcast_in_dim3A_590, %mul3A_601 : vector<16xf32>
        %get3A_603 = arith.index_cast %scan3A_521 : i32 to index
        %get3A_604 = arith.constant 80 : index
        %get3A_605 = tpu.vector_load %arg16[%get3A_603, %get3A_604] {strides = array<i32>} : memref<48x256xi32, #tpu.memory_space<vmem>>, vector<16xi32>,
        %bitcast3A_606 = vector.bitcast %get3A_605 : vector<16xi32> to vector<32xbf16>
        %unpack3A_607 = tpu.unpack_subelements %bitcast3A_606, 0 {pack_format = #tpu.pack_format<interleaved>} : vector<32xbf16> -> vector<16xf32>
        %unpack3A_608 = tpu.unpack_subelements %bitcast3A_606, 1 {pack_format = #tpu.pack_format<interleaved>} : vector<32xbf16> -> vector<16xf32>
        %mul3A_609 = vector.broadcast %squeeze3A_527 : f32 to vector<16xf32>
        %mul3A_610 = arith.mulf %mul3A_609, %unpack3A_607 : vector<16xf32>
        %add3A_611 = arith.addf %add3A_599, %mul3A_610 : vector<16xf32>
        %mul3A_612 = vector.broadcast %squeeze3A_527 : f32 to vector<16xf32>
        %mul3A_613 = arith.mulf %mul3A_612, %unpack3A_608 : vector<16xf32>
        %add3A_614 = arith.addf %add3A_602, %mul3A_613 : vector<16xf32>
        %get3A_615 = arith.index_cast %scan3A_521 : i32 to index
        %get3A_616 = arith.constant 144 : index
        %get3A_617 = tpu.vector_load %arg16[%get3A_615, %get3A_616] {strides = array<i32>} : memref<48x256xi32, #tpu.memory_space<vmem>>, vector<16xi32>,
        %bitcast3A_618 = vector.bitcast %get3A_617 : vector<16xi32> to vector<32xbf16>
        %unpack3A_619 = tpu.unpack_subelements %bitcast3A_618, 0 {pack_format = #tpu.pack_format<interleaved>} : vector<32xbf16> -> vector<16xf32>
        %unpack3A_620 = tpu.unpack_subelements %bitcast3A_618, 1 {pack_format = #tpu.pack_format<interleaved>} : vector<32xbf16> -> vector<16xf32>
        %mul3A_621 = vector.broadcast %squeeze3A_529 : f32 to vector<16xf32>
        %mul3A_622 = arith.mulf %mul3A_621, %unpack3A_619 : vector<16xf32>
        %add3A_623 = arith.addf %add3A_611, %mul3A_622 : vector<16xf32>
        %mul3A_624 = vector.broadcast %squeeze3A_529 : f32 to vector<16xf32>
        %mul3A_625 = arith.mulf %mul3A_624, %unpack3A_620 : vector<16xf32>
        %add3A_626 = arith.addf %add3A_614, %mul3A_625 : vector<16xf32>
        %get3A_627 = arith.index_cast %scan3A_521 : i32 to index
        %get3A_628 = arith.constant 208 : index
        %get3A_629 = tpu.vector_load %arg16[%get3A_627, %get3A_628] {strides = array<i32>} : memref<48x256xi32, #tpu.memory_space<vmem>>, vector<16xi32>,
        %bitcast3A_630 = vector.bitcast %get3A_629 : vector<16xi32> to vector<32xbf16>
        %unpack3A_631 = tpu.unpack_subelements %bitcast3A_630, 0 {pack_format = #tpu.pack_format<interleaved>} : vector<32xbf16> -> vector<16xf32>
        %unpack3A_632 = tpu.unpack_subelements %bitcast3A_630, 1 {pack_format = #tpu.pack_format<interleaved>} : vector<32xbf16> -> vector<16xf32>
        %mul3A_633 = vector.broadcast %squeeze3A_531 : f32 to vector<16xf32>
        %mul3A_634 = arith.mulf %mul3A_633, %unpack3A_631 : vector<16xf32>
        %add3A_635 = arith.addf %add3A_623, %mul3A_634 : vector<16xf32>
        %mul3A_636 = vector.broadcast %squeeze3A_531 : f32 to vector<16xf32>
        %mul3A_637 = arith.mulf %mul3A_636, %unpack3A_632 : vector<16xf32>
        %add3A_638 = arith.addf %add3A_626, %mul3A_637 : vector<16xf32>
        %swap3A_639 = arith.index_cast %scan3A_521 : i32 to index
        %swap3A_640 = arith.constant 32 : index
        %swap3A_641 = tpu.vector_load %arg20[%swap3A_639, %swap3A_640] {strides = array<i32>} : memref<48x128xf32, #tpu.memory_space<vmem>>, vector<16xf32>,
        tpu.vector_store %arg20[%swap3A_639, %swap3A_640], %add3A_635 {strides = array<i32>} : memref<48x128xf32, #tpu.memory_space<vmem>>, vector<16xf32>,
        %swap3A_642 = arith.index_cast %scan3A_521 : i32 to index
        %swap3A_643 = arith.constant 48 : index
        %swap3A_644 = tpu.vector_load %arg20[%swap3A_642, %swap3A_643] {strides = array<i32>} : memref<48x128xf32, #tpu.memory_space<vmem>>, vector<16xf32>,
        tpu.vector_store %arg20[%swap3A_642, %swap3A_643], %add3A_638 {strides = array<i32>} : memref<48x128xf32, #tpu.memory_space<vmem>>, vector<16xf32>,
        %broadcast_in_dim3A_645 = arith.constant 0.000000e+00 : f32
        %broadcast_in_dim3A_646 = vector.broadcast %broadcast_in_dim3A_645 : f32 to vector<16xf32>
        %broadcast_in_dim3A_647 = arith.constant 0.000000e+00 : f32
        %broadcast_in_dim3A_648 = vector.broadcast %broadcast_in_dim3A_647 : f32 to vector<16xf32>
        %get3A_649 = arith.index_cast %scan3A_521 : i32 to index
        %get3A_650 = arith.constant 32 : index
        %get3A_651 = tpu.vector_load %arg16[%get3A_649, %get3A_650] {strides = array<i32>} : memref<48x256xi32, #tpu.memory_space<vmem>>, vector<16xi32>,
        %bitcast3A_652 = vector.bitcast %get3A_651 : vector<16xi32> to vector<32xbf16>
        %unpack3A_653 = tpu.unpack_subelements %bitcast3A_652, 0 {pack_format = #tpu.pack_format<interleaved>} : vector<32xbf16> -> vector<16xf32>
        %unpack3A_654 = tpu.unpack_subelements %bitcast3A_652, 1 {pack_format = #tpu.pack_format<interleaved>} : vector<32xbf16> -> vector<16xf32>
        %mul3A_655 = vector.broadcast %squeeze3A : f32 to vector<16xf32>
        %mul3A_656 = arith.mulf %mul3A_655, %unpack3A_653 : vector<16xf32>
        %add3A_657 = arith.addf %broadcast_in_dim3A_646, %mul3A_656 : vector<16xf32>
        %mul3A_658 = vector.broadcast %squeeze3A : f32 to vector<16xf32>
        %mul3A_659 = arith.mulf %mul3A_658, %unpack3A_654 : vector<16xf32>
        %add3A_660 = arith.addf %broadcast_in_dim3A_648, %mul3A_659 : vector<16xf32>
        %get3A_661 = arith.index_cast %scan3A_521 : i32 to index
        %get3A_662 = arith.constant 96 : index
        %get3A_663 = tpu.vector_load %arg16[%get3A_661, %get3A_662] {strides = array<i32>} : memref<48x256xi32, #tpu.memory_space<vmem>>, vector<16xi32>,
        %bitcast3A_664 = vector.bitcast %get3A_663 : vector<16xi32> to vector<32xbf16>
        %unpack3A_665 = tpu.unpack_subelements %bitcast3A_664, 0 {pack_format = #tpu.pack_format<interleaved>} : vector<32xbf16> -> vector<16xf32>
        %unpack3A_666 = tpu.unpack_subelements %bitcast3A_664, 1 {pack_format = #tpu.pack_format<interleaved>} : vector<32xbf16> -> vector<16xf32>
        %mul3A_667 = vector.broadcast %squeeze3A_527 : f32 to vector<16xf32>
        %mul3A_668 = arith.mulf %mul3A_667, %unpack3A_665 : vector<16xf32>
        %add3A_669 = arith.addf %add3A_657, %mul3A_668 : vector<16xf32>
        %mul3A_670 = vector.broadcast %squeeze3A_527 : f32 to vector<16xf32>
        %mul3A_671 = arith.mulf %mul3A_670, %unpack3A_666 : vector<16xf32>
        %add3A_672 = arith.addf %add3A_660, %mul3A_671 : vector<16xf32>
        %get3A_673 = arith.index_cast %scan3A_521 : i32 to index
        %get3A_674 = arith.constant 160 : index
        %get3A_675 = tpu.vector_load %arg16[%get3A_673, %get3A_674] {strides = array<i32>} : memref<48x256xi32, #tpu.memory_space<vmem>>, vector<16xi32>,
        %bitcast3A_676 = vector.bitcast %get3A_675 : vector<16xi32> to vector<32xbf16>
        %unpack3A_677 = tpu.unpack_subelements %bitcast3A_676, 0 {pack_format = #tpu.pack_format<interleaved>} : vector<32xbf16> -> vector<16xf32>
        %unpack3A_678 = tpu.unpack_subelements %bitcast3A_676, 1 {pack_format = #tpu.pack_format<interleaved>} : vector<32xbf16> -> vector<16xf32>
        %mul3A_679 = vector.broadcast %squeeze3A_529 : f32 to vector<16xf32>
        %mul3A_680 = arith.mulf %mul3A_679, %unpack3A_677 : vector<16xf32>
        %add3A_681 = arith.addf %add3A_669, %mul3A_680 : vector<16xf32>
        %mul3A_682 = vector.broadcast %squeeze3A_529 : f32 to vector<16xf32>
        %mul3A_683 = arith.mulf %mul3A_682, %unpack3A_678 : vector<16xf32>
        %add3A_684 = arith.addf %add3A_672, %mul3A_683 : vector<16xf32>
        %get3A_685 = arith.index_cast %scan3A_521 : i32 to index
        %get3A_686 = arith.constant 224 : index
        %get3A_687 = tpu.vector_load %arg16[%get3A_685, %get3A_686] {strides = array<i32>} : memref<48x256xi32, #tpu.memory_space<vmem>>, vector<16xi32>,
        %bitcast3A_688 = vector.bitcast %get3A_687 : vector<16xi32> to vector<32xbf16>
        %unpack3A_689 = tpu.unpack_subelements %bitcast3A_688, 0 {pack_format = #tpu.pack_format<interleaved>} : vector<32xbf16> -> vector<16xf32>
        %unpack3A_690 = tpu.unpack_subelements %bitcast3A_688, 1 {pack_format = #tpu.pack_format<interleaved>} : vector<32xbf16> -> vector<16xf32>
        %mul3A_691 = vector.broadcast %squeeze3A_531 : f32 to vector<16xf32>
        %mul3A_692 = arith.mulf %mul3A_691, %unpack3A_689 : vector<16xf32>
        %add3A_693 = arith.addf %add3A_681, %mul3A_692 : vector<16xf32>
        %mul3A_694 = vector.broadcast %squeeze3A_531 : f32 to vector<16xf32>
        %mul3A_695 = arith.mulf %mul3A_694, %unpack3A_690 : vector<16xf32>
        %add3A_696 = arith.addf %add3A_684, %mul3A_695 : vector<16xf32>
        %swap3A_697 = arith.index_cast %scan3A_521 : i32 to index
        %swap3A_698 = arith.constant 64 : index
        %swap3A_699 = tpu.vector_load %arg20[%swap3A_697, %swap3A_698] {strides = array<i32>} : memref<48x128xf32, #tpu.memory_space<vmem>>, vector<16xf32>,
        tpu.vector_store %arg20[%swap3A_697, %swap3A_698], %add3A_693 {strides = array<i32>} : memref<48x128xf32, #tpu.memory_space<vmem>>, vector<16xf32>,
        %swap3A_700 = arith.index_cast %scan3A_521 : i32 to index
        %swap3A_701 = arith.constant 80 : index
        %swap3A_702 = tpu.vector_load %arg20[%swap3A_700, %swap3A_701] {strides = array<i32>} : memref<48x128xf32, #tpu.memory_space<vmem>>, vector<16xf32>,
        tpu.vector_store %arg20[%swap3A_700, %swap3A_701], %add3A_696 {strides = array<i32>} : memref<48x128xf32, #tpu.memory_space<vmem>>, vector<16xf32>,
        %broadcast_in_dim3A_703 = arith.constant 0.000000e+00 : f32
        %broadcast_in_dim3A_704 = vector.broadcast %broadcast_in_dim3A_703 : f32 to vector<16xf32>
        %broadcast_in_dim3A_705 = arith.constant 0.000000e+00 : f32
        %broadcast_in_dim3A_706 = vector.broadcast %broadcast_in_dim3A_705 : f32 to vector<16xf32>
        %get3A_707 = arith.index_cast %scan3A_521 : i32 to index
        %get3A_708 = arith.constant 48 : index
        %get3A_709 = tpu.vector_load %arg16[%get3A_707, %get3A_708] {strides = array<i32>} : memref<48x256xi32, #tpu.memory_space<vmem>>, vector<16xi32>,
        %bitcast3A_710 = vector.bitcast %get3A_709 : vector<16xi32> to vector<32xbf16>
        %unpack3A_711 = tpu.unpack_subelements %bitcast3A_710, 0 {pack_format = #tpu.pack_format<interleaved>} : vector<32xbf16> -> vector<16xf32>
        %unpack3A_712 = tpu.unpack_subelements %bitcast3A_710, 1 {pack_format = #tpu.pack_format<interleaved>} : vector<32xbf16> -> vector<16xf32>
        %mul3A_713 = vector.broadcast %squeeze3A : f32 to vector<16xf32>
        %mul3A_714 = arith.mulf %mul3A_713, %unpack3A_711 : vector<16xf32>
        %add3A_715 = arith.addf %broadcast_in_dim3A_704, %mul3A_714 : vector<16xf32>
        %mul3A_716 = vector.broadcast %squeeze3A : f32 to vector<16xf32>
        %mul3A_717 = arith.mulf %mul3A_716, %unpack3A_712 : vector<16xf32>
        %add3A_718 = arith.addf %broadcast_in_dim3A_706, %mul3A_717 : vector<16xf32>
        %get3A_719 = arith.index_cast %scan3A_521 : i32 to index
        %get3A_720 = arith.constant 112 : index
        %get3A_721 = tpu.vector_load %arg16[%get3A_719, %get3A_720] {strides = array<i32>} : memref<48x256xi32, #tpu.memory_space<vmem>>, vector<16xi32>,
        %bitcast3A_722 = vector.bitcast %get3A_721 : vector<16xi32> to vector<32xbf16>
        %unpack3A_723 = tpu.unpack_subelements %bitcast3A_722, 0 {pack_format = #tpu.pack_format<interleaved>} : vector<32xbf16> -> vector<16xf32>
        %unpack3A_724 = tpu.unpack_subelements %bitcast3A_722, 1 {pack_format = #tpu.pack_format<interleaved>} : vector<32xbf16> -> vector<16xf32>
        %mul3A_725 = vector.broadcast %squeeze3A_527 : f32 to vector<16xf32>
        %mul3A_726 = arith.mulf %mul3A_725, %unpack3A_723 : vector<16xf32>
        %add3A_727 = arith.addf %add3A_715, %mul3A_726 : vector<16xf32>
        %mul3A_728 = vector.broadcast %squeeze3A_527 : f32 to vector<16xf32>
        %mul3A_729 = arith.mulf %mul3A_728, %unpack3A_724 : vector<16xf32>
        %add3A_730 = arith.addf %add3A_718, %mul3A_729 : vector<16xf32>
        %get3A_731 = arith.index_cast %scan3A_521 : i32 to index
        %get3A_732 = arith.constant 176 : index
        %get3A_733 = tpu.vector_load %arg16[%get3A_731, %get3A_732] {strides = array<i32>} : memref<48x256xi32, #tpu.memory_space<vmem>>, vector<16xi32>,
        %bitcast3A_734 = vector.bitcast %get3A_733 : vector<16xi32> to vector<32xbf16>
        %unpack3A_735 = tpu.unpack_subelements %bitcast3A_734, 0 {pack_format = #tpu.pack_format<interleaved>} : vector<32xbf16> -> vector<16xf32>
        %unpack3A_736 = tpu.unpack_subelements %bitcast3A_734, 1 {pack_format = #tpu.pack_format<interleaved>} : vector<32xbf16> -> vector<16xf32>
        %mul3A_737 = vector.broadcast %squeeze3A_529 : f32 to vector<16xf32>
        %mul3A_738 = arith.mulf %mul3A_737, %unpack3A_735 : vector<16xf32>
        %add3A_739 = arith.addf %add3A_727, %mul3A_738 : vector<16xf32>
        %mul3A_740 = vector.broadcast %squeeze3A_529 : f32 to vector<16xf32>
        %mul3A_741 = arith.mulf %mul3A_740, %unpack3A_736 : vector<16xf32>
        %add3A_742 = arith.addf %add3A_730, %mul3A_741 : vector<16xf32>
        %get3A_743 = arith.index_cast %scan3A_521 : i32 to index
        %get3A_744 = arith.constant 240 : index
        %get3A_745 = tpu.vector_load %arg16[%get3A_743, %get3A_744] {strides = array<i32>} : memref<48x256xi32, #tpu.memory_space<vmem>>, vector<16xi32>,
        %bitcast3A_746 = vector.bitcast %get3A_745 : vector<16xi32> to vector<32xbf16>
        %unpack3A_747 = tpu.unpack_subelements %bitcast3A_746, 0 {pack_format = #tpu.pack_format<interleaved>} : vector<32xbf16> -> vector<16xf32>
        %unpack3A_748 = tpu.unpack_subelements %bitcast3A_746, 1 {pack_format = #tpu.pack_format<interleaved>} : vector<32xbf16> -> vector<16xf32>
        %mul3A_749 = vector.broadcast %squeeze3A_531 : f32 to vector<16xf32>
        %mul3A_750 = arith.mulf %mul3A_749, %unpack3A_747 : vector<16xf32>
        %add3A_751 = arith.addf %add3A_739, %mul3A_750 : vector<16xf32>
        %mul3A_752 = vector.broadcast %squeeze3A_531 : f32 to vector<16xf32>
        %mul3A_753 = arith.mulf %mul3A_752, %unpack3A_748 : vector<16xf32>
        %add3A_754 = arith.addf %add3A_742, %mul3A_753 : vector<16xf32>
        %swap3A_755 = arith.index_cast %scan3A_521 : i32 to index
        %swap3A_756 = arith.constant 96 : index
        %swap3A_757 = tpu.vector_load %arg20[%swap3A_755, %swap3A_756] {strides = array<i32>} : memref<48x128xf32, #tpu.memory_space<vmem>>, vector<16xf32>,
        tpu.vector_store %arg20[%swap3A_755, %swap3A_756], %add3A_751 {strides = array<i32>} : memref<48x128xf32, #tpu.memory_space<vmem>>, vector<16xf32>,
        %swap3A_758 = arith.index_cast %scan3A_521 : i32 to index
        %swap3A_759 = arith.constant 112 : index
        %swap3A_760 = tpu.vector_load %arg20[%swap3A_758, %swap3A_759] {strides = array<i32>} : memref<48x128xf32, #tpu.memory_space<vmem>>, vector<16xf32>,
        tpu.vector_store %arg20[%swap3A_758, %swap3A_759], %add3A_754 {strides = array<i32>} : memref<48x128xf32, #tpu.memory_space<vmem>>, vector<16xf32>,
        %scan3A_761 = arith.constant 1 : i32
        %scan3A_762 = arith.addi %scan3A_521, %scan3A_761 : i32
        %mul3A_763 = arith.constant 16 : i32
        %mul3A_764 = arith.muli %scan3A_762, %mul3A_763 : i32
        %get3A_765 = arith.index_cast %mul3A_764 : i32 to index
        %get3A_766 = tpu.vector_load %arg18[%get3A_765] {strides = array<i32>} : memref<768xf32, #tpu.memory_space<vmem>>, vector<16xf32>,
        %slice3A_767 = vector.extract_strided_slice %get3A_766 {offsets = [0], sizes = [1], strides = [1]} : vector<16xf32> to vector<1xf32>
        %squeeze3A_768 = vector.extract %slice3A_767[0] : f32 from vector<1xf32>
        %slice3A_769 = vector.extract_strided_slice %get3A_766 {offsets = [1], sizes = [1], strides = [1]} : vector<16xf32> to vector<1xf32>
        %squeeze3A_770 = vector.extract %slice3A_769[0] : f32 from vector<1xf32>
        %slice3A_771 = vector.extract_strided_slice %get3A_766 {offsets = [2], sizes = [1], strides = [1]} : vector<16xf32> to vector<1xf32>
        %squeeze3A_772 = vector.extract %slice3A_771[0] : f32 from vector<1xf32>
        %slice3A_773 = vector.extract_strided_slice %get3A_766 {offsets = [3], sizes = [1], strides = [1]} : vector<16xf32> to vector<1xf32>
        %squeeze3A_774 = vector.extract %slice3A_773[0] : f32 from vector<1xf32>
        %broadcast_in_dim3A_775 = arith.constant 0.000000e+00 : f32
        %broadcast_in_dim3A_776 = vector.broadcast %broadcast_in_dim3A_775 : f32 to vector<16xf32>
        %broadcast_in_dim3A_777 = arith.constant 0.000000e+00 : f32
        %broadcast_in_dim3A_778 = vector.broadcast %broadcast_in_dim3A_777 : f32 to vector<16xf32>
        %get3A_779 = arith.index_cast %scan3A_762 : i32 to index
        %get3A_780 = arith.constant 0 : index
        %get3A_781 = tpu.vector_load %arg16[%get3A_779, %get3A_780] {strides = array<i32>} : memref<48x256xi32, #tpu.memory_space<vmem>>, vector<16xi32>,
        %bitcast3A_782 = vector.bitcast %get3A_781 : vector<16xi32> to vector<32xbf16>
        %unpack3A_783 = tpu.unpack_subelements %bitcast3A_782, 0 {pack_format = #tpu.pack_format<interleaved>} : vector<32xbf16> -> vector<16xf32>
        %unpack3A_784 = tpu.unpack_subelements %bitcast3A_782, 1 {pack_format = #tpu.pack_format<interleaved>} : vector<32xbf16> -> vector<16xf32>
        %mul3A_785 = vector.broadcast %squeeze3A_768 : f32 to vector<16xf32>
        %mul3A_786 = arith.mulf %mul3A_785, %unpack3A_783 : vector<16xf32>
        %add3A_787 = arith.addf %broadcast_in_dim3A_776, %mul3A_786 : vector<16xf32>
        %mul3A_788 = vector.broadcast %squeeze3A_768 : f32 to vector<16xf32>
        %mul3A_789 = arith.mulf %mul3A_788, %unpack3A_784 : vector<16xf32>
        %add3A_790 = arith.addf %broadcast_in_dim3A_778, %mul3A_789 : vector<16xf32>
        %get3A_791 = arith.index_cast %scan3A_762 : i32 to index
        %get3A_792 = arith.constant 64 : index
        %get3A_793 = tpu.vector_load %arg16[%get3A_791, %get3A_792] {strides = array<i32>} : memref<48x256xi32, #tpu.memory_space<vmem>>, vector<16xi32>,
        %bitcast3A_794 = vector.bitcast %get3A_793 : vector<16xi32> to vector<32xbf16>
        %unpack3A_795 = tpu.unpack_subelements %bitcast3A_794, 0 {pack_format = #tpu.pack_format<interleaved>} : vector<32xbf16> -> vector<16xf32>
        %unpack3A_796 = tpu.unpack_subelements %bitcast3A_794, 1 {pack_format = #tpu.pack_format<interleaved>} : vector<32xbf16> -> vector<16xf32>
        %mul3A_797 = vector.broadcast %squeeze3A_770 : f32 to vector<16xf32>
        %mul3A_798 = arith.mulf %mul3A_797, %unpack3A_795 : vector<16xf32>
        %add3A_799 = arith.addf %add3A_787, %mul3A_798 : vector<16xf32>
        %mul3A_800 = vector.broadcast %squeeze3A_770 : f32 to vector<16xf32>
        %mul3A_801 = arith.mulf %mul3A_800, %unpack3A_796 : vector<16xf32>
        %add3A_802 = arith.addf %add3A_790, %mul3A_801 : vector<16xf32>
        %get3A_803 = arith.index_cast %scan3A_762 : i32 to index
        %get3A_804 = arith.constant 128 : index
        %get3A_805 = tpu.vector_load %arg16[%get3A_803, %get3A_804] {strides = array<i32>} : memref<48x256xi32, #tpu.memory_space<vmem>>, vector<16xi32>,
        %bitcast3A_806 = vector.bitcast %get3A_805 : vector<16xi32> to vector<32xbf16>
        %unpack3A_807 = tpu.unpack_subelements %bitcast3A_806, 0 {pack_format = #tpu.pack_format<interleaved>} : vector<32xbf16> -> vector<16xf32>
        %unpack3A_808 = tpu.unpack_subelements %bitcast3A_806, 1 {pack_format = #tpu.pack_format<interleaved>} : vector<32xbf16> -> vector<16xf32>
        %mul3A_809 = vector.broadcast %squeeze3A_772 : f32 to vector<16xf32>
        %mul3A_810 = arith.mulf %mul3A_809, %unpack3A_807 : vector<16xf32>
        %add3A_811 = arith.addf %add3A_799, %mul3A_810 : vector<16xf32>
        %mul3A_812 = vector.broadcast %squeeze3A_772 : f32 to vector<16xf32>
        %mul3A_813 = arith.mulf %mul3A_812, %unpack3A_808 : vector<16xf32>
        %add3A_814 = arith.addf %add3A_802, %mul3A_813 : vector<16xf32>
        %get3A_815 = arith.index_cast %scan3A_762 : i32 to index
        %get3A_816 = arith.constant 192 : index
        %get3A_817 = tpu.vector_load %arg16[%get3A_815, %get3A_816] {strides = array<i32>} : memref<48x256xi32, #tpu.memory_space<vmem>>, vector<16xi32>,
        %bitcast3A_818 = vector.bitcast %get3A_817 : vector<16xi32> to vector<32xbf16>
        %unpack3A_819 = tpu.unpack_subelements %bitcast3A_818, 0 {pack_format = #tpu.pack_format<interleaved>} : vector<32xbf16> -> vector<16xf32>
        %unpack3A_820 = tpu.unpack_subelements %bitcast3A_818, 1 {pack_format = #tpu.pack_format<interleaved>} : vector<32xbf16> -> vector<16xf32>
        %mul3A_821 = vector.broadcast %squeeze3A_774 : f32 to vector<16xf32>
        %mul3A_822 = arith.mulf %mul3A_821, %unpack3A_819 : vector<16xf32>
        %add3A_823 = arith.addf %add3A_811, %mul3A_822 : vector<16xf32>
        %mul3A_824 = vector.broadcast %squeeze3A_774 : f32 to vector<16xf32>
        %mul3A_825 = arith.mulf %mul3A_824, %unpack3A_820 : vector<16xf32>
        %add3A_826 = arith.addf %add3A_814, %mul3A_825 : vector<16xf32>
        %swap3A_827 = arith.index_cast %scan3A_762 : i32 to index
        %swap3A_828 = arith.constant 0 : index
        %swap3A_829 = tpu.vector_load %arg20[%swap3A_827, %swap3A_828] {strides = array<i32>} : memref<48x128xf32, #tpu.memory_space<vmem>>, vector<16xf32>,
        tpu.vector_store %arg20[%swap3A_827, %swap3A_828], %add3A_823 {strides = array<i32>} : memref<48x128xf32, #tpu.memory_space<vmem>>, vector<16xf32>,
        %swap3A_830 = arith.index_cast %scan3A_762 : i32 to index
        %swap3A_831 = arith.constant 16 : index
        %swap3A_832 = tpu.vector_load %arg20[%swap3A_830, %swap3A_831] {strides = array<i32>} : memref<48x128xf32, #tpu.memory_space<vmem>>, vector<16xf32>,
        tpu.vector_store %arg20[%swap3A_830, %swap3A_831], %add3A_826 {strides = array<i32>} : memref<48x128xf32, #tpu.memory_space<vmem>>, vector<16xf32>,
        %broadcast_in_dim3A_833 = arith.constant 0.000000e+00 : f32
        %broadcast_in_dim3A_834 = vector.broadcast %broadcast_in_dim3A_833 : f32 to vector<16xf32>
        %broadcast_in_dim3A_835 = arith.constant 0.000000e+00 : f32
        %broadcast_in_dim3A_836 = vector.broadcast %broadcast_in_dim3A_835 : f32 to vector<16xf32>
        %get3A_837 = arith.index_cast %scan3A_762 : i32 to index
        %get3A_838 = arith.constant 16 : index
        %get3A_839 = tpu.vector_load %arg16[%get3A_837, %get3A_838] {strides = array<i32>} : memref<48x256xi32, #tpu.memory_space<vmem>>, vector<16xi32>,
        %bitcast3A_840 = vector.bitcast %get3A_839 : vector<16xi32> to vector<32xbf16>
        %unpack3A_841 = tpu.unpack_subelements %bitcast3A_840, 0 {pack_format = #tpu.pack_format<interleaved>} : vector<32xbf16> -> vector<16xf32>
        %unpack3A_842 = tpu.unpack_subelements %bitcast3A_840, 1 {pack_format = #tpu.pack_format<interleaved>} : vector<32xbf16> -> vector<16xf32>
        %mul3A_843 = vector.broadcast %squeeze3A_768 : f32 to vector<16xf32>
        %mul3A_844 = arith.mulf %mul3A_843, %unpack3A_841 : vector<16xf32>
        %add3A_845 = arith.addf %broadcast_in_dim3A_834, %mul3A_844 : vector<16xf32>
        %mul3A_846 = vector.broadcast %squeeze3A_768 : f32 to vector<16xf32>
        %mul3A_847 = arith.mulf %mul3A_846, %unpack3A_842 : vector<16xf32>
        %add3A_848 = arith.addf %broadcast_in_dim3A_836, %mul3A_847 : vector<16xf32>
        %get3A_849 = arith.index_cast %scan3A_762 : i32 to index
        %get3A_850 = arith.constant 80 : index
        %get3A_851 = tpu.vector_load %arg16[%get3A_849, %get3A_850] {strides = array<i32>} : memref<48x256xi32, #tpu.memory_space<vmem>>, vector<16xi32>,
        %bitcast3A_852 = vector.bitcast %get3A_851 : vector<16xi32> to vector<32xbf16>
        %unpack3A_853 = tpu.unpack_subelements %bitcast3A_852, 0 {pack_format = #tpu.pack_format<interleaved>} : vector<32xbf16> -> vector<16xf32>
        %unpack3A_854 = tpu.unpack_subelements %bitcast3A_852, 1 {pack_format = #tpu.pack_format<interleaved>} : vector<32xbf16> -> vector<16xf32>
        %mul3A_855 = vector.broadcast %squeeze3A_770 : f32 to vector<16xf32>
        %mul3A_856 = arith.mulf %mul3A_855, %unpack3A_853 : vector<16xf32>
        %add3A_857 = arith.addf %add3A_845, %mul3A_856 : vector<16xf32>
        %mul3A_858 = vector.broadcast %squeeze3A_770 : f32 to vector<16xf32>
        %mul3A_859 = arith.mulf %mul3A_858, %unpack3A_854 : vector<16xf32>
        %add3A_860 = arith.addf %add3A_848, %mul3A_859 : vector<16xf32>
        %get3A_861 = arith.index_cast %scan3A_762 : i32 to index
        %get3A_862 = arith.constant 144 : index
        %get3A_863 = tpu.vector_load %arg16[%get3A_861, %get3A_862] {strides = array<i32>} : memref<48x256xi32, #tpu.memory_space<vmem>>, vector<16xi32>,
        %bitcast3A_864 = vector.bitcast %get3A_863 : vector<16xi32> to vector<32xbf16>
        %unpack3A_865 = tpu.unpack_subelements %bitcast3A_864, 0 {pack_format = #tpu.pack_format<interleaved>} : vector<32xbf16> -> vector<16xf32>
        %unpack3A_866 = tpu.unpack_subelements %bitcast3A_864, 1 {pack_format = #tpu.pack_format<interleaved>} : vector<32xbf16> -> vector<16xf32>
        %mul3A_867 = vector.broadcast %squeeze3A_772 : f32 to vector<16xf32>
        %mul3A_868 = arith.mulf %mul3A_867, %unpack3A_865 : vector<16xf32>
        %add3A_869 = arith.addf %add3A_857, %mul3A_868 : vector<16xf32>
        %mul3A_870 = vector.broadcast %squeeze3A_772 : f32 to vector<16xf32>
        %mul3A_871 = arith.mulf %mul3A_870, %unpack3A_866 : vector<16xf32>
        %add3A_872 = arith.addf %add3A_860, %mul3A_871 : vector<16xf32>
        %get3A_873 = arith.index_cast %scan3A_762 : i32 to index
        %get3A_874 = arith.constant 208 : index
        %get3A_875 = tpu.vector_load %arg16[%get3A_873, %get3A_874] {strides = array<i32>} : memref<48x256xi32, #tpu.memory_space<vmem>>, vector<16xi32>,
        %bitcast3A_876 = vector.bitcast %get3A_875 : vector<16xi32> to vector<32xbf16>
        %unpack3A_877 = tpu.unpack_subelements %bitcast3A_876, 0 {pack_format = #tpu.pack_format<interleaved>} : vector<32xbf16> -> vector<16xf32>
        %unpack3A_878 = tpu.unpack_subelements %bitcast3A_876, 1 {pack_format = #tpu.pack_format<interleaved>} : vector<32xbf16> -> vector<16xf32>
        %mul3A_879 = vector.broadcast %squeeze3A_774 : f32 to vector<16xf32>
        %mul3A_880 = arith.mulf %mul3A_879, %unpack3A_877 : vector<16xf32>
        %add3A_881 = arith.addf %add3A_869, %mul3A_880 : vector<16xf32>
        %mul3A_882 = vector.broadcast %squeeze3A_774 : f32 to vector<16xf32>
        %mul3A_883 = arith.mulf %mul3A_882, %unpack3A_878 : vector<16xf32>
        %add3A_884 = arith.addf %add3A_872, %mul3A_883 : vector<16xf32>
        %swap3A_885 = arith.index_cast %scan3A_762 : i32 to index
        %swap3A_886 = arith.constant 32 : index
        %swap3A_887 = tpu.vector_load %arg20[%swap3A_885, %swap3A_886] {strides = array<i32>} : memref<48x128xf32, #tpu.memory_space<vmem>>, vector<16xf32>,
        tpu.vector_store %arg20[%swap3A_885, %swap3A_886], %add3A_881 {strides = array<i32>} : memref<48x128xf32, #tpu.memory_space<vmem>>, vector<16xf32>,
        %swap3A_888 = arith.index_cast %scan3A_762 : i32 to index
        %swap3A_889 = arith.constant 48 : index
        %swap3A_890 = tpu.vector_load %arg20[%swap3A_888, %swap3A_889] {strides = array<i32>} : memref<48x128xf32, #tpu.memory_space<vmem>>, vector<16xf32>,
        tpu.vector_store %arg20[%swap3A_888, %swap3A_889], %add3A_884 {strides = array<i32>} : memref<48x128xf32, #tpu.memory_space<vmem>>, vector<16xf32>,
        %broadcast_in_dim3A_891 = arith.constant 0.000000e+00 : f32
        %broadcast_in_dim3A_892 = vector.broadcast %broadcast_in_dim3A_891 : f32 to vector<16xf32>
        %broadcast_in_dim3A_893 = arith.constant 0.000000e+00 : f32
        %broadcast_in_dim3A_894 = vector.broadcast %broadcast_in_dim3A_893 : f32 to vector<16xf32>
        %get3A_895 = arith.index_cast %scan3A_762 : i32 to index
        %get3A_896 = arith.constant 32 : index
        %get3A_897 = tpu.vector_load %arg16[%get3A_895, %get3A_896] {strides = array<i32>} : memref<48x256xi32, #tpu.memory_space<vmem>>, vector<16xi32>,
        %bitcast3A_898 = vector.bitcast %get3A_897 : vector<16xi32> to vector<32xbf16>
        %unpack3A_899 = tpu.unpack_subelements %bitcast3A_898, 0 {pack_format = #tpu.pack_format<interleaved>} : vector<32xbf16> -> vector<16xf32>
        %unpack3A_900 = tpu.unpack_subelements %bitcast3A_898, 1 {pack_format = #tpu.pack_format<interleaved>} : vector<32xbf16> -> vector<16xf32>
        %mul3A_901 = vector.broadcast %squeeze3A_768 : f32 to vector<16xf32>
        %mul3A_902 = arith.mulf %mul3A_901, %unpack3A_899 : vector<16xf32>
        %add3A_903 = arith.addf %broadcast_in_dim3A_892, %mul3A_902 : vector<16xf32>
        %mul3A_904 = vector.broadcast %squeeze3A_768 : f32 to vector<16xf32>
        %mul3A_905 = arith.mulf %mul3A_904, %unpack3A_900 : vector<16xf32>
        %add3A_906 = arith.addf %broadcast_in_dim3A_894, %mul3A_905 : vector<16xf32>
        %get3A_907 = arith.index_cast %scan3A_762 : i32 to index
        %get3A_908 = arith.constant 96 : index
        %get3A_909 = tpu.vector_load %arg16[%get3A_907, %get3A_908] {strides = array<i32>} : memref<48x256xi32, #tpu.memory_space<vmem>>, vector<16xi32>,
        %bitcast3A_910 = vector.bitcast %get3A_909 : vector<16xi32> to vector<32xbf16>
        %unpack3A_911 = tpu.unpack_subelements %bitcast3A_910, 0 {pack_format = #tpu.pack_format<interleaved>} : vector<32xbf16> -> vector<16xf32>
        %unpack3A_912 = tpu.unpack_subelements %bitcast3A_910, 1 {pack_format = #tpu.pack_format<interleaved>} : vector<32xbf16> -> vector<16xf32>
        %mul3A_913 = vector.broadcast %squeeze3A_770 : f32 to vector<16xf32>
        %mul3A_914 = arith.mulf %mul3A_913, %unpack3A_911 : vector<16xf32>
        %add3A_915 = arith.addf %add3A_903, %mul3A_914 : vector<16xf32>
        %mul3A_916 = vector.broadcast %squeeze3A_770 : f32 to vector<16xf32>
        %mul3A_917 = arith.mulf %mul3A_916, %unpack3A_912 : vector<16xf32>
        %add3A_918 = arith.addf %add3A_906, %mul3A_917 : vector<16xf32>
        %get3A_919 = arith.index_cast %scan3A_762 : i32 to index
        %get3A_920 = arith.constant 160 : index
        %get3A_921 = tpu.vector_load %arg16[%get3A_919, %get3A_920] {strides = array<i32>} : memref<48x256xi32, #tpu.memory_space<vmem>>, vector<16xi32>,
        %bitcast3A_922 = vector.bitcast %get3A_921 : vector<16xi32> to vector<32xbf16>
        %unpack3A_923 = tpu.unpack_subelements %bitcast3A_922, 0 {pack_format = #tpu.pack_format<interleaved>} : vector<32xbf16> -> vector<16xf32>
        %unpack3A_924 = tpu.unpack_subelements %bitcast3A_922, 1 {pack_format = #tpu.pack_format<interleaved>} : vector<32xbf16> -> vector<16xf32>
        %mul3A_925 = vector.broadcast %squeeze3A_772 : f32 to vector<16xf32>
        %mul3A_926 = arith.mulf %mul3A_925, %unpack3A_923 : vector<16xf32>
        %add3A_927 = arith.addf %add3A_915, %mul3A_926 : vector<16xf32>
        %mul3A_928 = vector.broadcast %squeeze3A_772 : f32 to vector<16xf32>
        %mul3A_929 = arith.mulf %mul3A_928, %unpack3A_924 : vector<16xf32>
        %add3A_930 = arith.addf %add3A_918, %mul3A_929 : vector<16xf32>
        %get3A_931 = arith.index_cast %scan3A_762 : i32 to index
        %get3A_932 = arith.constant 224 : index
        %get3A_933 = tpu.vector_load %arg16[%get3A_931, %get3A_932] {strides = array<i32>} : memref<48x256xi32, #tpu.memory_space<vmem>>, vector<16xi32>,
        %bitcast3A_934 = vector.bitcast %get3A_933 : vector<16xi32> to vector<32xbf16>
        %unpack3A_935 = tpu.unpack_subelements %bitcast3A_934, 0 {pack_format = #tpu.pack_format<interleaved>} : vector<32xbf16> -> vector<16xf32>
        %unpack3A_936 = tpu.unpack_subelements %bitcast3A_934, 1 {pack_format = #tpu.pack_format<interleaved>} : vector<32xbf16> -> vector<16xf32>
        %mul3A_937 = vector.broadcast %squeeze3A_774 : f32 to vector<16xf32>
        %mul3A_938 = arith.mulf %mul3A_937, %unpack3A_935 : vector<16xf32>
        %add3A_939 = arith.addf %add3A_927, %mul3A_938 : vector<16xf32>
        %mul3A_940 = vector.broadcast %squeeze3A_774 : f32 to vector<16xf32>
        %mul3A_941 = arith.mulf %mul3A_940, %unpack3A_936 : vector<16xf32>
        %add3A_942 = arith.addf %add3A_930, %mul3A_941 : vector<16xf32>
        %swap3A_943 = arith.index_cast %scan3A_762 : i32 to index
        %swap3A_944 = arith.constant 64 : index
        %swap3A_945 = tpu.vector_load %arg20[%swap3A_943, %swap3A_944] {strides = array<i32>} : memref<48x128xf32, #tpu.memory_space<vmem>>, vector<16xf32>,
        tpu.vector_store %arg20[%swap3A_943, %swap3A_944], %add3A_939 {strides = array<i32>} : memref<48x128xf32, #tpu.memory_space<vmem>>, vector<16xf32>,
        %swap3A_946 = arith.index_cast %scan3A_762 : i32 to index
        %swap3A_947 = arith.constant 80 : index
        %swap3A_948 = tpu.vector_load %arg20[%swap3A_946, %swap3A_947] {strides = array<i32>} : memref<48x128xf32, #tpu.memory_space<vmem>>, vector<16xf32>,
        tpu.vector_store %arg20[%swap3A_946, %swap3A_947], %add3A_942 {strides = array<i32>} : memref<48x128xf32, #tpu.memory_space<vmem>>, vector<16xf32>,
        %broadcast_in_dim3A_949 = arith.constant 0.000000e+00 : f32
        %broadcast_in_dim3A_950 = vector.broadcast %broadcast_in_dim3A_949 : f32 to vector<16xf32>
        %broadcast_in_dim3A_951 = arith.constant 0.000000e+00 : f32
        %broadcast_in_dim3A_952 = vector.broadcast %broadcast_in_dim3A_951 : f32 to vector<16xf32>
        %get3A_953 = arith.index_cast %scan3A_762 : i32 to index
        %get3A_954 = arith.constant 48 : index
        %get3A_955 = tpu.vector_load %arg16[%get3A_953, %get3A_954] {strides = array<i32>} : memref<48x256xi32, #tpu.memory_space<vmem>>, vector<16xi32>,
        %bitcast3A_956 = vector.bitcast %get3A_955 : vector<16xi32> to vector<32xbf16>
        %unpack3A_957 = tpu.unpack_subelements %bitcast3A_956, 0 {pack_format = #tpu.pack_format<interleaved>} : vector<32xbf16> -> vector<16xf32>
        %unpack3A_958 = tpu.unpack_subelements %bitcast3A_956, 1 {pack_format = #tpu.pack_format<interleaved>} : vector<32xbf16> -> vector<16xf32>
        %mul3A_959 = vector.broadcast %squeeze3A_768 : f32 to vector<16xf32>
        %mul3A_960 = arith.mulf %mul3A_959, %unpack3A_957 : vector<16xf32>
        %add3A_961 = arith.addf %broadcast_in_dim3A_950, %mul3A_960 : vector<16xf32>
        %mul3A_962 = vector.broadcast %squeeze3A_768 : f32 to vector<16xf32>
        %mul3A_963 = arith.mulf %mul3A_962, %unpack3A_958 : vector<16xf32>
        %add3A_964 = arith.addf %broadcast_in_dim3A_952, %mul3A_963 : vector<16xf32>
        %get3A_965 = arith.index_cast %scan3A_762 : i32 to index
        %get3A_966 = arith.constant 112 : index
        %get3A_967 = tpu.vector_load %arg16[%get3A_965, %get3A_966] {strides = array<i32>} : memref<48x256xi32, #tpu.memory_space<vmem>>, vector<16xi32>,
        %bitcast3A_968 = vector.bitcast %get3A_967 : vector<16xi32> to vector<32xbf16>
        %unpack3A_969 = tpu.unpack_subelements %bitcast3A_968, 0 {pack_format = #tpu.pack_format<interleaved>} : vector<32xbf16> -> vector<16xf32>
        %unpack3A_970 = tpu.unpack_subelements %bitcast3A_968, 1 {pack_format = #tpu.pack_format<interleaved>} : vector<32xbf16> -> vector<16xf32>
        %mul3A_971 = vector.broadcast %squeeze3A_770 : f32 to vector<16xf32>
        %mul3A_972 = arith.mulf %mul3A_971, %unpack3A_969 : vector<16xf32>
        %add3A_973 = arith.addf %add3A_961, %mul3A_972 : vector<16xf32>
        %mul3A_974 = vector.broadcast %squeeze3A_770 : f32 to vector<16xf32>
        %mul3A_975 = arith.mulf %mul3A_974, %unpack3A_970 : vector<16xf32>
        %add3A_976 = arith.addf %add3A_964, %mul3A_975 : vector<16xf32>
        %get3A_977 = arith.index_cast %scan3A_762 : i32 to index
        %get3A_978 = arith.constant 176 : index
        %get3A_979 = tpu.vector_load %arg16[%get3A_977, %get3A_978] {strides = array<i32>} : memref<48x256xi32, #tpu.memory_space<vmem>>, vector<16xi32>,
        %bitcast3A_980 = vector.bitcast %get3A_979 : vector<16xi32> to vector<32xbf16>
        %unpack3A_981 = tpu.unpack_subelements %bitcast3A_980, 0 {pack_format = #tpu.pack_format<interleaved>} : vector<32xbf16> -> vector<16xf32>
        %unpack3A_982 = tpu.unpack_subelements %bitcast3A_980, 1 {pack_format = #tpu.pack_format<interleaved>} : vector<32xbf16> -> vector<16xf32>
        %mul3A_983 = vector.broadcast %squeeze3A_772 : f32 to vector<16xf32>
        %mul3A_984 = arith.mulf %mul3A_983, %unpack3A_981 : vector<16xf32>
        %add3A_985 = arith.addf %add3A_973, %mul3A_984 : vector<16xf32>
        %mul3A_986 = vector.broadcast %squeeze3A_772 : f32 to vector<16xf32>
        %mul3A_987 = arith.mulf %mul3A_986, %unpack3A_982 : vector<16xf32>
        %add3A_988 = arith.addf %add3A_976, %mul3A_987 : vector<16xf32>
        %get3A_989 = arith.index_cast %scan3A_762 : i32 to index
        %get3A_990 = arith.constant 240 : index
        %get3A_991 = tpu.vector_load %arg16[%get3A_989, %get3A_990] {strides = array<i32>} : memref<48x256xi32, #tpu.memory_space<vmem>>, vector<16xi32>,
        %bitcast3A_992 = vector.bitcast %get3A_991 : vector<16xi32> to vector<32xbf16>
        %unpack3A_993 = tpu.unpack_subelements %bitcast3A_992, 0 {pack_format = #tpu.pack_format<interleaved>} : vector<32xbf16> -> vector<16xf32>
        %unpack3A_994 = tpu.unpack_subelements %bitcast3A_992, 1 {pack_format = #tpu.pack_format<interleaved>} : vector<32xbf16> -> vector<16xf32>
        %mul3A_995 = vector.broadcast %squeeze3A_774 : f32 to vector<16xf32>
        %mul3A_996 = arith.mulf %mul3A_995, %unpack3A_993 : vector<16xf32>
        %add3A_997 = arith.addf %add3A_985, %mul3A_996 : vector<16xf32>
        %mul3A_998 = vector.broadcast %squeeze3A_774 : f32 to vector<16xf32>
        %mul3A_999 = arith.mulf %mul3A_998, %unpack3A_994 : vector<16xf32>
        %add3A_1000 = arith.addf %add3A_988, %mul3A_999 : vector<16xf32>
        %swap3A_1001 = arith.index_cast %scan3A_762 : i32 to index
        %swap3A_1002 = arith.constant 96 : index
        %swap3A_1003 = tpu.vector_load %arg20[%swap3A_1001, %swap3A_1002] {strides = array<i32>} : memref<48x128xf32, #tpu.memory_space<vmem>>, vector<16xf32>,
        tpu.vector_store %arg20[%swap3A_1001, %swap3A_1002], %add3A_997 {strides = array<i32>} : memref<48x128xf32, #tpu.memory_space<vmem>>, vector<16xf32>,
        %swap3A_1004 = arith.index_cast %scan3A_762 : i32 to index
        %swap3A_1005 = arith.constant 112 : index
        %swap3A_1006 = tpu.vector_load %arg20[%swap3A_1004, %swap3A_1005] {strides = array<i32>} : memref<48x128xf32, #tpu.memory_space<vmem>>, vector<16xf32>,
        tpu.vector_store %arg20[%swap3A_1004, %swap3A_1005], %add3A_1000 {strides = array<i32>} : memref<48x128xf32, #tpu.memory_space<vmem>>, vector<16xf32>,
      }
      %scan3A_517 = arith.constant 48 : i32
      %dma_start3A_518 = arith.constant 0 : i32
      %dma_start3A_519 = arith.constant 0 : i32
      %dma_start3A_520 = tpu.memref_slice %arg24[%dma_start3A_518, %dma_start3A_519] : memref<10240x128xf32, #tpu.memory_space<vmem_shared>> -> memref<10240x128xf32, #tpu.memory_space<vmem_shared>>
      tpu.enqueue_indirect_dma source(%arg20 : memref<48x128xf32, #tpu.memory_space<vmem>>) target(%dma_start3A_520 : memref<10240x128xf32, #tpu.memory_space<vmem_shared>>) offsets(%arg22 : memref<48xi32, #tpu.memory_space<vmem>>) semaphore(%arg30 : memref<!tpu.dma_semaphore, #tpu.memory_space<semaphore_mem>>) {add = true}
    }
    %scan3A_140 = arith.constant 104 : i32
    %dma_wait3A = arith.constant 0 : i32
    %dma_wait3A_141 = arith.constant 0 : i32
    %dma_wait3A_142 = tpu.memref_slice %arg24[%dma_wait3A, %dma_wait3A_141] : memref<10240x128xf32, #tpu.memory_space<vmem_shared>> -> memref<10240x128xf32, #tpu.memory_space<vmem_shared>>
    tpu.wait_indirect_dma semaphore(%arg29 : memref<!tpu.dma_semaphore, #tpu.memory_space<semaphore_mem>>) src(%arg19 : memref<48x128xf32, #tpu.memory_space<vmem>>) dst(%dma_wait3A_142 : memref<10240x128xf32, #tpu.memory_space<vmem_shared>>)
    %get3A_143 = arith.constant 0 : index
    %get3A_144 = tpu.vector_load %arg11[%get3A_143] {strides = array<i32>} : memref<48xi32, #tpu.memory_space<vmem>>, vector<16xi32>,
    %swap3A = arith.constant 0 : index
    %swap3A_145 = tpu.vector_load %arg21[%swap3A] {strides = array<i32>} : memref<48xi32, #tpu.memory_space<vmem>>, vector<16xi32>,
    tpu.vector_store %arg21[%swap3A], %get3A_144 {strides = array<i32>} : memref<48xi32, #tpu.memory_space<vmem>>, vector<16xi32>,
    %get3A_146 = arith.constant 16 : index
    %get3A_147 = tpu.vector_load %arg11[%get3A_146] {strides = array<i32>} : memref<48xi32, #tpu.memory_space<vmem>>, vector<16xi32>,
    %swap3A_148 = arith.constant 16 : index
    %swap3A_149 = tpu.vector_load %arg21[%swap3A_148] {strides = array<i32>} : memref<48xi32, #tpu.memory_space<vmem>>, vector<16xi32>,
    tpu.vector_store %arg21[%swap3A_148], %get3A_147 {strides = array<i32>} : memref<48xi32, #tpu.memory_space<vmem>>, vector<16xi32>,
    %get3A_150 = arith.constant 32 : index
    %get3A_151 = tpu.vector_load %arg11[%get3A_150] {strides = array<i32>} : memref<48xi32, #tpu.memory_space<vmem>>, vector<16xi32>,
    %swap3A_152 = arith.constant 32 : index
    %swap3A_153 = tpu.vector_load %arg21[%swap3A_152] {strides = array<i32>} : memref<48xi32, #tpu.memory_space<vmem>>, vector<16xi32>,
    tpu.vector_store %arg21[%swap3A_152], %get3A_151 {strides = array<i32>} : memref<48xi32, #tpu.memory_space<vmem>>, vector<16xi32>,
    %dma_wait3A_154 = arith.constant 0 : i32
    %dma_wait3A_155 = arith.constant 0 : i32
    %dma_wait3A_156 = tpu.memref_slice %arg5[%dma_wait3A_154, %dma_wait3A_155] : memref<10000x256xi32, #tpu.memory_space<hbm>> -> memref<10000x256xi32, #tpu.memory_space<hbm>>
    tpu.wait_indirect_dma semaphore(%arg27 : memref<!tpu.dma_semaphore, #tpu.memory_space<semaphore_mem>>) src(%dma_wait3A_156 : memref<10000x256xi32, #tpu.memory_space<hbm>>) dst(%arg15 : memref<48x256xi32, #tpu.memory_space<vmem>>)
    %scan3A_157 = arith.constant 0 : i32
    %scan3A_158 = arith.constant 0 : i32
    %scan3A_159 = arith.constant 48 : i32
    %scan3A_160 = arith.addi %scan3A_158, %scan3A_159 : i32
    %scan3A_161 = arith.constant 2 : i32
    scf.for %scan3A_180 = %scan3A_158 to %scan3A_160 step %scan3A_161  : i32 {
      %mul3A_181 = arith.constant 16 : i32
      %mul3A_182 = arith.muli %scan3A_180, %mul3A_181 : i32
      %get3A_183 = arith.index_cast %mul3A_182 : i32 to index
      %get3A_184 = tpu.vector_load %arg17[%get3A_183] {strides = array<i32>} : memref<768xf32, #tpu.memory_space<vmem>>, vector<16xf32>,
      %slice3A = vector.extract_strided_slice %get3A_184 {offsets = [0], sizes = [1], strides = [1]} : vector<16xf32> to vector<1xf32>
      %squeeze3A = vector.extract %slice3A[0] : f32 from vector<1xf32>
      %slice3A_185 = vector.extract_strided_slice %get3A_184 {offsets = [1], sizes = [1], strides = [1]} : vector<16xf32> to vector<1xf32>
      %squeeze3A_186 = vector.extract %slice3A_185[0] : f32 from vector<1xf32>
      %slice3A_187 = vector.extract_strided_slice %get3A_184 {offsets = [2], sizes = [1], strides = [1]} : vector<16xf32> to vector<1xf32>
      %squeeze3A_188 = vector.extract %slice3A_187[0] : f32 from vector<1xf32>
      %slice3A_189 = vector.extract_strided_slice %get3A_184 {offsets = [3], sizes = [1], strides = [1]} : vector<16xf32> to vector<1xf32>
      %squeeze3A_190 = vector.extract %slice3A_189[0] : f32 from vector<1xf32>
      %broadcast_in_dim3A = arith.constant 0.000000e+00 : f32
      %broadcast_in_dim3A_191 = vector.broadcast %broadcast_in_dim3A : f32 to vector<16xf32>
      %broadcast_in_dim3A_192 = arith.constant 0.000000e+00 : f32
      %broadcast_in_dim3A_193 = vector.broadcast %broadcast_in_dim3A_192 : f32 to vector<16xf32>
      %get3A_194 = arith.index_cast %scan3A_180 : i32 to index
      %get3A_195 = arith.constant 0 : index
      %get3A_196 = tpu.vector_load %arg15[%get3A_194, %get3A_195] {strides = array<i32>} : memref<48x256xi32, #tpu.memory_space<vmem>>, vector<16xi32>,
      %bitcast3A = vector.bitcast %get3A_196 : vector<16xi32> to vector<32xbf16>
      %unpack3A = tpu.unpack_subelements %bitcast3A, 0 {pack_format = #tpu.pack_format<interleaved>} : vector<32xbf16> -> vector<16xf32>
      %unpack3A_197 = tpu.unpack_subelements %bitcast3A, 1 {pack_format = #tpu.pack_format<interleaved>} : vector<32xbf16> -> vector<16xf32>
      %mul3A_198 = vector.broadcast %squeeze3A : f32 to vector<16xf32>
      %mul3A_199 = arith.mulf %mul3A_198, %unpack3A : vector<16xf32>
      %add3A_200 = arith.addf %broadcast_in_dim3A_191, %mul3A_199 : vector<16xf32>
      %mul3A_201 = vector.broadcast %squeeze3A : f32 to vector<16xf32>
      %mul3A_202 = arith.mulf %mul3A_201, %unpack3A_197 : vector<16xf32>
      %add3A_203 = arith.addf %broadcast_in_dim3A_193, %mul3A_202 : vector<16xf32>
      %get3A_204 = arith.index_cast %scan3A_180 : i32 to index
      %get3A_205 = arith.constant 64 : index
      %get3A_206 = tpu.vector_load %arg15[%get3A_204, %get3A_205] {strides = array<i32>} : memref<48x256xi32, #tpu.memory_space<vmem>>, vector<16xi32>,
      %bitcast3A_207 = vector.bitcast %get3A_206 : vector<16xi32> to vector<32xbf16>
      %unpack3A_208 = tpu.unpack_subelements %bitcast3A_207, 0 {pack_format = #tpu.pack_format<interleaved>} : vector<32xbf16> -> vector<16xf32>
      %unpack3A_209 = tpu.unpack_subelements %bitcast3A_207, 1 {pack_format = #tpu.pack_format<interleaved>} : vector<32xbf16> -> vector<16xf32>
      %mul3A_210 = vector.broadcast %squeeze3A_186 : f32 to vector<16xf32>
      %mul3A_211 = arith.mulf %mul3A_210, %unpack3A_208 : vector<16xf32>
      %add3A_212 = arith.addf %add3A_200, %mul3A_211 : vector<16xf32>
      %mul3A_213 = vector.broadcast %squeeze3A_186 : f32 to vector<16xf32>
      %mul3A_214 = arith.mulf %mul3A_213, %unpack3A_209 : vector<16xf32>
      %add3A_215 = arith.addf %add3A_203, %mul3A_214 : vector<16xf32>
      %get3A_216 = arith.index_cast %scan3A_180 : i32 to index
      %get3A_217 = arith.constant 128 : index
      %get3A_218 = tpu.vector_load %arg15[%get3A_216, %get3A_217] {strides = array<i32>} : memref<48x256xi32, #tpu.memory_space<vmem>>, vector<16xi32>,
      %bitcast3A_219 = vector.bitcast %get3A_218 : vector<16xi32> to vector<32xbf16>
      %unpack3A_220 = tpu.unpack_subelements %bitcast3A_219, 0 {pack_format = #tpu.pack_format<interleaved>} : vector<32xbf16> -> vector<16xf32>
      %unpack3A_221 = tpu.unpack_subelements %bitcast3A_219, 1 {pack_format = #tpu.pack_format<interleaved>} : vector<32xbf16> -> vector<16xf32>
      %mul3A_222 = vector.broadcast %squeeze3A_188 : f32 to vector<16xf32>
      %mul3A_223 = arith.mulf %mul3A_222, %unpack3A_220 : vector<16xf32>
      %add3A_224 = arith.addf %add3A_212, %mul3A_223 : vector<16xf32>
      %mul3A_225 = vector.broadcast %squeeze3A_188 : f32 to vector<16xf32>
      %mul3A_226 = arith.mulf %mul3A_225, %unpack3A_221 : vector<16xf32>
      %add3A_227 = arith.addf %add3A_215, %mul3A_226 : vector<16xf32>
      %get3A_228 = arith.index_cast %scan3A_180 : i32 to index
      %get3A_229 = arith.constant 192 : index
      %get3A_230 = tpu.vector_load %arg15[%get3A_228, %get3A_229] {strides = array<i32>} : memref<48x256xi32, #tpu.memory_space<vmem>>, vector<16xi32>,
      %bitcast3A_231 = vector.bitcast %get3A_230 : vector<16xi32> to vector<32xbf16>
      %unpack3A_232 = tpu.unpack_subelements %bitcast3A_231, 0 {pack_format = #tpu.pack_format<interleaved>} : vector<32xbf16> -> vector<16xf32>
      %unpack3A_233 = tpu.unpack_subelements %bitcast3A_231, 1 {pack_format = #tpu.pack_format<interleaved>} : vector<32xbf16> -> vector<16xf32>
      %mul3A_234 = vector.broadcast %squeeze3A_190 : f32 to vector<16xf32>
      %mul3A_235 = arith.mulf %mul3A_234, %unpack3A_232 : vector<16xf32>
      %add3A_236 = arith.addf %add3A_224, %mul3A_235 : vector<16xf32>
      %mul3A_237 = vector.broadcast %squeeze3A_190 : f32 to vector<16xf32>
      %mul3A_238 = arith.mulf %mul3A_237, %unpack3A_233 : vector<16xf32>
      %add3A_239 = arith.addf %add3A_227, %mul3A_238 : vector<16xf32>
      %swap3A_240 = arith.index_cast %scan3A_180 : i32 to index
      %swap3A_241 = arith.constant 0 : index
      %swap3A_242 = tpu.vector_load %arg19[%swap3A_240, %swap3A_241] {strides = array<i32>} : memref<48x128xf32, #tpu.memory_space<vmem>>, vector<16xf32>,
      tpu.vector_store %arg19[%swap3A_240, %swap3A_241], %add3A_236 {strides = array<i32>} : memref<48x128xf32, #tpu.memory_space<vmem>>, vector<16xf32>,
      %swap3A_243 = arith.index_cast %scan3A_180 : i32 to index
      %swap3A_244 = arith.constant 16 : index
      %swap3A_245 = tpu.vector_load %arg19[%swap3A_243, %swap3A_244] {strides = array<i32>} : memref<48x128xf32, #tpu.memory_space<vmem>>, vector<16xf32>,
      tpu.vector_store %arg19[%swap3A_243, %swap3A_244], %add3A_239 {strides = array<i32>} : memref<48x128xf32, #tpu.memory_space<vmem>>, vector<16xf32>,
      %broadcast_in_dim3A_246 = arith.constant 0.000000e+00 : f32
      %broadcast_in_dim3A_247 = vector.broadcast %broadcast_in_dim3A_246 : f32 to vector<16xf32>
      %broadcast_in_dim3A_248 = arith.constant 0.000000e+00 : f32
      %broadcast_in_dim3A_249 = vector.broadcast %broadcast_in_dim3A_248 : f32 to vector<16xf32>
      %get3A_250 = arith.index_cast %scan3A_180 : i32 to index
      %get3A_251 = arith.constant 16 : index
      %get3A_252 = tpu.vector_load %arg15[%get3A_250, %get3A_251] {strides = array<i32>} : memref<48x256xi32, #tpu.memory_space<vmem>>, vector<16xi32>,
      %bitcast3A_253 = vector.bitcast %get3A_252 : vector<16xi32> to vector<32xbf16>
      %unpack3A_254 = tpu.unpack_subelements %bitcast3A_253, 0 {pack_format = #tpu.pack_format<interleaved>} : vector<32xbf16> -> vector<16xf32>
      %unpack3A_255 = tpu.unpack_subelements %bitcast3A_253, 1 {pack_format = #tpu.pack_format<interleaved>} : vector<32xbf16> -> vector<16xf32>
      %mul3A_256 = vector.broadcast %squeeze3A : f32 to vector<16xf32>
      %mul3A_257 = arith.mulf %mul3A_256, %unpack3A_254 : vector<16xf32>
      %add3A_258 = arith.addf %broadcast_in_dim3A_247, %mul3A_257 : vector<16xf32>
      %mul3A_259 = vector.broadcast %squeeze3A : f32 to vector<16xf32>
      %mul3A_260 = arith.mulf %mul3A_259, %unpack3A_255 : vector<16xf32>
      %add3A_261 = arith.addf %broadcast_in_dim3A_249, %mul3A_260 : vector<16xf32>
      %get3A_262 = arith.index_cast %scan3A_180 : i32 to index
      %get3A_263 = arith.constant 80 : index
      %get3A_264 = tpu.vector_load %arg15[%get3A_262, %get3A_263] {strides = array<i32>} : memref<48x256xi32, #tpu.memory_space<vmem>>, vector<16xi32>,
      %bitcast3A_265 = vector.bitcast %get3A_264 : vector<16xi32> to vector<32xbf16>
      %unpack3A_266 = tpu.unpack_subelements %bitcast3A_265, 0 {pack_format = #tpu.pack_format<interleaved>} : vector<32xbf16> -> vector<16xf32>
      %unpack3A_267 = tpu.unpack_subelements %bitcast3A_265, 1 {pack_format = #tpu.pack_format<interleaved>} : vector<32xbf16> -> vector<16xf32>
      %mul3A_268 = vector.broadcast %squeeze3A_186 : f32 to vector<16xf32>
      %mul3A_269 = arith.mulf %mul3A_268, %unpack3A_266 : vector<16xf32>
      %add3A_270 = arith.addf %add3A_258, %mul3A_269 : vector<16xf32>
      %mul3A_271 = vector.broadcast %squeeze3A_186 : f32 to vector<16xf32>
      %mul3A_272 = arith.mulf %mul3A_271, %unpack3A_267 : vector<16xf32>
      %add3A_273 = arith.addf %add3A_261, %mul3A_272 : vector<16xf32>
      %get3A_274 = arith.index_cast %scan3A_180 : i32 to index
      %get3A_275 = arith.constant 144 : index
      %get3A_276 = tpu.vector_load %arg15[%get3A_274, %get3A_275] {strides = array<i32>} : memref<48x256xi32, #tpu.memory_space<vmem>>, vector<16xi32>,
      %bitcast3A_277 = vector.bitcast %get3A_276 : vector<16xi32> to vector<32xbf16>
      %unpack3A_278 = tpu.unpack_subelements %bitcast3A_277, 0 {pack_format = #tpu.pack_format<interleaved>} : vector<32xbf16> -> vector<16xf32>
      %unpack3A_279 = tpu.unpack_subelements %bitcast3A_277, 1 {pack_format = #tpu.pack_format<interleaved>} : vector<32xbf16> -> vector<16xf32>
      %mul3A_280 = vector.broadcast %squeeze3A_188 : f32 to vector<16xf32>
      %mul3A_281 = arith.mulf %mul3A_280, %unpack3A_278 : vector<16xf32>
      %add3A_282 = arith.addf %add3A_270, %mul3A_281 : vector<16xf32>
      %mul3A_283 = vector.broadcast %squeeze3A_188 : f32 to vector<16xf32>
      %mul3A_284 = arith.mulf %mul3A_283, %unpack3A_279 : vector<16xf32>
      %add3A_285 = arith.addf %add3A_273, %mul3A_284 : vector<16xf32>
      %get3A_286 = arith.index_cast %scan3A_180 : i32 to index
      %get3A_287 = arith.constant 208 : index
      %get3A_288 = tpu.vector_load %arg15[%get3A_286, %get3A_287] {strides = array<i32>} : memref<48x256xi32, #tpu.memory_space<vmem>>, vector<16xi32>,
      %bitcast3A_289 = vector.bitcast %get3A_288 : vector<16xi32> to vector<32xbf16>
      %unpack3A_290 = tpu.unpack_subelements %bitcast3A_289, 0 {pack_format = #tpu.pack_format<interleaved>} : vector<32xbf16> -> vector<16xf32>
      %unpack3A_291 = tpu.unpack_subelements %bitcast3A_289, 1 {pack_format = #tpu.pack_format<interleaved>} : vector<32xbf16> -> vector<16xf32>
      %mul3A_292 = vector.broadcast %squeeze3A_190 : f32 to vector<16xf32>
      %mul3A_293 = arith.mulf %mul3A_292, %unpack3A_290 : vector<16xf32>
      %add3A_294 = arith.addf %add3A_282, %mul3A_293 : vector<16xf32>
      %mul3A_295 = vector.broadcast %squeeze3A_190 : f32 to vector<16xf32>
      %mul3A_296 = arith.mulf %mul3A_295, %unpack3A_291 : vector<16xf32>
      %add3A_297 = arith.addf %add3A_285, %mul3A_296 : vector<16xf32>
      %swap3A_298 = arith.index_cast %scan3A_180 : i32 to index
      %swap3A_299 = arith.constant 32 : index
      %swap3A_300 = tpu.vector_load %arg19[%swap3A_298, %swap3A_299] {strides = array<i32>} : memref<48x128xf32, #tpu.memory_space<vmem>>, vector<16xf32>,
      tpu.vector_store %arg19[%swap3A_298, %swap3A_299], %add3A_294 {strides = array<i32>} : memref<48x128xf32, #tpu.memory_space<vmem>>, vector<16xf32>,
      %swap3A_301 = arith.index_cast %scan3A_180 : i32 to index
      %swap3A_302 = arith.constant 48 : index
      %swap3A_303 = tpu.vector_load %arg19[%swap3A_301, %swap3A_302] {strides = array<i32>} : memref<48x128xf32, #tpu.memory_space<vmem>>, vector<16xf32>,
      tpu.vector_store %arg19[%swap3A_301, %swap3A_302], %add3A_297 {strides = array<i32>} : memref<48x128xf32, #tpu.memory_space<vmem>>, vector<16xf32>,
      %broadcast_in_dim3A_304 = arith.constant 0.000000e+00 : f32
      %broadcast_in_dim3A_305 = vector.broadcast %broadcast_in_dim3A_304 : f32 to vector<16xf32>
      %broadcast_in_dim3A_306 = arith.constant 0.000000e+00 : f32
      %broadcast_in_dim3A_307 = vector.broadcast %broadcast_in_dim3A_306 : f32 to vector<16xf32>
      %get3A_308 = arith.index_cast %scan3A_180 : i32 to index
      %get3A_309 = arith.constant 32 : index
      %get3A_310 = tpu.vector_load %arg15[%get3A_308, %get3A_309] {strides = array<i32>} : memref<48x256xi32, #tpu.memory_space<vmem>>, vector<16xi32>,
      %bitcast3A_311 = vector.bitcast %get3A_310 : vector<16xi32> to vector<32xbf16>
      %unpack3A_312 = tpu.unpack_subelements %bitcast3A_311, 0 {pack_format = #tpu.pack_format<interleaved>} : vector<32xbf16> -> vector<16xf32>
      %unpack3A_313 = tpu.unpack_subelements %bitcast3A_311, 1 {pack_format = #tpu.pack_format<interleaved>} : vector<32xbf16> -> vector<16xf32>
      %mul3A_314 = vector.broadcast %squeeze3A : f32 to vector<16xf32>
      %mul3A_315 = arith.mulf %mul3A_314, %unpack3A_312 : vector<16xf32>
      %add3A_316 = arith.addf %broadcast_in_dim3A_305, %mul3A_315 : vector<16xf32>
      %mul3A_317 = vector.broadcast %squeeze3A : f32 to vector<16xf32>
      %mul3A_318 = arith.mulf %mul3A_317, %unpack3A_313 : vector<16xf32>
      %add3A_319 = arith.addf %broadcast_in_dim3A_307, %mul3A_318 : vector<16xf32>
      %get3A_320 = arith.index_cast %scan3A_180 : i32 to index
      %get3A_321 = arith.constant 96 : index
      %get3A_322 = tpu.vector_load %arg15[%get3A_320, %get3A_321] {strides = array<i32>} : memref<48x256xi32, #tpu.memory_space<vmem>>, vector<16xi32>,
      %bitcast3A_323 = vector.bitcast %get3A_322 : vector<16xi32> to vector<32xbf16>
      %unpack3A_324 = tpu.unpack_subelements %bitcast3A_323, 0 {pack_format = #tpu.pack_format<interleaved>} : vector<32xbf16> -> vector<16xf32>
      %unpack3A_325 = tpu.unpack_subelements %bitcast3A_323, 1 {pack_format = #tpu.pack_format<interleaved>} : vector<32xbf16> -> vector<16xf32>
      %mul3A_326 = vector.broadcast %squeeze3A_186 : f32 to vector<16xf32>
      %mul3A_327 = arith.mulf %mul3A_326, %unpack3A_324 : vector<16xf32>
      %add3A_328 = arith.addf %add3A_316, %mul3A_327 : vector<16xf32>
      %mul3A_329 = vector.broadcast %squeeze3A_186 : f32 to vector<16xf32>
      %mul3A_330 = arith.mulf %mul3A_329, %unpack3A_325 : vector<16xf32>
      %add3A_331 = arith.addf %add3A_319, %mul3A_330 : vector<16xf32>
      %get3A_332 = arith.index_cast %scan3A_180 : i32 to index
      %get3A_333 = arith.constant 160 : index
      %get3A_334 = tpu.vector_load %arg15[%get3A_332, %get3A_333] {strides = array<i32>} : memref<48x256xi32, #tpu.memory_space<vmem>>, vector<16xi32>,
      %bitcast3A_335 = vector.bitcast %get3A_334 : vector<16xi32> to vector<32xbf16>
      %unpack3A_336 = tpu.unpack_subelements %bitcast3A_335, 0 {pack_format = #tpu.pack_format<interleaved>} : vector<32xbf16> -> vector<16xf32>
      %unpack3A_337 = tpu.unpack_subelements %bitcast3A_335, 1 {pack_format = #tpu.pack_format<interleaved>} : vector<32xbf16> -> vector<16xf32>
      %mul3A_338 = vector.broadcast %squeeze3A_188 : f32 to vector<16xf32>
      %mul3A_339 = arith.mulf %mul3A_338, %unpack3A_336 : vector<16xf32>
      %add3A_340 = arith.addf %add3A_328, %mul3A_339 : vector<16xf32>
      %mul3A_341 = vector.broadcast %squeeze3A_188 : f32 to vector<16xf32>
      %mul3A_342 = arith.mulf %mul3A_341, %unpack3A_337 : vector<16xf32>
      %add3A_343 = arith.addf %add3A_331, %mul3A_342 : vector<16xf32>
      %get3A_344 = arith.index_cast %scan3A_180 : i32 to index
      %get3A_345 = arith.constant 224 : index
      %get3A_346 = tpu.vector_load %arg15[%get3A_344, %get3A_345] {strides = array<i32>} : memref<48x256xi32, #tpu.memory_space<vmem>>, vector<16xi32>,
      %bitcast3A_347 = vector.bitcast %get3A_346 : vector<16xi32> to vector<32xbf16>
      %unpack3A_348 = tpu.unpack_subelements %bitcast3A_347, 0 {pack_format = #tpu.pack_format<interleaved>} : vector<32xbf16> -> vector<16xf32>
      %unpack3A_349 = tpu.unpack_subelements %bitcast3A_347, 1 {pack_format = #tpu.pack_format<interleaved>} : vector<32xbf16> -> vector<16xf32>
      %mul3A_350 = vector.broadcast %squeeze3A_190 : f32 to vector<16xf32>
      %mul3A_351 = arith.mulf %mul3A_350, %unpack3A_348 : vector<16xf32>
      %add3A_352 = arith.addf %add3A_340, %mul3A_351 : vector<16xf32>
      %mul3A_353 = vector.broadcast %squeeze3A_190 : f32 to vector<16xf32>
      %mul3A_354 = arith.mulf %mul3A_353, %unpack3A_349 : vector<16xf32>
      %add3A_355 = arith.addf %add3A_343, %mul3A_354 : vector<16xf32>
      %swap3A_356 = arith.index_cast %scan3A_180 : i32 to index
      %swap3A_357 = arith.constant 64 : index
      %swap3A_358 = tpu.vector_load %arg19[%swap3A_356, %swap3A_357] {strides = array<i32>} : memref<48x128xf32, #tpu.memory_space<vmem>>, vector<16xf32>,
      tpu.vector_store %arg19[%swap3A_356, %swap3A_357], %add3A_352 {strides = array<i32>} : memref<48x128xf32, #tpu.memory_space<vmem>>, vector<16xf32>,
      %swap3A_359 = arith.index_cast %scan3A_180 : i32 to index
      %swap3A_360 = arith.constant 80 : index
      %swap3A_361 = tpu.vector_load %arg19[%swap3A_359, %swap3A_360] {strides = array<i32>} : memref<48x128xf32, #tpu.memory_space<vmem>>, vector<16xf32>,
      tpu.vector_store %arg19[%swap3A_359, %swap3A_360], %add3A_355 {strides = array<i32>} : memref<48x128xf32, #tpu.memory_space<vmem>>, vector<16xf32>,
      %broadcast_in_dim3A_362 = arith.constant 0.000000e+00 : f32
      %broadcast_in_dim3A_363 = vector.broadcast %broadcast_in_dim3A_362 : f32 to vector<16xf32>
      %broadcast_in_dim3A_364 = arith.constant 0.000000e+00 : f32
      %broadcast_in_dim3A_365 = vector.broadcast %broadcast_in_dim3A_364 : f32 to vector<16xf32>
      %get3A_366 = arith.index_cast %scan3A_180 : i32 to index
      %get3A_367 = arith.constant 48 : index
      %get3A_368 = tpu.vector_load %arg15[%get3A_366, %get3A_367] {strides = array<i32>} : memref<48x256xi32, #tpu.memory_space<vmem>>, vector<16xi32>,
      %bitcast3A_369 = vector.bitcast %get3A_368 : vector<16xi32> to vector<32xbf16>
      %unpack3A_370 = tpu.unpack_subelements %bitcast3A_369, 0 {pack_format = #tpu.pack_format<interleaved>} : vector<32xbf16> -> vector<16xf32>
      %unpack3A_371 = tpu.unpack_subelements %bitcast3A_369, 1 {pack_format = #tpu.pack_format<interleaved>} : vector<32xbf16> -> vector<16xf32>
      %mul3A_372 = vector.broadcast %squeeze3A : f32 to vector<16xf32>
      %mul3A_373 = arith.mulf %mul3A_372, %unpack3A_370 : vector<16xf32>
      %add3A_374 = arith.addf %broadcast_in_dim3A_363, %mul3A_373 : vector<16xf32>
      %mul3A_375 = vector.broadcast %squeeze3A : f32 to vector<16xf32>
      %mul3A_376 = arith.mulf %mul3A_375, %unpack3A_371 : vector<16xf32>
      %add3A_377 = arith.addf %broadcast_in_dim3A_365, %mul3A_376 : vector<16xf32>
      %get3A_378 = arith.index_cast %scan3A_180 : i32 to index
      %get3A_379 = arith.constant 112 : index
      %get3A_380 = tpu.vector_load %arg15[%get3A_378, %get3A_379] {strides = array<i32>} : memref<48x256xi32, #tpu.memory_space<vmem>>, vector<16xi32>,
      %bitcast3A_381 = vector.bitcast %get3A_380 : vector<16xi32> to vector<32xbf16>
      %unpack3A_382 = tpu.unpack_subelements %bitcast3A_381, 0 {pack_format = #tpu.pack_format<interleaved>} : vector<32xbf16> -> vector<16xf32>
      %unpack3A_383 = tpu.unpack_subelements %bitcast3A_381, 1 {pack_format = #tpu.pack_format<interleaved>} : vector<32xbf16> -> vector<16xf32>
      %mul3A_384 = vector.broadcast %squeeze3A_186 : f32 to vector<16xf32>
      %mul3A_385 = arith.mulf %mul3A_384, %unpack3A_382 : vector<16xf32>
      %add3A_386 = arith.addf %add3A_374, %mul3A_385 : vector<16xf32>
      %mul3A_387 = vector.broadcast %squeeze3A_186 : f32 to vector<16xf32>
      %mul3A_388 = arith.mulf %mul3A_387, %unpack3A_383 : vector<16xf32>
      %add3A_389 = arith.addf %add3A_377, %mul3A_388 : vector<16xf32>
      %get3A_390 = arith.index_cast %scan3A_180 : i32 to index
      %get3A_391 = arith.constant 176 : index
      %get3A_392 = tpu.vector_load %arg15[%get3A_390, %get3A_391] {strides = array<i32>} : memref<48x256xi32, #tpu.memory_space<vmem>>, vector<16xi32>,
      %bitcast3A_393 = vector.bitcast %get3A_392 : vector<16xi32> to vector<32xbf16>
      %unpack3A_394 = tpu.unpack_subelements %bitcast3A_393, 0 {pack_format = #tpu.pack_format<interleaved>} : vector<32xbf16> -> vector<16xf32>
      %unpack3A_395 = tpu.unpack_subelements %bitcast3A_393, 1 {pack_format = #tpu.pack_format<interleaved>} : vector<32xbf16> -> vector<16xf32>
      %mul3A_396 = vector.broadcast %squeeze3A_188 : f32 to vector<16xf32>
      %mul3A_397 = arith.mulf %mul3A_396, %unpack3A_394 : vector<16xf32>
      %add3A_398 = arith.addf %add3A_386, %mul3A_397 : vector<16xf32>
      %mul3A_399 = vector.broadcast %squeeze3A_188 : f32 to vector<16xf32>
      %mul3A_400 = arith.mulf %mul3A_399, %unpack3A_395 : vector<16xf32>
      %add3A_401 = arith.addf %add3A_389, %mul3A_400 : vector<16xf32>
      %get3A_402 = arith.index_cast %scan3A_180 : i32 to index
      %get3A_403 = arith.constant 240 : index
      %get3A_404 = tpu.vector_load %arg15[%get3A_402, %get3A_403] {strides = array<i32>} : memref<48x256xi32, #tpu.memory_space<vmem>>, vector<16xi32>,
      %bitcast3A_405 = vector.bitcast %get3A_404 : vector<16xi32> to vector<32xbf16>
      %unpack3A_406 = tpu.unpack_subelements %bitcast3A_405, 0 {pack_format = #tpu.pack_format<interleaved>} : vector<32xbf16> -> vector<16xf32>
      %unpack3A_407 = tpu.unpack_subelements %bitcast3A_405, 1 {pack_format = #tpu.pack_format<interleaved>} : vector<32xbf16> -> vector<16xf32>
      %mul3A_408 = vector.broadcast %squeeze3A_190 : f32 to vector<16xf32>
      %mul3A_409 = arith.mulf %mul3A_408, %unpack3A_406 : vector<16xf32>
      %add3A_410 = arith.addf %add3A_398, %mul3A_409 : vector<16xf32>
      %mul3A_411 = vector.broadcast %squeeze3A_190 : f32 to vector<16xf32>
      %mul3A_412 = arith.mulf %mul3A_411, %unpack3A_407 : vector<16xf32>
      %add3A_413 = arith.addf %add3A_401, %mul3A_412 : vector<16xf32>
      %swap3A_414 = arith.index_cast %scan3A_180 : i32 to index
      %swap3A_415 = arith.constant 96 : index
      %swap3A_416 = tpu.vector_load %arg19[%swap3A_414, %swap3A_415] {strides = array<i32>} : memref<48x128xf32, #tpu.memory_space<vmem>>, vector<16xf32>,
      tpu.vector_store %arg19[%swap3A_414, %swap3A_415], %add3A_410 {strides = array<i32>} : memref<48x128xf32, #tpu.memory_space<vmem>>, vector<16xf32>,
      %swap3A_417 = arith.index_cast %scan3A_180 : i32 to index
      %swap3A_418 = arith.constant 112 : index
      %swap3A_419 = tpu.vector_load %arg19[%swap3A_417, %swap3A_418] {strides = array<i32>} : memref<48x128xf32, #tpu.memory_space<vmem>>, vector<16xf32>,
      tpu.vector_store %arg19[%swap3A_417, %swap3A_418], %add3A_413 {strides = array<i32>} : memref<48x128xf32, #tpu.memory_space<vmem>>, vector<16xf32>,
      %scan3A_420 = arith.constant 1 : i32
      %scan3A_421 = arith.addi %scan3A_180, %scan3A_420 : i32
      %mul3A_422 = arith.constant 16 : i32
      %mul3A_423 = arith.muli %scan3A_421, %mul3A_422 : i32
      %get3A_424 = arith.index_cast %mul3A_423 : i32 to index
      %get3A_425 = tpu.vector_load %arg17[%get3A_424] {strides = array<i32>} : memref<768xf32, #tpu.memory_space<vmem>>, vector<16xf32>,
      %slice3A_426 = vector.extract_strided_slice %get3A_425 {offsets = [0], sizes = [1], strides = [1]} : vector<16xf32> to vector<1xf32>
      %squeeze3A_427 = vector.extract %slice3A_426[0] : f32 from vector<1xf32>
      %slice3A_428 = vector.extract_strided_slice %get3A_425 {offsets = [1], sizes = [1], strides = [1]} : vector<16xf32> to vector<1xf32>
      %squeeze3A_429 = vector.extract %slice3A_428[0] : f32 from vector<1xf32>
      %slice3A_430 = vector.extract_strided_slice %get3A_425 {offsets = [2], sizes = [1], strides = [1]} : vector<16xf32> to vector<1xf32>
      %squeeze3A_431 = vector.extract %slice3A_430[0] : f32 from vector<1xf32>
      %slice3A_432 = vector.extract_strided_slice %get3A_425 {offsets = [3], sizes = [1], strides = [1]} : vector<16xf32> to vector<1xf32>
      %squeeze3A_433 = vector.extract %slice3A_432[0] : f32 from vector<1xf32>
      %broadcast_in_dim3A_434 = arith.constant 0.000000e+00 : f32
      %broadcast_in_dim3A_435 = vector.broadcast %broadcast_in_dim3A_434 : f32 to vector<16xf32>
      %broadcast_in_dim3A_436 = arith.constant 0.000000e+00 : f32
      %broadcast_in_dim3A_437 = vector.broadcast %broadcast_in_dim3A_436 : f32 to vector<16xf32>
      %get3A_438 = arith.index_cast %scan3A_421 : i32 to index
      %get3A_439 = arith.constant 0 : index
      %get3A_440 = tpu.vector_load %arg15[%get3A_438, %get3A_439] {strides = array<i32>} : memref<48x256xi32, #tpu.memory_space<vmem>>, vector<16xi32>,
      %bitcast3A_441 = vector.bitcast %get3A_440 : vector<16xi32> to vector<32xbf16>
      %unpack3A_442 = tpu.unpack_subelements %bitcast3A_441, 0 {pack_format = #tpu.pack_format<interleaved>} : vector<32xbf16> -> vector<16xf32>
      %unpack3A_443 = tpu.unpack_subelements %bitcast3A_441, 1 {pack_format = #tpu.pack_format<interleaved>} : vector<32xbf16> -> vector<16xf32>
      %mul3A_444 = vector.broadcast %squeeze3A_427 : f32 to vector<16xf32>
      %mul3A_445 = arith.mulf %mul3A_444, %unpack3A_442 : vector<16xf32>
      %add3A_446 = arith.addf %broadcast_in_dim3A_435, %mul3A_445 : vector<16xf32>
      %mul3A_447 = vector.broadcast %squeeze3A_427 : f32 to vector<16xf32>
      %mul3A_448 = arith.mulf %mul3A_447, %unpack3A_443 : vector<16xf32>
      %add3A_449 = arith.addf %broadcast_in_dim3A_437, %mul3A_448 : vector<16xf32>
      %get3A_450 = arith.index_cast %scan3A_421 : i32 to index
      %get3A_451 = arith.constant 64 : index
      %get3A_452 = tpu.vector_load %arg15[%get3A_450, %get3A_451] {strides = array<i32>} : memref<48x256xi32, #tpu.memory_space<vmem>>, vector<16xi32>,
      %bitcast3A_453 = vector.bitcast %get3A_452 : vector<16xi32> to vector<32xbf16>
      %unpack3A_454 = tpu.unpack_subelements %bitcast3A_453, 0 {pack_format = #tpu.pack_format<interleaved>} : vector<32xbf16> -> vector<16xf32>
      %unpack3A_455 = tpu.unpack_subelements %bitcast3A_453, 1 {pack_format = #tpu.pack_format<interleaved>} : vector<32xbf16> -> vector<16xf32>
      %mul3A_456 = vector.broadcast %squeeze3A_429 : f32 to vector<16xf32>
      %mul3A_457 = arith.mulf %mul3A_456, %unpack3A_454 : vector<16xf32>
      %add3A_458 = arith.addf %add3A_446, %mul3A_457 : vector<16xf32>
      %mul3A_459 = vector.broadcast %squeeze3A_429 : f32 to vector<16xf32>
      %mul3A_460 = arith.mulf %mul3A_459, %unpack3A_455 : vector<16xf32>
      %add3A_461 = arith.addf %add3A_449, %mul3A_460 : vector<16xf32>
      %get3A_462 = arith.index_cast %scan3A_421 : i32 to index
      %get3A_463 = arith.constant 128 : index
      %get3A_464 = tpu.vector_load %arg15[%get3A_462, %get3A_463] {strides = array<i32>} : memref<48x256xi32, #tpu.memory_space<vmem>>, vector<16xi32>,
      %bitcast3A_465 = vector.bitcast %get3A_464 : vector<16xi32> to vector<32xbf16>
      %unpack3A_466 = tpu.unpack_subelements %bitcast3A_465, 0 {pack_format = #tpu.pack_format<interleaved>} : vector<32xbf16> -> vector<16xf32>
      %unpack3A_467 = tpu.unpack_subelements %bitcast3A_465, 1 {pack_format = #tpu.pack_format<interleaved>} : vector<32xbf16> -> vector<16xf32>
      %mul3A_468 = vector.broadcast %squeeze3A_431 : f32 to vector<16xf32>
      %mul3A_469 = arith.mulf %mul3A_468, %unpack3A_466 : vector<16xf32>
      %add3A_470 = arith.addf %add3A_458, %mul3A_469 : vector<16xf32>
      %mul3A_471 = vector.broadcast %squeeze3A_431 : f32 to vector<16xf32>
      %mul3A_472 = arith.mulf %mul3A_471, %unpack3A_467 : vector<16xf32>
      %add3A_473 = arith.addf %add3A_461, %mul3A_472 : vector<16xf32>
      %get3A_474 = arith.index_cast %scan3A_421 : i32 to index
      %get3A_475 = arith.constant 192 : index
      %get3A_476 = tpu.vector_load %arg15[%get3A_474, %get3A_475] {strides = array<i32>} : memref<48x256xi32, #tpu.memory_space<vmem>>, vector<16xi32>,
      %bitcast3A_477 = vector.bitcast %get3A_476 : vector<16xi32> to vector<32xbf16>
      %unpack3A_478 = tpu.unpack_subelements %bitcast3A_477, 0 {pack_format = #tpu.pack_format<interleaved>} : vector<32xbf16> -> vector<16xf32>
      %unpack3A_479 = tpu.unpack_subelements %bitcast3A_477, 1 {pack_format = #tpu.pack_format<interleaved>} : vector<32xbf16> -> vector<16xf32>
      %mul3A_480 = vector.broadcast %squeeze3A_433 : f32 to vector<16xf32>
      %mul3A_481 = arith.mulf %mul3A_480, %unpack3A_478 : vector<16xf32>
      %add3A_482 = arith.addf %add3A_470, %mul3A_481 : vector<16xf32>
      %mul3A_483 = vector.broadcast %squeeze3A_433 : f32 to vector<16xf32>
      %mul3A_484 = arith.mulf %mul3A_483, %unpack3A_479 : vector<16xf32>
      %add3A_485 = arith.addf %add3A_473, %mul3A_484 : vector<16xf32>
      %swap3A_486 = arith.index_cast %scan3A_421 : i32 to index
      %swap3A_487 = arith.constant 0 : index
      %swap3A_488 = tpu.vector_load %arg19[%swap3A_486, %swap3A_487] {strides = array<i32>} : memref<48x128xf32, #tpu.memory_space<vmem>>, vector<16xf32>,
      tpu.vector_store %arg19[%swap3A_486, %swap3A_487], %add3A_482 {strides = array<i32>} : memref<48x128xf32, #tpu.memory_space<vmem>>, vector<16xf32>,
      %swap3A_489 = arith.index_cast %scan3A_421 : i32 to index
      %swap3A_490 = arith.constant 16 : index
      %swap3A_491 = tpu.vector_load %arg19[%swap3A_489, %swap3A_490] {strides = array<i32>} : memref<48x128xf32, #tpu.memory_space<vmem>>, vector<16xf32>,
      tpu.vector_store %arg19[%swap3A_489, %swap3A_490], %add3A_485 {strides = array<i32>} : memref<48x128xf32, #tpu.memory_space<vmem>>, vector<16xf32>,
      %broadcast_in_dim3A_492 = arith.constant 0.000000e+00 : f32
      %broadcast_in_dim3A_493 = vector.broadcast %broadcast_in_dim3A_492 : f32 to vector<16xf32>
      %broadcast_in_dim3A_494 = arith.constant 0.000000e+00 : f32
      %broadcast_in_dim3A_495 = vector.broadcast %broadcast_in_dim3A_494 : f32 to vector<16xf32>
      %get3A_496 = arith.index_cast %scan3A_421 : i32 to index
      %get3A_497 = arith.constant 16 : index
      %get3A_498 = tpu.vector_load %arg15[%get3A_496, %get3A_497] {strides = array<i32>} : memref<48x256xi32, #tpu.memory_space<vmem>>, vector<16xi32>,
      %bitcast3A_499 = vector.bitcast %get3A_498 : vector<16xi32> to vector<32xbf16>
      %unpack3A_500 = tpu.unpack_subelements %bitcast3A_499, 0 {pack_format = #tpu.pack_format<interleaved>} : vector<32xbf16> -> vector<16xf32>
      %unpack3A_501 = tpu.unpack_subelements %bitcast3A_499, 1 {pack_format = #tpu.pack_format<interleaved>} : vector<32xbf16> -> vector<16xf32>
      %mul3A_502 = vector.broadcast %squeeze3A_427 : f32 to vector<16xf32>
      %mul3A_503 = arith.mulf %mul3A_502, %unpack3A_500 : vector<16xf32>
      %add3A_504 = arith.addf %broadcast_in_dim3A_493, %mul3A_503 : vector<16xf32>
      %mul3A_505 = vector.broadcast %squeeze3A_427 : f32 to vector<16xf32>
      %mul3A_506 = arith.mulf %mul3A_505, %unpack3A_501 : vector<16xf32>
      %add3A_507 = arith.addf %broadcast_in_dim3A_495, %mul3A_506 : vector<16xf32>
      %get3A_508 = arith.index_cast %scan3A_421 : i32 to index
      %get3A_509 = arith.constant 80 : index
      %get3A_510 = tpu.vector_load %arg15[%get3A_508, %get3A_509] {strides = array<i32>} : memref<48x256xi32, #tpu.memory_space<vmem>>, vector<16xi32>,
      %bitcast3A_511 = vector.bitcast %get3A_510 : vector<16xi32> to vector<32xbf16>
      %unpack3A_512 = tpu.unpack_subelements %bitcast3A_511, 0 {pack_format = #tpu.pack_format<interleaved>} : vector<32xbf16> -> vector<16xf32>
      %unpack3A_513 = tpu.unpack_subelements %bitcast3A_511, 1 {pack_format = #tpu.pack_format<interleaved>} : vector<32xbf16> -> vector<16xf32>
      %mul3A_514 = vector.broadcast %squeeze3A_429 : f32 to vector<16xf32>
      %mul3A_515 = arith.mulf %mul3A_514, %unpack3A_512 : vector<16xf32>
      %add3A_516 = arith.addf %add3A_504, %mul3A_515 : vector<16xf32>
      %mul3A_517 = vector.broadcast %squeeze3A_429 : f32 to vector<16xf32>
      %mul3A_518 = arith.mulf %mul3A_517, %unpack3A_513 : vector<16xf32>
      %add3A_519 = arith.addf %add3A_507, %mul3A_518 : vector<16xf32>
      %get3A_520 = arith.index_cast %scan3A_421 : i32 to index
      %get3A_521 = arith.constant 144 : index
      %get3A_522 = tpu.vector_load %arg15[%get3A_520, %get3A_521] {strides = array<i32>} : memref<48x256xi32, #tpu.memory_space<vmem>>, vector<16xi32>,
      %bitcast3A_523 = vector.bitcast %get3A_522 : vector<16xi32> to vector<32xbf16>
      %unpack3A_524 = tpu.unpack_subelements %bitcast3A_523, 0 {pack_format = #tpu.pack_format<interleaved>} : vector<32xbf16> -> vector<16xf32>
      %unpack3A_525 = tpu.unpack_subelements %bitcast3A_523, 1 {pack_format = #tpu.pack_format<interleaved>} : vector<32xbf16> -> vector<16xf32>
      %mul3A_526 = vector.broadcast %squeeze3A_431 : f32 to vector<16xf32>
      %mul3A_527 = arith.mulf %mul3A_526, %unpack3A_524 : vector<16xf32>
      %add3A_528 = arith.addf %add3A_516, %mul3A_527 : vector<16xf32>
      %mul3A_529 = vector.broadcast %squeeze3A_431 : f32 to vector<16xf32>
      %mul3A_530 = arith.mulf %mul3A_529, %unpack3A_525 : vector<16xf32>
      %add3A_531 = arith.addf %add3A_519, %mul3A_530 : vector<16xf32>
      %get3A_532 = arith.index_cast %scan3A_421 : i32 to index
      %get3A_533 = arith.constant 208 : index
      %get3A_534 = tpu.vector_load %arg15[%get3A_532, %get3A_533] {strides = array<i32>} : memref<48x256xi32, #tpu.memory_space<vmem>>, vector<16xi32>,
      %bitcast3A_535 = vector.bitcast %get3A_534 : vector<16xi32> to vector<32xbf16>
      %unpack3A_536 = tpu.unpack_subelements %bitcast3A_535, 0 {pack_format = #tpu.pack_format<interleaved>} : vector<32xbf16> -> vector<16xf32>
      %unpack3A_537 = tpu.unpack_subelements %bitcast3A_535, 1 {pack_format = #tpu.pack_format<interleaved>} : vector<32xbf16> -> vector<16xf32>
      %mul3A_538 = vector.broadcast %squeeze3A_433 : f32 to vector<16xf32>
      %mul3A_539 = arith.mulf %mul3A_538, %unpack3A_536 : vector<16xf32>
      %add3A_540 = arith.addf %add3A_528, %mul3A_539 : vector<16xf32>
      %mul3A_541 = vector.broadcast %squeeze3A_433 : f32 to vector<16xf32>
      %mul3A_542 = arith.mulf %mul3A_541, %unpack3A_537 : vector<16xf32>
      %add3A_543 = arith.addf %add3A_531, %mul3A_542 : vector<16xf32>
      %swap3A_544 = arith.index_cast %scan3A_421 : i32 to index
      %swap3A_545 = arith.constant 32 : index
      %swap3A_546 = tpu.vector_load %arg19[%swap3A_544, %swap3A_545] {strides = array<i32>} : memref<48x128xf32, #tpu.memory_space<vmem>>, vector<16xf32>,
      tpu.vector_store %arg19[%swap3A_544, %swap3A_545], %add3A_540 {strides = array<i32>} : memref<48x128xf32, #tpu.memory_space<vmem>>, vector<16xf32>,
      %swap3A_547 = arith.index_cast %scan3A_421 : i32 to index
      %swap3A_548 = arith.constant 48 : index
      %swap3A_549 = tpu.vector_load %arg19[%swap3A_547, %swap3A_548] {strides = array<i32>} : memref<48x128xf32, #tpu.memory_space<vmem>>, vector<16xf32>,
      tpu.vector_store %arg19[%swap3A_547, %swap3A_548], %add3A_543 {strides = array<i32>} : memref<48x128xf32, #tpu.memory_space<vmem>>, vector<16xf32>,
      %broadcast_in_dim3A_550 = arith.constant 0.000000e+00 : f32
      %broadcast_in_dim3A_551 = vector.broadcast %broadcast_in_dim3A_550 : f32 to vector<16xf32>
      %broadcast_in_dim3A_552 = arith.constant 0.000000e+00 : f32
      %broadcast_in_dim3A_553 = vector.broadcast %broadcast_in_dim3A_552 : f32 to vector<16xf32>
      %get3A_554 = arith.index_cast %scan3A_421 : i32 to index
      %get3A_555 = arith.constant 32 : index
      %get3A_556 = tpu.vector_load %arg15[%get3A_554, %get3A_555] {strides = array<i32>} : memref<48x256xi32, #tpu.memory_space<vmem>>, vector<16xi32>,
      %bitcast3A_557 = vector.bitcast %get3A_556 : vector<16xi32> to vector<32xbf16>
      %unpack3A_558 = tpu.unpack_subelements %bitcast3A_557, 0 {pack_format = #tpu.pack_format<interleaved>} : vector<32xbf16> -> vector<16xf32>
      %unpack3A_559 = tpu.unpack_subelements %bitcast3A_557, 1 {pack_format = #tpu.pack_format<interleaved>} : vector<32xbf16> -> vector<16xf32>
      %mul3A_560 = vector.broadcast %squeeze3A_427 : f32 to vector<16xf32>
      %mul3A_561 = arith.mulf %mul3A_560, %unpack3A_558 : vector<16xf32>
      %add3A_562 = arith.addf %broadcast_in_dim3A_551, %mul3A_561 : vector<16xf32>
      %mul3A_563 = vector.broadcast %squeeze3A_427 : f32 to vector<16xf32>
      %mul3A_564 = arith.mulf %mul3A_563, %unpack3A_559 : vector<16xf32>
      %add3A_565 = arith.addf %broadcast_in_dim3A_553, %mul3A_564 : vector<16xf32>
      %get3A_566 = arith.index_cast %scan3A_421 : i32 to index
      %get3A_567 = arith.constant 96 : index
      %get3A_568 = tpu.vector_load %arg15[%get3A_566, %get3A_567] {strides = array<i32>} : memref<48x256xi32, #tpu.memory_space<vmem>>, vector<16xi32>,
      %bitcast3A_569 = vector.bitcast %get3A_568 : vector<16xi32> to vector<32xbf16>
      %unpack3A_570 = tpu.unpack_subelements %bitcast3A_569, 0 {pack_format = #tpu.pack_format<interleaved>} : vector<32xbf16> -> vector<16xf32>
      %unpack3A_571 = tpu.unpack_subelements %bitcast3A_569, 1 {pack_format = #tpu.pack_format<interleaved>} : vector<32xbf16> -> vector<16xf32>
      %mul3A_572 = vector.broadcast %squeeze3A_429 : f32 to vector<16xf32>
      %mul3A_573 = arith.mulf %mul3A_572, %unpack3A_570 : vector<16xf32>
      %add3A_574 = arith.addf %add3A_562, %mul3A_573 : vector<16xf32>
      %mul3A_575 = vector.broadcast %squeeze3A_429 : f32 to vector<16xf32>
      %mul3A_576 = arith.mulf %mul3A_575, %unpack3A_571 : vector<16xf32>
      %add3A_577 = arith.addf %add3A_565, %mul3A_576 : vector<16xf32>
      %get3A_578 = arith.index_cast %scan3A_421 : i32 to index
      %get3A_579 = arith.constant 160 : index
      %get3A_580 = tpu.vector_load %arg15[%get3A_578, %get3A_579] {strides = array<i32>} : memref<48x256xi32, #tpu.memory_space<vmem>>, vector<16xi32>,
      %bitcast3A_581 = vector.bitcast %get3A_580 : vector<16xi32> to vector<32xbf16>
      %unpack3A_582 = tpu.unpack_subelements %bitcast3A_581, 0 {pack_format = #tpu.pack_format<interleaved>} : vector<32xbf16> -> vector<16xf32>
      %unpack3A_583 = tpu.unpack_subelements %bitcast3A_581, 1 {pack_format = #tpu.pack_format<interleaved>} : vector<32xbf16> -> vector<16xf32>
      %mul3A_584 = vector.broadcast %squeeze3A_431 : f32 to vector<16xf32>
      %mul3A_585 = arith.mulf %mul3A_584, %unpack3A_582 : vector<16xf32>
      %add3A_586 = arith.addf %add3A_574, %mul3A_585 : vector<16xf32>
      %mul3A_587 = vector.broadcast %squeeze3A_431 : f32 to vector<16xf32>
      %mul3A_588 = arith.mulf %mul3A_587, %unpack3A_583 : vector<16xf32>
      %add3A_589 = arith.addf %add3A_577, %mul3A_588 : vector<16xf32>
      %get3A_590 = arith.index_cast %scan3A_421 : i32 to index
      %get3A_591 = arith.constant 224 : index
      %get3A_592 = tpu.vector_load %arg15[%get3A_590, %get3A_591] {strides = array<i32>} : memref<48x256xi32, #tpu.memory_space<vmem>>, vector<16xi32>,
      %bitcast3A_593 = vector.bitcast %get3A_592 : vector<16xi32> to vector<32xbf16>
      %unpack3A_594 = tpu.unpack_subelements %bitcast3A_593, 0 {pack_format = #tpu.pack_format<interleaved>} : vector<32xbf16> -> vector<16xf32>
      %unpack3A_595 = tpu.unpack_subelements %bitcast3A_593, 1 {pack_format = #tpu.pack_format<interleaved>} : vector<32xbf16> -> vector<16xf32>
      %mul3A_596 = vector.broadcast %squeeze3A_433 : f32 to vector<16xf32>
      %mul3A_597 = arith.mulf %mul3A_596, %unpack3A_594 : vector<16xf32>
      %add3A_598 = arith.addf %add3A_586, %mul3A_597 : vector<16xf32>
      %mul3A_599 = vector.broadcast %squeeze3A_433 : f32 to vector<16xf32>
      %mul3A_600 = arith.mulf %mul3A_599, %unpack3A_595 : vector<16xf32>
      %add3A_601 = arith.addf %add3A_589, %mul3A_600 : vector<16xf32>
      %swap3A_602 = arith.index_cast %scan3A_421 : i32 to index
      %swap3A_603 = arith.constant 64 : index
      %swap3A_604 = tpu.vector_load %arg19[%swap3A_602, %swap3A_603] {strides = array<i32>} : memref<48x128xf32, #tpu.memory_space<vmem>>, vector<16xf32>,
      tpu.vector_store %arg19[%swap3A_602, %swap3A_603], %add3A_598 {strides = array<i32>} : memref<48x128xf32, #tpu.memory_space<vmem>>, vector<16xf32>,
      %swap3A_605 = arith.index_cast %scan3A_421 : i32 to index
      %swap3A_606 = arith.constant 80 : index
      %swap3A_607 = tpu.vector_load %arg19[%swap3A_605, %swap3A_606] {strides = array<i32>} : memref<48x128xf32, #tpu.memory_space<vmem>>, vector<16xf32>,
      tpu.vector_store %arg19[%swap3A_605, %swap3A_606], %add3A_601 {strides = array<i32>} : memref<48x128xf32, #tpu.memory_space<vmem>>, vector<16xf32>,
      %broadcast_in_dim3A_608 = arith.constant 0.000000e+00 : f32
      %broadcast_in_dim3A_609 = vector.broadcast %broadcast_in_dim3A_608 : f32 to vector<16xf32>
      %broadcast_in_dim3A_610 = arith.constant 0.000000e+00 : f32
      %broadcast_in_dim3A_611 = vector.broadcast %broadcast_in_dim3A_610 : f32 to vector<16xf32>
      %get3A_612 = arith.index_cast %scan3A_421 : i32 to index
      %get3A_613 = arith.constant 48 : index
      %get3A_614 = tpu.vector_load %arg15[%get3A_612, %get3A_613] {strides = array<i32>} : memref<48x256xi32, #tpu.memory_space<vmem>>, vector<16xi32>,
      %bitcast3A_615 = vector.bitcast %get3A_614 : vector<16xi32> to vector<32xbf16>
      %unpack3A_616 = tpu.unpack_subelements %bitcast3A_615, 0 {pack_format = #tpu.pack_format<interleaved>} : vector<32xbf16> -> vector<16xf32>
      %unpack3A_617 = tpu.unpack_subelements %bitcast3A_615, 1 {pack_format = #tpu.pack_format<interleaved>} : vector<32xbf16> -> vector<16xf32>
      %mul3A_618 = vector.broadcast %squeeze3A_427 : f32 to vector<16xf32>
      %mul3A_619 = arith.mulf %mul3A_618, %unpack3A_616 : vector<16xf32>
      %add3A_620 = arith.addf %broadcast_in_dim3A_609, %mul3A_619 : vector<16xf32>
      %mul3A_621 = vector.broadcast %squeeze3A_427 : f32 to vector<16xf32>
      %mul3A_622 = arith.mulf %mul3A_621, %unpack3A_617 : vector<16xf32>
      %add3A_623 = arith.addf %broadcast_in_dim3A_611, %mul3A_622 : vector<16xf32>
      %get3A_624 = arith.index_cast %scan3A_421 : i32 to index
      %get3A_625 = arith.constant 112 : index
      %get3A_626 = tpu.vector_load %arg15[%get3A_624, %get3A_625] {strides = array<i32>} : memref<48x256xi32, #tpu.memory_space<vmem>>, vector<16xi32>,
      %bitcast3A_627 = vector.bitcast %get3A_626 : vector<16xi32> to vector<32xbf16>
      %unpack3A_628 = tpu.unpack_subelements %bitcast3A_627, 0 {pack_format = #tpu.pack_format<interleaved>} : vector<32xbf16> -> vector<16xf32>
      %unpack3A_629 = tpu.unpack_subelements %bitcast3A_627, 1 {pack_format = #tpu.pack_format<interleaved>} : vector<32xbf16> -> vector<16xf32>
      %mul3A_630 = vector.broadcast %squeeze3A_429 : f32 to vector<16xf32>
      %mul3A_631 = arith.mulf %mul3A_630, %unpack3A_628 : vector<16xf32>
      %add3A_632 = arith.addf %add3A_620, %mul3A_631 : vector<16xf32>
      %mul3A_633 = vector.broadcast %squeeze3A_429 : f32 to vector<16xf32>
      %mul3A_634 = arith.mulf %mul3A_633, %unpack3A_629 : vector<16xf32>
      %add3A_635 = arith.addf %add3A_623, %mul3A_634 : vector<16xf32>
      %get3A_636 = arith.index_cast %scan3A_421 : i32 to index
      %get3A_637 = arith.constant 176 : index
      %get3A_638 = tpu.vector_load %arg15[%get3A_636, %get3A_637] {strides = array<i32>} : memref<48x256xi32, #tpu.memory_space<vmem>>, vector<16xi32>,
      %bitcast3A_639 = vector.bitcast %get3A_638 : vector<16xi32> to vector<32xbf16>
      %unpack3A_640 = tpu.unpack_subelements %bitcast3A_639, 0 {pack_format = #tpu.pack_format<interleaved>} : vector<32xbf16> -> vector<16xf32>
      %unpack3A_641 = tpu.unpack_subelements %bitcast3A_639, 1 {pack_format = #tpu.pack_format<interleaved>} : vector<32xbf16> -> vector<16xf32>
      %mul3A_642 = vector.broadcast %squeeze3A_431 : f32 to vector<16xf32>
      %mul3A_643 = arith.mulf %mul3A_642, %unpack3A_640 : vector<16xf32>
      %add3A_644 = arith.addf %add3A_632, %mul3A_643 : vector<16xf32>
      %mul3A_645 = vector.broadcast %squeeze3A_431 : f32 to vector<16xf32>
      %mul3A_646 = arith.mulf %mul3A_645, %unpack3A_641 : vector<16xf32>
      %add3A_647 = arith.addf %add3A_635, %mul3A_646 : vector<16xf32>
      %get3A_648 = arith.index_cast %scan3A_421 : i32 to index
      %get3A_649 = arith.constant 240 : index
      %get3A_650 = tpu.vector_load %arg15[%get3A_648, %get3A_649] {strides = array<i32>} : memref<48x256xi32, #tpu.memory_space<vmem>>, vector<16xi32>,
      %bitcast3A_651 = vector.bitcast %get3A_650 : vector<16xi32> to vector<32xbf16>
      %unpack3A_652 = tpu.unpack_subelements %bitcast3A_651, 0 {pack_format = #tpu.pack_format<interleaved>} : vector<32xbf16> -> vector<16xf32>
      %unpack3A_653 = tpu.unpack_subelements %bitcast3A_651, 1 {pack_format = #tpu.pack_format<interleaved>} : vector<32xbf16> -> vector<16xf32>
      %mul3A_654 = vector.broadcast %squeeze3A_433 : f32 to vector<16xf32>
      %mul3A_655 = arith.mulf %mul3A_654, %unpack3A_652 : vector<16xf32>
      %add3A_656 = arith.addf %add3A_644, %mul3A_655 : vector<16xf32>
      %mul3A_657 = vector.broadcast %squeeze3A_433 : f32 to vector<16xf32>
      %mul3A_658 = arith.mulf %mul3A_657, %unpack3A_653 : vector<16xf32>
      %add3A_659 = arith.addf %add3A_647, %mul3A_658 : vector<16xf32>
      %swap3A_660 = arith.index_cast %scan3A_421 : i32 to index
      %swap3A_661 = arith.constant 96 : index
      %swap3A_662 = tpu.vector_load %arg19[%swap3A_660, %swap3A_661] {strides = array<i32>} : memref<48x128xf32, #tpu.memory_space<vmem>>, vector<16xf32>,
      tpu.vector_store %arg19[%swap3A_660, %swap3A_661], %add3A_656 {strides = array<i32>} : memref<48x128xf32, #tpu.memory_space<vmem>>, vector<16xf32>,
      %swap3A_663 = arith.index_cast %scan3A_421 : i32 to index
      %swap3A_664 = arith.constant 112 : index
      %swap3A_665 = tpu.vector_load %arg19[%swap3A_663, %swap3A_664] {strides = array<i32>} : memref<48x128xf32, #tpu.memory_space<vmem>>, vector<16xf32>,
      tpu.vector_store %arg19[%swap3A_663, %swap3A_664], %add3A_659 {strides = array<i32>} : memref<48x128xf32, #tpu.memory_space<vmem>>, vector<16xf32>,
    }
    %scan3A_162 = arith.constant 48 : i32
    %dma_start3A_163 = arith.constant 0 : i32
    %dma_start3A_164 = arith.constant 0 : i32
    %dma_start3A_165 = tpu.memref_slice %arg24[%dma_start3A_163, %dma_start3A_164] : memref<10240x128xf32, #tpu.memory_space<vmem_shared>> -> memref<10240x128xf32, #tpu.memory_space<vmem_shared>>
    tpu.enqueue_indirect_dma source(%arg19 : memref<48x128xf32, #tpu.memory_space<vmem>>) target(%dma_start3A_165 : memref<10240x128xf32, #tpu.memory_space<vmem_shared>>) offsets(%arg21 : memref<48xi32, #tpu.memory_space<vmem>>) semaphore(%arg29 : memref<!tpu.dma_semaphore, #tpu.memory_space<semaphore_mem>>) {add = true}
    %dma_wait3A_166 = arith.constant 0 : i32
    %dma_wait3A_167 = arith.constant 0 : i32
    %dma_wait3A_168 = tpu.memref_slice %arg24[%dma_wait3A_166, %dma_wait3A_167] : memref<10240x128xf32, #tpu.memory_space<vmem_shared>> -> memref<10240x128xf32, #tpu.memory_space<vmem_shared>>
    tpu.wait_indirect_dma semaphore(%arg29 : memref<!tpu.dma_semaphore, #tpu.memory_space<semaphore_mem>>) src(%arg19 : memref<48x128xf32, #tpu.memory_space<vmem>>) dst(%dma_wait3A_168 : memref<10240x128xf32, #tpu.memory_space<vmem_shared>>)
    %dma_wait3A_169 = arith.constant 0 : i32
    %dma_wait3A_170 = arith.constant 0 : i32
    %dma_wait3A_171 = tpu.memref_slice %arg24[%dma_wait3A_169, %dma_wait3A_170] : memref<10240x128xf32, #tpu.memory_space<vmem_shared>> -> memref<10240x128xf32, #tpu.memory_space<vmem_shared>>
    tpu.wait_indirect_dma semaphore(%arg30 : memref<!tpu.dma_semaphore, #tpu.memory_space<semaphore_mem>>) src(%arg20 : memref<48x128xf32, #tpu.memory_space<vmem>>) dst(%dma_wait3A_171 : memref<10240x128xf32, #tpu.memory_space<vmem_shared>>)
    %barrier3A_172 = arith.constant 0 : index
    tpu.barrier barrier_id(%barrier3A_172)
    %mul3A_173 = arith.constant 640 : i32
    %mul3A_174 = arith.muli %arg1, %mul3A_173 : i32
    %mul3A_175 = arith.constant 10240 : i32
    %mul3A_176 = arith.muli %arg0, %mul3A_175 : i32
    %mul3A_177 = arith.constant 640 : i32
    %mul3A_178 = arith.muli %arg1, %mul3A_177 : i32
    %add3A_179 = arith.addi %mul3A_176, %mul3A_178 : i32
    "tpu.region"() ({
      %run_scoped3A = tpu.sem_alloc : memref<!tpu.dma_semaphore, #tpu.memory_space<semaphore_mem>>
      %dma_start3A_180 = arith.constant 0 : i32
      %dma_start3A_181 = tpu.memref_slice %arg8[%add3A_179, %dma_start3A_180] : memref<20480x128xf32, #tpu.memory_space<hbm>> -> memref<640x128xf32, #tpu.memory_space<hbm>>
      %dma_start3A_182 = arith.constant 0 : i32
      %dma_start3A_183 = tpu.memref_slice %arg24[%mul3A_174, %dma_start3A_182] : memref<10240x128xf32, #tpu.memory_space<vmem_shared>> -> memref<640x128xf32, #tpu.memory_space<vmem_shared>>
      tpu.enqueue_dma source(%dma_start3A_183 : memref<640x128xf32, #tpu.memory_space<vmem_shared>>) target(%dma_start3A_181 : memref<640x128xf32, #tpu.memory_space<hbm>>) target_semaphore(%run_scoped3A : memref<!tpu.dma_semaphore, #tpu.memory_space<semaphore_mem>>)
      %dma_wait3A_184 = arith.constant 0 : i32
      %dma_wait3A_185 = tpu.memref_slice %arg8[%add3A_179, %dma_wait3A_184] : memref<20480x128xf32, #tpu.memory_space<hbm>> -> memref<640x128xf32, #tpu.memory_space<hbm>>
      %dma_wait3A_186 = arith.constant 0 : i32
      %dma_wait3A_187 = tpu.memref_slice %arg24[%mul3A_174, %dma_wait3A_186] : memref<10240x128xf32, #tpu.memory_space<vmem_shared>> -> memref<640x128xf32, #tpu.memory_space<vmem_shared>>
      tpu.wait_dma2 semaphore(%run_scoped3A : memref<!tpu.dma_semaphore, #tpu.memory_space<semaphore_mem>>) src(%dma_wait3A_187 : memref<640x128xf32, #tpu.memory_space<vmem_shared>>) dst(%dma_wait3A_185 : memref<640x128xf32, #tpu.memory_space<hbm>>)
      tpu.yield
    }) : () -> ()
    return
  }
}

module attributes {stable_mosaic.version = 14 : i64} {
  func.func @_matmul_body(%arg0: i32, %arg1: memref<1000x128xf32, #tpu.memory_space<vmem>>, %arg2: memref<128x512xf32, #tpu.memory_space<vmem>>, %arg3: memref<1000x256xi32, #tpu.memory_space<vmem>>) attributes {dimension_semantics = [#tpu.dimension_semantics<arbitrary>], iteration_bounds = array<i64: 10>, scalar_prefetch = 0 : i64, scratch_operands = 0 : i64, tpu.core_type = #tpu.core_type<tc>, window_params = [{transform_indices = @transform_0, window_bounds = array<i64: 1000, 128>}, {pipeline_mode = #tpu.pipeline_mode<synchronous>, transform_indices = @transform_1, window_bounds = array<i64: 128, 512>}, {transform_indices = @transform_2, window_bounds = array<i64: 1000, 256>}]} {
    %get3A = arith.constant 0 : index
    %get3A_0 = arith.constant 0 : index
    %get3A_1 = vector.load %arg1[%get3A, %get3A_0] : memref<1000x128xf32, #tpu.memory_space<vmem>>, vector<1000x128xf32>
    %get3A_2 = arith.constant 0 : index
    %get3A_3 = arith.constant 0 : index
    %get3A_4 = vector.load %arg2[%get3A_2, %get3A_3] : memref<128x512xf32, #tpu.memory_space<vmem>>, vector<128x512xf32>
    %dot_general3A = arith.constant dense<0.000000e+00> : vector<1000x512xf32>
    %dot_general3A_5 = tpu.matmul %get3A_1, %get3A_4, %dot_general3A {dimension_numbers = #tpu.dot_dimension_numbers<[1], [0], [0], [1], [0, 0, 1, 1], [], []>, transpose_lhs_hint = false} : vector<1000x128xf32>, vector<128x512xf32>, vector<1000x512xf32> -> vector<1000x512xf32>
    %convert_element_type3A = arith.truncf %dot_general3A_5 : vector<1000x512xf32> to vector<1000x512xbf16>
    %slice3A = vector.extract_strided_slice %convert_element_type3A {offsets = [0, 0], sizes = [1000, 256], strides = [1, 1]} : vector<1000x512xbf16> to vector<1000x256xbf16>
    %bitcast_convert_type3A = tpu.bitcast %slice3A : vector<1000x256xbf16> -> vector<1000x256xi16>
    %convert_element_type3A_6 = arith.extui %bitcast_convert_type3A : vector<1000x256xi16> to vector<1000x256xi32>
    %slice3A_7 = vector.extract_strided_slice %convert_element_type3A {offsets = [0, 256], sizes = [1000, 256], strides = [1, 1]} : vector<1000x512xbf16> to vector<1000x256xbf16>
    %bitcast_convert_type3A_8 = tpu.bitcast %slice3A_7 : vector<1000x256xbf16> -> vector<1000x256xi16>
    %convert_element_type3A_9 = arith.extui %bitcast_convert_type3A_8 : vector<1000x256xi16> to vector<1000x256xi32>
    %shift_left3A = arith.constant 16 : i32
    %shift_left3A_10 = vector.broadcast %shift_left3A : i32 to vector<1000x256xi32>
    %shift_left3A_11 = arith.shli %convert_element_type3A_9, %shift_left3A_10 : vector<1000x256xi32>
    %or3A = arith.ori %shift_left3A_11, %convert_element_type3A_6 : vector<1000x256xi32>
    %bitcast_convert_type3A_12 = tpu.bitcast %or3A : vector<1000x256xi32> -> vector<1000x256xi32>
    %swap3A = arith.constant 0 : index
    %swap3A_13 = arith.constant 0 : index
    %swap3A_14 = vector.load %arg3[%swap3A, %swap3A_13] : memref<1000x256xi32, #tpu.memory_space<vmem>>, vector<1000x256xi32>
    tpu.vector_store %arg3[%swap3A, %swap3A_13], %bitcast_convert_type3A_12 {strides = array<i32>} : memref<1000x256xi32, #tpu.memory_space<vmem>>, vector<1000x256xi32>,
    return
  }
  func.func @transform_0(%arg0: i32) -> (i32, i32) {
    %c0_i32 = arith.constant 0 : i32
    %c0_i32_0 = arith.constant 0 : i32
    return %arg0, %c0_i32 : i32, i32
  }
  func.func @transform_1(%arg0: i32) -> (i32, i32) {
    %c0_i32 = arith.constant 0 : i32
    %c0_i32_0 = arith.constant 0 : i32
    %c0_i32_1 = arith.constant 0 : i32
    return %c0_i32, %c0_i32_0 : i32, i32
  }
  func.func @transform_2(%arg0: i32) -> (i32, i32) {
    %c0_i32 = arith.constant 0 : i32
    %c0_i32_0 = arith.constant 0 : i32
    return %arg0, %c0_i32 : i32, i32
  }
}

module attributes {stable_mosaic.version = 14 : i64} {
  func.func @_epilogue_body(%arg0: memref<2x10240x128xf32, #tpu.memory_space<vmem>>, %arg1: memref<10000x128xf32, #tpu.memory_space<vmem>>, %arg2: memref<1x128xf32, #tpu.memory_space<vmem>>, %arg3: memref<1x128xf32, #tpu.memory_space<vmem>>, %arg4: memref<1x128xf32, #tpu.memory_space<vmem>>, %arg5: memref<10000x128xf32, #tpu.memory_space<vmem>>) attributes {dimension_semantics = [], scalar_prefetch = 0 : i64, scratch_operands = 0 : i64, tpu.core_type = #tpu.core_type<tc>} {
    %get3A = arith.constant 0 : index
    %get3A_0 = arith.constant 0 : index
    %get3A_1 = arith.constant 0 : index
    %get3A_2 = vector.load %arg0[%get3A, %get3A_0, %get3A_1] : memref<2x10240x128xf32, #tpu.memory_space<vmem>>, vector<1x10000x128xf32>
    %get3A_3 = vector.shape_cast %get3A_2 : vector<1x10000x128xf32> to vector<10000x128xf32>
    %get3A_4 = arith.constant 1 : index
    %get3A_5 = arith.constant 0 : index
    %get3A_6 = arith.constant 0 : index
    %get3A_7 = vector.load %arg0[%get3A_4, %get3A_5, %get3A_6] : memref<2x10240x128xf32, #tpu.memory_space<vmem>>, vector<1x10000x128xf32>
    %get3A_8 = vector.shape_cast %get3A_7 : vector<1x10000x128xf32> to vector<10000x128xf32>
    %add3A = arith.addf %get3A_3, %get3A_8 : vector<10000x128xf32>
    %get3A_9 = arith.constant 0 : index
    %get3A_10 = arith.constant 0 : index
    %get3A_11 = vector.load %arg2[%get3A_9, %get3A_10] : memref<1x128xf32, #tpu.memory_space<vmem>>, vector<1x128xf32>
    %add3A_12 = vector.broadcast %get3A_11 : vector<1x128xf32> to vector<10000x128xf32>
    %add3A_13 = arith.addf %add3A, %add3A_12 : vector<10000x128xf32>
    %max3A = arith.constant 0.000000e+00 : f32
    %max3A_14 = vector.broadcast %max3A : f32 to vector<10000x128xf32>
    %max3A_15 = arith.maximumf %add3A_13, %max3A_14 : vector<10000x128xf32>
    %get3A_16 = arith.constant 0 : index
    %get3A_17 = arith.constant 0 : index
    %get3A_18 = vector.load %arg1[%get3A_16, %get3A_17] : memref<10000x128xf32, #tpu.memory_space<vmem>>, vector<10000x128xf32>
    %add3A_19 = arith.addf %max3A_15, %get3A_18 : vector<10000x128xf32>
    %reduce_sum3A = arith.constant dense<0.000000e+00> : vector<128xf32>
    %reduce_sum3A_20 = vector.multi_reduction <add>, %add3A_19, %reduce_sum3A [0] : vector<10000x128xf32> to vector<128xf32>
    %broadcast_in_dim3A = vector.shape_cast %reduce_sum3A_20 : vector<128xf32> to vector<1x128xf32>
    %div3A = arith.constant 1.000000e+04 : f32
    %div3A_21 = vector.broadcast %div3A : f32 to vector<1x128xf32>
    %div3A_22 = arith.divf %broadcast_in_dim3A, %div3A_21 : vector<1x128xf32>
    %sub3A = vector.broadcast %div3A_22 : vector<1x128xf32> to vector<10000x128xf32>
    %sub3A_23 = arith.subf %add3A_19, %sub3A : vector<10000x128xf32>
    %sub3A_24 = vector.broadcast %div3A_22 : vector<1x128xf32> to vector<10000x128xf32>
    %sub3A_25 = arith.subf %add3A_19, %sub3A_24 : vector<10000x128xf32>
    %mul3A = arith.mulf %sub3A_23, %sub3A_25 : vector<10000x128xf32>
    %reduce_sum3A_26 = arith.constant dense<0.000000e+00> : vector<128xf32>
    %reduce_sum3A_27 = vector.multi_reduction <add>, %mul3A, %reduce_sum3A_26 [0] : vector<10000x128xf32> to vector<128xf32>
    %broadcast_in_dim3A_28 = vector.shape_cast %reduce_sum3A_27 : vector<128xf32> to vector<1x128xf32>
    %div3A_29 = arith.constant 1.000000e+04 : f32
    %div3A_30 = vector.broadcast %div3A_29 : f32 to vector<1x128xf32>
    %div3A_31 = arith.divf %broadcast_in_dim3A_28, %div3A_30 : vector<1x128xf32>
    %get3A_32 = arith.constant 0 : index
    %get3A_33 = arith.constant 0 : index
    %get3A_34 = vector.load %arg3[%get3A_32, %get3A_33] : memref<1x128xf32, #tpu.memory_space<vmem>>, vector<1x128xf32>
    %sub3A_35 = vector.broadcast %div3A_22 : vector<1x128xf32> to vector<10000x128xf32>
    %sub3A_36 = arith.subf %add3A_19, %sub3A_35 : vector<10000x128xf32>
    %mul3A_37 = vector.broadcast %get3A_34 : vector<1x128xf32> to vector<10000x128xf32>
    %mul3A_38 = arith.mulf %mul3A_37, %sub3A_36 : vector<10000x128xf32>
    %add3A_39 = arith.constant 9.99999974E-6 : f32
    %add3A_40 = vector.broadcast %add3A_39 : f32 to vector<1x128xf32>
    %add3A_41 = arith.addf %div3A_31, %add3A_40 : vector<1x128xf32>
    %rsqrt3A = math.rsqrt %add3A_41 : vector<1x128xf32>
    %mul3A_42 = vector.broadcast %rsqrt3A : vector<1x128xf32> to vector<10000x128xf32>
    %mul3A_43 = arith.mulf %mul3A_38, %mul3A_42 : vector<10000x128xf32>
    %get3A_44 = arith.constant 0 : index
    %get3A_45 = arith.constant 0 : index
    %get3A_46 = vector.load %arg4[%get3A_44, %get3A_45] : memref<1x128xf32, #tpu.memory_space<vmem>>, vector<1x128xf32>
    %add3A_47 = vector.broadcast %get3A_46 : vector<1x128xf32> to vector<10000x128xf32>
    %add3A_48 = arith.addf %mul3A_43, %add3A_47 : vector<10000x128xf32>
    %max3A_49 = arith.constant 0.000000e+00 : f32
    %max3A_50 = vector.broadcast %max3A_49 : f32 to vector<10000x128xf32>
    %max3A_51 = arith.maximumf %add3A_48, %max3A_50 : vector<10000x128xf32>
    %swap3A = arith.constant 0 : index
    %swap3A_52 = arith.constant 0 : index
    %swap3A_53 = vector.load %arg5[%swap3A, %swap3A_52] : memref<10000x128xf32, #tpu.memory_space<vmem>>, vector<10000x128xf32>
    tpu.vector_store %arg5[%swap3A, %swap3A_52], %max3A_51 {strides = array<i32>} : memref<10000x128xf32, #tpu.memory_space<vmem>>, vector<10000x128xf32>,
    return
  }
}

</mosaic_0001>

<sc_bundles>
// kernel: kernel.5.cloned.1.call-start
scs
__scs_entry_jumppad:
0x0: {  	(pc) =	sbr.rel $0x88, $3  }
0x1: {  	(tag) =	ssettag $0x0;
	lr =	simm.s32 $0x1  }
0x2: {  	[smem:$0x3F99] =	sst lr;
	_ =	strace $0xD0000000  }
0x3: {  	_ = 	snop  }
0x4: {  	_ = 	snop  }
0x5: {  	_ = 	snop  }
0x6: {  	_ = 	snop  }
0x7: {  	_ = 	snop  }
__scs_overlays_trampoline_lowered:
0x8: {  	[smem:$0x3FA8] =	sst s0  }
0x9: {  	[smem:$0x3FA9] =	sst s1  }
0xa: {  	[smem:$0x3FAA] =	sst s2  }
0xb: {  	[smem:$0x3FAB] =	sst s3  }
0xc: {  	[smem:$0x3FAC] =	sst s4  }
0xd: {  	[smem:$0x3FAD] =	sst s5  }
0xe: {  	[smem:$0x3FAE] =	sst s6  }
0xf: {  	[smem:$0x3FAF] =	sst s7  }
0x10: {  	[smem:$0x3FB0] =	sst s8  }
0x11: {  	[smem:$0x3FB1] =	sst s9;
	s0 =	simm.s32 @!p0 $0x0  }
0x12: {  	s1 =	sld [smem:$0x3F97];
	s0 =	simm.s32 @p0 $0x1  }
0x13: {  	[smem:$0x3FB2] =	sst s0;
	s0 =	simm.s32 @!p1 $0x0  }
0x14: {  	s2 =	sld [smem:$0x3F96];
	s0 =	simm.s32 @p1 $0x1  }
0x15: {  	[smem:$0x3FB3] =	sst s0;
	s0 =	simm.s32 @!p2 $0x0  }
0x16: {  	s3 =	sld [smem:$0x3FDB];
	s0 =	simm.s32 @p2 $0x1  }
0x17: {  	s4 =	simm.s32 $0x1BF5;
	[smem:$0x3FB5] =	sst s0  }
0x18: {  	s0 =	sld [smem:$0x3F98];
	_ =	swait.ge [sflag:s4], $0x0  }
0x19: {  	s7 =	sld [smem:$0x3F99]  }
0x1a: {  	s8 =	sadd.s32 $0xFFFFE003, lr  }
0x1b: {  	s9 =	sadd.s32 $0xFFFFFEF7, lr;
	s5 =	simm.s32 $0xFFFFFFFF;
	p2 =	slt.u32 s8, $0xFFFFF086  }
0x1c: {  	p1 =	slt.u32 s9, $0xF7A;
	s5 =	simm.s32 @!p2 $0x0  }
0x1d: {  	s5 =	simm.s32 @p1 $0x1;
	p0 =	seq.s32 s7, s2  }
0x1e: {  	s7 =	smul.u32 @!p0 $0xF7A, s2;
	p2 =	seq.s32 @!p0 s5, $0x0  }
0x1f: {  	s9 =	smul.u32 $0xF7A, s1;
	s8 =	simm.s32 @!p0 $0x1BF5;
	p2 =	por !p2, p0  }
0x20: {  	[sflag:s8] =	ssyncset.s32 @!p0 $0xFFFFF086;
	s6 =	sadd.s32 @!p0 s3, s7;
	s7 =	simm.s32 @!p0 $0x108  }
0x21: {  	s3 =	sadd.s32 s3, s9;
	s6 =	sadd.s32 @!p0 $0x88, s6;
	s7 =	simm.s32 @p2 $0x1082  }
0x22: {  	[simem:s7], [sflag:s8] =	dma.local @!p0 [hbm:s6], $0xF7A  }
0x23: {  	s9 =	sor.u32 $0xD0000000, s2;
	s6 =	simm.s32 $0x108;
	_ =	swait.ge @!p0 [sflag:s8], $0x0  }
0x24: {  	s3 =	sadd.s32 $0x88, s3;
	s6 =	simm.s32 @!p1 $0x1082;
	[sflag:s4] =	ssyncset.s32 $0xFFFFF086  }
0x25: {  	[simem:s6], [sflag:s4] =	dma.local [hbm:s3], $0xF7A  }
0x26: {  	[smem:$0x3F99] =	sst s1;
	(tag) =	ssettag s2;
	_ =	strace s9  }
0x27: {  	s1 =	sld [smem:$0x3FA9]  }
0x28: {  	s2 =	sld [smem:$0x3FAA]  }
0x29: {  	s4 =	sld [smem:$0x3FAC]  }
0x2a: {  	p0 =	seq.s32 s5, $0x0;
	s5 =	sld [smem:$0x3FAD]  }
0x2b: {  	s6 =	sld [smem:$0x3FAE]  }
0x2c: {  	s7 =	sld [smem:$0x3FAF]  }
0x2d: {  	s3 =	simm.s32 $0x108;
	s8 =	sld [smem:$0x3FB0]  }
0x2e: {  	s3 =	simm.s32 @!p0 $0x1082;
	s9 =	sld [smem:$0x3FB1]  }
0x2f: {  	lr =	sadd.s32 s0, s3;
	s0 =	sld [smem:$0x3FA8]  }
0x30: {  	s3 =	sld [smem:$0x3FAB]  }
0x31: {  	[smem:$0x3FB4] =	sst s10  }
0x32: {  	s10 =	sld [smem:$0x3FB2];
	_ =	sdelay $0x3  }
0x33: {  	p0 =	seq.s32 s10, $0x1;
	s10 =	sld [smem:$0x3FB4];
	_ =	sdelay $0x3  }
0x34: {  	[smem:$0x3FB4] =	sst s10  }
0x35: {  	s10 =	sld [smem:$0x3FB3];
	_ =	sdelay $0x3  }
0x36: {  	p1 =	seq.s32 s10, $0x1;
	s10 =	sld [smem:$0x3FB4];
	_ =	sdelay $0x3  }
0x37: {  	[smem:$0x3FB4] =	sst s10  }
0x38: {  	s10 =	sld [smem:$0x3FB5]  }
0x39: {  	_ = 	snop;
	(pc) =	sbr.ind lr, $3  }
0x3a: {  	_ = 	snop  }
0x3b: {  	_ = 	snop  }
0x3c: {  	p2 =	seq.s32 s10, $0x1;
	s10 =	sld [smem:$0x3FB4]  }
0x3d: {  	_ =	shalt  }
0x3e: {  	_ =	shalt  }
0x3f: {  	_ =	shalt  }
0x40: {  	_ =	shalt  }
0x41: {  	_ =	shalt  }
0x42: {  	_ =	shalt  }
0x43: {  	_ =	shalt  }
0x44: {  	_ =	shalt  }
0x45: {  	_ =	shalt  }
0x46: {  	_ =	shalt  }
0x47: {  	_ =	shalt  }
0x48: {  	_ =	shalt  }
0x49: {  	_ =	shalt  }
0x4a: {  	_ =	shalt  }
0x4b: {  	_ =	shalt  }
0x4c: {  	_ =	shalt  }
0x4d: {  	_ =	shalt  }
0x4e: {  	_ =	shalt  }
0x4f: {  	_ =	shalt  }
0x50: {  	_ =	shalt  }
0x51: {  	_ =	shalt  }
0x52: {  	_ =	shalt  }
0x53: {  	_ =	shalt  }
0x54: {  	_ =	shalt  }
0x55: {  	_ =	shalt  }
0x56: {  	_ =	shalt  }
0x57: {  	_ =	shalt  }
0x58: {  	_ =	shalt  }
0x59: {  	_ =	shalt  }
0x5a: {  	_ =	shalt  }
0x5b: {  	_ =	shalt  }
0x5c: {  	_ =	shalt  }
0x5d: {  	_ =	shalt  }
0x5e: {  	_ =	shalt  }
0x5f: {  	_ =	shalt  }
0x60: {  	_ =	shalt  }
0x61: {  	_ =	shalt  }
0x62: {  	_ =	shalt  }
0x63: {  	_ =	shalt  }
0x64: {  	_ =	shalt  }
0x65: {  	_ =	shalt  }
0x66: {  	_ =	shalt  }
0x67: {  	_ =	shalt  }
0x68: {  	_ =	shalt  }
0x69: {  	_ =	shalt  }
0x6a: {  	_ =	shalt  }
0x6b: {  	_ =	shalt  }
0x6c: {  	_ =	shalt  }
0x6d: {  	_ =	shalt  }
0x6e: {  	_ =	shalt  }
0x6f: {  	_ =	shalt  }
0x70: {  	_ =	shalt  }
0x71: {  	_ =	shalt  }
0x72: {  	_ =	shalt  }
0x73: {  	_ =	shalt  }
0x74: {  	_ =	shalt  }
0x75: {  	_ =	shalt  }
0x76: {  	_ =	shalt  }
0x77: {  	_ =	shalt  }
0x78: {  	_ =	shalt  }
0x79: {  	_ =	shalt  }
0x7a: {  	_ =	shalt  }
0x7b: {  	_ =	shalt  }
0x7c: {  	_ =	shalt  }
0x7d: {  	_ =	shalt  }
0x7e: {  	_ =	shalt  }
0x7f: {  	_ =	shalt  }
0x80: {  	_ =	shalt  }
0x81: {  	_ =	shalt  }
0x82: {  	_ =	shalt  }
0x83: {  	_ =	shalt  }
0x84: {  	_ =	shalt  }
0x85: {  	_ =	shalt  }
0x86: {  	_ =	shalt  }
0x87: {  	_ =	shalt  }
.Lfunc_end0:
.L_simem_size_0:
called_computation_lowered:
.L_overlay_start_0:
0x88: {  	s2 =	sld [smem:$0x3FD9]  }
0x89: {  	s3 =	sld [smem:$0x3FFE];
	_ =	sdelay $0x1  }
0x8a: {  	s1 =	srdreg.scid  }
0x8b: {  	s0 =	sand.u32 $0x1, s1  }
0x8c: {  	s17 =	sshll.u32 s0, $0xA;
	s2 =	sadd.s32 s3, s2  }
0x8d: {  	s2 =	sadd.s32 s2, s17  }
0x8e: {  	[smem:$0x3FC0] =	sst s2  }
0x8f: {  	_ = 	snop  }
0x90: {  	s2 =	sld [smem:$0x3FD0];
	(tm) =	ssettm $0x1  }
0x91: {  	s18 =	sld [smem:$0x3FFB];
	_ =	sdelay $0x3  }
0x92: {  	_ =	strace s18  }
0x93: {  	s3 =	sld [smem:$0x3FFC];
	_ =	sdelay $0x3  }
0x94: {  	_ =	strace s3  }
0x95: {  	s3 =	sld [smem:$0x3FFD];
	_ =	sdelay $0x3  }
0x96: {  	_ =	strace s3  }
0x97: {  	_ =	strace $0x8FFFFFFF  }
0x98: {  	s19 =	sld [smem:$0x3FDB];
	_ =	sdelay $0x1  }
0x99: {  	s4 =	simm.s32 $_scs_section_size  }
0x9a: {  	s5 =	simm.s32 $_size__tile_overlayer_lowered;
	s6 =	simm.s32 $_tile_overlayer_lowered  }
0x9b: {  	s22 =	simm.s32 $0x1BFF;
	s21 =	sshll.u32 s6, $0x1;
	s3 =	sadd.s32 s4, s19  }
0x9c: {  	s7 =	simm.s32 $0x0;
	s20 =	sshll.u32 s5, $0x1;
	s5 =	sadd.s32 s21, s3  }
0x9d: {  	[timem:s7], [sflag:s22] =	dma.local [hbm:s5], s20  }
0x9e: {  	_ =	swait.ge [sflag:s22], s20  }
0x9f: {  	s4 =	ssub.s32 $0x0, s20;
	[sflag:s22] =	ssyncset.done $0x0  }
0xa0: {  	[sflag:s22] =	ssyncadd.s32 s4;
	_ =	sdelay $0x1  }
0xa1: {  	s23 =	simm.s32 $0x1B8B  }
0xa2: {  	_ =	swait.ge [sflag:s23], $0x1  }
0xa3: {  	[sflag:s23] =	ssyncset.done $0x0  }
0xa4: {  	s25 =	simm.s32 $0x1B8E;
	s24 =	sld [smem:$0x3FFE];
	[sflag:s23] =	ssyncadd.s32 $0xFFFFFFFF  }
0xa5: {  	s26 =	simm.s32 $execute0_lowered;
	[smem:$0x3FD2] =	sst s25  }
0xa6: {  	s5 =	sshll.u32 s26, $0x1;
	_ =	strace $0x80000046;
	[dreg:$0x1] =	wrdreg $0xFFFFFFFF  }
0xa7: {  	s28 =	simm.s32 $_size_execute0_lowered;
	s3 =	sadd.s32 s3, s5;
	[dreg:$0x0] =	wrdreg $0x0  }
0xa8: {  	s5 =	sshll.u32 s28, $0x1;
	[dreg:$0x2] =	wrdreg s3  }
0xa9: {  	[dreg:$0x3] =	wrdreg s5  }
0xaa: {  	[dreg:$0x4] =	wrdreg $0xC0  }
0xab: {  	_ =	task [dreg:s7], $0x5FFFF  }
0xac: {  	[dreg:$0x1] =	wrdreg $0xFFFFFFFF  }
0xad: {  	[dreg:$0x0] =	wrdreg $0x60  }
0xae: {  	[dreg:$0x2] =	wrdreg s2  }
0xaf: {  	[dreg:$0x3] =	wrdreg s24  }
0xb0: {  	[dreg:$0x4] =	wrdreg $0xAF000  }
0xb1: {  	[dreg:$0x5] =	wrdreg $0x9  }
0xb2: {  	_ =	task.clear_ibuf [dreg:s7], $0x6FFFF;
	_ =	strace $0x90000046  }
0xb3: {  	s29 =	simm.s32 $0x9;
	_ =	strace $0x80000048  }
0xb4: {  	_ =	swait.ge [sflag:s29], $0x1  }
0xb5: {  	[sflag:s29] =	ssyncadd.s32 $0xFFFFFFFF  }
0xb6: {  	_ =	strace $0x90000048  }
0xb7: {  	_ =	sfence  }
0xb8: {  	s30 =	sld [smem:$0x0];
	_ =	sdelay $0x2  }
0xb9: {  	s31 =	sshll.u32 s1, $0xD;
	s1 =	sshrl.u32 s1, $0x2  }
0xba: {  	s3 =	sand.u32 $0x4000, s31;
	s1 =	sadd.s32 s1, s30  }
0xbb: {  	s0 =	sor.u32 s3, s0;
	s1 =	sshll.u32 s1, $0x11  }
0xbc: {  	s0 =	sor.u32 s1, s0  }
0xbd: {  	s0 =	sadd.s32 $0x8F2B, s0  }
0xbe: {  	[sflag:s0] =	ssyncadd.remote.s32 $0x1  }
0xbf: {  	_ =	sfence.sel $0xFFFF  }
0xc0: {  	[dreg:$0x0] =	wrdreg $0xFFFFFFFF;
	(pc) =	sbr.abs _section_cstart, $3  }
0xc1: {  	[dreg:$0x1] =	wrdreg $0xFFFFFFFF  }
0xc2: {  	_ =	task.clear_ibuf [dreg:s7], $0x2FFFF;
	_ =	strace $0x9FFFFFFF  }
0xc3: {  	(tm) =	ssettm $0x7FFFFFFF  }
tec
execute0_lowered:
.L_overlay_start_1:
0x0: {  	(tag) =	ssettag $0x1  }
0x1: {  	s1 =	rddreg [dreg:$0x0]  }
0x2: {  	s0 =	rddreg [dreg:$0x1]  }
0x3: {  	s3 =	rddreg [dreg:$0x2];
	s4 =	simm.s32 $0x0;
	s11 =	stileid.u32  }
0x4: {  	s2 =	srdreg.scid;
	s29 =	simm.s32 $0x1B00;
	s30 =	simm.s32 $0x2300  }
0x5: {  	s31 =	simm.s32 $0x2B00;
	s14 =	simm.s32 $0x3;
	[smem:$0x7FF] =	sst s4  }
0x6: {  	s8 =	smul.u32 $0x2800, s11;
	s2 =	sand.u32 $0x1, s2;
	s5 =	sadd.s32 $0xB800, s0  }
0x7: {  	s6 =	sadd.s32 $0x1A00, s0;
	s7 =	sadd.s32 $0x15600, s0;
	s10 =	sadd.s32 $0x1600, s0  }
0x8: {  	_ =	strace $0x80000047;
	s9 =	smul.u32 $0x28000, s2;
	[dreg:$0x4] =	wrdreg s10  }
0x9: {  	s16 =	sshll.u32 s2, $0x4;
	s2 =	ssub.s32 $0x2, s2;
	s10 =	simm.s32 $0x7  }
0xa: {  	s15 =	sadd.s32 s8, s0;
	s17 =	sshrl.u32 s2, $0x1;
	s8 =	sadd.s32 s8, s9  }
0xb: {  	s9 =	sor.u32 s11, s16;
	s11 =	smul.u32 $0x50000, s11;
	s2 =	ssub.s32 s2, s17  }
0xc: {  	s20 =	sadd.s32 $0x63800, s15;
	s15 =	simm.s32 $0x6600;
	s12 =	smul.u32 $0x2730, s9  }
0xd: {  	s16 =	simm.s32 $0x30;
	s0 =	sadd.s32 s8, s0;
	s19 =	smul.u32 $0x4E6, s9  }
0xe: {  	[dreg:$0x6] =	wrdreg s20;
	s9 =	smul.u32 $0xD1, s9;
	s28 =	smax.u32 s2, $0x1  }
0xf: {  	s2 =	simm.s32 $0x2;
	s20 =	simm.s32 $0x6900;
	s18 =	sshrl.u32 s11, $0x2  }
0x10: {  	s0 =	sadd.s32 $0x8B800, s0;
	[dreg:$0xe] =	wrdreg s28;
	s11 =	simm.s32 $0x0  }
0x11: {  	s8 =	sadd.s32 s18, s3;
	s21 =	sshrl.u32 s12, $0x3;
	[dreg:$0xd] =	wrdreg s0  }
0x12: {  	v3 =	vlaneseq.u32;
	s22 =	sadd.s32 s1, s19;
	s23 =	sadd.s32 s5, s19;
	[dreg:$0x5] =	wrdreg s8  }
0x13: {  	vm0 =	vmmov $0xffff;
	v0 =	vmul.u32 $0x10, v3;
	s24 =	sadd.s32 s6, s19;
	s17 =	sadd.s32 $0x2, s9;
	[dreg:$0x7] =	wrdreg s22  }
0x14: {  	v2 =	vshrl.u32 v3, $0x3;
	v1 =	vand.u32 $0x7, v3;
	v3 =	vor.u32 $0x8, v3;
	s18 =	sadd.s32 $0x3, s9;
	s8 =	sadd.s32 $0x6, s21;
	[dreg:$0x8] =	wrdreg s23  }
0x15: {  	v2 =	vmul.u32 $0x8, v2;
	v4 =	vor.u32 $0x1, v0;
	v5 =	vor.u32 $0x2, v0;
	s0 =	simm.s32 $0x6300;
	[dreg:$0x9] =	wrdreg s24;
	s25 =	sadd.s32 s1, s8  }
0x16: {  	v6 =	vor.u32 $0x3, v0;
	v7 =	vor.u32 $0x100, v0;
	v8 =	vor.u32 $0x101, v0;
	s19 =	simm.s32 $0x9900;
	s26 =	sadd.s32 s5, s8;
	[dreg:$0xa] =	wrdreg s25  }
0x17: {  	v9 =	vor.u32 $0x102, v0;
	v10 =	vor.u32 $0x103, v0;
	v11 =	vor.u32 $0x200, v0;
	s21 =	simm.s32 $0x9A00;
	s8 =	sadd.s32 s6, s8;
	[dreg:$0xb] =	wrdreg s26  }
0x18: {  	v12 =	vor.u32 $0x201, v0;
	v13 =	vor.u32 $0x202, v0;
	v14 =	vor.u32 $0x203, v0;
	s22 =	simm.s32 $0x1;
	[dreg:$0xc] =	wrdreg s8;
	s8 =	simm.s32 $0x4  }
.LBB2_1:
0x19: {  	[dreg:$0xf] =	wrdreg s11  }
0x1a: {  	s9 =	rddreg [dreg:$0x4]  }
0x1b: {  	[tilespmem:s21], [sflag:$0x7] =	stream.linear.gather [hbm4b:s9+s4], $0x1500, $0x38;
	[tilespmem:$0x1EF00] =	vst v63  }
0x1c: {  	s26 =	stileid.u32;
	_ =	swait.ge [sflag:s10], $0x1500  }
0x1d: {  	s9 =	sshll.u32 s26, $0x6;
	s12 =	rddreg [dreg:$0x5]  }
0x1e: {  	s28 =	sor.u32 $0x1C07, s9;
	s13 =	rddreg [dreg:$0x6]  }
0x1f: {  	[sflag:s10] =	ssyncset.done $0x0;
	[dreg:$0x10] =	wrdreg s28;
	s12 =	sshrl.u32 s12, $0x3  }
0x20: {  	[sflag:s10] =	ssyncadd.s32 $0xFFFFEB00;
	[dreg:$0x11] =	wrdreg s12  }
0x21: {  	[spmem:s12], [sflag:s28] =	dma.local [hbm:s13], $0x2800  }
0x22: {  	_ =	swait.ge [sflag:s10], $0x2800  }
0x23: {  	[sflag:s10] =	ssyncset.done $0x0  }
0x24: {  	[sflag:s10] =	ssyncadd.s32 $0xFFFFD800  }
0x25: {  	[bflag:$0x0] =	sbarrier.arrive $0xFFFF  }
0x26: {  	s23 =	rddreg [dreg:$0x7]  }
0x27: {  	[tilespmem:s4], [sflag:$0x7] =	stream.linear.gather [hbm4b:s23+s4], $0x30, $0x38;
	[tilespmem:$0x1EF00] =	vst v63  }
0x28: {  	_ =	swait.ge [sflag:s10], $0x30  }
0x29: {  	[sflag:s10] =	ssyncset.done $0x0  }
0x2a: {  	s25 =	simm.s32 $0x100;
	s24 =	rddreg [dreg:$0x8];
	[sflag:s10] =	ssyncadd.s32 $0xFFFFFFD0  }
0x2b: {  	[tilespmem:s25], [sflag:$0x7] =	stream.linear.gather [hbm4b:s24+s4], $0x30, $0x38;
	[tilespmem:$0x1EF00] =	vst v63  }
0x2c: {  	_ =	swait.ge [sflag:s10], $0x30  }
0x2d: {  	[sflag:s10] =	ssyncset.done $0x0  }
0x2e: {  	s28 =	simm.s32 $0x200;
	s26 =	rddreg [dreg:$0x9];
	[sflag:s10] =	ssyncadd.s32 $0xFFFFFFD0  }
0x2f: {  	[tilespmem:s28], [sflag:$0x7] =	stream.linear.gather [hbm4b:s26+s4], $0x30, $0x38;
	[tilespmem:$0x1EF00] =	vst v63  }
0x30: {  	_ =	swait.ge [sflag:s10], $0x30  }
0x31: {  	[sflag:s10] =	ssyncset.done $0x0  }
0x32: {  	[sflag:s10] =	ssyncadd.s32 $0xFFFFFFD0  }
0x33: {  	v15 =	vld [tilespmem:$0x0];
	_ =	sdelay $0x4  }
0x34: {  	v16 =	vshll.u32 v15, $0x1  }
0x35: {  	v15 =	vand.u32 $0x7, v15;
	v16 =	vand.u32 $0xFFFFFFF0, v16  }
0x36: {  	v15 =	vor.u32 v15, v16  }
0x37: {  	v16 =	vperm.xlane v15, v1;
	_ =	sdelay $0x1  }
0x38: {  	v15 =	vperm.xlane v15, v3;
	v16 =	vadd.s32 v2, v16;
	_ =	sdelay $0x1  }
0x39: {  	v15 =	vadd.s32 v2, v15;
	_ =	sdelay $0x1  }
0x3a: {  	s10 =	simm.s32 $0x300  }
0x3b: {  	[tilespmem:s10], [sflag:$0x3] =	stream.indirect_vreg.gather [hbm4b:s7+s4], $0x80, v16, vm0, $0xb8;
	[tilespmem:$0x1EF00] =	vst v63  }
0x3c: {  	s11 =	simm.s32 $0xB00  }
0x3d: {  	[tilespmem:s11], [sflag:$0x3] =	stream.indirect_vreg.gather [hbm4b:s7+s4], $0x80, v15, vm0, $0xb8;
	[tilespmem:$0x1EF00] =	vst v63  }
0x3e: {  	v15 =	vld [tilespmem:$0x10];
	_ =	sdelay $0x4  }
0x3f: {  	v57 =	vshll.u32 v15, $0x1  }
0x40: {  	v15 =	vand.u32 $0x7, v15;
	v16 =	vand.u32 $0xFFFFFFF0, v57  }
0x41: {  	v15 =	vor.u32 v15, v16  }
0x42: {  	v16 =	vperm.xlane v15, v1;
	_ =	sdelay $0x1  }
0x43: {  	v15 =	vperm.xlane v15, v3;
	v16 =	vadd.s32 v2, v16;
	_ =	sdelay $0x1  }
0x44: {  	v15 =	vadd.s32 v2, v15;
	_ =	sdelay $0x1  }
0x45: {  	s12 =	simm.s32 $0x1300  }
0x46: {  	[tilespmem:s12], [sflag:$0x3] =	stream.indirect_vreg.gather [hbm4b:s7+s4], $0x80, v16, vm0, $0xb8;
	[tilespmem:$0x1EF00] =	vst v63  }
0x47: {  	_ = 	snop  }
0x48: {  	[tilespmem:s29], [sflag:$0x3] =	stream.indirect_vreg.gather [hbm4b:s7+s4], $0x80, v15, vm0, $0xb8;
	[tilespmem:$0x1EF00] =	vst v63  }
0x49: {  	v15 =	vld [tilespmem:$0x20];
	_ =	sdelay $0x4  }
0x4a: {  	v58 =	vshll.u32 v15, $0x1  }
0x4b: {  	v15 =	vand.u32 $0x7, v15;
	v16 =	vand.u32 $0xFFFFFFF0, v58  }
0x4c: {  	v15 =	vor.u32 v15, v16  }
0x4d: {  	v16 =	vperm.xlane v15, v1;
	_ =	sdelay $0x1  }
0x4e: {  	v15 =	vperm.xlane v15, v3;
	v16 =	vadd.s32 v2, v16;
	_ =	sdelay $0x1  }
0x4f: {  	v15 =	vadd.s32 v2, v15;
	_ =	sdelay $0x2  }
0x50: {  	[tilespmem:s30], [sflag:$0x3] =	stream.indirect_vreg.gather [hbm4b:s7+s4], $0x80, v16, vm0, $0xb8;
	[tilespmem:$0x1EF00] =	vst v63  }
0x51: {  	_ = 	snop  }
0x52: {  	[tilespmem:s31], [sflag:$0x3] =	stream.indirect_vreg.gather [hbm4b:s7+s4], $0x80, v15, vm0, $0xb8;
	[tilespmem:$0x1EF00] =	vst v63  }
0x53: {  	s23 =	simm.s32 $0x80;
	s13 =	rddreg [dreg:$0xa]  }
0x54: {  	[tilespmem:s23], [sflag:$0x2] =	stream.linear.gather [hbm4b:s13+s4], $0x30, $0x38;
	[tilespmem:$0x1EF00] =	vst v63  }
0x55: {  	s25 =	simm.s32 $0x180;
	s24 =	rddreg [dreg:$0xb]  }
0x56: {  	[tilespmem:s25], [sflag:$0x2] =	stream.linear.gather [hbm4b:s24+s4], $0x30, $0x38;
	[tilespmem:$0x1EF00] =	vst v63  }
0x57: {  	s28 =	simm.s32 $0x280;
	s26 =	rddreg [dreg:$0xc]  }
0x58: {  	[tilespmem:s28], [sflag:$0x2] =	stream.linear.gather [hbm4b:s26+s4], $0x30, $0x38;
	[tilespmem:$0x1EF00] =	vst v63  }
0x59: {  	v15 =	vld [tilespmem:$0x200];
	_ =	sdelay $0x4  }
0x5a: {  	v15 =	vshll.u32 v15, $0x2;
	_ =	sdelay $0x4  }
0x5b: {  	v16 =	vld.idx.msk [tilespmem:v15+s21+$0x0], $0xffff  }
0x5c: {  	v17 =	vor.u32 $0x1, v15;
	_ =	sdelay $0x3  }
0x5d: {  	[tilespmem:v0+s0+$0x0] =	vst.idx.msk $0xffff, v16  }
0x5e: {  	v16 =	vld.idx.msk [tilespmem:v17+s21+$0x0], $0xffff  }
0x5f: {  	v59 =	vor.u32 $0x2, v15;
	_ =	sdelay $0x3  }
0x60: {  	[tilespmem:v4+s0+$0x0] =	vst.idx.msk $0xffff, v16  }
0x61: {  	v16 =	vld.idx.msk [tilespmem:v59+s21+$0x0], $0xffff  }
0x62: {  	v15 =	vor.u32 $0x3, v15;
	_ =	sdelay $0x3  }
0x63: {  	[tilespmem:v5+s0+$0x0] =	vst.idx.msk $0xffff, v16  }
0x64: {  	v15 =	vld.idx.msk [tilespmem:v15+s21+$0x0], $0xffff;
	_ =	sdelay $0x4  }
0x65: {  	[tilespmem:v6+s0+$0x0] =	vst.idx.msk $0xffff, v15  }
0x66: {  	v15 =	vld [tilespmem:$0x210];
	_ =	sdelay $0x4  }
0x67: {  	v15 =	vshll.u32 v15, $0x2;
	_ =	sdelay $0x4  }
0x68: {  	v16 =	vld.idx.msk [tilespmem:v15+s21+$0x0], $0xffff  }
0x69: {  	v60 =	vor.u32 $0x1, v15;
	_ =	sdelay $0x3  }
0x6a: {  	[tilespmem:v7+s0+$0x0] =	vst.idx.msk $0xffff, v16  }
0x6b: {  	v16 =	vld.idx.msk [tilespmem:v60+s21+$0x0], $0xffff  }
0x6c: {  	v61 =	vor.u32 $0x2, v15;
	_ =	sdelay $0x3  }
0x6d: {  	[tilespmem:v8+s0+$0x0] =	vst.idx.msk $0xffff, v16  }
0x6e: {  	v16 =	vld.idx.msk [tilespmem:v61+s21+$0x0], $0xffff  }
0x6f: {  	v15 =	vor.u32 $0x3, v15;
	_ =	sdelay $0x3  }
0x70: {  	[tilespmem:v9+s0+$0x0] =	vst.idx.msk $0xffff, v16  }
0x71: {  	v15 =	vld.idx.msk [tilespmem:v15+s21+$0x0], $0xffff;
	_ =	sdelay $0x4  }
0x72: {  	[tilespmem:v10+s0+$0x0] =	vst.idx.msk $0xffff, v15  }
0x73: {  	v15 =	vld [tilespmem:$0x220];
	_ =	sdelay $0x4  }
0x74: {  	v15 =	vshll.u32 v15, $0x2;
	_ =	sdelay $0x4  }
0x75: {  	v16 =	vld.idx.msk [tilespmem:v15+s21+$0x0], $0xffff  }
0x76: {  	v62 =	vor.u32 $0x1, v15;
	_ =	sdelay $0x3  }
0x77: {  	[tilespmem:v11+s0+$0x0] =	vst.idx.msk $0xffff, v16  }
0x78: {  	v16 =	vld.idx.msk [tilespmem:v62+s21+$0x0], $0xffff  }
0x79: {  	v63 =	vor.u32 $0x2, v15;
	_ =	sdelay $0x3  }
0x7a: {  	[tilespmem:v12+s0+$0x0] =	vst.idx.msk $0xffff, v16  }
0x7b: {  	v16 =	vld.idx.msk [tilespmem:v63+s21+$0x0], $0xffff  }
0x7c: {  	v15 =	vor.u32 $0x3, v15;
	_ =	sdelay $0x3  }
0x7d: {  	[tilespmem:v13+s0+$0x0] =	vst.idx.msk $0xffff, v16  }
0x7e: {  	v15 =	vld.idx.msk [tilespmem:v15+s21+$0x0], $0xffff;
	_ =	sdelay $0x4  }
0x7f: {  	s11 =	simm.s32 $0x0;
	[tilespmem:v14+s0+$0x0] =	vst.idx.msk $0xffff, v15  }
.LBB2_2:
0x80: {  	_ =	swait.ge [sflag:s2], $0x30  }
0x81: {  	[sflag:s2] =	ssyncset.done $0x0  }
0x82: {  	[sflag:s2] =	ssyncadd.s32 $0xFFFFFFD0  }
0x83: {  	_ =	swait.ge [sflag:s2], $0x30  }
0x84: {  	[sflag:s2] =	ssyncset.done $0x0  }
0x85: {  	[sflag:s2] =	ssyncadd.s32 $0xFFFFFFD0  }
0x86: {  	_ =	swait.ge [sflag:s2], $0x30  }
0x87: {  	[sflag:s2] =	ssyncset.done $0x0  }
0x88: {  	[sflag:s2] =	ssyncadd.s32 $0xFFFFFFD0  }
0x89: {  	v15 =	vld [tilespmem:$0x80];
	_ =	sdelay $0x4  }
0x8a: {  	v16 =	vshll.u32 v15, $0x1  }
0x8b: {  	v15 =	vand.u32 $0x7, v15;
	v16 =	vand.u32 $0xFFFFFFF0, v16  }
0x8c: {  	v15 =	vor.u32 v15, v16  }
0x8d: {  	v16 =	vperm.xlane v15, v1;
	_ =	sdelay $0x1  }
0x8e: {  	v15 =	vperm.xlane v15, v3;
	v16 =	vadd.s32 v2, v16;
	_ =	sdelay $0x1  }
0x8f: {  	v15 =	vadd.s32 v2, v15;
	_ =	sdelay $0x1  }
0x90: {  	s9 =	simm.s32 $0x3300  }
0x91: {  	[tilespmem:s9], [sflag:$0x4] =	stream.indirect_vreg.gather [hbm4b:s7+s4], $0x80, v16, vm0, $0xb8;
	[tilespmem:$0x1EF00] =	vst v63  }
0x92: {  	s10 =	simm.s32 $0x3B00  }
0x93: {  	[tilespmem:s10], [sflag:$0x4] =	stream.indirect_vreg.gather [hbm4b:s7+s4], $0x80, v15, vm0, $0xb8;
	[tilespmem:$0x1EF00] =	vst v63  }
0x94: {  	v15 =	vld [tilespmem:$0x90];
	_ =	sdelay $0x4  }
0x95: {  	v16 =	vshll.u32 v15, $0x1  }
0x96: {  	v15 =	vand.u32 $0x7, v15;
	v16 =	vand.u32 $0xFFFFFFF0, v16  }
0x97: {  	v15 =	vor.u32 v15, v16  }
0x98: {  	v16 =	vperm.xlane v15, v1;
	_ =	sdelay $0x1  }
0x99: {  	v15 =	vperm.xlane v15, v3;
	v16 =	vadd.s32 v2, v16;
	_ =	sdelay $0x1  }
0x9a: {  	v15 =	vadd.s32 v2, v15;
	_ =	sdelay $0x1  }
0x9b: {  	s12 =	simm.s32 $0x4300  }
0x9c: {  	[tilespmem:s12], [sflag:$0x4] =	stream.indirect_vreg.gather [hbm4b:s7+s4], $0x80, v16, vm0, $0xb8;
	[tilespmem:$0x1EF00] =	vst v63  }
0x9d: {  	s13 =	simm.s32 $0x4B00  }
0x9e: {  	[tilespmem:s13], [sflag:$0x4] =	stream.indirect_vreg.gather [hbm4b:s7+s4], $0x80, v15, vm0, $0xb8;
	[tilespmem:$0x1EF00] =	vst v63  }
0x9f: {  	v15 =	vld [tilespmem:$0xA0];
	_ =	sdelay $0x4  }
0xa0: {  	v16 =	vshll.u32 v15, $0x1  }
0xa1: {  	v15 =	vand.u32 $0x7, v15;
	v16 =	vand.u32 $0xFFFFFFF0, v16  }
0xa2: {  	v15 =	vor.u32 v15, v16  }
0xa3: {  	v16 =	vperm.xlane v15, v1;
	_ =	sdelay $0x1  }
0xa4: {  	v15 =	vperm.xlane v15, v3;
	v16 =	vadd.s32 v2, v16;
	_ =	sdelay $0x1  }
0xa5: {  	v15 =	vadd.s32 v2, v15;
	_ =	sdelay $0x1  }
0xa6: {  	s23 =	simm.s32 $0x5300;
	p0 =	seq.s32 s11, $0x0  }
0xa7: {  	[tilespmem:s23], [sflag:$0x4] =	stream.indirect_vreg.gather [hbm4b:s7+s4], $0x80, v16, vm0, $0xb8;
	[tilespmem:$0x1EF00] =	vst v63  }
0xa8: {  	s24 =	simm.s32 $0x5B00;
	s9 =	simm.s32 @!p0 $0x5  }
0xa9: {  	[tilespmem:s24], [sflag:$0x4] =	stream.indirect_vreg.gather [hbm4b:s7+s4], $0x80, v15, vm0, $0xb8;
	[tilespmem:$0x1EF00] =	vst v63  }
0xaa: {  	_ =	swait.ge @!p0 [sflag:s9], $0x1800  }
0xab: {  	[sflag:s9] =	ssyncset.done @!p0 $0x0  }
0xac: {  	[sflag:s9] =	ssyncadd.s32 @!p0 $0xFFFFE800  }
0xad: {  	v15 =	vld [tilespmem:$0x100]  }
0xae: {  	v16 =	vld [tilespmem:$0x110]  }
0xaf: {  	v17 =	vld [tilespmem:$0x120];
	_ =	sdelay $0x2  }
0xb0: {  	[tilespmem:$0x9900] =	vst v15  }
0xb1: {  	s12 =	sshll.u32 s11, $0x1;
	[tilespmem:$0x9910] =	vst v16  }
0xb2: {  	s25 =	sadd.s32 s12, s17;
	[tilespmem:$0x9920] =	vst v17  }
0xb3: {  	s9 =	smul.u32 $0x6, s25;
	_ =	swait.ge [sflag:s14], $0x3000  }
0xb4: {  	[sflag:s14] =	ssyncset.done $0x0  }
0xb5: {  	s13 =	simm.s32 $0x0;
	s10 =	sadd.s32 s1, s9;
	[sflag:s14] =	ssyncadd.s32 $0xFFFFD000  }
0xb6: {  	[tilespmem:s13], [sflag:$0x1] =	stream.linear.gather [hbm4b:s10+s13], $0x30, $0x38;
	[tilespmem:$0x1EF00] =	vst v63  }
0xb7: {  	s23 =	simm.s32 $0x100;
	s26 =	sadd.s32 s5, s9  }
0xb8: {  	[tilespmem:s23], [sflag:$0x1] =	stream.linear.gather [hbm4b:s26+s13], $0x30, $0x38;
	[tilespmem:$0x1EF00] =	vst v63  }
0xb9: {  	s28 =	simm.s32 $0x200;
	s9 =	sadd.s32 s6, s9  }
0xba: {  	[tilespmem:s28], [sflag:$0x1] =	stream.linear.gather [hbm4b:s9+s13], $0x30, $0x38;
	[tilespmem:$0x1EF00] =	vst v63  }
0xbb: {  	v15 =	vld [tilespmem:$0x280];
	_ =	sdelay $0x4  }
0xbc: {  	v15 =	vshll.u32 v15, $0x2;
	_ =	sdelay $0x4  }
0xbd: {  	v16 =	vld.idx.msk [tilespmem:v15+s21+$0x0], $0xffff  }
0xbe: {  	v17 =	vor.u32 $0x1, v15;
	_ =	sdelay $0x3  }
0xbf: {  	[tilespmem:v0+s15+$0x0] =	vst.idx.msk $0xffff, v16  }
0xc0: {  	v16 =	vld.idx.msk [tilespmem:v17+s21+$0x0], $0xffff  }
0xc1: {  	v17 =	vor.u32 $0x2, v15;
	_ =	sdelay $0x3  }
0xc2: {  	[tilespmem:v4+s15+$0x0] =	vst.idx.msk $0xffff, v16  }
0xc3: {  	v16 =	vld.idx.msk [tilespmem:v17+s21+$0x0], $0xffff  }
0xc4: {  	v15 =	vor.u32 $0x3, v15;
	_ =	sdelay $0x3  }
0xc5: {  	[tilespmem:v5+s15+$0x0] =	vst.idx.msk $0xffff, v16  }
0xc6: {  	v15 =	vld.idx.msk [tilespmem:v15+s21+$0x0], $0xffff;
	_ =	sdelay $0x4  }
0xc7: {  	[tilespmem:v6+s15+$0x0] =	vst.idx.msk $0xffff, v15  }
0xc8: {  	v15 =	vld [tilespmem:$0x290];
	_ =	sdelay $0x4  }
0xc9: {  	v15 =	vshll.u32 v15, $0x2;
	_ =	sdelay $0x4  }
0xca: {  	v16 =	vld.idx.msk [tilespmem:v15+s21+$0x0], $0xffff  }
0xcb: {  	v17 =	vor.u32 $0x1, v15;
	_ =	sdelay $0x3  }
0xcc: {  	[tilespmem:v7+s15+$0x0] =	vst.idx.msk $0xffff, v16  }
0xcd: {  	v16 =	vld.idx.msk [tilespmem:v17+s21+$0x0], $0xffff  }
0xce: {  	v17 =	vor.u32 $0x2, v15;
	_ =	sdelay $0x3  }
0xcf: {  	[tilespmem:v8+s15+$0x0] =	vst.idx.msk $0xffff, v16  }
0xd0: {  	v16 =	vld.idx.msk [tilespmem:v17+s21+$0x0], $0xffff  }
0xd1: {  	v15 =	vor.u32 $0x3, v15;
	_ =	sdelay $0x3  }
0xd2: {  	[tilespmem:v9+s15+$0x0] =	vst.idx.msk $0xffff, v16  }
0xd3: {  	v15 =	vld.idx.msk [tilespmem:v15+s21+$0x0], $0xffff;
	_ =	sdelay $0x4  }
0xd4: {  	[tilespmem:v10+s15+$0x0] =	vst.idx.msk $0xffff, v15  }
0xd5: {  	v15 =	vld [tilespmem:$0x2A0];
	_ =	sdelay $0x4  }
0xd6: {  	v15 =	vshll.u32 v15, $0x2;
	_ =	sdelay $0x4  }
0xd7: {  	v16 =	vld.idx.msk [tilespmem:v15+s21+$0x0], $0xffff  }
0xd8: {  	v17 =	vor.u32 $0x1, v15;
	_ =	sdelay $0x3  }
0xd9: {  	[tilespmem:v11+s15+$0x0] =	vst.idx.msk $0xffff, v16  }
0xda: {  	v16 =	vld.idx.msk [tilespmem:v17+s21+$0x0], $0xffff  }
0xdb: {  	v17 =	vor.u32 $0x2, v15;
	_ =	sdelay $0x3  }
0xdc: {  	[tilespmem:v12+s15+$0x0] =	vst.idx.msk $0xffff, v16  }
0xdd: {  	v16 =	vld.idx.msk [tilespmem:v17+s21+$0x0], $0xffff  }
0xde: {  	v15 =	vor.u32 $0x3, v15;
	_ =	sdelay $0x3  }
0xdf: {  	[tilespmem:v13+s15+$0x0] =	vst.idx.msk $0xffff, v16  }
0xe0: {  	v15 =	vld.idx.msk [tilespmem:v15+s21+$0x0], $0xffff;
	_ =	sdelay $0x3  }
0xe1: {  	s23 =	sand.u32 $0x3800, s13  }
0xe2: {  	s24 =	sand.u32 $0x300, s13;
	s25 =	simm.s32 $0x6310;
	s26 =	sor.u32 $0x300, s23;
	[tilespmem:v14+s15+$0x0] =	vst.idx.msk $0xffff, v15  }
0xe3: {  	s24 =	sadd.s32 s24, s26;
	v15 =	vld [tilespmem:s25+$0xFFFFFFF0]  }
0xe4: {  	v16 =	vld [tilespmem:s24+$0x0];
	_ =	sdelay $0x1  }
0xe5: {  	v17 =	vld [tilespmem:s24+$0x40]  }
0xe6: {  	v18 =	vld [tilespmem:s24+$0x400]  }
0xe7: {  	v19 =	vbroadcast v15, $0x0  }
0xe8: {  	v20 =	vunpack.i.l.bf16.f32 v16;
	v21 =	vbroadcast v15, $0x2  }
0xe9: {  	v22 =	vld [tilespmem:s24+$0x440];
	v16 =	vunpack.i.u.bf16.f32 v16;
	v23 =	vbroadcast v15, $0x1;
	v20 =	vmul.f32 v20, v19  }
0xea: {  	v24 =	vunpack.i.u.bf16.f32 v17;
	v17 =	vunpack.i.l.bf16.f32 v17;
	v16 =	vmul.f32 v16, v19  }
0xeb: {  	v25 =	vunpack.i.u.bf16.f32 v18;
	v17 =	vmul.f32 v17, v23;
	v20 =	vadd.f32 $0.0e+00, v20  }
0xec: {  	v18 =	vunpack.i.l.bf16.f32 v18;
	v24 =	vmul.f32 v24, v23;
	v16 =	vadd.f32 $0.0e+00, v16  }
0xed: {  	v15 =	vbroadcast v15, $0x3;
	v18 =	vmul.f32 v18, v21;
	v17 =	vadd.f32 v17, v20  }
0xee: {  	v46 =	vunpack.i.l.bf16.f32 v22;
	v20 =	vmul.f32 v25, v21;
	v16 =	vadd.f32 v24, v16  }
0xef: {  	v22 =	vunpack.i.u.bf16.f32 v22;
	v17 =	vadd.f32 v18, v17;
	v18 =	vmul.f32 v46, v15  }
0xf0: {  	v22 =	vmul.f32 v22, v15;
	v16 =	vadd.f32 v20, v16  }
0xf1: {  	v17 =	vadd.f32 v18, v17  }
0xf2: {  	s9 =	simm.s32 $0x6980;
	v16 =	vadd.f32 v22, v16  }
0xf3: {  	[tilespmem:s9+$0xFFFFFF80] =	vst v17  }
0xf4: {  	[tilespmem:s9+$0xFFFFFF90] =	vst v16  }
0xf5: {  	v16 =	vld [tilespmem:s24+$0x10];
	_ =	sdelay $0x1  }
0xf6: {  	v17 =	vld [tilespmem:s24+$0x50];
	_ =	sdelay $0x1  }
0xf7: {  	v18 =	vld [tilespmem:s24+$0x410]  }
0xf8: {  	v20 =	vunpack.i.l.bf16.f32 v16  }
0xf9: {  	v22 =	vld [tilespmem:s24+$0x450];
	v16 =	vunpack.i.u.bf16.f32 v16;
	v20 =	vmul.f32 v20, v19  }
0xfa: {  	v47 =	vunpack.i.l.bf16.f32 v17;
	v16 =	vmul.f32 v16, v19  }
0xfb: {  	v17 =	vunpack.i.u.bf16.f32 v17;
	v24 =	vmul.f32 v47, v23;
	v20 =	vadd.f32 $0.0e+00, v20  }
0xfc: {  	v48 =	vunpack.i.l.bf16.f32 v18;
	v17 =	vmul.f32 v17, v23;
	v16 =	vadd.f32 $0.0e+00, v16  }
0xfd: {  	v18 =	vunpack.i.u.bf16.f32 v18;
	v49 =	vmul.f32 v48, v21;
	v20 =	vadd.f32 v24, v20  }
0xfe: {  	v18 =	vmul.f32 v18, v21;
	v16 =	vadd.f32 v17, v16;
	v17 =	vunpack.i.l.bf16.f32 v22  }
0xff: {  	v22 =	vunpack.i.u.bf16.f32 v22;
	v17 =	vmul.f32 v17, v15;
	v20 =	vadd.f32 v49, v20  }
0x100: {  	v22 =	vmul.f32 v22, v15;
	v16 =	vadd.f32 v18, v16  }
0x101: {  	v17 =	vadd.f32 v17, v20  }
0x102: {  	v16 =	vadd.f32 v22, v16  }
0x103: {  	[tilespmem:s9+$0xFFFFFFA0] =	vst v17  }
0x104: {  	[tilespmem:s9+$0xFFFFFFB0] =	vst v16  }
0x105: {  	v16 =	vld [tilespmem:s24+$0x20];
	_ =	sdelay $0x1  }
0x106: {  	v17 =	vld [tilespmem:s24+$0x60];
	_ =	sdelay $0x1  }
0x107: {  	v18 =	vld [tilespmem:s24+$0x420]  }
0x108: {  	v20 =	vunpack.i.u.bf16.f32 v16  }
0x109: {  	v22 =	vld [tilespmem:s24+$0x460];
	v16 =	vunpack.i.l.bf16.f32 v16;
	v20 =	vmul.f32 v20, v19  }
0x10a: {  	v50 =	vunpack.i.u.bf16.f32 v17;
	v16 =	vmul.f32 v16, v19  }
0x10b: {  	v17 =	vunpack.i.l.bf16.f32 v17;
	v24 =	vmul.f32 v50, v23;
	v20 =	vadd.f32 $0.0e+00, v20  }
0x10c: {  	v51 =	vunpack.i.u.bf16.f32 v18;
	v17 =	vmul.f32 v17, v23;
	v16 =	vadd.f32 $0.0e+00, v16  }
0x10d: {  	v18 =	vunpack.i.l.bf16.f32 v18;
	v52 =	vmul.f32 v51, v21;
	v20 =	vadd.f32 v24, v20  }
0x10e: {  	v53 =	vunpack.i.u.bf16.f32 v22;
	v18 =	vmul.f32 v18, v21;
	v16 =	vadd.f32 v17, v16  }
0x10f: {  	v22 =	vunpack.i.l.bf16.f32 v22;
	v17 =	vmul.f32 v53, v15;
	v20 =	vadd.f32 v52, v20  }
0x110: {  	v22 =	vmul.f32 v22, v15;
	v16 =	vadd.f32 v18, v16  }
0x111: {  	v17 =	vadd.f32 v17, v20  }
0x112: {  	v16 =	vadd.f32 v22, v16  }
0x113: {  	[tilespmem:s9+$0xFFFFFFD0] =	vst v17  }
0x114: {  	[tilespmem:s9+$0xFFFFFFC0] =	vst v16  }
0x115: {  	v16 =	vld [tilespmem:s24+$0x30];
	_ =	sdelay $0x1  }
0x116: {  	v17 =	vld [tilespmem:s24+$0x70];
	_ =	sdelay $0x1  }
0x117: {  	v18 =	vld [tilespmem:s24+$0x430]  }
0x118: {  	v20 =	vunpack.i.u.bf16.f32 v16  }
0x119: {  	v22 =	vld [tilespmem:s24+$0x470];
	v16 =	vunpack.i.l.bf16.f32 v16;
	v20 =	vmul.f32 v20, v19  }
0x11a: {  	v16 =	vmul.f32 v16, v19;
	v19 =	vunpack.i.u.bf16.f32 v17  }
0x11b: {  	v17 =	vunpack.i.l.bf16.f32 v17;
	v19 =	vmul.f32 v19, v23;
	v20 =	vadd.f32 $0.0e+00, v20  }
0x11c: {  	v54 =	vunpack.i.u.bf16.f32 v18;
	v17 =	vmul.f32 v17, v23;
	v16 =	vadd.f32 $0.0e+00, v16  }
0x11d: {  	v18 =	vunpack.i.l.bf16.f32 v18;
	v23 =	vmul.f32 v54, v21;
	v19 =	vadd.f32 v19, v20  }
0x11e: {  	v18 =	vmul.f32 v18, v21;
	v16 =	vadd.f32 v17, v16;
	v17 =	vunpack.i.u.bf16.f32 v22  }
0x11f: {  	v20 =	vunpack.i.l.bf16.f32 v22;
	v17 =	vmul.f32 v17, v15;
	v19 =	vadd.f32 v23, v19  }
0x120: {  	v15 =	vmul.f32 v20, v15;
	v16 =	vadd.f32 v18, v16  }
0x121: {  	v17 =	vadd.f32 v17, v19  }
0x122: {  	v15 =	vadd.f32 v15, v16  }
0x123: {  	s28 =	simm.s32 $0x80;
	[tilespmem:s9+$0xFFFFFFF0] =	vst v17  }
0x124: {  	s24 =	sand.u32 $0x380, s28;
	[tilespmem:s9+$0xFFFFFFE0] =	vst v15  }
0x125: {  	s26 =	sadd.s32 s24, s26;
	v16 =	vld [tilespmem:s25+$0x0]  }
0x126: {  	v17 =	vld [tilespmem:s26+$0x0];
	_ =	sdelay $0x1  }
0x127: {  	v19 =	vld [tilespmem:s26+$0x40];
	_ =	sdelay $0x1  }
0x128: {  	v20 =	vld [tilespmem:s26+$0x400];
	v18 =	vbroadcast v16, $0x0  }
0x129: {  	v15 =	vbroadcast v16, $0x2;
	v21 =	vunpack.i.l.bf16.f32 v17  }
0x12a: {  	v23 =	vld [tilespmem:s26+$0x440];
	v22 =	vunpack.i.u.bf16.f32 v17;
	v17 =	vbroadcast v16, $0x1;
	v21 =	vmul.f32 v21, v18  }
0x12b: {  	v55 =	vunpack.i.l.bf16.f32 v19;
	v19 =	vunpack.i.u.bf16.f32 v19;
	v22 =	vmul.f32 v22, v18  }
0x12c: {  	v16 =	vbroadcast v16, $0x3;
	v24 =	vmul.f32 v55, v17;
	v21 =	vadd.f32 $0.0e+00, v21  }
0x12d: {  	v56 =	vunpack.i.l.bf16.f32 v20;
	v19 =	vmul.f32 v19, v17;
	v22 =	vadd.f32 $0.0e+00, v22  }
0x12e: {  	v20 =	vunpack.i.u.bf16.f32 v20;
	v57 =	vmul.f32 v56, v15;
	v21 =	vadd.f32 v24, v21  }
0x12f: {  	v20 =	vmul.f32 v20, v15;
	v19 =	vadd.f32 v19, v22;
	v22 =	vunpack.i.l.bf16.f32 v23  }
0x130: {  	v23 =	vunpack.i.u.bf16.f32 v23;
	v22 =	vmul.f32 v22, v16;
	v21 =	vadd.f32 v57, v21  }
0x131: {  	v19 =	vadd.f32 v20, v19;
	v20 =	vmul.f32 v23, v16  }
0x132: {  	v21 =	vadd.f32 v22, v21  }
0x133: {  	v19 =	vadd.f32 v20, v19  }
0x134: {  	[tilespmem:s9+$0x0] =	vst v21  }
0x135: {  	[tilespmem:s9+$0x10] =	vst v19  }
0x136: {  	v19 =	vld [tilespmem:s26+$0x10];
	_ =	sdelay $0x1  }
0x137: {  	v20 =	vld [tilespmem:s26+$0x50];
	_ =	sdelay $0x1  }
0x138: {  	v21 =	vld [tilespmem:s26+$0x410]  }
0x139: {  	v22 =	vunpack.i.l.bf16.f32 v19  }
0x13a: {  	v23 =	vld [tilespmem:s26+$0x450];
	v19 =	vunpack.i.u.bf16.f32 v19;
	v22 =	vmul.f32 v22, v18  }
0x13b: {  	v58 =	vunpack.i.l.bf16.f32 v20;
	v19 =	vmul.f32 v19, v18  }
0x13c: {  	v20 =	vunpack.i.u.bf16.f32 v20;
	v24 =	vmul.f32 v58, v17;
	v22 =	vadd.f32 $0.0e+00, v22  }
0x13d: {  	v59 =	vunpack.i.l.bf16.f32 v21;
	v20 =	vmul.f32 v20, v17;
	v19 =	vadd.f32 $0.0e+00, v19  }
0x13e: {  	v21 =	vunpack.i.u.bf16.f32 v21;
	v60 =	vmul.f32 v59, v15;
	v22 =	vadd.f32 v24, v22  }
0x13f: {  	v21 =	vmul.f32 v21, v15;
	v19 =	vadd.f32 v20, v19;
	v20 =	vunpack.i.l.bf16.f32 v23  }
0x140: {  	v23 =	vunpack.i.u.bf16.f32 v23;
	v20 =	vmul.f32 v20, v16;
	v22 =	vadd.f32 v60, v22  }
0x141: {  	v23 =	vmul.f32 v23, v16;
	v19 =	vadd.f32 v21, v19  }
0x142: {  	v20 =	vadd.f32 v20, v22  }
0x143: {  	v19 =	vadd.f32 v23, v19  }
0x144: {  	[tilespmem:s9+$0x20] =	vst v20  }
0x145: {  	[tilespmem:s9+$0x30] =	vst v19  }
0x146: {  	v19 =	vld [tilespmem:s26+$0x20];
	_ =	sdelay $0x1  }
0x147: {  	v20 =	vld [tilespmem:s26+$0x60];
	_ =	sdelay $0x1  }
0x148: {  	v21 =	vld [tilespmem:s26+$0x420]  }
0x149: {  	v22 =	vunpack.i.l.bf16.f32 v19  }
0x14a: {  	v23 =	vld [tilespmem:s26+$0x460];
	v19 =	vunpack.i.u.bf16.f32 v19;
	v22 =	vmul.f32 v22, v18  }
0x14b: {  	v61 =	vunpack.i.l.bf16.f32 v20;
	v19 =	vmul.f32 v19, v18  }
0x14c: {  	v20 =	vunpack.i.u.bf16.f32 v20;
	v24 =	vmul.f32 v61, v17;
	v22 =	vadd.f32 $0.0e+00, v22  }
0x14d: {  	v62 =	vunpack.i.l.bf16.f32 v21;
	v20 =	vmul.f32 v20, v17;
	v19 =	vadd.f32 $0.0e+00, v19  }
0x14e: {  	v21 =	vunpack.i.u.bf16.f32 v21;
	v63 =	vmul.f32 v62, v15;
	v22 =	vadd.f32 v24, v22  }
0x14f: {  	v21 =	vmul.f32 v21, v15;
	v19 =	vadd.f32 v20, v19;
	v20 =	vunpack.i.l.bf16.f32 v23  }
0x150: {  	v23 =	vunpack.i.u.bf16.f32 v23;
	v20 =	vmul.f32 v20, v16;
	v22 =	vadd.f32 v63, v22  }
0x151: {  	v23 =	vmul.f32 v23, v16;
	v19 =	vadd.f32 v21, v19  }
0x152: {  	v20 =	vadd.f32 v20, v22  }
0x153: {  	v19 =	vadd.f32 v23, v19  }
0x154: {  	[tilespmem:s9+$0x40] =	vst v20  }
0x155: {  	[tilespmem:s9+$0x50] =	vst v19  }
0x156: {  	v21 =	vld [tilespmem:s26+$0x30]  }
0x157: {  	s10 =	simm.s32 $0x0;
	v20 =	vld [tilespmem:s26+$0x70]  }
0x158: {  	s23 =	simm.s32 $0x6330;
	s24 =	simm.s32 $0x6A80;
	s25 =	simm.s32 $0x0;
	v19 =	vld [tilespmem:s26+$0x430]  }
.LBB2_3:
0x159: {  	s10 =	sadd.s32 $0x2, s10;
	v22 =	vld [tilespmem:s26+$0x470];
	s13 =	sadd.s32 $0x200, s13;
	s25 =	sadd.s32 $0x100, s25  }
0x15a: {  	p1 =	slt.u32 s10, $0x2E  }
0x15b: {  	v23 =	vunpack.i.u.bf16.f32 v21;
	v21 =	vunpack.i.l.bf16.f32 v21  }
0x15c: {  	v21 =	vmul.f32 v21, v18;
	v18 =	vmul.f32 v23, v18;
	v23 =	vunpack.i.u.bf16.f32 v20  }
0x15d: {  	v20 =	vunpack.i.l.bf16.f32 v20;
	v23 =	vmul.f32 v23, v17;
	v24 =	vunpack.i.u.bf16.f32 v19  }
0x15e: {  	v17 =	vmul.f32 v20, v17;
	v21 =	vadd.f32 $0.0e+00, v21;
	v18 =	vadd.f32 $0.0e+00, v18  }
0x15f: {  	v19 =	vunpack.i.l.bf16.f32 v19;
	v20 =	vmul.f32 v24, v15;
	v24 =	vunpack.i.u.bf16.f32 v22  }
0x160: {  	v15 =	vmul.f32 v19, v15;
	v17 =	vadd.f32 v17, v21;
	v18 =	vadd.f32 v23, v18  }
0x161: {  	v19 =	vunpack.i.l.bf16.f32 v22;
	v21 =	vmul.f32 v24, v16  }
0x162: {  	v16 =	vmul.f32 v19, v16;
	v15 =	vadd.f32 v15, v17;
	v17 =	vadd.f32 v20, v18;
	_ =	sdelay $0x1  }
0x163: {  	v15 =	vadd.f32 v16, v15;
	v16 =	vadd.f32 v21, v17  }
0x164: {  	s26 =	sand.u32 $0x3800, s13  }
0x165: {  	s28 =	sand.u32 $0x300, s25;
	s26 =	sor.u32 $0x300, s26;
	[tilespmem:s9+$0x60] =	vst v15  }
0x166: {  	s28 =	sadd.s32 s28, s26;
	[tilespmem:s9+$0x70] =	vst v16;
	s9 =	smov.u32 s24  }
0x167: {  	v15 =	vld [tilespmem:s28+$0x0]  }
0x168: {  	v18 =	vld [tilespmem:s23+$0xFFFFFFF0]  }
0x169: {  	v16 =	vld [tilespmem:s28+$0x40];
	_ =	sdelay $0x1  }
0x16a: {  	v19 =	vld [tilespmem:s28+$0x400]  }
0x16b: {  	v20 =	vunpack.i.u.bf16.f32 v15;
	v21 =	vunpack.i.l.bf16.f32 v15  }
0x16c: {  	v17 =	vbroadcast v18, $0x0;
	v15 =	vbroadcast v18, $0x2;
	v22 =	vld [tilespmem:s28+$0x440]  }
0x16d: {  	v23 =	vunpack.i.u.bf16.f32 v16;
	v24 =	vunpack.i.l.bf16.f32 v16;
	v16 =	vbroadcast v18, $0x1  }
0x16e: {  	v21 =	vmul.f32 v21, v17;
	v20 =	vmul.f32 v20, v17  }
0x16f: {  	v24 =	vmul.f32 v24, v16;
	v25 =	vunpack.i.u.bf16.f32 v19;
	v19 =	vunpack.i.l.bf16.f32 v19  }
0x170: {  	v21 =	vadd.f32 $0.0e+00, v21;
	v20 =	vadd.f32 $0.0e+00, v20;
	v25 =	vmul.f32 v25, v15  }
0x171: {  	v23 =	vmul.f32 v23, v16;
	v19 =	vmul.f32 v19, v15;
	v26 =	vunpack.i.l.bf16.f32 v22  }
0x172: {  	v18 =	vbroadcast v18, $0x3;
	v22 =	vunpack.i.u.bf16.f32 v22;
	v21 =	vadd.f32 v24, v21  }
0x173: {  	v20 =	vadd.f32 v23, v20  }
0x174: {  	v22 =	vmul.f32 v22, v18;
	v19 =	vadd.f32 v19, v21;
	v21 =	vmul.f32 v26, v18  }
0x175: {  	v20 =	vadd.f32 v25, v20  }
0x176: {  	v19 =	vadd.f32 v21, v19  }
0x177: {  	v20 =	vadd.f32 v22, v20  }
0x178: {  	[tilespmem:s24+$0xFFFFFF80] =	vst v19  }
0x179: {  	[tilespmem:s24+$0xFFFFFF90] =	vst v20  }
0x17a: {  	v19 =	vld [tilespmem:s28+$0x50]  }
0x17b: {  	v20 =	vld [tilespmem:s28+$0x410]  }
0x17c: {  	v21 =	vld [tilespmem:s28+$0x10];
	_ =	sdelay $0x2  }
0x17d: {  	v22 =	vunpack.i.l.bf16.f32 v19  }
0x17e: {  	v23 =	vunpack.i.u.bf16.f32 v20  }
0x17f: {  	v24 =	vunpack.i.u.bf16.f32 v21;
	v21 =	vunpack.i.l.bf16.f32 v21;
	v23 =	vmul.f32 v23, v15  }
0x180: {  	v22 =	vmul.f32 v22, v16;
	v21 =	vmul.f32 v21, v17;
	v25 =	vld [tilespmem:s28+$0x450]  }
0x181: {  	v24 =	vmul.f32 v24, v17  }
0x182: {  	v19 =	vunpack.i.u.bf16.f32 v19;
	v21 =	vadd.f32 $0.0e+00, v21  }
0x183: {  	v19 =	vmul.f32 v19, v16;
	v20 =	vunpack.i.l.bf16.f32 v20;
	v24 =	vadd.f32 $0.0e+00, v24  }
0x184: {  	v20 =	vmul.f32 v20, v15;
	v21 =	vadd.f32 v22, v21  }
0x185: {  	v19 =	vadd.f32 v19, v24;
	v22 =	vunpack.i.u.bf16.f32 v25;
	v24 =	vunpack.i.l.bf16.f32 v25  }
0x186: {  	v20 =	vadd.f32 v20, v21;
	v21 =	vmul.f32 v24, v18;
	v22 =	vmul.f32 v22, v18  }
0x187: {  	v19 =	vadd.f32 v23, v19  }
0x188: {  	v20 =	vadd.f32 v21, v20  }
0x189: {  	v19 =	vadd.f32 v22, v19  }
0x18a: {  	[tilespmem:s24+$0xFFFFFFA0] =	vst v20  }
0x18b: {  	[tilespmem:s24+$0xFFFFFFB0] =	vst v19  }
0x18c: {  	v19 =	vld [tilespmem:s28+$0x20]  }
0x18d: {  	v20 =	vld [tilespmem:s28+$0x460]  }
0x18e: {  	v21 =	vld [tilespmem:s28+$0x60]  }
0x18f: {  	v22 =	vld [tilespmem:s28+$0x420];
	_ =	sdelay $0x1  }
0x190: {  	v23 =	vunpack.i.u.bf16.f32 v19;
	v19 =	vunpack.i.l.bf16.f32 v19  }
0x191: {  	v19 =	vmul.f32 v19, v17;
	v23 =	vmul.f32 v23, v17;
	v24 =	vunpack.i.u.bf16.f32 v20  }
0x192: {  	v25 =	vunpack.i.u.bf16.f32 v21;
	v21 =	vunpack.i.l.bf16.f32 v21;
	v24 =	vmul.f32 v24, v18  }
0x193: {  	v19 =	vadd.f32 $0.0e+00, v19;
	v23 =	vadd.f32 $0.0e+00, v23;
	v25 =	vmul.f32 v25, v16  }
0x194: {  	v21 =	vmul.f32 v21, v16;
	v26 =	vunpack.i.u.bf16.f32 v22;
	v22 =	vunpack.i.l.bf16.f32 v22  }
0x195: {  	v22 =	vmul.f32 v22, v15;
	v23 =	vadd.f32 v25, v23;
	v25 =	vmul.f32 v26, v15  }
0x196: {  	v20 =	vunpack.i.l.bf16.f32 v20;
	v19 =	vadd.f32 v21, v19  }
0x197: {  	v20 =	vmul.f32 v20, v18;
	v21 =	vadd.f32 v25, v23  }
0x198: {  	v19 =	vadd.f32 v22, v19  }
0x199: {  	v21 =	vadd.f32 v24, v21  }
0x19a: {  	v19 =	vadd.f32 v20, v19  }
0x19b: {  	[tilespmem:s24+$0xFFFFFFD0] =	vst v21  }
0x19c: {  	[tilespmem:s24+$0xFFFFFFC0] =	vst v19  }
0x19d: {  	v19 =	vld [tilespmem:s28+$0x430]  }
0x19e: {  	v20 =	vld [tilespmem:s28+$0x30]  }
0x19f: {  	v21 =	vld [tilespmem:s28+$0x70];
	_ =	sdelay $0x2  }
0x1a0: {  	v22 =	vunpack.i.u.bf16.f32 v19;
	v19 =	vunpack.i.l.bf16.f32 v19  }
0x1a1: {  	v23 =	vunpack.i.u.bf16.f32 v20;
	v20 =	vunpack.i.l.bf16.f32 v20;
	v19 =	vmul.f32 v19, v15  }
0x1a2: {  	v20 =	vmul.f32 v20, v17;
	v17 =	vmul.f32 v23, v17;
	v23 =	vunpack.i.u.bf16.f32 v21;
	v24 =	vld [tilespmem:s28+$0x470]  }
0x1a3: {  	v15 =	vmul.f32 v22, v15;
	v21 =	vunpack.i.l.bf16.f32 v21;
	v23 =	vmul.f32 v23, v16  }
0x1a4: {  	v16 =	vmul.f32 v21, v16;
	v20 =	vadd.f32 $0.0e+00, v20;
	v17 =	vadd.f32 $0.0e+00, v17;
	_ =	sdelay $0x1  }
0x1a5: {  	v16 =	vadd.f32 v16, v20;
	v17 =	vadd.f32 v23, v17  }
0x1a6: {  	v20 =	vunpack.i.u.bf16.f32 v24;
	v21 =	vunpack.i.l.bf16.f32 v24  }
0x1a7: {  	v16 =	vadd.f32 v19, v16;
	v15 =	vadd.f32 v15, v17;
	v17 =	vmul.f32 v20, v18  }
0x1a8: {  	v18 =	vmul.f32 v21, v18  }
0x1a9: {  	v15 =	vadd.f32 v17, v15  }
0x1aa: {  	v16 =	vadd.f32 v18, v16;
	_ =	sdelay $0x1  }
0x1ab: {  	s28 =	sadd.s32 $0x80, s25;
	[tilespmem:s24+$0xFFFFFFF0] =	vst v15  }
0x1ac: {  	s28 =	sand.u32 $0x380, s28;
	[tilespmem:s24+$0xFFFFFFE0] =	vst v16  }
0x1ad: {  	s26 =	sadd.s32 s28, s26;
	v16 =	vld [tilespmem:s23+$0x0]  }
0x1ae: {  	v17 =	vld [tilespmem:s26+$0x0]  }
0x1af: {  	v19 =	vld [tilespmem:s26+$0x40];
	_ =	sdelay $0x1  }
0x1b0: {  	v20 =	vld [tilespmem:s26+$0x400]  }
0x1b1: {  	v18 =	vbroadcast v16, $0x0;
	v15 =	vbroadcast v16, $0x2  }
0x1b2: {  	v21 =	vunpack.i.u.bf16.f32 v17;
	v22 =	vunpack.i.l.bf16.f32 v17;
	v17 =	vbroadcast v16, $0x1  }
0x1b3: {  	v22 =	vmul.f32 v22, v18;
	v21 =	vmul.f32 v21, v18;
	v23 =	vunpack.i.l.bf16.f32 v19;
	v24 =	vld [tilespmem:s26+$0x440]  }
0x1b4: {  	v16 =	vbroadcast v16, $0x3;
	v19 =	vunpack.i.u.bf16.f32 v19;
	v23 =	vmul.f32 v23, v17  }
0x1b5: {  	v19 =	vmul.f32 v19, v17;
	v22 =	vadd.f32 $0.0e+00, v22;
	v21 =	vadd.f32 $0.0e+00, v21  }
0x1b6: {  	v25 =	vunpack.i.u.bf16.f32 v20;
	v20 =	vunpack.i.l.bf16.f32 v20  }
0x1b7: {  	v20 =	vmul.f32 v20, v15;
	v22 =	vadd.f32 v23, v22;
	v19 =	vadd.f32 v19, v21  }
0x1b8: {  	v21 =	vmul.f32 v25, v15;
	v23 =	vunpack.i.l.bf16.f32 v24  }
0x1b9: {  	v20 =	vadd.f32 v20, v22;
	v22 =	vunpack.i.u.bf16.f32 v24;
	v23 =	vmul.f32 v23, v16  }
0x1ba: {  	v19 =	vadd.f32 v21, v19;
	v21 =	vmul.f32 v22, v16  }
0x1bb: {  	v20 =	vadd.f32 v23, v20  }
0x1bc: {  	v19 =	vadd.f32 v21, v19  }
0x1bd: {  	[tilespmem:s24+$0x0] =	vst v20  }
0x1be: {  	[tilespmem:s24+$0x10] =	vst v19  }
0x1bf: {  	v19 =	vld [tilespmem:s26+$0x10]  }
0x1c0: {  	v20 =	vld [tilespmem:s26+$0x50]  }
0x1c1: {  	v21 =	vld [tilespmem:s26+$0x410]  }
0x1c2: {  	v22 =	vld [tilespmem:s26+$0x450];
	_ =	sdelay $0x1  }
0x1c3: {  	v23 =	vunpack.i.u.bf16.f32 v19;
	v19 =	vunpack.i.l.bf16.f32 v19  }
0x1c4: {  	v19 =	vmul.f32 v19, v18;
	v23 =	vmul.f32 v23, v18;
	v24 =	vunpack.i.u.bf16.f32 v20  }
0x1c5: {  	v20 =	vunpack.i.l.bf16.f32 v20;
	v24 =	vmul.f32 v24, v17;
	v25 =	vunpack.i.u.bf16.f32 v21  }
0x1c6: {  	v20 =	vmul.f32 v20, v17;
	v19 =	vadd.f32 $0.0e+00, v19;
	v23 =	vadd.f32 $0.0e+00, v23  }
0x1c7: {  	v21 =	vunpack.i.l.bf16.f32 v21;
	v25 =	vmul.f32 v25, v15;
	v26 =	vunpack.i.u.bf16.f32 v22  }
0x1c8: {  	v21 =	vmul.f32 v21, v15;
	v19 =	vadd.f32 v20, v19;
	v20 =	vadd.f32 v24, v23  }
0x1c9: {  	v22 =	vunpack.i.l.bf16.f32 v22;
	v23 =	vmul.f32 v26, v16  }
0x1ca: {  	v19 =	vadd.f32 v21, v19;
	v20 =	vadd.f32 v25, v20;
	v21 =	vmul.f32 v22, v16;
	_ =	sdelay $0x1  }
0x1cb: {  	v19 =	vadd.f32 v21, v19;
	v20 =	vadd.f32 v23, v20;
	_ =	sdelay $0x1  }
0x1cc: {  	[tilespmem:s24+$0x20] =	vst v19  }
0x1cd: {  	[tilespmem:s24+$0x30] =	vst v20  }
0x1ce: {  	v19 =	vld [tilespmem:s26+$0x20]  }
0x1cf: {  	v20 =	vld [tilespmem:s26+$0x60]  }
0x1d0: {  	v21 =	vld [tilespmem:s26+$0x420]  }
0x1d1: {  	v22 =	vld [tilespmem:s26+$0x460];
	_ =	sdelay $0x1  }
0x1d2: {  	v23 =	vunpack.i.u.bf16.f32 v19;
	v19 =	vunpack.i.l.bf16.f32 v19  }
0x1d3: {  	v19 =	vmul.f32 v19, v18;
	v23 =	vmul.f32 v23, v18;
	v24 =	vunpack.i.l.bf16.f32 v20  }
0x1d4: {  	v20 =	vunpack.i.u.bf16.f32 v20;
	v24 =	vmul.f32 v24, v17;
	v25 =	vunpack.i.u.bf16.f32 v21  }
0x1d5: {  	v20 =	vmul.f32 v20, v17;
	v19 =	vadd.f32 $0.0e+00, v19;
	v23 =	vadd.f32 $0.0e+00, v23  }
0x1d6: {  	v21 =	vunpack.i.l.bf16.f32 v21;
	v25 =	vmul.f32 v25, v15;
	v26 =	vunpack.i.u.bf16.f32 v22  }
0x1d7: {  	v21 =	vmul.f32 v21, v15;
	v19 =	vadd.f32 v24, v19;
	v20 =	vadd.f32 v20, v23  }
0x1d8: {  	v22 =	vunpack.i.l.bf16.f32 v22;
	v23 =	vmul.f32 v26, v16  }
0x1d9: {  	v19 =	vadd.f32 v21, v19;
	v20 =	vadd.f32 v25, v20;
	v21 =	vmul.f32 v22, v16;
	_ =	sdelay $0x1  }
0x1da: {  	v19 =	vadd.f32 v21, v19;
	v20 =	vadd.f32 v23, v20;
	_ =	sdelay $0x1  }
.Ltmp0:
0x1db: {  	[tilespmem:s24+$0x40] =	vst v19;
	(pc) =	sbr.rel @p1 .LBB2_3-.Ltmp0, $4  }
0x1dc: {  	[tilespmem:s24+$0x50] =	vst v20  }
0x1dd: {  	v21 =	vld [tilespmem:s26+$0x30]  }
0x1de: {  	v20 =	vld [tilespmem:s26+$0x70]  }
0x1df: {  	s23 =	sadd.s32 $0x20, s23;
	s24 =	sadd.s32 $0x100, s24;
	v19 =	vld [tilespmem:s26+$0x430]  }
0x1e0: {  	_ =	sdelay $0x1  }
0x1e1: {  	v22 =	vunpack.i.l.bf16.f32 v21  }
0x1e2: {  	v23 =	vld [tilespmem:s26+$0x470];
	v21 =	vunpack.i.u.bf16.f32 v21;
	v22 =	vmul.f32 v22, v18  }
0x1e3: {  	v18 =	vmul.f32 v21, v18;
	v21 =	vunpack.i.l.bf16.f32 v20  }
0x1e4: {  	v20 =	vunpack.i.u.bf16.f32 v20;
	v21 =	vmul.f32 v21, v17;
	v22 =	vadd.f32 $0.0e+00, v22  }
0x1e5: {  	v17 =	vmul.f32 v20, v17;
	v20 =	vunpack.i.l.bf16.f32 v19;
	v18 =	vadd.f32 $0.0e+00, v18  }
0x1e6: {  	v19 =	vunpack.i.u.bf16.f32 v19;
	v20 =	vmul.f32 v20, v15;
	v21 =	vadd.f32 v21, v22  }
0x1e7: {  	v15 =	vmul.f32 v19, v15;
	v17 =	vadd.f32 v17, v18;
	v18 =	vunpack.i.l.bf16.f32 v23  }
0x1e8: {  	v19 =	vunpack.i.u.bf16.f32 v23;
	v18 =	vmul.f32 v18, v16;
	v20 =	vadd.f32 v20, v21  }
0x1e9: {  	v16 =	vmul.f32 v19, v16;
	v15 =	vadd.f32 v15, v17  }
0x1ea: {  	v17 =	vadd.f32 v18, v20  }
0x1eb: {  	v15 =	vadd.f32 v16, v15  }
0x1ec: {  	[tilespmem:s9+$0x60] =	vst v17  }
0x1ed: {  	[tilespmem:s9+$0x70] =	vst v15  }
0x1ee: {  	[spmem:s3] =	stream.indirect.scatter.add.f32 [tilespmem:s20], [sflag:$0x5], $0x80, s19, s16, $0xb8;
	[tilespmem:$0x1EF00] =	vst v63  }
0x1ef: {  	_ =	swait.ge [sflag:s22], $0x30  }
0x1f0: {  	[sflag:s22] =	ssyncset.done $0x0  }
0x1f1: {  	[sflag:s22] =	ssyncadd.s32 $0xFFFFFFD0  }
0x1f2: {  	_ =	swait.ge [sflag:s22], $0x30  }
0x1f3: {  	[sflag:s22] =	ssyncset.done $0x0  }
0x1f4: {  	[sflag:s22] =	ssyncadd.s32 $0xFFFFFFD0  }
0x1f5: {  	_ =	swait.ge [sflag:s22], $0x30  }
0x1f6: {  	[sflag:s22] =	ssyncset.done $0x0  }
0x1f7: {  	[sflag:s22] =	ssyncadd.s32 $0xFFFFFFD0  }
0x1f8: {  	v15 =	vld [tilespmem:$0x0];
	_ =	sdelay $0x4  }
0x1f9: {  	v16 =	vshll.u32 v15, $0x1  }
0x1fa: {  	v15 =	vand.u32 $0x7, v15;
	v16 =	vand.u32 $0xFFFFFFF0, v16  }
0x1fb: {  	v15 =	vor.u32 v15, v16  }
0x1fc: {  	v16 =	vperm.xlane v15, v1;
	_ =	sdelay $0x1  }
0x1fd: {  	v15 =	vperm.xlane v15, v3;
	v16 =	vadd.s32 v2, v16;
	_ =	sdelay $0x1  }
0x1fe: {  	v15 =	vadd.s32 v2, v15;
	_ =	sdelay $0x1  }
0x1ff: {  	s10 =	simm.s32 $0x300  }
0x200: {  	[tilespmem:s10], [sflag:$0x3] =	stream.indirect_vreg.gather [hbm4b:s7+s4], $0x80, v16, vm0, $0xb8;
	[tilespmem:$0x1EF00] =	vst v63  }
0x201: {  	s13 =	simm.s32 $0xB00  }
0x202: {  	[tilespmem:s13], [sflag:$0x3] =	stream.indirect_vreg.gather [hbm4b:s7+s4], $0x80, v15, vm0, $0xb8;
	[tilespmem:$0x1EF00] =	vst v63  }
0x203: {  	v15 =	vld [tilespmem:$0x10];
	_ =	sdelay $0x4  }
0x204: {  	v16 =	vshll.u32 v15, $0x1  }
0x205: {  	v15 =	vand.u32 $0x7, v15;
	v16 =	vand.u32 $0xFFFFFFF0, v16  }
0x206: {  	v15 =	vor.u32 v15, v16  }
0x207: {  	v16 =	vperm.xlane v15, v1;
	_ =	sdelay $0x1  }
0x208: {  	v15 =	vperm.xlane v15, v3;
	v16 =	vadd.s32 v2, v16;
	_ =	sdelay $0x1  }
0x209: {  	v15 =	vadd.s32 v2, v15;
	_ =	sdelay $0x1  }
0x20a: {  	s23 =	simm.s32 $0x1300  }
0x20b: {  	[tilespmem:s23], [sflag:$0x3] =	stream.indirect_vreg.gather [hbm4b:s7+s4], $0x80, v16, vm0, $0xb8;
	[tilespmem:$0x1EF00] =	vst v63  }
0x20c: {  	_ = 	snop  }
0x20d: {  	[tilespmem:s29], [sflag:$0x3] =	stream.indirect_vreg.gather [hbm4b:s7+s4], $0x80, v15, vm0, $0xb8;
	[tilespmem:$0x1EF00] =	vst v63  }
0x20e: {  	v15 =	vld [tilespmem:$0x20];
	_ =	sdelay $0x4  }
0x20f: {  	v16 =	vshll.u32 v15, $0x1  }
0x210: {  	v15 =	vand.u32 $0x7, v15;
	v16 =	vand.u32 $0xFFFFFFF0, v16  }
0x211: {  	v15 =	vor.u32 v15, v16  }
0x212: {  	v16 =	vperm.xlane v15, v1;
	_ =	sdelay $0x1  }
0x213: {  	v15 =	vperm.xlane v15, v3;
	v16 =	vadd.s32 v2, v16;
	_ =	sdelay $0x1  }
0x214: {  	v15 =	vadd.s32 v2, v15;
	_ =	sdelay $0x2  }
0x215: {  	[tilespmem:s30], [sflag:$0x3] =	stream.indirect_vreg.gather [hbm4b:s7+s4], $0x80, v16, vm0, $0xb8;
	[tilespmem:$0x1EF00] =	vst v63  }
0x216: {  	s9 =	simm.s32 @!p0 $0x6  }
0x217: {  	[tilespmem:s31], [sflag:$0x3] =	stream.indirect_vreg.gather [hbm4b:s7+s4], $0x80, v15, vm0, $0xb8;
	[tilespmem:$0x1EF00] =	vst v63  }
0x218: {  	_ =	swait.ge @!p0 [sflag:s9], $0x1800  }
0x219: {  	[sflag:s9] =	ssyncset.done @!p0 $0x0  }
0x21a: {  	[sflag:s9] =	ssyncadd.s32 @!p0 $0xFFFFE800  }
0x21b: {  	v15 =	vld [tilespmem:$0x180]  }
0x21c: {  	v16 =	vld [tilespmem:$0x190]  }
0x21d: {  	v17 =	vld [tilespmem:$0x1A0];
	_ =	sdelay $0x2  }
0x21e: {  	[tilespmem:$0x9980] =	vst v15  }
0x21f: {  	p0 =	seq.s32 s11, $0x67;
	[tilespmem:$0x9990] =	vst v16  }
0x220: {  	s9 =	sadd.s32 @!p0 s12, s18;
	[tilespmem:$0x99A0] =	vst v17  }
0x221: {  	s9 =	smul.u32 @!p0 $0x6, s9;
	_ =	swait.ge [sflag:s8], $0x3000  }
0x222: {  	s12 =	simm.s32 @!p0 $0x0;
	[sflag:s8] =	ssyncset.done $0x0  }
0x223: {  	s13 =	simm.s32 @!p0 $0x80;
	s10 =	sadd.s32 @!p0 s1, s9;
	[sflag:s8] =	ssyncadd.s32 $0xFFFFD000  }
0x224: {  	[tilespmem:s13], [sflag:$0x2] =	stream.linear.gather @!p0 [hbm4b:s10+s12], $0x30, $0x38;
	[tilespmem:$0x1EF00] =	vst v63  }
0x225: {  	s10 =	sadd.s32 @!p0 s5, s9;
	s13 =	simm.s32 @!p0 $0x180  }
0x226: {  	[tilespmem:s13], [sflag:$0x2] =	stream.linear.gather @!p0 [hbm4b:s10+s12], $0x30, $0x38;
	[tilespmem:$0x1EF00] =	vst v63  }
0x227: {  	s9 =	sadd.s32 @!p0 s6, s9;
	s10 =	simm.s32 @!p0 $0x280  }
0x228: {  	[tilespmem:s10], [sflag:$0x2] =	stream.linear.gather @!p0 [hbm4b:s9+s12], $0x30, $0x38;
	[tilespmem:$0x1EF00] =	vst v63  }
0x229: {  	v15 =	vld [tilespmem:$0x200];
	_ =	sdelay $0x4  }
0x22a: {  	v15 =	vshll.u32 v15, $0x2;
	_ =	sdelay $0x4  }
0x22b: {  	v16 =	vld.idx.msk [tilespmem:v15+s21+$0x0], $0xffff  }
0x22c: {  	v17 =	vor.u32 $0x1, v15;
	_ =	sdelay $0x3  }
0x22d: {  	[tilespmem:v0+s0+$0x0] =	vst.idx.msk $0xffff, v16  }
0x22e: {  	v16 =	vld.idx.msk [tilespmem:v17+s21+$0x0], $0xffff  }
0x22f: {  	v17 =	vor.u32 $0x2, v15;
	_ =	sdelay $0x3  }
0x230: {  	[tilespmem:v4+s0+$0x0] =	vst.idx.msk $0xffff, v16  }
0x231: {  	v16 =	vld.idx.msk [tilespmem:v17+s21+$0x0], $0xffff  }
0x232: {  	v15 =	vor.u32 $0x3, v15;
	_ =	sdelay $0x3  }
0x233: {  	[tilespmem:v5+s0+$0x0] =	vst.idx.msk $0xffff, v16  }
0x234: {  	v15 =	vld.idx.msk [tilespmem:v15+s21+$0x0], $0xffff;
	_ =	sdelay $0x4  }
0x235: {  	[tilespmem:v6+s0+$0x0] =	vst.idx.msk $0xffff, v15  }
0x236: {  	v15 =	vld [tilespmem:$0x210];
	_ =	sdelay $0x4  }
0x237: {  	v15 =	vshll.u32 v15, $0x2;
	_ =	sdelay $0x4  }
0x238: {  	v16 =	vld.idx.msk [tilespmem:v15+s21+$0x0], $0xffff  }
0x239: {  	v17 =	vor.u32 $0x1, v15;
	_ =	sdelay $0x3  }
0x23a: {  	[tilespmem:v7+s0+$0x0] =	vst.idx.msk $0xffff, v16  }
0x23b: {  	v16 =	vld.idx.msk [tilespmem:v17+s21+$0x0], $0xffff  }
0x23c: {  	v17 =	vor.u32 $0x2, v15;
	_ =	sdelay $0x3  }
0x23d: {  	[tilespmem:v8+s0+$0x0] =	vst.idx.msk $0xffff, v16  }
0x23e: {  	v16 =	vld.idx.msk [tilespmem:v17+s21+$0x0], $0xffff  }
0x23f: {  	v15 =	vor.u32 $0x3, v15;
	_ =	sdelay $0x3  }
0x240: {  	[tilespmem:v9+s0+$0x0] =	vst.idx.msk $0xffff, v16  }
0x241: {  	v15 =	vld.idx.msk [tilespmem:v15+s21+$0x0], $0xffff;
	_ =	sdelay $0x4  }
0x242: {  	[tilespmem:v10+s0+$0x0] =	vst.idx.msk $0xffff, v15  }
0x243: {  	v15 =	vld [tilespmem:$0x220];
	_ =	sdelay $0x4  }
0x244: {  	v15 =	vshll.u32 v15, $0x2;
	_ =	sdelay $0x4  }
0x245: {  	v16 =	vld.idx.msk [tilespmem:v15+s21+$0x0], $0xffff  }
0x246: {  	v17 =	vor.u32 $0x1, v15;
	_ =	sdelay $0x3  }
0x247: {  	[tilespmem:v11+s0+$0x0] =	vst.idx.msk $0xffff, v16  }
0x248: {  	v16 =	vld.idx.msk [tilespmem:v17+s21+$0x0], $0xffff  }
0x249: {  	v17 =	vor.u32 $0x2, v15;
	_ =	sdelay $0x3  }
0x24a: {  	[tilespmem:v12+s0+$0x0] =	vst.idx.msk $0xffff, v16  }
0x24b: {  	v16 =	vld.idx.msk [tilespmem:v17+s21+$0x0], $0xffff  }
0x24c: {  	v15 =	vor.u32 $0x3, v15;
	_ =	sdelay $0x3  }
0x24d: {  	[tilespmem:v13+s0+$0x0] =	vst.idx.msk $0xffff, v16  }
0x24e: {  	v15 =	vld.idx.msk [tilespmem:v15+s21+$0x0], $0xffff;
	_ =	sdelay $0x2  }
0x24f: {  	s12 =	simm.s32 $0x0  }
0x250: {  	s24 =	sand.u32 $0x3800, s12  }
0x251: {  	s25 =	simm.s32 $0x6610;
	s23 =	sand.u32 $0x300, s12;
	s26 =	sadd.s32 $0x3300, s24;
	[tilespmem:v14+s0+$0x0] =	vst.idx.msk $0xffff, v15  }
0x252: {  	s23 =	sadd.s32 s23, s26;
	v15 =	vld [tilespmem:s25+$0xFFFFFFF0]  }
0x253: {  	v16 =	vld [tilespmem:s23+$0x0];
	_ =	sdelay $0x1  }
0x254: {  	v17 =	vld [tilespmem:s23+$0x40]  }
0x255: {  	v18 =	vld [tilespmem:s23+$0x400]  }
0x256: {  	v19 =	vbroadcast v15, $0x0  }
0x257: {  	v20 =	vunpack.i.l.bf16.f32 v16;
	v21 =	vbroadcast v15, $0x2  }
0x258: {  	v22 =	vld [tilespmem:s23+$0x440];
	v16 =	vunpack.i.u.bf16.f32 v16;
	v23 =	vbroadcast v15, $0x1;
	v20 =	vmul.f32 v20, v19  }
0x259: {  	v24 =	vunpack.i.u.bf16.f32 v17;
	v17 =	vunpack.i.l.bf16.f32 v17;
	v16 =	vmul.f32 v16, v19  }
0x25a: {  	v25 =	vunpack.i.u.bf16.f32 v18;
	v17 =	vmul.f32 v17, v23;
	v20 =	vadd.f32 $0.0e+00, v20  }
0x25b: {  	v18 =	vunpack.i.l.bf16.f32 v18;
	v24 =	vmul.f32 v24, v23;
	v16 =	vadd.f32 $0.0e+00, v16  }
0x25c: {  	v15 =	vbroadcast v15, $0x3;
	v18 =	vmul.f32 v18, v21;
	v17 =	vadd.f32 v17, v20  }
0x25d: {  	v46 =	vunpack.i.l.bf16.f32 v22;
	v20 =	vmul.f32 v25, v21;
	v16 =	vadd.f32 v24, v16  }
0x25e: {  	v22 =	vunpack.i.u.bf16.f32 v22;
	v17 =	vadd.f32 v18, v17;
	v18 =	vmul.f32 v46, v15  }
0x25f: {  	v22 =	vmul.f32 v22, v15;
	v16 =	vadd.f32 v20, v16  }
0x260: {  	v17 =	vadd.f32 v18, v17  }
0x261: {  	s9 =	simm.s32 $0x8180;
	v16 =	vadd.f32 v22, v16  }
0x262: {  	[tilespmem:s9+$0xFFFFFF80] =	vst v17  }
0x263: {  	[tilespmem:s9+$0xFFFFFF90] =	vst v16  }
0x264: {  	v16 =	vld [tilespmem:s23+$0x10];
	_ =	sdelay $0x1  }
0x265: {  	v17 =	vld [tilespmem:s23+$0x50];
	_ =	sdelay $0x1  }
0x266: {  	v18 =	vld [tilespmem:s23+$0x410]  }
0x267: {  	v20 =	vunpack.i.l.bf16.f32 v16  }
0x268: {  	v22 =	vld [tilespmem:s23+$0x450];
	v16 =	vunpack.i.u.bf16.f32 v16;
	v20 =	vmul.f32 v20, v19  }
0x269: {  	v47 =	vunpack.i.l.bf16.f32 v17;
	v16 =	vmul.f32 v16, v19  }
0x26a: {  	v17 =	vunpack.i.u.bf16.f32 v17;
	v24 =	vmul.f32 v47, v23;
	v20 =	vadd.f32 $0.0e+00, v20  }
0x26b: {  	v48 =	vunpack.i.l.bf16.f32 v18;
	v17 =	vmul.f32 v17, v23;
	v16 =	vadd.f32 $0.0e+00, v16  }
0x26c: {  	v18 =	vunpack.i.u.bf16.f32 v18;
	v49 =	vmul.f32 v48, v21;
	v20 =	vadd.f32 v24, v20  }
0x26d: {  	v18 =	vmul.f32 v18, v21;
	v16 =	vadd.f32 v17, v16;
	v17 =	vunpack.i.l.bf16.f32 v22  }
0x26e: {  	v22 =	vunpack.i.u.bf16.f32 v22;
	v17 =	vmul.f32 v17, v15;
	v20 =	vadd.f32 v49, v20  }
0x26f: {  	v22 =	vmul.f32 v22, v15;
	v16 =	vadd.f32 v18, v16  }
0x270: {  	v17 =	vadd.f32 v17, v20  }
0x271: {  	v16 =	vadd.f32 v22, v16  }
0x272: {  	[tilespmem:s9+$0xFFFFFFA0] =	vst v17  }
0x273: {  	[tilespmem:s9+$0xFFFFFFB0] =	vst v16  }
0x274: {  	v16 =	vld [tilespmem:s23+$0x20];
	_ =	sdelay $0x1  }
0x275: {  	v17 =	vld [tilespmem:s23+$0x60];
	_ =	sdelay $0x1  }
0x276: {  	v18 =	vld [tilespmem:s23+$0x420]  }
0x277: {  	v20 =	vunpack.i.u.bf16.f32 v16  }
0x278: {  	v22 =	vld [tilespmem:s23+$0x460];
	v16 =	vunpack.i.l.bf16.f32 v16;
	v20 =	vmul.f32 v20, v19  }
0x279: {  	v50 =	vunpack.i.u.bf16.f32 v17;
	v16 =	vmul.f32 v16, v19  }
0x27a: {  	v17 =	vunpack.i.l.bf16.f32 v17;
	v24 =	vmul.f32 v50, v23;
	v20 =	vadd.f32 $0.0e+00, v20  }
0x27b: {  	v51 =	vunpack.i.u.bf16.f32 v18;
	v17 =	vmul.f32 v17, v23;
	v16 =	vadd.f32 $0.0e+00, v16  }
0x27c: {  	v18 =	vunpack.i.l.bf16.f32 v18;
	v52 =	vmul.f32 v51, v21;
	v20 =	vadd.f32 v24, v20  }
0x27d: {  	v53 =	vunpack.i.u.bf16.f32 v22;
	v18 =	vmul.f32 v18, v21;
	v16 =	vadd.f32 v17, v16  }
0x27e: {  	v22 =	vunpack.i.l.bf16.f32 v22;
	v17 =	vmul.f32 v53, v15;
	v20 =	vadd.f32 v52, v20  }
0x27f: {  	v22 =	vmul.f32 v22, v15;
	v16 =	vadd.f32 v18, v16  }
0x280: {  	v17 =	vadd.f32 v17, v20  }
0x281: {  	v16 =	vadd.f32 v22, v16  }
0x282: {  	[tilespmem:s9+$0xFFFFFFD0] =	vst v17  }
0x283: {  	[tilespmem:s9+$0xFFFFFFC0] =	vst v16  }
0x284: {  	v16 =	vld [tilespmem:s23+$0x30];
	_ =	sdelay $0x1  }
0x285: {  	v17 =	vld [tilespmem:s23+$0x70];
	_ =	sdelay $0x1  }
0x286: {  	v18 =	vld [tilespmem:s23+$0x430]  }
0x287: {  	v20 =	vunpack.i.u.bf16.f32 v16  }
0x288: {  	v22 =	vld [tilespmem:s23+$0x470];
	v16 =	vunpack.i.l.bf16.f32 v16;
	v20 =	vmul.f32 v20, v19  }
0x289: {  	v16 =	vmul.f32 v16, v19;
	v19 =	vunpack.i.u.bf16.f32 v17  }
0x28a: {  	v17 =	vunpack.i.l.bf16.f32 v17;
	v19 =	vmul.f32 v19, v23;
	v20 =	vadd.f32 $0.0e+00, v20  }
0x28b: {  	v54 =	vunpack.i.u.bf16.f32 v18;
	v17 =	vmul.f32 v17, v23;
	v16 =	vadd.f32 $0.0e+00, v16  }
0x28c: {  	v18 =	vunpack.i.l.bf16.f32 v18;
	v23 =	vmul.f32 v54, v21;
	v19 =	vadd.f32 v19, v20  }
0x28d: {  	v18 =	vmul.f32 v18, v21;
	v16 =	vadd.f32 v17, v16;
	v17 =	vunpack.i.u.bf16.f32 v22  }
0x28e: {  	v20 =	vunpack.i.l.bf16.f32 v22;
	v17 =	vmul.f32 v17, v15;
	v19 =	vadd.f32 v23, v19  }
0x28f: {  	v15 =	vmul.f32 v20, v15;
	v16 =	vadd.f32 v18, v16  }
0x290: {  	v17 =	vadd.f32 v17, v19  }
0x291: {  	v15 =	vadd.f32 v15, v16  }
0x292: {  	s28 =	simm.s32 $0x80;
	[tilespmem:s9+$0xFFFFFFF0] =	vst v17  }
0x293: {  	s23 =	sand.u32 $0x380, s28;
	[tilespmem:s9+$0xFFFFFFE0] =	vst v15  }
0x294: {  	v16 =	vld [tilespmem:s25+$0x0];
	s25 =	sadd.s32 s23, s26  }
0x295: {  	v17 =	vld [tilespmem:s25+$0x0];
	_ =	sdelay $0x1  }
0x296: {  	v19 =	vld [tilespmem:s25+$0x40];
	_ =	sdelay $0x1  }
0x297: {  	v20 =	vld [tilespmem:s25+$0x400];
	v18 =	vbroadcast v16, $0x0  }
0x298: {  	v15 =	vbroadcast v16, $0x2;
	v21 =	vunpack.i.l.bf16.f32 v17  }
0x299: {  	v23 =	vld [tilespmem:s25+$0x440];
	v22 =	vunpack.i.u.bf16.f32 v17;
	v17 =	vbroadcast v16, $0x1;
	v21 =	vmul.f32 v21, v18  }
0x29a: {  	v55 =	vunpack.i.l.bf16.f32 v19;
	v19 =	vunpack.i.u.bf16.f32 v19;
	v22 =	vmul.f32 v22, v18  }
0x29b: {  	v16 =	vbroadcast v16, $0x3;
	v24 =	vmul.f32 v55, v17;
	v21 =	vadd.f32 $0.0e+00, v21  }
0x29c: {  	v56 =	vunpack.i.l.bf16.f32 v20;
	v19 =	vmul.f32 v19, v17;
	v22 =	vadd.f32 $0.0e+00, v22  }
0x29d: {  	v20 =	vunpack.i.u.bf16.f32 v20;
	v57 =	vmul.f32 v56, v15;
	v21 =	vadd.f32 v24, v21  }
0x29e: {  	v20 =	vmul.f32 v20, v15;
	v19 =	vadd.f32 v19, v22;
	v22 =	vunpack.i.l.bf16.f32 v23  }
0x29f: {  	v23 =	vunpack.i.u.bf16.f32 v23;
	v22 =	vmul.f32 v22, v16;
	v21 =	vadd.f32 v57, v21  }
0x2a0: {  	v19 =	vadd.f32 v20, v19;
	v20 =	vmul.f32 v23, v16  }
0x2a1: {  	v21 =	vadd.f32 v22, v21  }
0x2a2: {  	v19 =	vadd.f32 v20, v19  }
0x2a3: {  	[tilespmem:s9+$0x0] =	vst v21  }
0x2a4: {  	[tilespmem:s9+$0x10] =	vst v19  }
0x2a5: {  	v19 =	vld [tilespmem:s25+$0x10];
	_ =	sdelay $0x1  }
0x2a6: {  	v20 =	vld [tilespmem:s25+$0x50];
	_ =	sdelay $0x1  }
0x2a7: {  	v21 =	vld [tilespmem:s25+$0x410]  }
0x2a8: {  	v22 =	vunpack.i.l.bf16.f32 v19  }
0x2a9: {  	v23 =	vld [tilespmem:s25+$0x450];
	v19 =	vunpack.i.u.bf16.f32 v19;
	v22 =	vmul.f32 v22, v18  }
0x2aa: {  	v58 =	vunpack.i.l.bf16.f32 v20;
	v19 =	vmul.f32 v19, v18  }
0x2ab: {  	v20 =	vunpack.i.u.bf16.f32 v20;
	v24 =	vmul.f32 v58, v17;
	v22 =	vadd.f32 $0.0e+00, v22  }
0x2ac: {  	v59 =	vunpack.i.l.bf16.f32 v21;
	v20 =	vmul.f32 v20, v17;
	v19 =	vadd.f32 $0.0e+00, v19  }
0x2ad: {  	v21 =	vunpack.i.u.bf16.f32 v21;
	v60 =	vmul.f32 v59, v15;
	v22 =	vadd.f32 v24, v22  }
0x2ae: {  	v21 =	vmul.f32 v21, v15;
	v19 =	vadd.f32 v20, v19;
	v20 =	vunpack.i.l.bf16.f32 v23  }
0x2af: {  	v23 =	vunpack.i.u.bf16.f32 v23;
	v20 =	vmul.f32 v20, v16;
	v22 =	vadd.f32 v60, v22  }
0x2b0: {  	v23 =	vmul.f32 v23, v16;
	v19 =	vadd.f32 v21, v19  }
0x2b1: {  	v20 =	vadd.f32 v20, v22  }
0x2b2: {  	v19 =	vadd.f32 v23, v19  }
0x2b3: {  	[tilespmem:s9+$0x20] =	vst v20  }
0x2b4: {  	[tilespmem:s9+$0x30] =	vst v19  }
0x2b5: {  	v19 =	vld [tilespmem:s25+$0x20];
	_ =	sdelay $0x1  }
0x2b6: {  	v20 =	vld [tilespmem:s25+$0x60];
	_ =	sdelay $0x1  }
0x2b7: {  	v21 =	vld [tilespmem:s25+$0x420]  }
0x2b8: {  	v22 =	vunpack.i.l.bf16.f32 v19  }
0x2b9: {  	v23 =	vld [tilespmem:s25+$0x460];
	v19 =	vunpack.i.u.bf16.f32 v19;
	v22 =	vmul.f32 v22, v18  }
0x2ba: {  	v61 =	vunpack.i.l.bf16.f32 v20;
	v19 =	vmul.f32 v19, v18  }
0x2bb: {  	v20 =	vunpack.i.u.bf16.f32 v20;
	v24 =	vmul.f32 v61, v17;
	v22 =	vadd.f32 $0.0e+00, v22  }
0x2bc: {  	v62 =	vunpack.i.l.bf16.f32 v21;
	v20 =	vmul.f32 v20, v17;
	v19 =	vadd.f32 $0.0e+00, v19  }
0x2bd: {  	v21 =	vunpack.i.u.bf16.f32 v21;
	v63 =	vmul.f32 v62, v15;
	v22 =	vadd.f32 v24, v22  }
0x2be: {  	v21 =	vmul.f32 v21, v15;
	v19 =	vadd.f32 v20, v19;
	v20 =	vunpack.i.l.bf16.f32 v23  }
0x2bf: {  	v23 =	vunpack.i.u.bf16.f32 v23;
	v20 =	vmul.f32 v20, v16;
	v22 =	vadd.f32 v63, v22  }
0x2c0: {  	v23 =	vmul.f32 v23, v16;
	v19 =	vadd.f32 v21, v19  }
0x2c1: {  	v20 =	vadd.f32 v20, v22  }
0x2c2: {  	v19 =	vadd.f32 v23, v19  }
0x2c3: {  	[tilespmem:s9+$0x40] =	vst v20  }
0x2c4: {  	[tilespmem:s9+$0x50] =	vst v19  }
0x2c5: {  	v21 =	vld [tilespmem:s25+$0x30]  }
0x2c6: {  	s13 =	simm.s32 $0x6630;
	v20 =	vld [tilespmem:s25+$0x70]  }
0x2c7: {  	s10 =	simm.s32 $0x0;
	s24 =	simm.s32 $0x0;
	s23 =	simm.s32 $0x8280;
	v19 =	vld [tilespmem:s25+$0x430]  }
.LBB2_5:
0x2c8: {  	s10 =	sadd.s32 $0x2, s10;
	v22 =	vld [tilespmem:s25+$0x470];
	s12 =	sadd.s32 $0x200, s12;
	s24 =	sadd.s32 $0x100, s24  }
0x2c9: {  	p0 =	slt.u32 s10, $0x2E  }
0x2ca: {  	v23 =	vunpack.i.u.bf16.f32 v21;
	v21 =	vunpack.i.l.bf16.f32 v21  }
0x2cb: {  	v21 =	vmul.f32 v21, v18;
	v18 =	vmul.f32 v23, v18;
	v23 =	vunpack.i.u.bf16.f32 v20  }
0x2cc: {  	v20 =	vunpack.i.l.bf16.f32 v20;
	v23 =	vmul.f32 v23, v17;
	v24 =	vunpack.i.u.bf16.f32 v19  }
0x2cd: {  	v17 =	vmul.f32 v20, v17;
	v21 =	vadd.f32 $0.0e+00, v21;
	v18 =	vadd.f32 $0.0e+00, v18  }
0x2ce: {  	v19 =	vunpack.i.l.bf16.f32 v19;
	v20 =	vmul.f32 v24, v15;
	v24 =	vunpack.i.u.bf16.f32 v22  }
0x2cf: {  	v15 =	vmul.f32 v19, v15;
	v17 =	vadd.f32 v17, v21;
	v18 =	vadd.f32 v23, v18  }
0x2d0: {  	v19 =	vunpack.i.l.bf16.f32 v22;
	v21 =	vmul.f32 v24, v16  }
0x2d1: {  	v16 =	vmul.f32 v19, v16;
	v15 =	vadd.f32 v15, v17;
	v17 =	vadd.f32 v20, v18;
	_ =	sdelay $0x1  }
0x2d2: {  	v15 =	vadd.f32 v16, v15;
	v16 =	vadd.f32 v21, v17  }
0x2d3: {  	s25 =	sand.u32 $0x3800, s12  }
0x2d4: {  	s26 =	sand.u32 $0x300, s24;
	s25 =	sadd.s32 $0x3300, s25;
	[tilespmem:s9+$0x60] =	vst v15  }
0x2d5: {  	s26 =	sadd.s32 s26, s25;
	[tilespmem:s9+$0x70] =	vst v16;
	s9 =	smov.u32 s23  }
0x2d6: {  	v15 =	vld [tilespmem:s26+$0x0]  }
0x2d7: {  	v18 =	vld [tilespmem:s13+$0xFFFFFFF0]  }
0x2d8: {  	v16 =	vld [tilespmem:s26+$0x40];
	_ =	sdelay $0x1  }
0x2d9: {  	v19 =	vld [tilespmem:s26+$0x400]  }
0x2da: {  	v20 =	vunpack.i.u.bf16.f32 v15;
	v21 =	vunpack.i.l.bf16.f32 v15  }
0x2db: {  	v17 =	vbroadcast v18, $0x0;
	v15 =	vbroadcast v18, $0x2;
	v22 =	vld [tilespmem:s26+$0x440]  }
0x2dc: {  	v23 =	vunpack.i.u.bf16.f32 v16;
	v24 =	vunpack.i.l.bf16.f32 v16;
	v16 =	vbroadcast v18, $0x1  }
0x2dd: {  	v21 =	vmul.f32 v21, v17;
	v20 =	vmul.f32 v20, v17  }
0x2de: {  	v24 =	vmul.f32 v24, v16;
	v25 =	vunpack.i.u.bf16.f32 v19;
	v19 =	vunpack.i.l.bf16.f32 v19  }
0x2df: {  	v21 =	vadd.f32 $0.0e+00, v21;
	v20 =	vadd.f32 $0.0e+00, v20;
	v25 =	vmul.f32 v25, v15  }
0x2e0: {  	v23 =	vmul.f32 v23, v16;
	v19 =	vmul.f32 v19, v15;
	v26 =	vunpack.i.l.bf16.f32 v22  }
0x2e1: {  	v18 =	vbroadcast v18, $0x3;
	v22 =	vunpack.i.u.bf16.f32 v22;
	v21 =	vadd.f32 v24, v21  }
0x2e2: {  	v20 =	vadd.f32 v23, v20  }
0x2e3: {  	v22 =	vmul.f32 v22, v18;
	v19 =	vadd.f32 v19, v21;
	v21 =	vmul.f32 v26, v18  }
0x2e4: {  	v20 =	vadd.f32 v25, v20  }
0x2e5: {  	v19 =	vadd.f32 v21, v19  }
0x2e6: {  	v20 =	vadd.f32 v22, v20  }
0x2e7: {  	[tilespmem:s23+$0xFFFFFF80] =	vst v19  }
0x2e8: {  	[tilespmem:s23+$0xFFFFFF90] =	vst v20  }
0x2e9: {  	v19 =	vld [tilespmem:s26+$0x50]  }
0x2ea: {  	v20 =	vld [tilespmem:s26+$0x410]  }
0x2eb: {  	v21 =	vld [tilespmem:s26+$0x10];
	_ =	sdelay $0x2  }
0x2ec: {  	v22 =	vunpack.i.l.bf16.f32 v19  }
0x2ed: {  	v23 =	vunpack.i.u.bf16.f32 v20  }
0x2ee: {  	v24 =	vunpack.i.u.bf16.f32 v21;
	v21 =	vunpack.i.l.bf16.f32 v21;
	v23 =	vmul.f32 v23, v15  }
0x2ef: {  	v22 =	vmul.f32 v22, v16;
	v21 =	vmul.f32 v21, v17;
	v25 =	vld [tilespmem:s26+$0x450]  }
0x2f0: {  	v24 =	vmul.f32 v24, v17  }
0x2f1: {  	v19 =	vunpack.i.u.bf16.f32 v19;
	v21 =	vadd.f32 $0.0e+00, v21  }
0x2f2: {  	v19 =	vmul.f32 v19, v16;
	v20 =	vunpack.i.l.bf16.f32 v20;
	v24 =	vadd.f32 $0.0e+00, v24  }
0x2f3: {  	v20 =	vmul.f32 v20, v15;
	v21 =	vadd.f32 v22, v21  }
0x2f4: {  	v19 =	vadd.f32 v19, v24;
	v22 =	vunpack.i.u.bf16.f32 v25;
	v24 =	vunpack.i.l.bf16.f32 v25  }
0x2f5: {  	v20 =	vadd.f32 v20, v21;
	v21 =	vmul.f32 v24, v18;
	v22 =	vmul.f32 v22, v18  }
0x2f6: {  	v19 =	vadd.f32 v23, v19  }
0x2f7: {  	v20 =	vadd.f32 v21, v20  }
0x2f8: {  	v19 =	vadd.f32 v22, v19  }
0x2f9: {  	[tilespmem:s23+$0xFFFFFFA0] =	vst v20  }
0x2fa: {  	[tilespmem:s23+$0xFFFFFFB0] =	vst v19  }
0x2fb: {  	v19 =	vld [tilespmem:s26+$0x20]  }
0x2fc: {  	v20 =	vld [tilespmem:s26+$0x460]  }
0x2fd: {  	v21 =	vld [tilespmem:s26+$0x60]  }
0x2fe: {  	v22 =	vld [tilespmem:s26+$0x420];
	_ =	sdelay $0x1  }
0x2ff: {  	v23 =	vunpack.i.u.bf16.f32 v19;
	v19 =	vunpack.i.l.bf16.f32 v19  }
0x300: {  	v19 =	vmul.f32 v19, v17;
	v23 =	vmul.f32 v23, v17;
	v24 =	vunpack.i.u.bf16.f32 v20  }
0x301: {  	v25 =	vunpack.i.u.bf16.f32 v21;
	v21 =	vunpack.i.l.bf16.f32 v21;
	v24 =	vmul.f32 v24, v18  }
0x302: {  	v19 =	vadd.f32 $0.0e+00, v19;
	v23 =	vadd.f32 $0.0e+00, v23;
	v25 =	vmul.f32 v25, v16  }
0x303: {  	v21 =	vmul.f32 v21, v16;
	v26 =	vunpack.i.u.bf16.f32 v22;
	v22 =	vunpack.i.l.bf16.f32 v22  }
0x304: {  	v22 =	vmul.f32 v22, v15;
	v23 =	vadd.f32 v25, v23;
	v25 =	vmul.f32 v26, v15  }
0x305: {  	v20 =	vunpack.i.l.bf16.f32 v20;
	v19 =	vadd.f32 v21, v19  }
0x306: {  	v20 =	vmul.f32 v20, v18;
	v21 =	vadd.f32 v25, v23  }
0x307: {  	v19 =	vadd.f32 v22, v19  }
0x308: {  	v21 =	vadd.f32 v24, v21  }
0x309: {  	v19 =	vadd.f32 v20, v19  }
0x30a: {  	[tilespmem:s23+$0xFFFFFFD0] =	vst v21  }
0x30b: {  	[tilespmem:s23+$0xFFFFFFC0] =	vst v19  }
0x30c: {  	v19 =	vld [tilespmem:s26+$0x430]  }
0x30d: {  	v20 =	vld [tilespmem:s26+$0x30]  }
0x30e: {  	v21 =	vld [tilespmem:s26+$0x70];
	_ =	sdelay $0x2  }
0x30f: {  	v22 =	vunpack.i.u.bf16.f32 v19;
	v19 =	vunpack.i.l.bf16.f32 v19  }
0x310: {  	v23 =	vunpack.i.u.bf16.f32 v20;
	v20 =	vunpack.i.l.bf16.f32 v20;
	v19 =	vmul.f32 v19, v15  }
0x311: {  	v20 =	vmul.f32 v20, v17;
	v17 =	vmul.f32 v23, v17;
	v23 =	vunpack.i.u.bf16.f32 v21;
	v24 =	vld [tilespmem:s26+$0x470]  }
0x312: {  	v15 =	vmul.f32 v22, v15;
	v21 =	vunpack.i.l.bf16.f32 v21;
	v23 =	vmul.f32 v23, v16  }
0x313: {  	v16 =	vmul.f32 v21, v16;
	v20 =	vadd.f32 $0.0e+00, v20;
	v17 =	vadd.f32 $0.0e+00, v17;
	_ =	sdelay $0x1  }
0x314: {  	v16 =	vadd.f32 v16, v20;
	v17 =	vadd.f32 v23, v17  }
0x315: {  	v20 =	vunpack.i.u.bf16.f32 v24;
	v21 =	vunpack.i.l.bf16.f32 v24  }
0x316: {  	v16 =	vadd.f32 v19, v16;
	v15 =	vadd.f32 v15, v17;
	v17 =	vmul.f32 v20, v18  }
0x317: {  	v18 =	vmul.f32 v21, v18  }
0x318: {  	v15 =	vadd.f32 v17, v15  }
0x319: {  	v16 =	vadd.f32 v18, v16;
	_ =	sdelay $0x1  }
0x31a: {  	s26 =	sadd.s32 $0x80, s24;
	[tilespmem:s23+$0xFFFFFFF0] =	vst v15  }
0x31b: {  	s26 =	sand.u32 $0x380, s26;
	[tilespmem:s23+$0xFFFFFFE0] =	vst v16  }
0x31c: {  	s25 =	sadd.s32 s26, s25;
	v16 =	vld [tilespmem:s13+$0x0]  }
0x31d: {  	v17 =	vld [tilespmem:s25+$0x0]  }
0x31e: {  	v19 =	vld [tilespmem:s25+$0x40];
	_ =	sdelay $0x1  }
0x31f: {  	v20 =	vld [tilespmem:s25+$0x400]  }
0x320: {  	v18 =	vbroadcast v16, $0x0;
	v15 =	vbroadcast v16, $0x2  }
0x321: {  	v21 =	vunpack.i.u.bf16.f32 v17;
	v22 =	vunpack.i.l.bf16.f32 v17;
	v17 =	vbroadcast v16, $0x1  }
0x322: {  	v22 =	vmul.f32 v22, v18;
	v21 =	vmul.f32 v21, v18;
	v23 =	vunpack.i.l.bf16.f32 v19;
	v24 =	vld [tilespmem:s25+$0x440]  }
0x323: {  	v16 =	vbroadcast v16, $0x3;
	v19 =	vunpack.i.u.bf16.f32 v19;
	v23 =	vmul.f32 v23, v17  }
0x324: {  	v19 =	vmul.f32 v19, v17;
	v22 =	vadd.f32 $0.0e+00, v22;
	v21 =	vadd.f32 $0.0e+00, v21  }
0x325: {  	v25 =	vunpack.i.u.bf16.f32 v20;
	v20 =	vunpack.i.l.bf16.f32 v20  }
0x326: {  	v20 =	vmul.f32 v20, v15;
	v22 =	vadd.f32 v23, v22;
	v19 =	vadd.f32 v19, v21  }
0x327: {  	v21 =	vmul.f32 v25, v15;
	v23 =	vunpack.i.l.bf16.f32 v24  }
0x328: {  	v20 =	vadd.f32 v20, v22;
	v22 =	vunpack.i.u.bf16.f32 v24;
	v23 =	vmul.f32 v23, v16  }
0x329: {  	v19 =	vadd.f32 v21, v19;
	v21 =	vmul.f32 v22, v16  }
0x32a: {  	v20 =	vadd.f32 v23, v20  }
0x32b: {  	v19 =	vadd.f32 v21, v19  }
0x32c: {  	[tilespmem:s23+$0x0] =	vst v20  }
0x32d: {  	[tilespmem:s23+$0x10] =	vst v19  }
0x32e: {  	v19 =	vld [tilespmem:s25+$0x10]  }
0x32f: {  	v20 =	vld [tilespmem:s25+$0x50]  }
0x330: {  	v21 =	vld [tilespmem:s25+$0x410]  }
0x331: {  	v22 =	vld [tilespmem:s25+$0x450];
	_ =	sdelay $0x1  }
0x332: {  	v23 =	vunpack.i.u.bf16.f32 v19;
	v19 =	vunpack.i.l.bf16.f32 v19  }
0x333: {  	v19 =	vmul.f32 v19, v18;
	v23 =	vmul.f32 v23, v18;
	v24 =	vunpack.i.u.bf16.f32 v20  }
0x334: {  	v20 =	vunpack.i.l.bf16.f32 v20;
	v24 =	vmul.f32 v24, v17;
	v25 =	vunpack.i.u.bf16.f32 v21  }
0x335: {  	v20 =	vmul.f32 v20, v17;
	v19 =	vadd.f32 $0.0e+00, v19;
	v23 =	vadd.f32 $0.0e+00, v23  }
0x336: {  	v21 =	vunpack.i.l.bf16.f32 v21;
	v25 =	vmul.f32 v25, v15;
	v26 =	vunpack.i.u.bf16.f32 v22  }
0x337: {  	v21 =	vmul.f32 v21, v15;
	v19 =	vadd.f32 v20, v19;
	v20 =	vadd.f32 v24, v23  }
0x338: {  	v22 =	vunpack.i.l.bf16.f32 v22;
	v23 =	vmul.f32 v26, v16  }
0x339: {  	v19 =	vadd.f32 v21, v19;
	v20 =	vadd.f32 v25, v20;
	v21 =	vmul.f32 v22, v16;
	_ =	sdelay $0x1  }
0x33a: {  	v19 =	vadd.f32 v21, v19;
	v20 =	vadd.f32 v23, v20;
	_ =	sdelay $0x1  }
0x33b: {  	[tilespmem:s23+$0x20] =	vst v19  }
0x33c: {  	[tilespmem:s23+$0x30] =	vst v20  }
0x33d: {  	v19 =	vld [tilespmem:s25+$0x20]  }
0x33e: {  	v20 =	vld [tilespmem:s25+$0x60]  }
0x33f: {  	v21 =	vld [tilespmem:s25+$0x420]  }
0x340: {  	v22 =	vld [tilespmem:s25+$0x460];
	_ =	sdelay $0x1  }
0x341: {  	v23 =	vunpack.i.u.bf16.f32 v19;
	v19 =	vunpack.i.l.bf16.f32 v19  }
0x342: {  	v19 =	vmul.f32 v19, v18;
	v23 =	vmul.f32 v23, v18;
	v24 =	vunpack.i.l.bf16.f32 v20  }
0x343: {  	v20 =	vunpack.i.u.bf16.f32 v20;
	v24 =	vmul.f32 v24, v17;
	v25 =	vunpack.i.u.bf16.f32 v21  }
0x344: {  	v20 =	vmul.f32 v20, v17;
	v19 =	vadd.f32 $0.0e+00, v19;
	v23 =	vadd.f32 $0.0e+00, v23  }
0x345: {  	v21 =	vunpack.i.l.bf16.f32 v21;
	v25 =	vmul.f32 v25, v15;
	v26 =	vunpack.i.u.bf16.f32 v22  }
0x346: {  	v21 =	vmul.f32 v21, v15;
	v19 =	vadd.f32 v24, v19;
	v20 =	vadd.f32 v20, v23  }
0x347: {  	v22 =	vunpack.i.l.bf16.f32 v22;
	v23 =	vmul.f32 v26, v16  }
0x348: {  	v19 =	vadd.f32 v21, v19;
	v20 =	vadd.f32 v25, v20;
	v21 =	vmul.f32 v22, v16;
	_ =	sdelay $0x1  }
0x349: {  	v19 =	vadd.f32 v21, v19;
	v20 =	vadd.f32 v23, v20;
	_ =	sdelay $0x1  }
.Ltmp1:
0x34a: {  	[tilespmem:s23+$0x40] =	vst v19;
	(pc) =	sbr.rel @p0 .LBB2_5-.Ltmp1, $4  }
0x34b: {  	[tilespmem:s23+$0x50] =	vst v20  }
0x34c: {  	v21 =	vld [tilespmem:s25+$0x30]  }
0x34d: {  	v20 =	vld [tilespmem:s25+$0x70]  }
0x34e: {  	s13 =	sadd.s32 $0x20, s13;
	s23 =	sadd.s32 $0x100, s23;
	v19 =	vld [tilespmem:s25+$0x430]  }
0x34f: {  	_ =	sdelay $0x1  }
0x350: {  	v22 =	vunpack.i.l.bf16.f32 v21  }
0x351: {  	v23 =	vld [tilespmem:s25+$0x470];
	v53 =	vunpack.i.u.bf16.f32 v21;
	v22 =	vmul.f32 v22, v18  }
0x352: {  	v54 =	vmul.f32 v53, v18;
	v55 =	vunpack.i.l.bf16.f32 v20  }
0x353: {  	v56 =	vunpack.i.u.bf16.f32 v20;
	v21 =	vmul.f32 v55, v17;
	v22 =	vadd.f32 $0.0e+00, v22  }
0x354: {  	v57 =	vmul.f32 v56, v17;
	v58 =	vunpack.i.l.bf16.f32 v19;
	v18 =	vadd.f32 $0.0e+00, v54  }
0x355: {  	v59 =	vunpack.i.u.bf16.f32 v19;
	v20 =	vmul.f32 v58, v15;
	v21 =	vadd.f32 v21, v22  }
0x356: {  	v15 =	vmul.f32 v59, v15;
	v60 =	vunpack.i.l.bf16.f32 v23;
	v17 =	vadd.f32 v57, v18  }
0x357: {  	s11 =	sadd.s32 $0x1, s11;
	v61 =	vunpack.i.u.bf16.f32 v23;
	v18 =	vmul.f32 v60, v16;
	v20 =	vadd.f32 v20, v21  }
0x358: {  	p0 =	sne.s32 s11, $0x68;
	v62 =	vmul.f32 v61, v16;
	v15 =	vadd.f32 v15, v17  }
.Ltmp2:
0x359: {  	v63 =	vadd.f32 v18, v20;
	(pc) =	sbr.rel @p0 .LBB2_2-.Ltmp2, $4  }
0x35a: {  	v15 =	vadd.f32 v62, v15  }
0x35b: {  	[tilespmem:s9+$0x60] =	vst v63  }
0x35c: {  	s28 =	simm.s32 $0x9980;
	s10 =	simm.s32 $0x8100;
	[tilespmem:s9+$0x70] =	vst v15  }
0x35d: {  	[spmem:s3] =	stream.indirect.scatter.add.f32 [tilespmem:s10], [sflag:$0x6], $0x80, s28, s16, $0xb8;
	[tilespmem:$0x1EF00] =	vst v63  }
0x35e: {  	s26 =	simm.s32 $0x5  }
0x35f: {  	_ =	swait.ge [sflag:s26], $0x1800  }
0x360: {  	[sflag:s26] =	ssyncset.done $0x0  }
0x361: {  	[sflag:s26] =	ssyncadd.s32 $0xFFFFE800  }
0x362: {  	v15 =	vld [tilespmem:$0x100]  }
0x363: {  	v16 =	vld [tilespmem:$0x110]  }
0x364: {  	v17 =	vld [tilespmem:$0x120];
	_ =	sdelay $0x2  }
0x365: {  	[tilespmem:$0x9900] =	vst v15  }
0x366: {  	[tilespmem:$0x9910] =	vst v16  }
0x367: {  	[tilespmem:$0x9920] =	vst v17  }
0x368: {  	s11 =	simm.s32 $0x0;
	_ =	swait.ge [sflag:s14], $0x3000  }
0x369: {  	s10 =	simm.s32 $0x6310;
	s9 =	sand.u32 $0x3800, s11;
	[sflag:s14] =	ssyncset.done $0x0  }
0x36a: {  	s13 =	sand.u32 $0x300, s11;
	s12 =	sor.u32 $0x300, s9;
	[sflag:s14] =	ssyncadd.s32 $0xFFFFD000  }
0x36b: {  	s13 =	sadd.s32 s13, s12;
	v15 =	vld [tilespmem:s10+$0xFFFFFFF0]  }
0x36c: {  	v16 =	vld [tilespmem:s13+$0x0];
	_ =	sdelay $0x1  }
0x36d: {  	v17 =	vld [tilespmem:s13+$0x40]  }
0x36e: {  	v18 =	vld [tilespmem:s13+$0x400]  }
0x36f: {  	v19 =	vbroadcast v15, $0x0  }
0x370: {  	v20 =	vunpack.i.l.bf16.f32 v16;
	v21 =	vbroadcast v15, $0x2  }
0x371: {  	v22 =	vld [tilespmem:s13+$0x440];
	v16 =	vunpack.i.u.bf16.f32 v16;
	v23 =	vbroadcast v15, $0x1;
	v20 =	vmul.f32 v20, v19  }
0x372: {  	v24 =	vunpack.i.u.bf16.f32 v17;
	v17 =	vunpack.i.l.bf16.f32 v17;
	v16 =	vmul.f32 v16, v19  }
0x373: {  	v25 =	vunpack.i.u.bf16.f32 v18;
	v17 =	vmul.f32 v17, v23;
	v20 =	vadd.f32 $0.0e+00, v20  }
0x374: {  	v18 =	vunpack.i.l.bf16.f32 v18;
	v24 =	vmul.f32 v24, v23;
	v16 =	vadd.f32 $0.0e+00, v16  }
0x375: {  	v15 =	vbroadcast v15, $0x3;
	v18 =	vmul.f32 v18, v21;
	v17 =	vadd.f32 v17, v20  }
0x376: {  	v46 =	vunpack.i.l.bf16.f32 v22;
	v20 =	vmul.f32 v25, v21;
	v16 =	vadd.f32 v24, v16  }
0x377: {  	v22 =	vunpack.i.u.bf16.f32 v22;
	v17 =	vadd.f32 v18, v17;
	v18 =	vmul.f32 v46, v15  }
0x378: {  	v22 =	vmul.f32 v22, v15;
	v16 =	vadd.f32 v20, v16  }
0x379: {  	v17 =	vadd.f32 v18, v17  }
0x37a: {  	s9 =	simm.s32 $0x6980;
	v16 =	vadd.f32 v22, v16  }
0x37b: {  	[tilespmem:s9+$0xFFFFFF80] =	vst v17  }
0x37c: {  	[tilespmem:s9+$0xFFFFFF90] =	vst v16  }
0x37d: {  	v16 =	vld [tilespmem:s13+$0x10];
	_ =	sdelay $0x1  }
0x37e: {  	v17 =	vld [tilespmem:s13+$0x50];
	_ =	sdelay $0x1  }
0x37f: {  	v18 =	vld [tilespmem:s13+$0x410]  }
0x380: {  	v20 =	vunpack.i.l.bf16.f32 v16  }
0x381: {  	v22 =	vld [tilespmem:s13+$0x450];
	v16 =	vunpack.i.u.bf16.f32 v16;
	v20 =	vmul.f32 v20, v19  }
0x382: {  	v47 =	vunpack.i.l.bf16.f32 v17;
	v16 =	vmul.f32 v16, v19  }
0x383: {  	v17 =	vunpack.i.u.bf16.f32 v17;
	v24 =	vmul.f32 v47, v23;
	v20 =	vadd.f32 $0.0e+00, v20  }
0x384: {  	v48 =	vunpack.i.l.bf16.f32 v18;
	v17 =	vmul.f32 v17, v23;
	v16 =	vadd.f32 $0.0e+00, v16  }
0x385: {  	v18 =	vunpack.i.u.bf16.f32 v18;
	v49 =	vmul.f32 v48, v21;
	v20 =	vadd.f32 v24, v20  }
0x386: {  	v18 =	vmul.f32 v18, v21;
	v16 =	vadd.f32 v17, v16;
	v17 =	vunpack.i.l.bf16.f32 v22  }
0x387: {  	v22 =	vunpack.i.u.bf16.f32 v22;
	v17 =	vmul.f32 v17, v15;
	v20 =	vadd.f32 v49, v20  }
0x388: {  	v22 =	vmul.f32 v22, v15;
	v16 =	vadd.f32 v18, v16  }
0x389: {  	v17 =	vadd.f32 v17, v20  }
0x38a: {  	v16 =	vadd.f32 v22, v16  }
0x38b: {  	[tilespmem:s9+$0xFFFFFFA0] =	vst v17  }
0x38c: {  	[tilespmem:s9+$0xFFFFFFB0] =	vst v16  }
0x38d: {  	v16 =	vld [tilespmem:s13+$0x20];
	_ =	sdelay $0x1  }
0x38e: {  	v17 =	vld [tilespmem:s13+$0x60];
	_ =	sdelay $0x1  }
0x38f: {  	v18 =	vld [tilespmem:s13+$0x420]  }
0x390: {  	v20 =	vunpack.i.u.bf16.f32 v16  }
0x391: {  	v22 =	vld [tilespmem:s13+$0x460];
	v16 =	vunpack.i.l.bf16.f32 v16;
	v20 =	vmul.f32 v20, v19  }
0x392: {  	v50 =	vunpack.i.u.bf16.f32 v17;
	v16 =	vmul.f32 v16, v19  }
0x393: {  	v17 =	vunpack.i.l.bf16.f32 v17;
	v24 =	vmul.f32 v50, v23;
	v20 =	vadd.f32 $0.0e+00, v20  }
0x394: {  	v51 =	vunpack.i.u.bf16.f32 v18;
	v17 =	vmul.f32 v17, v23;
	v16 =	vadd.f32 $0.0e+00, v16  }
0x395: {  	v18 =	vunpack.i.l.bf16.f32 v18;
	v52 =	vmul.f32 v51, v21;
	v20 =	vadd.f32 v24, v20  }
0x396: {  	v53 =	vunpack.i.u.bf16.f32 v22;
	v18 =	vmul.f32 v18, v21;
	v16 =	vadd.f32 v17, v16  }
0x397: {  	v22 =	vunpack.i.l.bf16.f32 v22;
	v17 =	vmul.f32 v53, v15;
	v20 =	vadd.f32 v52, v20  }
0x398: {  	v22 =	vmul.f32 v22, v15;
	v16 =	vadd.f32 v18, v16  }
0x399: {  	v17 =	vadd.f32 v17, v20  }
0x39a: {  	v16 =	vadd.f32 v22, v16  }
0x39b: {  	[tilespmem:s9+$0xFFFFFFD0] =	vst v17  }
0x39c: {  	[tilespmem:s9+$0xFFFFFFC0] =	vst v16  }
0x39d: {  	v16 =	vld [tilespmem:s13+$0x30];
	_ =	sdelay $0x1  }
0x39e: {  	v17 =	vld [tilespmem:s13+$0x70];
	_ =	sdelay $0x1  }
0x39f: {  	v18 =	vld [tilespmem:s13+$0x430]  }
0x3a0: {  	v20 =	vunpack.i.u.bf16.f32 v16  }
0x3a1: {  	v22 =	vld [tilespmem:s13+$0x470];
	v16 =	vunpack.i.l.bf16.f32 v16;
	v20 =	vmul.f32 v20, v19  }
0x3a2: {  	v16 =	vmul.f32 v16, v19;
	v19 =	vunpack.i.u.bf16.f32 v17  }
0x3a3: {  	v17 =	vunpack.i.l.bf16.f32 v17;
	v19 =	vmul.f32 v19, v23;
	v20 =	vadd.f32 $0.0e+00, v20  }
0x3a4: {  	v54 =	vunpack.i.u.bf16.f32 v18;
	v17 =	vmul.f32 v17, v23;
	v16 =	vadd.f32 $0.0e+00, v16  }
0x3a5: {  	v18 =	vunpack.i.l.bf16.f32 v18;
	v23 =	vmul.f32 v54, v21;
	v19 =	vadd.f32 v19, v20  }
0x3a6: {  	v18 =	vmul.f32 v18, v21;
	v16 =	vadd.f32 v17, v16;
	v17 =	vunpack.i.u.bf16.f32 v22  }
0x3a7: {  	v20 =	vunpack.i.l.bf16.f32 v22;
	v17 =	vmul.f32 v17, v15;
	v19 =	vadd.f32 v23, v19  }
0x3a8: {  	v15 =	vmul.f32 v20, v15;
	v16 =	vadd.f32 v18, v16  }
0x3a9: {  	v17 =	vadd.f32 v17, v19  }
0x3aa: {  	v15 =	vadd.f32 v15, v16  }
0x3ab: {  	s28 =	simm.s32 $0x80;
	[tilespmem:s9+$0xFFFFFFF0] =	vst v17  }
0x3ac: {  	s13 =	sand.u32 $0x380, s28;
	[tilespmem:s9+$0xFFFFFFE0] =	vst v15  }
0x3ad: {  	s24 =	sadd.s32 s13, s12;
	v16 =	vld [tilespmem:s10+$0x0]  }
0x3ae: {  	v17 =	vld [tilespmem:s24+$0x0];
	_ =	sdelay $0x1  }
0x3af: {  	v19 =	vld [tilespmem:s24+$0x40];
	_ =	sdelay $0x1  }
0x3b0: {  	v20 =	vld [tilespmem:s24+$0x400];
	v18 =	vbroadcast v16, $0x0  }
0x3b1: {  	v15 =	vbroadcast v16, $0x2;
	v21 =	vunpack.i.l.bf16.f32 v17  }
0x3b2: {  	v23 =	vld [tilespmem:s24+$0x440];
	v22 =	vunpack.i.u.bf16.f32 v17;
	v17 =	vbroadcast v16, $0x1;
	v21 =	vmul.f32 v21, v18  }
0x3b3: {  	v55 =	vunpack.i.l.bf16.f32 v19;
	v19 =	vunpack.i.u.bf16.f32 v19;
	v22 =	vmul.f32 v22, v18  }
0x3b4: {  	v16 =	vbroadcast v16, $0x3;
	v24 =	vmul.f32 v55, v17;
	v21 =	vadd.f32 $0.0e+00, v21  }
0x3b5: {  	v56 =	vunpack.i.l.bf16.f32 v20;
	v19 =	vmul.f32 v19, v17;
	v22 =	vadd.f32 $0.0e+00, v22  }
0x3b6: {  	v20 =	vunpack.i.u.bf16.f32 v20;
	v57 =	vmul.f32 v56, v15;
	v21 =	vadd.f32 v24, v21  }
0x3b7: {  	v20 =	vmul.f32 v20, v15;
	v19 =	vadd.f32 v19, v22;
	v22 =	vunpack.i.l.bf16.f32 v23  }
0x3b8: {  	v23 =	vunpack.i.u.bf16.f32 v23;
	v22 =	vmul.f32 v22, v16;
	v21 =	vadd.f32 v57, v21  }
0x3b9: {  	v19 =	vadd.f32 v20, v19;
	v20 =	vmul.f32 v23, v16  }
0x3ba: {  	v21 =	vadd.f32 v22, v21  }
0x3bb: {  	v19 =	vadd.f32 v20, v19  }
0x3bc: {  	[tilespmem:s9+$0x0] =	vst v21  }
0x3bd: {  	[tilespmem:s9+$0x10] =	vst v19  }
0x3be: {  	v19 =	vld [tilespmem:s24+$0x10];
	_ =	sdelay $0x1  }
0x3bf: {  	v20 =	vld [tilespmem:s24+$0x50];
	_ =	sdelay $0x1  }
0x3c0: {  	v21 =	vld [tilespmem:s24+$0x410]  }
0x3c1: {  	v22 =	vunpack.i.l.bf16.f32 v19  }
0x3c2: {  	v23 =	vld [tilespmem:s24+$0x450];
	v19 =	vunpack.i.u.bf16.f32 v19;
	v22 =	vmul.f32 v22, v18  }
0x3c3: {  	v58 =	vunpack.i.l.bf16.f32 v20;
	v19 =	vmul.f32 v19, v18  }
0x3c4: {  	v20 =	vunpack.i.u.bf16.f32 v20;
	v24 =	vmul.f32 v58, v17;
	v22 =	vadd.f32 $0.0e+00, v22  }
0x3c5: {  	v59 =	vunpack.i.l.bf16.f32 v21;
	v20 =	vmul.f32 v20, v17;
	v19 =	vadd.f32 $0.0e+00, v19  }
0x3c6: {  	v21 =	vunpack.i.u.bf16.f32 v21;
	v60 =	vmul.f32 v59, v15;
	v22 =	vadd.f32 v24, v22  }
0x3c7: {  	v21 =	vmul.f32 v21, v15;
	v19 =	vadd.f32 v20, v19;
	v20 =	vunpack.i.l.bf16.f32 v23  }
0x3c8: {  	v23 =	vunpack.i.u.bf16.f32 v23;
	v20 =	vmul.f32 v20, v16;
	v22 =	vadd.f32 v60, v22  }
0x3c9: {  	v23 =	vmul.f32 v23, v16;
	v19 =	vadd.f32 v21, v19  }
0x3ca: {  	v20 =	vadd.f32 v20, v22  }
0x3cb: {  	v19 =	vadd.f32 v23, v19  }
0x3cc: {  	[tilespmem:s9+$0x20] =	vst v20  }
0x3cd: {  	[tilespmem:s9+$0x30] =	vst v19  }
0x3ce: {  	v19 =	vld [tilespmem:s24+$0x20];
	_ =	sdelay $0x1  }
0x3cf: {  	v20 =	vld [tilespmem:s24+$0x60];
	_ =	sdelay $0x1  }
0x3d0: {  	v21 =	vld [tilespmem:s24+$0x420]  }
0x3d1: {  	v22 =	vunpack.i.l.bf16.f32 v19  }
0x3d2: {  	v23 =	vld [tilespmem:s24+$0x460];
	v19 =	vunpack.i.u.bf16.f32 v19;
	v22 =	vmul.f32 v22, v18  }
0x3d3: {  	v61 =	vunpack.i.l.bf16.f32 v20;
	v19 =	vmul.f32 v19, v18  }
0x3d4: {  	v20 =	vunpack.i.u.bf16.f32 v20;
	v24 =	vmul.f32 v61, v17;
	v22 =	vadd.f32 $0.0e+00, v22  }
0x3d5: {  	v62 =	vunpack.i.l.bf16.f32 v21;
	v20 =	vmul.f32 v20, v17;
	v19 =	vadd.f32 $0.0e+00, v19  }
0x3d6: {  	v21 =	vunpack.i.u.bf16.f32 v21;
	v63 =	vmul.f32 v62, v15;
	v22 =	vadd.f32 v24, v22  }
0x3d7: {  	v21 =	vmul.f32 v21, v15;
	v19 =	vadd.f32 v20, v19;
	v20 =	vunpack.i.l.bf16.f32 v23  }
0x3d8: {  	v23 =	vunpack.i.u.bf16.f32 v23;
	v20 =	vmul.f32 v20, v16;
	v22 =	vadd.f32 v63, v22  }
0x3d9: {  	v23 =	vmul.f32 v23, v16;
	v19 =	vadd.f32 v21, v19  }
0x3da: {  	v20 =	vadd.f32 v20, v22  }
0x3db: {  	v19 =	vadd.f32 v23, v19  }
0x3dc: {  	[tilespmem:s9+$0x40] =	vst v20  }
0x3dd: {  	[tilespmem:s9+$0x50] =	vst v19  }
0x3de: {  	v21 =	vld [tilespmem:s24+$0x30]  }
0x3df: {  	s23 =	simm.s32 $0x0;
	v20 =	vld [tilespmem:s24+$0x70]  }
0x3e0: {  	s12 =	simm.s32 $0x6330;
	s13 =	simm.s32 $0x6A80;
	s10 =	simm.s32 $0x0;
	v19 =	vld [tilespmem:s24+$0x430]  }
.LBB2_8:
0x3e1: {  	s10 =	sadd.s32 $0x2, s10;
	v22 =	vld [tilespmem:s24+$0x470];
	s11 =	sadd.s32 $0x200, s11;
	s23 =	sadd.s32 $0x100, s23  }
0x3e2: {  	p0 =	slt.u32 s10, $0x2E  }
0x3e3: {  	v23 =	vunpack.i.u.bf16.f32 v21;
	v21 =	vunpack.i.l.bf16.f32 v21  }
0x3e4: {  	v21 =	vmul.f32 v21, v18;
	v18 =	vmul.f32 v23, v18;
	v23 =	vunpack.i.u.bf16.f32 v20  }
0x3e5: {  	v20 =	vunpack.i.l.bf16.f32 v20;
	v23 =	vmul.f32 v23, v17;
	v24 =	vunpack.i.u.bf16.f32 v19  }
0x3e6: {  	v17 =	vmul.f32 v20, v17;
	v21 =	vadd.f32 $0.0e+00, v21;
	v18 =	vadd.f32 $0.0e+00, v18  }
0x3e7: {  	v19 =	vunpack.i.l.bf16.f32 v19;
	v20 =	vmul.f32 v24, v15;
	v24 =	vunpack.i.u.bf16.f32 v22  }
0x3e8: {  	v15 =	vmul.f32 v19, v15;
	v17 =	vadd.f32 v17, v21;
	v18 =	vadd.f32 v23, v18  }
0x3e9: {  	v19 =	vunpack.i.l.bf16.f32 v22;
	v21 =	vmul.f32 v24, v16  }
0x3ea: {  	v16 =	vmul.f32 v19, v16;
	v15 =	vadd.f32 v15, v17;
	v17 =	vadd.f32 v20, v18;
	_ =	sdelay $0x1  }
0x3eb: {  	v15 =	vadd.f32 v16, v15;
	v16 =	vadd.f32 v21, v17  }
0x3ec: {  	s24 =	sand.u32 $0x3800, s11  }
0x3ed: {  	s25 =	sand.u32 $0x300, s23;
	s24 =	sor.u32 $0x300, s24;
	[tilespmem:s9+$0x60] =	vst v15  }
0x3ee: {  	s25 =	sadd.s32 s25, s24;
	[tilespmem:s9+$0x70] =	vst v16;
	s9 =	smov.u32 s13  }
0x3ef: {  	v15 =	vld [tilespmem:s25+$0x0]  }
0x3f0: {  	v18 =	vld [tilespmem:s12+$0xFFFFFFF0]  }
0x3f1: {  	v16 =	vld [tilespmem:s25+$0x40];
	_ =	sdelay $0x1  }
0x3f2: {  	v19 =	vld [tilespmem:s25+$0x400]  }
0x3f3: {  	v20 =	vunpack.i.u.bf16.f32 v15;
	v21 =	vunpack.i.l.bf16.f32 v15  }
0x3f4: {  	v17 =	vbroadcast v18, $0x0;
	v15 =	vbroadcast v18, $0x2;
	v22 =	vld [tilespmem:s25+$0x440]  }
0x3f5: {  	v23 =	vunpack.i.u.bf16.f32 v16;
	v24 =	vunpack.i.l.bf16.f32 v16;
	v16 =	vbroadcast v18, $0x1  }
0x3f6: {  	v21 =	vmul.f32 v21, v17;
	v20 =	vmul.f32 v20, v17  }
0x3f7: {  	v24 =	vmul.f32 v24, v16;
	v25 =	vunpack.i.u.bf16.f32 v19;
	v19 =	vunpack.i.l.bf16.f32 v19  }
0x3f8: {  	v21 =	vadd.f32 $0.0e+00, v21;
	v20 =	vadd.f32 $0.0e+00, v20;
	v25 =	vmul.f32 v25, v15  }
0x3f9: {  	v23 =	vmul.f32 v23, v16;
	v19 =	vmul.f32 v19, v15;
	v26 =	vunpack.i.l.bf16.f32 v22  }
0x3fa: {  	v18 =	vbroadcast v18, $0x3;
	v22 =	vunpack.i.u.bf16.f32 v22;
	v21 =	vadd.f32 v24, v21  }
0x3fb: {  	v20 =	vadd.f32 v23, v20  }
0x3fc: {  	v22 =	vmul.f32 v22, v18;
	v19 =	vadd.f32 v19, v21;
	v21 =	vmul.f32 v26, v18  }
0x3fd: {  	v20 =	vadd.f32 v25, v20  }
0x3fe: {  	v19 =	vadd.f32 v21, v19  }
0x3ff: {  	v20 =	vadd.f32 v22, v20  }
0x400: {  	[tilespmem:s13+$0xFFFFFF80] =	vst v19  }
0x401: {  	[tilespmem:s13+$0xFFFFFF90] =	vst v20  }
0x402: {  	v19 =	vld [tilespmem:s25+$0x50]  }
0x403: {  	v20 =	vld [tilespmem:s25+$0x410]  }
0x404: {  	v21 =	vld [tilespmem:s25+$0x10];
	_ =	sdelay $0x2  }
0x405: {  	v22 =	vunpack.i.l.bf16.f32 v19  }
0x406: {  	v23 =	vunpack.i.u.bf16.f32 v20  }
0x407: {  	v24 =	vunpack.i.u.bf16.f32 v21;
	v21 =	vunpack.i.l.bf16.f32 v21;
	v23 =	vmul.f32 v23, v15  }
0x408: {  	v22 =	vmul.f32 v22, v16;
	v21 =	vmul.f32 v21, v17;
	v25 =	vld [tilespmem:s25+$0x450]  }
0x409: {  	v24 =	vmul.f32 v24, v17  }
0x40a: {  	v19 =	vunpack.i.u.bf16.f32 v19;
	v21 =	vadd.f32 $0.0e+00, v21  }
0x40b: {  	v19 =	vmul.f32 v19, v16;
	v20 =	vunpack.i.l.bf16.f32 v20;
	v24 =	vadd.f32 $0.0e+00, v24  }
0x40c: {  	v20 =	vmul.f32 v20, v15;
	v21 =	vadd.f32 v22, v21  }
0x40d: {  	v19 =	vadd.f32 v19, v24;
	v22 =	vunpack.i.u.bf16.f32 v25;
	v24 =	vunpack.i.l.bf16.f32 v25  }
0x40e: {  	v20 =	vadd.f32 v20, v21;
	v21 =	vmul.f32 v24, v18;
	v22 =	vmul.f32 v22, v18  }
0x40f: {  	v19 =	vadd.f32 v23, v19  }
0x410: {  	v20 =	vadd.f32 v21, v20  }
0x411: {  	v19 =	vadd.f32 v22, v19  }
0x412: {  	[tilespmem:s13+$0xFFFFFFA0] =	vst v20  }
0x413: {  	[tilespmem:s13+$0xFFFFFFB0] =	vst v19  }
0x414: {  	v19 =	vld [tilespmem:s25+$0x20]  }
0x415: {  	v20 =	vld [tilespmem:s25+$0x460]  }
0x416: {  	v21 =	vld [tilespmem:s25+$0x60]  }
0x417: {  	v22 =	vld [tilespmem:s25+$0x420];
	_ =	sdelay $0x1  }
0x418: {  	v23 =	vunpack.i.u.bf16.f32 v19;
	v19 =	vunpack.i.l.bf16.f32 v19  }
0x419: {  	v19 =	vmul.f32 v19, v17;
	v23 =	vmul.f32 v23, v17;
	v24 =	vunpack.i.u.bf16.f32 v20  }
0x41a: {  	v25 =	vunpack.i.u.bf16.f32 v21;
	v21 =	vunpack.i.l.bf16.f32 v21;
	v24 =	vmul.f32 v24, v18  }
0x41b: {  	v19 =	vadd.f32 $0.0e+00, v19;
	v23 =	vadd.f32 $0.0e+00, v23;
	v25 =	vmul.f32 v25, v16  }
0x41c: {  	v21 =	vmul.f32 v21, v16;
	v26 =	vunpack.i.u.bf16.f32 v22;
	v22 =	vunpack.i.l.bf16.f32 v22  }
0x41d: {  	v22 =	vmul.f32 v22, v15;
	v23 =	vadd.f32 v25, v23;
	v25 =	vmul.f32 v26, v15  }
0x41e: {  	v20 =	vunpack.i.l.bf16.f32 v20;
	v19 =	vadd.f32 v21, v19  }
0x41f: {  	v20 =	vmul.f32 v20, v18;
	v21 =	vadd.f32 v25, v23  }
0x420: {  	v19 =	vadd.f32 v22, v19  }
0x421: {  	v21 =	vadd.f32 v24, v21  }
0x422: {  	v19 =	vadd.f32 v20, v19  }
0x423: {  	[tilespmem:s13+$0xFFFFFFD0] =	vst v21  }
0x424: {  	[tilespmem:s13+$0xFFFFFFC0] =	vst v19  }
0x425: {  	v19 =	vld [tilespmem:s25+$0x430]  }
0x426: {  	v20 =	vld [tilespmem:s25+$0x30]  }
0x427: {  	v21 =	vld [tilespmem:s25+$0x70];
	_ =	sdelay $0x2  }
0x428: {  	v22 =	vunpack.i.u.bf16.f32 v19;
	v19 =	vunpack.i.l.bf16.f32 v19  }
0x429: {  	v23 =	vunpack.i.u.bf16.f32 v20;
	v20 =	vunpack.i.l.bf16.f32 v20;
	v19 =	vmul.f32 v19, v15  }
0x42a: {  	v20 =	vmul.f32 v20, v17;
	v17 =	vmul.f32 v23, v17;
	v23 =	vunpack.i.u.bf16.f32 v21;
	v24 =	vld [tilespmem:s25+$0x470]  }
0x42b: {  	v15 =	vmul.f32 v22, v15;
	v21 =	vunpack.i.l.bf16.f32 v21;
	v23 =	vmul.f32 v23, v16  }
0x42c: {  	v16 =	vmul.f32 v21, v16;
	v20 =	vadd.f32 $0.0e+00, v20;
	v17 =	vadd.f32 $0.0e+00, v17;
	_ =	sdelay $0x1  }
0x42d: {  	v16 =	vadd.f32 v16, v20;
	v17 =	vadd.f32 v23, v17  }
0x42e: {  	v20 =	vunpack.i.u.bf16.f32 v24;
	v21 =	vunpack.i.l.bf16.f32 v24  }
0x42f: {  	v16 =	vadd.f32 v19, v16;
	v15 =	vadd.f32 v15, v17;
	v17 =	vmul.f32 v20, v18  }
0x430: {  	v18 =	vmul.f32 v21, v18  }
0x431: {  	v15 =	vadd.f32 v17, v15  }
0x432: {  	v16 =	vadd.f32 v18, v16;
	_ =	sdelay $0x1  }
0x433: {  	s25 =	sadd.s32 $0x80, s23;
	[tilespmem:s13+$0xFFFFFFF0] =	vst v15  }
0x434: {  	s25 =	sand.u32 $0x380, s25;
	[tilespmem:s13+$0xFFFFFFE0] =	vst v16  }
0x435: {  	s24 =	sadd.s32 s25, s24;
	v16 =	vld [tilespmem:s12+$0x0]  }
0x436: {  	v17 =	vld [tilespmem:s24+$0x0]  }
0x437: {  	v19 =	vld [tilespmem:s24+$0x40];
	_ =	sdelay $0x1  }
0x438: {  	v20 =	vld [tilespmem:s24+$0x400]  }
0x439: {  	v18 =	vbroadcast v16, $0x0;
	v15 =	vbroadcast v16, $0x2  }
0x43a: {  	v21 =	vunpack.i.u.bf16.f32 v17;
	v22 =	vunpack.i.l.bf16.f32 v17;
	v17 =	vbroadcast v16, $0x1  }
0x43b: {  	v22 =	vmul.f32 v22, v18;
	v21 =	vmul.f32 v21, v18;
	v23 =	vunpack.i.l.bf16.f32 v19;
	v24 =	vld [tilespmem:s24+$0x440]  }
0x43c: {  	v16 =	vbroadcast v16, $0x3;
	v19 =	vunpack.i.u.bf16.f32 v19;
	v23 =	vmul.f32 v23, v17  }
0x43d: {  	v19 =	vmul.f32 v19, v17;
	v22 =	vadd.f32 $0.0e+00, v22;
	v21 =	vadd.f32 $0.0e+00, v21  }
0x43e: {  	v25 =	vunpack.i.u.bf16.f32 v20;
	v20 =	vunpack.i.l.bf16.f32 v20  }
0x43f: {  	v20 =	vmul.f32 v20, v15;
	v22 =	vadd.f32 v23, v22;
	v19 =	vadd.f32 v19, v21  }
0x440: {  	v21 =	vmul.f32 v25, v15;
	v23 =	vunpack.i.l.bf16.f32 v24  }
0x441: {  	v20 =	vadd.f32 v20, v22;
	v22 =	vunpack.i.u.bf16.f32 v24;
	v23 =	vmul.f32 v23, v16  }
0x442: {  	v19 =	vadd.f32 v21, v19;
	v21 =	vmul.f32 v22, v16  }
0x443: {  	v20 =	vadd.f32 v23, v20  }
0x444: {  	v19 =	vadd.f32 v21, v19  }
0x445: {  	[tilespmem:s13+$0x0] =	vst v20  }
0x446: {  	[tilespmem:s13+$0x10] =	vst v19  }
0x447: {  	v19 =	vld [tilespmem:s24+$0x10]  }
0x448: {  	v20 =	vld [tilespmem:s24+$0x50]  }
0x449: {  	v21 =	vld [tilespmem:s24+$0x410]  }
0x44a: {  	v22 =	vld [tilespmem:s24+$0x450];
	_ =	sdelay $0x1  }
0x44b: {  	v23 =	vunpack.i.u.bf16.f32 v19;
	v19 =	vunpack.i.l.bf16.f32 v19  }
0x44c: {  	v19 =	vmul.f32 v19, v18;
	v23 =	vmul.f32 v23, v18;
	v24 =	vunpack.i.u.bf16.f32 v20  }
0x44d: {  	v20 =	vunpack.i.l.bf16.f32 v20;
	v24 =	vmul.f32 v24, v17;
	v25 =	vunpack.i.u.bf16.f32 v21  }
0x44e: {  	v20 =	vmul.f32 v20, v17;
	v19 =	vadd.f32 $0.0e+00, v19;
	v23 =	vadd.f32 $0.0e+00, v23  }
0x44f: {  	v21 =	vunpack.i.l.bf16.f32 v21;
	v25 =	vmul.f32 v25, v15;
	v26 =	vunpack.i.u.bf16.f32 v22  }
0x450: {  	v21 =	vmul.f32 v21, v15;
	v19 =	vadd.f32 v20, v19;
	v20 =	vadd.f32 v24, v23  }
0x451: {  	v22 =	vunpack.i.l.bf16.f32 v22;
	v23 =	vmul.f32 v26, v16  }
0x452: {  	v19 =	vadd.f32 v21, v19;
	v20 =	vadd.f32 v25, v20;
	v21 =	vmul.f32 v22, v16;
	_ =	sdelay $0x1  }
0x453: {  	v19 =	vadd.f32 v21, v19;
	v20 =	vadd.f32 v23, v20;
	_ =	sdelay $0x1  }
0x454: {  	[tilespmem:s13+$0x20] =	vst v19  }
0x455: {  	[tilespmem:s13+$0x30] =	vst v20  }
0x456: {  	v19 =	vld [tilespmem:s24+$0x20]  }
0x457: {  	v20 =	vld [tilespmem:s24+$0x60]  }
0x458: {  	v21 =	vld [tilespmem:s24+$0x420]  }
0x459: {  	v22 =	vld [tilespmem:s24+$0x460];
	_ =	sdelay $0x1  }
0x45a: {  	v23 =	vunpack.i.u.bf16.f32 v19;
	v19 =	vunpack.i.l.bf16.f32 v19  }
0x45b: {  	v19 =	vmul.f32 v19, v18;
	v23 =	vmul.f32 v23, v18;
	v24 =	vunpack.i.l.bf16.f32 v20  }
0x45c: {  	v20 =	vunpack.i.u.bf16.f32 v20;
	v24 =	vmul.f32 v24, v17;
	v25 =	vunpack.i.u.bf16.f32 v21  }
0x45d: {  	v20 =	vmul.f32 v20, v17;
	v19 =	vadd.f32 $0.0e+00, v19;
	v23 =	vadd.f32 $0.0e+00, v23  }
0x45e: {  	v21 =	vunpack.i.l.bf16.f32 v21;
	v25 =	vmul.f32 v25, v15;
	v26 =	vunpack.i.u.bf16.f32 v22  }
0x45f: {  	v21 =	vmul.f32 v21, v15;
	v19 =	vadd.f32 v24, v19;
	v20 =	vadd.f32 v20, v23  }
0x460: {  	v22 =	vunpack.i.l.bf16.f32 v22;
	v23 =	vmul.f32 v26, v16  }
0x461: {  	v19 =	vadd.f32 v21, v19;
	v20 =	vadd.f32 v25, v20;
	v21 =	vmul.f32 v22, v16;
	_ =	sdelay $0x1  }
0x462: {  	v19 =	vadd.f32 v21, v19;
	v20 =	vadd.f32 v23, v20;
	_ =	sdelay $0x1  }
.Ltmp3:
0x463: {  	[tilespmem:s13+$0x40] =	vst v19;
	(pc) =	sbr.rel @p0 .LBB2_8-.Ltmp3, $4  }
0x464: {  	[tilespmem:s13+$0x50] =	vst v20  }
0x465: {  	v21 =	vld [tilespmem:s24+$0x30]  }
0x466: {  	v20 =	vld [tilespmem:s24+$0x70]  }
0x467: {  	s12 =	sadd.s32 $0x20, s12;
	s13 =	sadd.s32 $0x100, s13;
	v19 =	vld [tilespmem:s24+$0x430]  }
0x468: {  	_ =	sdelay $0x1  }
0x469: {  	v22 =	vunpack.i.l.bf16.f32 v21  }
0x46a: {  	v23 =	vld [tilespmem:s24+$0x470];
	v53 =	vunpack.i.u.bf16.f32 v21;
	v22 =	vmul.f32 v22, v18  }
0x46b: {  	v54 =	vmul.f32 v53, v18;
	v55 =	vunpack.i.l.bf16.f32 v20  }
0x46c: {  	v56 =	vunpack.i.u.bf16.f32 v20;
	v21 =	vmul.f32 v55, v17;
	v22 =	vadd.f32 $0.0e+00, v22  }
0x46d: {  	v57 =	vmul.f32 v56, v17;
	v58 =	vunpack.i.l.bf16.f32 v19;
	v18 =	vadd.f32 $0.0e+00, v54  }
0x46e: {  	v59 =	vunpack.i.u.bf16.f32 v19;
	v20 =	vmul.f32 v58, v15;
	v21 =	vadd.f32 v21, v22  }
0x46f: {  	v15 =	vmul.f32 v59, v15;
	v60 =	vunpack.i.l.bf16.f32 v23;
	v17 =	vadd.f32 v57, v18  }
0x470: {  	v61 =	vunpack.i.u.bf16.f32 v23;
	v18 =	vmul.f32 v60, v16;
	v20 =	vadd.f32 v20, v21  }
0x471: {  	v62 =	vmul.f32 v61, v16;
	v15 =	vadd.f32 v15, v17  }
0x472: {  	v63 =	vadd.f32 v18, v20  }
0x473: {  	v15 =	vadd.f32 v62, v15  }
0x474: {  	[tilespmem:s9+$0x60] =	vst v63  }
0x475: {  	[tilespmem:s9+$0x70] =	vst v15  }
0x476: {  	[spmem:s3] =	stream.indirect.scatter.add.f32 [tilespmem:s20], [sflag:$0x5], $0x80, s19, s16, $0xb8;
	[tilespmem:$0x1EF00] =	vst v63  }
0x477: {  	_ =	swait.ge [sflag:s26], $0x1800  }
0x478: {  	[sflag:s26] =	ssyncset.done $0x0  }
0x479: {  	s24 =	simm.s32 $0x6;
	[sflag:s26] =	ssyncadd.s32 $0xFFFFE800  }
0x47a: {  	_ =	swait.ge [sflag:s24], $0x1800  }
0x47b: {  	[sflag:s24] =	ssyncset.done $0x0  }
0x47c: {  	[sflag:s24] =	ssyncadd.s32 $0xFFFFE800  }
0x47d: {  	[bflag:$0x0] =	sbarrier.arrive $0xFFFF  }
0x47e: {  	s25 =	rddreg [dreg:$0xd]  }
0x47f: {  	s10 =	rddreg [dreg:$0x10]  }
0x480: {  	s11 =	rddreg [dreg:$0x11]  }
0x481: {  	[hbm:s25], [sflag:s10] =	dma.local [spmem:s11], $0x2800  }
0x482: {  	s10 =	simm.s32 $0x7  }
0x483: {  	_ =	swait.ge [sflag:s10], $0x2800  }
0x484: {  	s26 =	rddreg [dreg:$0xf]  }
0x485: {  	s28 =	rddreg [dreg:$0xe];
	s11 =	sadd.s32 $0x1, s26  }
0x486: {  	p0 =	sne.s32 s11, s28  }
.Ltmp4:
0x487: {  	_ = 	snop;
	(pc) =	sbr.rel @p0 .LBB2_1-.Ltmp4, $3  }
0x488: {  	_ =	sdelay $0x1  }
0x489: {  	[sflag:s10] =	ssyncset.done $0x0  }
0x48a: {  	[sflag:s10] =	ssyncadd.s32 $0xFFFFD800  }
0x48b: {  	_ =	sfence.sel $0x180000  }
0x48c: {  	[bflag:$0x0] =	sbarrier.arrive $0xFFFF  }
0x48d: {  	_ =	strace $0x90000047  }
0x48e: {  	s0 =	stileid.u32;
	[bflag:$0x2] =	sbarrier.arrive $0xFFFF  }
0x48f: {  	p0 =	sne.s32 s0, $0x0;
	s0 =	rddreg [dreg:$0x3]  }
0x490: {  	s0 =	sadd.s32 @!p0 $0x100000, s0  }
0x491: {  	[sflag:s0] =	ssyncadd.tile.s32 @!p0 $0x1;
	_ =	shalt  }
.Lfunc_end2:
_tile_overlayer_lowered:
.L_overlay_start_2:
0x492: {  	(tag) =	ssettag $0x2  }
0x493: {  	s0 =	rddreg [dreg:$0x0];
	s2 =	stileid.u32  }
0x494: {  	s1 =	rddreg [dreg:$0x1];
	p0 =	sne.s32 s2, $0x0  }
0x495: {  	s3 =	rddreg [dreg:$0x2];
	[bflag:$0x3] =	sbarrier.arrive $0xFFFF;
	s2 =	simm.s32 @!p0 $0x1C07  }
0x496: {  	[timem:s3], [sflag:s2] =	dma.local @!p0 [hbm:s0], s1  }
0x497: {  	s0 =	simm.s32 @!p0 $0x7  }
0x498: {  	_ =	swait.ge @!p0 [sflag:s0], s1  }
0x499: {  	s1 =	ssub.s32 @!p0 $0x0, s1;
	[sflag:s0] =	ssyncset.done @!p0 $0x0  }
0x49a: {  	[sflag:s0] =	ssyncadd.s32 @!p0 s1  }
0x49b: {  	[bflag:$0x3] =	sbarrier.arrive $0xFFFF  }
0x49c: {  	_ =	shalt  }

</sc_bundles>
